<compile_context>
chip_gen: v7x
topology: tpu7x:2x2x1
jax: 0.10.2.dev20260603
libtpu: 0.0.44.dev20260713+nightly
codegen_flags: <defaults>
</compile_context>

<pallas_src>
import functools

import jax
import jax.numpy as jnp
from jax import lax
from jax.experimental import pallas as pl
from jax.experimental.pallas import tpu as pltpu
from jax.experimental.pallas import tpu_sc as plsc


@functools.cache
def _build_gather(B, S, V, D, NC, NS):
    NW = NC * NS
    CB = 512
    NBLK = CB // 128
    QB = B // CB
    n_chunks = (S * QB) // NW
    TD = D // 8
    assert B % CB == 0 and (S * QB) % NW == 0 and D % 8 == 0
    assert n_chunks % 2 == 0 and NBLK % 2 == 0

    mesh = plsc.VectorSubcoreMesh(core_axis_name="c", subcore_axis_name="s")

    @functools.partial(
        pl.kernel,
        out_type=jax.ShapeDtypeStruct((S * TD, B // 128, 8, 128), jnp.float32),
        mesh=mesh,
        scratch_types=[
            [pltpu.VMEM((CB,), jnp.int32) for _ in range(2)],
            [pltpu.VMEM((CB, D), jnp.float32) for _ in range(2)],
            [pltpu.VMEM((D, 129), jnp.float32) for _ in range(2)],
            [pltpu.SemaphoreType.DMA for _ in range(2)],
            [pltpu.SemaphoreType.DMA for _ in range(2)],
            pltpu.SemaphoreType.DMA,
        ],
        compiler_params=pltpu.CompilerParams(
            use_tc_tiling_on_sc=False, needs_layout_passes=False),
    )
    def gather_kernel(x_hbm, table_hbm, out_hbm, idxs, rows, tbufs, sis, sgs, so):
        wid = lax.axis_index("s") * NC + lax.axis_index("c")
        base_chunk = wid * n_chunks

        def x_off(chunk):
            return (chunk // QB) * B + (chunk % QB) * CB

        def start_idx(chunk, bb):
            pltpu.async_copy(x_hbm.at[pl.ds(x_off(chunk), CB)], idxs[bb], sis[bb])

        def start_gather(bb):
            pltpu.async_copy(table_hbm.at[idxs[bb]], rows[bb], sgs[bb])

        def wait_idx(bb):
            pltpu.make_async_copy(x_hbm.at[pl.ds(0, CB)], idxs[bb], sis[bb]).wait()

        def wait_gather(bb):
            pltpu.make_async_copy(table_hbm.at[pl.ds(0, CB)], rows[bb], sgs[bb]).wait()

        def wait_out():
            pltpu.make_async_copy(
                tbufs[0].at[pl.ds(0, 8), pl.ds(0, 128)],
                out_hbm.at[0, 0], so).wait()

        start_idx(base_chunk, 0)
        wait_idx(0)
        start_gather(0)
        start_idx(base_chunk + 1, 1)

        lanes = lax.broadcasted_iota(jnp.int32, (16,), 0)
        d_rows = [lanes + 16 * h for h in range(D // 16)]

        def do_chunk(bb, g):
            chunk = base_chunk + g
            s = chunk // QB
            q = chunk % QB
            wait_gather(bb)
            return chunk, s, q

        def transpose_chunk(bb, s, q):
            def do_block_pair(k2, carry2):
                for kk in range(2):
                    k = k2 * 2 + kk
                    tb = q * NBLK + k
                    tbuf = tbufs[kk]

                    @pl.when(k2 > 0)
                    def _():
                        for _td in range(TD):
                            wait_out()

                    def do_r(r16, carry3):
                        for rr in range(16):
                            r = r16 * 16 + rr
                            row = k * 128 + r
                            colv = jnp.zeros((16,), jnp.int32) + r
                            for h in range(D // 16):
                                v = rows[bb][row, pl.ds(16 * h, 16)]
                                plsc.store_scatter(tbuf, [d_rows[h], colv], v)
                        return carry3

                    lax.fori_loop(0, 8, do_r, 0)

                    for td in range(TD):
                        pltpu.async_copy(
                            tbuf.at[pl.ds(td * 8, 8), pl.ds(0, 128)],
                            out_hbm.at[s * TD + td, tb], so)
                return carry2

            lax.fori_loop(0, NBLK // 2, do_block_pair, 0)
            for _ in range(2 * TD):
                wait_out()

        def do_pair(g2, carry):
            for bb in range(2):
                g = 2 * g2 + bb
                chunk, s, q = do_chunk(bb, g)

                if bb == 0:
                    wait_idx(1)
                    start_gather(1)
                else:
                    @pl.when(g2 < (n_chunks // 2) - 1)
                    def _():
                        wait_idx(0)
                        start_gather(0)

                @pl.when(g2 < (n_chunks // 2) - 1)
                def _():
                    start_idx(chunk + 2, bb)

                transpose_chunk(bb, s, q)
            return carry

        lax.fori_loop(0, n_chunks // 2, do_pair, 0)

    return gather_kernel


def kernel(x, table):
    B, S = x.shape
    V, D = table.shape
    info = plsc.get_sparse_core_info()
    f = _build_gather(B, S, V, D, info.num_cores, info.num_subcores)
    xt_flat = jnp.transpose(x).reshape(B * S)
    out4 = f(xt_flat, table)
    TD = D // 8
    out5 = out4.reshape(S, TD, B // 128, 8, 128)
    return out5.transpose(2, 4, 0, 1, 3).reshape(B, S, D)

# --- scband reference (transcript-rebuilt; emitter-appended) ---
"""Pipeline reference for scband-learned-embedding-78735340470932 (READ-ONLY COPY).

The authoritative reference and input builder live on the scoring server;
editing this copy changes nothing except your own understanding.
"""

import jax, jax.numpy as jnp
import numpy as np

VOCAB = 1000000
EMB_DIM = 32
PADDING_IDX = 0

def setup_inputs(seed: int = 0) -> dict:
    key = jax.random.key(seed)
    k1, k2 = jax.random.split(key)
    x = jax.random.randint(k1, (4096, 200), 0, VOCAB, dtype=jnp.int64 if jax.config.jax_enable_x64 else jnp.int32).astype(jnp.int32)
    table = jax.random.normal(k2, (VOCAB, EMB_DIM), dtype=jnp.float32)
    # padding_idx row initialized to zero, matching nn.Embedding(padding_idx=0)
    table = table.at[PADDING_IDX].set(0.0)
    return {"x": x, "table": table}

def reference(x, table):
    # nn.Embedding forward: plain row gather
    return jnp.take(table, x, axis=0)

if __name__ == "__main__":
    import jax
    _d = setup_inputs()
    print(jax.jit(kernel)(*tuple(_d.values())))

</pallas_src>

<mosaic_0001>
#map = affine_map<(d0, d1) -> (0)>
#map1 = affine_map<(d0, d1) -> (0, 0)>
#map2 = affine_map<(d0, d1) -> (0, 0, 0, 0)>
module attributes {stable_mosaic.version = 14 : i64} {
  func.func @gather_kernel(%arg0: i32, %arg1: i32, %arg2: memref<819200xi32, #tpu.memory_space<hbm>>, %arg3: memref<1000000x32xf32, #tpu.memory_space<hbm>>, %arg4: memref<800x32x8x128xf32, #tpu.memory_space<hbm>>, %arg5: memref<512xi32, #tpu.memory_space<vmem>>, %arg6: memref<512xi32, #tpu.memory_space<vmem>>, %arg7: memref<512x32xf32, #tpu.memory_space<vmem>>, %arg8: memref<512x32xf32, #tpu.memory_space<vmem>>, %arg9: memref<32x129xf32, #tpu.memory_space<vmem>>, %arg10: memref<32x129xf32, #tpu.memory_space<vmem>>, %arg11: memref<!tpu.dma_semaphore, #tpu.memory_space<semaphore_mem>>, %arg12: memref<!tpu.dma_semaphore, #tpu.memory_space<semaphore_mem>>, %arg13: memref<!tpu.dma_semaphore, #tpu.memory_space<semaphore_mem>>, %arg14: memref<!tpu.dma_semaphore, #tpu.memory_space<semaphore_mem>>, %arg15: memref<!tpu.dma_semaphore, #tpu.memory_space<semaphore_mem>>) attributes {dimension_semantics = [#tpu.dimension_semantics<core_parallel>, #tpu.dimension_semantics<subcore_parallel>], iteration_bounds = array<i64: 2, 16>, scalar_prefetch = 0 : i64, scratch_operands = 11 : i64, tpu.core_type = #tpu.core_type<sc_vector_subcore>, window_params = [{transform_indices = #map}, {transform_indices = #map1}, {transform_indices = #map2}]} {
    %mul3A = arith.constant 2 : i32
    %mul3A_0 = arith.muli %arg1, %mul3A : i32
    %add3A = arith.addi %mul3A_0, %arg0 : i32
    %mul3A_1 = arith.constant 50 : i32
    %mul3A_2 = arith.muli %add3A, %mul3A_1 : i32
    %jit3A = arith.constant 8 : i32
    %div3A = arith.divsi %mul3A_2, %jit3A : i32
    %sign3A = arith.constant 0 : i32
    %sign3A_3 = arith.cmpi sgt, %mul3A_2, %sign3A : i32
    %sign3A_4 = arith.extui %sign3A_3 : i1 to i32
    %sign3A_5 = arith.constant 0 : i32
    %sign3A_6 = arith.cmpi slt, %mul3A_2, %sign3A_5 : i32
    %sign3A_7 = arith.extui %sign3A_6 : i1 to i32
    %sign3A_8 = arith.subi %sign3A_4, %sign3A_7 : i32
    %sign3A_9 = arith.constant 0 : i32
    %sign3A_10 = arith.cmpi sgt, %jit3A, %sign3A_9 : i32
    %sign3A_11 = arith.extui %sign3A_10 : i1 to i32
    %sign3A_12 = arith.constant 0 : i32
    %sign3A_13 = arith.cmpi slt, %jit3A, %sign3A_12 : i32
    %sign3A_14 = arith.extui %sign3A_13 : i1 to i32
    %sign3A_15 = arith.subi %sign3A_11, %sign3A_14 : i32
    %ne3A = arith.cmpi ne, %sign3A_8, %sign3A_15 : i32
    %rem3A = arith.remsi %mul3A_2, %jit3A : i32
    %ne3A_16 = arith.constant 0 : i32
    %ne3A_17 = arith.cmpi ne, %rem3A, %ne3A_16 : i32
    %and3A = arith.andi %ne3A, %ne3A_17 : i1
    %sub3A = arith.constant 1 : i32
    %sub3A_18 = arith.subi %div3A, %sub3A : i32
    %select_n3A = arith.select %and3A, %sub3A_18, %div3A : i32
    %mul3A_19 = arith.constant 4096 : i32
    %mul3A_20 = arith.muli %select_n3A, %mul3A_19 : i32
    %jit3A_21 = arith.constant 8 : i32
    %eq3A = arith.constant 0 : i32
    %eq3A_22 = arith.cmpi eq, %jit3A_21, %eq3A : i32
    %jit3A_23 = arith.constant 1 : i32
    %select_n3A_24 = arith.select %eq3A_22, %jit3A_23, %jit3A_21 : i32
    %rem3A_25 = arith.remsi %mul3A_2, %select_n3A_24 : i32
    %ne3A_26 = arith.constant 0 : i32
    %ne3A_27 = arith.cmpi ne, %rem3A_25, %ne3A_26 : i32
    %lt3A = arith.constant 0 : i32
    %lt3A_28 = arith.cmpi slt, %rem3A_25, %lt3A : i32
    %lt3A_29 = arith.constant 0 : i32
    %lt3A_30 = arith.cmpi slt, %select_n3A_24, %lt3A_29 : i32
    %ne3A_31 = arith.xori %lt3A_28, %lt3A_30 : i1
    %and3A_32 = arith.andi %ne3A_31, %ne3A_27 : i1
    %add3A_33 = arith.addi %rem3A_25, %select_n3A_24 : i32
    %select_n3A_34 = arith.select %and3A_32, %add3A_33, %rem3A_25 : i32
    %mul3A_35 = arith.constant 512 : i32
    %mul3A_36 = arith.muli %select_n3A_34, %mul3A_35 : i32
    %add3A_37 = arith.addi %mul3A_20, %mul3A_36 : i32
    %dma_start3A = tpu.memref_slice %arg2[%add3A_37] : memref<819200xi32, #tpu.memory_space<hbm>> -> memref<512xi32, #tpu.memory_space<hbm>>
    %dma_start3A_38 = tpu.memref_slice %arg2[%add3A_37] : memref<819200xi32, #tpu.memory_space<hbm>> -> memref<512xi32, #tpu.memory_space<hbm>>
    tpu.enqueue_dma source(%dma_start3A_38 : memref<512xi32, #tpu.memory_space<hbm>>) target(%arg5 : memref<512xi32, #tpu.memory_space<vmem>>) target_semaphore(%arg11 : memref<!tpu.dma_semaphore, #tpu.memory_space<semaphore_mem>>)
    %dma_wait3A = arith.constant 0 : i32
    %dma_wait3A_39 = tpu.memref_slice %arg2[%dma_wait3A] : memref<819200xi32, #tpu.memory_space<hbm>> -> memref<512xi32, #tpu.memory_space<hbm>>
    %dma_wait3A_40 = arith.constant 0 : i32
    %dma_wait3A_41 = tpu.memref_slice %arg2[%dma_wait3A_40] : memref<819200xi32, #tpu.memory_space<hbm>> -> memref<512xi32, #tpu.memory_space<hbm>>
    tpu.wait_dma2 semaphore(%arg11 : memref<!tpu.dma_semaphore, #tpu.memory_space<semaphore_mem>>) src(%dma_wait3A_41 : memref<512xi32, #tpu.memory_space<hbm>>) dst(%arg5 : memref<512xi32, #tpu.memory_space<vmem>>)
    %dma_start3A_42 = arith.constant 0 : i32
    %dma_start3A_43 = arith.constant 0 : i32
    %dma_start3A_44 = tpu.memref_slice %arg3[%dma_start3A_42, %dma_start3A_43] : memref<1000000x32xf32, #tpu.memory_space<hbm>> -> memref<1000000x32xf32, #tpu.memory_space<hbm>>
    tpu.enqueue_indirect_dma source(%dma_start3A_44 : memref<1000000x32xf32, #tpu.memory_space<hbm>>) target(%arg7 : memref<512x32xf32, #tpu.memory_space<vmem>>) offsets(%arg5 : memref<512xi32, #tpu.memory_space<vmem>>) semaphore(%arg13 : memref<!tpu.dma_semaphore, #tpu.memory_space<semaphore_mem>>)
    %add3A_45 = arith.constant 1 : i32
    %add3A_46 = arith.addi %mul3A_2, %add3A_45 : i32
    %jit3A_47 = arith.constant 8 : i32
    %div3A_48 = arith.divsi %add3A_46, %jit3A_47 : i32
    %sign3A_49 = arith.constant 0 : i32
    %sign3A_50 = arith.cmpi sgt, %add3A_46, %sign3A_49 : i32
    %sign3A_51 = arith.extui %sign3A_50 : i1 to i32
    %sign3A_52 = arith.constant 0 : i32
    %sign3A_53 = arith.cmpi slt, %add3A_46, %sign3A_52 : i32
    %sign3A_54 = arith.extui %sign3A_53 : i1 to i32
    %sign3A_55 = arith.subi %sign3A_51, %sign3A_54 : i32
    %sign3A_56 = arith.constant 0 : i32
    %sign3A_57 = arith.cmpi sgt, %jit3A_47, %sign3A_56 : i32
    %sign3A_58 = arith.extui %sign3A_57 : i1 to i32
    %sign3A_59 = arith.constant 0 : i32
    %sign3A_60 = arith.cmpi slt, %jit3A_47, %sign3A_59 : i32
    %sign3A_61 = arith.extui %sign3A_60 : i1 to i32
    %sign3A_62 = arith.subi %sign3A_58, %sign3A_61 : i32
    %ne3A_63 = arith.cmpi ne, %sign3A_55, %sign3A_62 : i32
    %rem3A_64 = arith.remsi %add3A_46, %jit3A_47 : i32
    %ne3A_65 = arith.constant 0 : i32
    %ne3A_66 = arith.cmpi ne, %rem3A_64, %ne3A_65 : i32
    %and3A_67 = arith.andi %ne3A_63, %ne3A_66 : i1
    %sub3A_68 = arith.constant 1 : i32
    %sub3A_69 = arith.subi %div3A_48, %sub3A_68 : i32
    %select_n3A_70 = arith.select %and3A_67, %sub3A_69, %div3A_48 : i32
    %mul3A_71 = arith.constant 4096 : i32
    %mul3A_72 = arith.muli %select_n3A_70, %mul3A_71 : i32
    %jit3A_73 = arith.constant 8 : i32
    %eq3A_74 = arith.constant 0 : i32
    %eq3A_75 = arith.cmpi eq, %jit3A_73, %eq3A_74 : i32
    %jit3A_76 = arith.constant 1 : i32
    %select_n3A_77 = arith.select %eq3A_75, %jit3A_76, %jit3A_73 : i32
    %rem3A_78 = arith.remsi %add3A_46, %select_n3A_77 : i32
    %ne3A_79 = arith.constant 0 : i32
    %ne3A_80 = arith.cmpi ne, %rem3A_78, %ne3A_79 : i32
    %lt3A_81 = arith.constant 0 : i32
    %lt3A_82 = arith.cmpi slt, %rem3A_78, %lt3A_81 : i32
    %lt3A_83 = arith.constant 0 : i32
    %lt3A_84 = arith.cmpi slt, %select_n3A_77, %lt3A_83 : i32
    %ne3A_85 = arith.xori %lt3A_82, %lt3A_84 : i1
    %and3A_86 = arith.andi %ne3A_85, %ne3A_80 : i1
    %add3A_87 = arith.addi %rem3A_78, %select_n3A_77 : i32
    %select_n3A_88 = arith.select %and3A_86, %add3A_87, %rem3A_78 : i32
    %mul3A_89 = arith.constant 512 : i32
    %mul3A_90 = arith.muli %select_n3A_88, %mul3A_89 : i32
    %add3A_91 = arith.addi %mul3A_72, %mul3A_90 : i32
    %dma_start3A_92 = tpu.memref_slice %arg2[%add3A_91] : memref<819200xi32, #tpu.memory_space<hbm>> -> memref<512xi32, #tpu.memory_space<hbm>>
    %dma_start3A_93 = tpu.memref_slice %arg2[%add3A_91] : memref<819200xi32, #tpu.memory_space<hbm>> -> memref<512xi32, #tpu.memory_space<hbm>>
    tpu.enqueue_dma source(%dma_start3A_93 : memref<512xi32, #tpu.memory_space<hbm>>) target(%arg6 : memref<512xi32, #tpu.memory_space<vmem>>) target_semaphore(%arg12 : memref<!tpu.dma_semaphore, #tpu.memory_space<semaphore_mem>>)
    %iota3A = tpu.iota {dimensions = array<i32: 0>} : vector<16xi32>
    %add3A_94 = arith.constant 0 : i32
    %add3A_95 = vector.broadcast %add3A_94 : i32 to vector<16xi32>
    %add3A_96 = arith.addi %iota3A, %add3A_95 : vector<16xi32>
    %add3A_97 = arith.constant 16 : i32
    %add3A_98 = vector.broadcast %add3A_97 : i32 to vector<16xi32>
    %add3A_99 = arith.addi %iota3A, %add3A_98 : vector<16xi32>
    %scan3A = arith.constant 0 : i32
    %scan3A_100 = arith.constant 0 : i32
    %scan3A_101 = arith.constant 25 : i32
    %scan3A_102 = arith.addi %scan3A_100, %scan3A_101 : i32
    %scan3A_103 = arith.constant 1 : i32
    scf.for %scan3A_105 = %scan3A_100 to %scan3A_102 step %scan3A_103  : i32 {
      %mul3A_106 = arith.constant 2 : i32
      %mul3A_107 = arith.muli %mul3A_106, %scan3A_105 : i32
      %add3A_108 = arith.constant 0 : i32
      %add3A_109 = arith.addi %mul3A_107, %add3A_108 : i32
      %add3A_110 = arith.addi %mul3A_2, %add3A_109 : i32
      %jit3A_111 = arith.constant 8 : i32
      %div3A_112 = arith.divsi %add3A_110, %jit3A_111 : i32
      %sign3A_113 = arith.constant 0 : i32
      %sign3A_114 = arith.cmpi sgt, %add3A_110, %sign3A_113 : i32
      %sign3A_115 = arith.extui %sign3A_114 : i1 to i32
      %sign3A_116 = arith.constant 0 : i32
      %sign3A_117 = arith.cmpi slt, %add3A_110, %sign3A_116 : i32
      %sign3A_118 = arith.extui %sign3A_117 : i1 to i32
      %sign3A_119 = arith.subi %sign3A_115, %sign3A_118 : i32
      %sign3A_120 = arith.constant 0 : i32
      %sign3A_121 = arith.cmpi sgt, %jit3A_111, %sign3A_120 : i32
      %sign3A_122 = arith.extui %sign3A_121 : i1 to i32
      %sign3A_123 = arith.constant 0 : i32
      %sign3A_124 = arith.cmpi slt, %jit3A_111, %sign3A_123 : i32
      %sign3A_125 = arith.extui %sign3A_124 : i1 to i32
      %sign3A_126 = arith.subi %sign3A_122, %sign3A_125 : i32
      %ne3A_127 = arith.cmpi ne, %sign3A_119, %sign3A_126 : i32
      %rem3A_128 = arith.remsi %add3A_110, %jit3A_111 : i32
      %ne3A_129 = arith.constant 0 : i32
      %ne3A_130 = arith.cmpi ne, %rem3A_128, %ne3A_129 : i32
      %and3A_131 = arith.andi %ne3A_127, %ne3A_130 : i1
      %sub3A_132 = arith.constant 1 : i32
      %sub3A_133 = arith.subi %div3A_112, %sub3A_132 : i32
      %select_n3A_134 = arith.select %and3A_131, %sub3A_133, %div3A_112 : i32
      %jit3A_135 = arith.constant 8 : i32
      %eq3A_136 = arith.constant 0 : i32
      %eq3A_137 = arith.cmpi eq, %jit3A_135, %eq3A_136 : i32
      %jit3A_138 = arith.constant 1 : i32
      %select_n3A_139 = arith.select %eq3A_137, %jit3A_138, %jit3A_135 : i32
      %rem3A_140 = arith.remsi %add3A_110, %select_n3A_139 : i32
      %ne3A_141 = arith.constant 0 : i32
      %ne3A_142 = arith.cmpi ne, %rem3A_140, %ne3A_141 : i32
      %lt3A_143 = arith.constant 0 : i32
      %lt3A_144 = arith.cmpi slt, %rem3A_140, %lt3A_143 : i32
      %lt3A_145 = arith.constant 0 : i32
      %lt3A_146 = arith.cmpi slt, %select_n3A_139, %lt3A_145 : i32
      %ne3A_147 = arith.xori %lt3A_144, %lt3A_146 : i1
      %and3A_148 = arith.andi %ne3A_147, %ne3A_142 : i1
      %add3A_149 = arith.addi %rem3A_140, %select_n3A_139 : i32
      %select_n3A_150 = arith.select %and3A_148, %add3A_149, %rem3A_140 : i32
      %dma_wait3A_151 = arith.constant 0 : i32
      %dma_wait3A_152 = arith.constant 0 : i32
      %dma_wait3A_153 = tpu.memref_slice %arg3[%dma_wait3A_151, %dma_wait3A_152] : memref<1000000x32xf32, #tpu.memory_space<hbm>> -> memref<512x32xf32, #tpu.memory_space<hbm>>
      %dma_wait3A_154 = arith.constant 0 : i32
      %dma_wait3A_155 = arith.constant 0 : i32
      %dma_wait3A_156 = tpu.memref_slice %arg3[%dma_wait3A_154, %dma_wait3A_155] : memref<1000000x32xf32, #tpu.memory_space<hbm>> -> memref<512x32xf32, #tpu.memory_space<hbm>>
      tpu.wait_dma2 semaphore(%arg13 : memref<!tpu.dma_semaphore, #tpu.memory_space<semaphore_mem>>) src(%dma_wait3A_156 : memref<512x32xf32, #tpu.memory_space<hbm>>) dst(%arg7 : memref<512x32xf32, #tpu.memory_space<vmem>>)
      %dma_wait3A_157 = arith.constant 0 : i32
      %dma_wait3A_158 = tpu.memref_slice %arg2[%dma_wait3A_157] : memref<819200xi32, #tpu.memory_space<hbm>> -> memref<512xi32, #tpu.memory_space<hbm>>
      %dma_wait3A_159 = arith.constant 0 : i32
      %dma_wait3A_160 = tpu.memref_slice %arg2[%dma_wait3A_159] : memref<819200xi32, #tpu.memory_space<hbm>> -> memref<512xi32, #tpu.memory_space<hbm>>
      tpu.wait_dma2 semaphore(%arg12 : memref<!tpu.dma_semaphore, #tpu.memory_space<semaphore_mem>>) src(%dma_wait3A_160 : memref<512xi32, #tpu.memory_space<hbm>>) dst(%arg6 : memref<512xi32, #tpu.memory_space<vmem>>)
      %dma_start3A_161 = arith.constant 0 : i32
      %dma_start3A_162 = arith.constant 0 : i32
      %dma_start3A_163 = tpu.memref_slice %arg3[%dma_start3A_161, %dma_start3A_162] : memref<1000000x32xf32, #tpu.memory_space<hbm>> -> memref<1000000x32xf32, #tpu.memory_space<hbm>>
      tpu.enqueue_indirect_dma source(%dma_start3A_163 : memref<1000000x32xf32, #tpu.memory_space<hbm>>) target(%arg8 : memref<512x32xf32, #tpu.memory_space<vmem>>) offsets(%arg6 : memref<512xi32, #tpu.memory_space<vmem>>) semaphore(%arg14 : memref<!tpu.dma_semaphore, #tpu.memory_space<semaphore_mem>>)
      %lt3A_164 = arith.constant 24 : i32
      %lt3A_165 = arith.cmpi slt, %scan3A_105, %lt3A_164 : i32
      %convert_element_type3A = arith.extui %lt3A_165 : i1 to i32
      %cond3A = arith.constant 0 : i32
      %cond3A_166 = arith.cmpi ne, %convert_element_type3A, %cond3A : i32
      scf.if %cond3A_166 {
        %add3A_496 = arith.constant 2 : i32
        %add3A_497 = arith.addi %add3A_110, %add3A_496 : i32
        %jit3A_498 = arith.constant 8 : i32
        %div3A_499 = arith.divsi %add3A_497, %jit3A_498 : i32
        %sign3A_500 = arith.constant 0 : i32
        %sign3A_501 = arith.cmpi sgt, %add3A_497, %sign3A_500 : i32
        %sign3A_502 = arith.extui %sign3A_501 : i1 to i32
        %sign3A_503 = arith.constant 0 : i32
        %sign3A_504 = arith.cmpi slt, %add3A_497, %sign3A_503 : i32
        %sign3A_505 = arith.extui %sign3A_504 : i1 to i32
        %sign3A_506 = arith.subi %sign3A_502, %sign3A_505 : i32
        %sign3A_507 = arith.constant 0 : i32
        %sign3A_508 = arith.cmpi sgt, %jit3A_498, %sign3A_507 : i32
        %sign3A_509 = arith.extui %sign3A_508 : i1 to i32
        %sign3A_510 = arith.constant 0 : i32
        %sign3A_511 = arith.cmpi slt, %jit3A_498, %sign3A_510 : i32
        %sign3A_512 = arith.extui %sign3A_511 : i1 to i32
        %sign3A_513 = arith.subi %sign3A_509, %sign3A_512 : i32
        %ne3A_514 = arith.cmpi ne, %sign3A_506, %sign3A_513 : i32
        %rem3A_515 = arith.remsi %add3A_497, %jit3A_498 : i32
        %ne3A_516 = arith.constant 0 : i32
        %ne3A_517 = arith.cmpi ne, %rem3A_515, %ne3A_516 : i32
        %and3A_518 = arith.andi %ne3A_514, %ne3A_517 : i1
        %sub3A_519 = arith.constant 1 : i32
        %sub3A_520 = arith.subi %div3A_499, %sub3A_519 : i32
        %select_n3A_521 = arith.select %and3A_518, %sub3A_520, %div3A_499 : i32
        %mul3A_522 = arith.constant 4096 : i32
        %mul3A_523 = arith.muli %select_n3A_521, %mul3A_522 : i32
        %jit3A_524 = arith.constant 8 : i32
        %eq3A_525 = arith.constant 0 : i32
        %eq3A_526 = arith.cmpi eq, %jit3A_524, %eq3A_525 : i32
        %jit3A_527 = arith.constant 1 : i32
        %select_n3A_528 = arith.select %eq3A_526, %jit3A_527, %jit3A_524 : i32
        %rem3A_529 = arith.remsi %add3A_497, %select_n3A_528 : i32
        %ne3A_530 = arith.constant 0 : i32
        %ne3A_531 = arith.cmpi ne, %rem3A_529, %ne3A_530 : i32
        %lt3A_532 = arith.constant 0 : i32
        %lt3A_533 = arith.cmpi slt, %rem3A_529, %lt3A_532 : i32
        %lt3A_534 = arith.constant 0 : i32
        %lt3A_535 = arith.cmpi slt, %select_n3A_528, %lt3A_534 : i32
        %ne3A_536 = arith.xori %lt3A_533, %lt3A_535 : i1
        %and3A_537 = arith.andi %ne3A_536, %ne3A_531 : i1
        %add3A_538 = arith.addi %rem3A_529, %select_n3A_528 : i32
        %select_n3A_539 = arith.select %and3A_537, %add3A_538, %rem3A_529 : i32
        %mul3A_540 = arith.constant 512 : i32
        %mul3A_541 = arith.muli %select_n3A_539, %mul3A_540 : i32
        %add3A_542 = arith.addi %mul3A_523, %mul3A_541 : i32
        %dma_start3A_543 = tpu.memref_slice %arg2[%add3A_542] : memref<819200xi32, #tpu.memory_space<hbm>> -> memref<512xi32, #tpu.memory_space<hbm>>
        %dma_start3A_544 = tpu.memref_slice %arg2[%add3A_542] : memref<819200xi32, #tpu.memory_space<hbm>> -> memref<512xi32, #tpu.memory_space<hbm>>
        tpu.enqueue_dma source(%dma_start3A_544 : memref<512xi32, #tpu.memory_space<hbm>>) target(%arg5 : memref<512xi32, #tpu.memory_space<vmem>>) target_semaphore(%arg11 : memref<!tpu.dma_semaphore, #tpu.memory_space<semaphore_mem>>)
      } else {
      }
      %scan3A_167 = arith.constant 0 : i32
      %scan3A_168 = arith.constant 0 : i32
      %scan3A_169 = arith.constant 2 : i32
      %scan3A_170 = arith.addi %scan3A_168, %scan3A_169 : i32
      %scan3A_171 = arith.constant 1 : i32
      scf.for %scan3A_496 = %scan3A_168 to %scan3A_170 step %scan3A_171  : i32 {
        %mul3A_497 = arith.constant 2 : i32
        %mul3A_498 = arith.muli %scan3A_496, %mul3A_497 : i32
        %add3A_499 = arith.constant 0 : i32
        %add3A_500 = arith.addi %mul3A_498, %add3A_499 : i32
        %mul3A_501 = arith.constant 4 : i32
        %mul3A_502 = arith.muli %select_n3A_150, %mul3A_501 : i32
        %add3A_503 = arith.addi %mul3A_502, %add3A_500 : i32
        %gt3A = arith.constant 0 : i32
        %gt3A_504 = arith.cmpi sgt, %scan3A_496, %gt3A : i32
        %convert_element_type3A_505 = arith.extui %gt3A_504 : i1 to i32
        %cond3A_506 = arith.constant 0 : i32
        %cond3A_507 = arith.cmpi ne, %convert_element_type3A_505, %cond3A_506 : i32
        scf.if %cond3A_507 {
          %dma_wait3A_676 = arith.constant 0 : i32
          %dma_wait3A_677 = arith.constant 0 : i32
          %dma_wait3A_678 = arith.constant 0 : i32
          %dma_wait3A_679 = arith.constant 0 : i32
          %dma_wait3A_680 = tpu.memref_slice %arg9[%dma_wait3A_678, %dma_wait3A_679] : memref<32x129xf32, #tpu.memory_space<vmem>> -> memref<8x128xf32, #tpu.memory_space<vmem>>
          %dma_wait3A_681 = arith.constant 0 : i32
          %dma_wait3A_682 = arith.constant 0 : i32
          %dma_wait3A_683 = tpu.memref_slice %arg4[%dma_wait3A_676, %dma_wait3A_677, %dma_wait3A_681, %dma_wait3A_682] : memref<800x32x8x128xf32, #tpu.memory_space<hbm>> -> memref<1x1x8x128xf32, #tpu.memory_space<hbm>>
          %dma_wait3A_684 = tpu.memref_squeeze %dma_wait3A_683 : memref<1x1x8x128xf32, #tpu.memory_space<hbm>> -> memref<8x128xf32, #tpu.memory_space<hbm>>
          %dma_wait3A_685 = arith.constant 0 : i32
          %dma_wait3A_686 = arith.constant 0 : i32
          %dma_wait3A_687 = tpu.memref_slice %arg4[%dma_wait3A_676, %dma_wait3A_677, %dma_wait3A_685, %dma_wait3A_686] : memref<800x32x8x128xf32, #tpu.memory_space<hbm>> -> memref<1x1x8x128xf32, #tpu.memory_space<hbm>>
          %dma_wait3A_688 = tpu.memref_squeeze %dma_wait3A_687 : memref<1x1x8x128xf32, #tpu.memory_space<hbm>> -> memref<8x128xf32, #tpu.memory_space<hbm>>
          %dma_wait3A_689 = arith.constant 0 : i32
          %dma_wait3A_690 = arith.constant 0 : i32
          %dma_wait3A_691 = tpu.memref_slice %arg9[%dma_wait3A_689, %dma_wait3A_690] : memref<32x129xf32, #tpu.memory_space<vmem>> -> memref<8x128xf32, #tpu.memory_space<vmem>>
          tpu.wait_dma2 semaphore(%arg15 : memref<!tpu.dma_semaphore, #tpu.memory_space<semaphore_mem>>) src(%dma_wait3A_691 : memref<8x128xf32, #tpu.memory_space<vmem>>) dst(%dma_wait3A_688 : memref<8x128xf32, #tpu.memory_space<hbm>>)
          %dma_wait3A_692 = arith.constant 0 : i32
          %dma_wait3A_693 = arith.constant 0 : i32
          %dma_wait3A_694 = arith.constant 0 : i32
          %dma_wait3A_695 = arith.constant 0 : i32
          %dma_wait3A_696 = tpu.memref_slice %arg9[%dma_wait3A_694, %dma_wait3A_695] : memref<32x129xf32, #tpu.memory_space<vmem>> -> memref<8x128xf32, #tpu.memory_space<vmem>>
          %dma_wait3A_697 = arith.constant 0 : i32
          %dma_wait3A_698 = arith.constant 0 : i32
          %dma_wait3A_699 = tpu.memref_slice %arg4[%dma_wait3A_692, %dma_wait3A_693, %dma_wait3A_697, %dma_wait3A_698] : memref<800x32x8x128xf32, #tpu.memory_space<hbm>> -> memref<1x1x8x128xf32, #tpu.memory_space<hbm>>
          %dma_wait3A_700 = tpu.memref_squeeze %dma_wait3A_699 : memref<1x1x8x128xf32, #tpu.memory_space<hbm>> -> memref<8x128xf32, #tpu.memory_space<hbm>>
          %dma_wait3A_701 = arith.constant 0 : i32
          %dma_wait3A_702 = arith.constant 0 : i32
          %dma_wait3A_703 = tpu.memref_slice %arg4[%dma_wait3A_692, %dma_wait3A_693, %dma_wait3A_701, %dma_wait3A_702] : memref<800x32x8x128xf32, #tpu.memory_space<hbm>> -> memref<1x1x8x128xf32, #tpu.memory_space<hbm>>
          %dma_wait3A_704 = tpu.memref_squeeze %dma_wait3A_703 : memref<1x1x8x128xf32, #tpu.memory_space<hbm>> -> memref<8x128xf32, #tpu.memory_space<hbm>>
          %dma_wait3A_705 = arith.constant 0 : i32
          %dma_wait3A_706 = arith.constant 0 : i32
          %dma_wait3A_707 = tpu.memref_slice %arg9[%dma_wait3A_705, %dma_wait3A_706] : memref<32x129xf32, #tpu.memory_space<vmem>> -> memref<8x128xf32, #tpu.memory_space<vmem>>
          tpu.wait_dma2 semaphore(%arg15 : memref<!tpu.dma_semaphore, #tpu.memory_space<semaphore_mem>>) src(%dma_wait3A_707 : memref<8x128xf32, #tpu.memory_space<vmem>>) dst(%dma_wait3A_704 : memref<8x128xf32, #tpu.memory_space<hbm>>)
          %dma_wait3A_708 = arith.constant 0 : i32
          %dma_wait3A_709 = arith.constant 0 : i32
          %dma_wait3A_710 = arith.constant 0 : i32
          %dma_wait3A_711 = arith.constant 0 : i32
          %dma_wait3A_712 = tpu.memref_slice %arg9[%dma_wait3A_710, %dma_wait3A_711] : memref<32x129xf32, #tpu.memory_space<vmem>> -> memref<8x128xf32, #tpu.memory_space<vmem>>
          %dma_wait3A_713 = arith.constant 0 : i32
          %dma_wait3A_714 = arith.constant 0 : i32
          %dma_wait3A_715 = tpu.memref_slice %arg4[%dma_wait3A_708, %dma_wait3A_709, %dma_wait3A_713, %dma_wait3A_714] : memref<800x32x8x128xf32, #tpu.memory_space<hbm>> -> memref<1x1x8x128xf32, #tpu.memory_space<hbm>>
          %dma_wait3A_716 = tpu.memref_squeeze %dma_wait3A_715 : memref<1x1x8x128xf32, #tpu.memory_space<hbm>> -> memref<8x128xf32, #tpu.memory_space<hbm>>
          %dma_wait3A_717 = arith.constant 0 : i32
          %dma_wait3A_718 = arith.constant 0 : i32
          %dma_wait3A_719 = tpu.memref_slice %arg4[%dma_wait3A_708, %dma_wait3A_709, %dma_wait3A_717, %dma_wait3A_718] : memref<800x32x8x128xf32, #tpu.memory_space<hbm>> -> memref<1x1x8x128xf32, #tpu.memory_space<hbm>>
          %dma_wait3A_720 = tpu.memref_squeeze %dma_wait3A_719 : memref<1x1x8x128xf32, #tpu.memory_space<hbm>> -> memref<8x128xf32, #tpu.memory_space<hbm>>
          %dma_wait3A_721 = arith.constant 0 : i32
          %dma_wait3A_722 = arith.constant 0 : i32
          %dma_wait3A_723 = tpu.memref_slice %arg9[%dma_wait3A_721, %dma_wait3A_722] : memref<32x129xf32, #tpu.memory_space<vmem>> -> memref<8x128xf32, #tpu.memory_space<vmem>>
          tpu.wait_dma2 semaphore(%arg15 : memref<!tpu.dma_semaphore, #tpu.memory_space<semaphore_mem>>) src(%dma_wait3A_723 : memref<8x128xf32, #tpu.memory_space<vmem>>) dst(%dma_wait3A_720 : memref<8x128xf32, #tpu.memory_space<hbm>>)
          %dma_wait3A_724 = arith.constant 0 : i32
          %dma_wait3A_725 = arith.constant 0 : i32
          %dma_wait3A_726 = arith.constant 0 : i32
          %dma_wait3A_727 = arith.constant 0 : i32
          %dma_wait3A_728 = tpu.memref_slice %arg9[%dma_wait3A_726, %dma_wait3A_727] : memref<32x129xf32, #tpu.memory_space<vmem>> -> memref<8x128xf32, #tpu.memory_space<vmem>>
          %dma_wait3A_729 = arith.constant 0 : i32
          %dma_wait3A_730 = arith.constant 0 : i32
          %dma_wait3A_731 = tpu.memref_slice %arg4[%dma_wait3A_724, %dma_wait3A_725, %dma_wait3A_729, %dma_wait3A_730] : memref<800x32x8x128xf32, #tpu.memory_space<hbm>> -> memref<1x1x8x128xf32, #tpu.memory_space<hbm>>
          %dma_wait3A_732 = tpu.memref_squeeze %dma_wait3A_731 : memref<1x1x8x128xf32, #tpu.memory_space<hbm>> -> memref<8x128xf32, #tpu.memory_space<hbm>>
          %dma_wait3A_733 = arith.constant 0 : i32
          %dma_wait3A_734 = arith.constant 0 : i32
          %dma_wait3A_735 = tpu.memref_slice %arg4[%dma_wait3A_724, %dma_wait3A_725, %dma_wait3A_733, %dma_wait3A_734] : memref<800x32x8x128xf32, #tpu.memory_space<hbm>> -> memref<1x1x8x128xf32, #tpu.memory_space<hbm>>
          %dma_wait3A_736 = tpu.memref_squeeze %dma_wait3A_735 : memref<1x1x8x128xf32, #tpu.memory_space<hbm>> -> memref<8x128xf32, #tpu.memory_space<hbm>>
          %dma_wait3A_737 = arith.constant 0 : i32
          %dma_wait3A_738 = arith.constant 0 : i32
          %dma_wait3A_739 = tpu.memref_slice %arg9[%dma_wait3A_737, %dma_wait3A_738] : memref<32x129xf32, #tpu.memory_space<vmem>> -> memref<8x128xf32, #tpu.memory_space<vmem>>
          tpu.wait_dma2 semaphore(%arg15 : memref<!tpu.dma_semaphore, #tpu.memory_space<semaphore_mem>>) src(%dma_wait3A_739 : memref<8x128xf32, #tpu.memory_space<vmem>>) dst(%dma_wait3A_736 : memref<8x128xf32, #tpu.memory_space<hbm>>)
        } else {
        }
        %scan3A_508 = arith.constant 0 : i32
        %scan3A_509 = arith.constant 0 : i32
        %scan3A_510 = arith.constant 8 : i32
        %scan3A_511 = arith.addi %scan3A_509, %scan3A_510 : i32
        %scan3A_512 = arith.constant 1 : i32
        scf.for %scan3A_676 = %scan3A_509 to %scan3A_511 step %scan3A_512  : i32 {
          %mul3A_677 = arith.constant 16 : i32
          %mul3A_678 = arith.muli %scan3A_676, %mul3A_677 : i32
          %add3A_679 = arith.constant 0 : i32
          %add3A_680 = arith.addi %mul3A_678, %add3A_679 : i32
          %mul3A_681 = arith.constant 128 : i32
          %mul3A_682 = arith.muli %add3A_500, %mul3A_681 : i32
          %add3A_683 = arith.addi %mul3A_682, %add3A_680 : i32
          %broadcast_in_dim3A = arith.constant 0 : i32
          %broadcast_in_dim3A_684 = vector.broadcast %broadcast_in_dim3A : i32 to vector<16xi32>
          %add3A_685 = vector.broadcast %add3A_680 : i32 to vector<16xi32>
          %add3A_686 = arith.addi %broadcast_in_dim3A_684, %add3A_685 : vector<16xi32>
          %get3A = arith.index_cast %add3A_683 : i32 to index
          %get3A_687 = arith.constant 0 : index
          %get3A_688 = tpu.vector_load %arg7[%get3A, %get3A_687] {strides = array<i32>} : memref<512x32xf32, #tpu.memory_space<vmem>>, vector<16xf32>,
          tpu.vector_store_idx %arg9[%add3A_96, %add3A_686], %get3A_688 : memref<32x129xf32, #tpu.memory_space<vmem>>[vector<16xi32>, vector<16xi32>], vector<16xf32>,
          %get3A_689 = arith.index_cast %add3A_683 : i32 to index
          %get3A_690 = arith.constant 16 : index
          %get3A_691 = tpu.vector_load %arg7[%get3A_689, %get3A_690] {strides = array<i32>} : memref<512x32xf32, #tpu.memory_space<vmem>>, vector<16xf32>,
          tpu.vector_store_idx %arg9[%add3A_99, %add3A_686], %get3A_691 : memref<32x129xf32, #tpu.memory_space<vmem>>[vector<16xi32>, vector<16xi32>], vector<16xf32>,
          %mul3A_692 = arith.constant 16 : i32
          %mul3A_693 = arith.muli %scan3A_676, %mul3A_692 : i32
          %add3A_694 = arith.constant 1 : i32
          %add3A_695 = arith.addi %mul3A_693, %add3A_694 : i32
          %mul3A_696 = arith.constant 128 : i32
          %mul3A_697 = arith.muli %add3A_500, %mul3A_696 : i32
          %add3A_698 = arith.addi %mul3A_697, %add3A_695 : i32
          %broadcast_in_dim3A_699 = arith.constant 0 : i32
          %broadcast_in_dim3A_700 = vector.broadcast %broadcast_in_dim3A_699 : i32 to vector<16xi32>
          %add3A_701 = vector.broadcast %add3A_695 : i32 to vector<16xi32>
          %add3A_702 = arith.addi %broadcast_in_dim3A_700, %add3A_701 : vector<16xi32>
          %get3A_703 = arith.index_cast %add3A_698 : i32 to index
          %get3A_704 = arith.constant 0 : index
          %get3A_705 = tpu.vector_load %arg7[%get3A_703, %get3A_704] {strides = array<i32>} : memref<512x32xf32, #tpu.memory_space<vmem>>, vector<16xf32>,
          tpu.vector_store_idx %arg9[%add3A_96, %add3A_702], %get3A_705 : memref<32x129xf32, #tpu.memory_space<vmem>>[vector<16xi32>, vector<16xi32>], vector<16xf32>,
          %get3A_706 = arith.index_cast %add3A_698 : i32 to index
          %get3A_707 = arith.constant 16 : index
          %get3A_708 = tpu.vector_load %arg7[%get3A_706, %get3A_707] {strides = array<i32>} : memref<512x32xf32, #tpu.memory_space<vmem>>, vector<16xf32>,
          tpu.vector_store_idx %arg9[%add3A_99, %add3A_702], %get3A_708 : memref<32x129xf32, #tpu.memory_space<vmem>>[vector<16xi32>, vector<16xi32>], vector<16xf32>,
          %mul3A_709 = arith.constant 16 : i32
          %mul3A_710 = arith.muli %scan3A_676, %mul3A_709 : i32
          %add3A_711 = arith.constant 2 : i32
          %add3A_712 = arith.addi %mul3A_710, %add3A_711 : i32
          %mul3A_713 = arith.constant 128 : i32
          %mul3A_714 = arith.muli %add3A_500, %mul3A_713 : i32
          %add3A_715 = arith.addi %mul3A_714, %add3A_712 : i32
          %broadcast_in_dim3A_716 = arith.constant 0 : i32
          %broadcast_in_dim3A_717 = vector.broadcast %broadcast_in_dim3A_716 : i32 to vector<16xi32>
          %add3A_718 = vector.broadcast %add3A_712 : i32 to vector<16xi32>
          %add3A_719 = arith.addi %broadcast_in_dim3A_717, %add3A_718 : vector<16xi32>
          %get3A_720 = arith.index_cast %add3A_715 : i32 to index
          %get3A_721 = arith.constant 0 : index
          %get3A_722 = tpu.vector_load %arg7[%get3A_720, %get3A_721] {strides = array<i32>} : memref<512x32xf32, #tpu.memory_space<vmem>>, vector<16xf32>,
          tpu.vector_store_idx %arg9[%add3A_96, %add3A_719], %get3A_722 : memref<32x129xf32, #tpu.memory_space<vmem>>[vector<16xi32>, vector<16xi32>], vector<16xf32>,
          %get3A_723 = arith.index_cast %add3A_715 : i32 to index
          %get3A_724 = arith.constant 16 : index
          %get3A_725 = tpu.vector_load %arg7[%get3A_723, %get3A_724] {strides = array<i32>} : memref<512x32xf32, #tpu.memory_space<vmem>>, vector<16xf32>,
          tpu.vector_store_idx %arg9[%add3A_99, %add3A_719], %get3A_725 : memref<32x129xf32, #tpu.memory_space<vmem>>[vector<16xi32>, vector<16xi32>], vector<16xf32>,
          %mul3A_726 = arith.constant 16 : i32
          %mul3A_727 = arith.muli %scan3A_676, %mul3A_726 : i32
          %add3A_728 = arith.constant 3 : i32
          %add3A_729 = arith.addi %mul3A_727, %add3A_728 : i32
          %mul3A_730 = arith.constant 128 : i32
          %mul3A_731 = arith.muli %add3A_500, %mul3A_730 : i32
          %add3A_732 = arith.addi %mul3A_731, %add3A_729 : i32
          %broadcast_in_dim3A_733 = arith.constant 0 : i32
          %broadcast_in_dim3A_734 = vector.broadcast %broadcast_in_dim3A_733 : i32 to vector<16xi32>
          %add3A_735 = vector.broadcast %add3A_729 : i32 to vector<16xi32>
          %add3A_736 = arith.addi %broadcast_in_dim3A_734, %add3A_735 : vector<16xi32>
          %get3A_737 = arith.index_cast %add3A_732 : i32 to index
          %get3A_738 = arith.constant 0 : index
          %get3A_739 = tpu.vector_load %arg7[%get3A_737, %get3A_738] {strides = array<i32>} : memref<512x32xf32, #tpu.memory_space<vmem>>, vector<16xf32>,
          tpu.vector_store_idx %arg9[%add3A_96, %add3A_736], %get3A_739 : memref<32x129xf32, #tpu.memory_space<vmem>>[vector<16xi32>, vector<16xi32>], vector<16xf32>,
          %get3A_740 = arith.index_cast %add3A_732 : i32 to index
          %get3A_741 = arith.constant 16 : index
          %get3A_742 = tpu.vector_load %arg7[%get3A_740, %get3A_741] {strides = array<i32>} : memref<512x32xf32, #tpu.memory_space<vmem>>, vector<16xf32>,
          tpu.vector_store_idx %arg9[%add3A_99, %add3A_736], %get3A_742 : memref<32x129xf32, #tpu.memory_space<vmem>>[vector<16xi32>, vector<16xi32>], vector<16xf32>,
          %mul3A_743 = arith.constant 16 : i32
          %mul3A_744 = arith.muli %scan3A_676, %mul3A_743 : i32
          %add3A_745 = arith.constant 4 : i32
          %add3A_746 = arith.addi %mul3A_744, %add3A_745 : i32
          %mul3A_747 = arith.constant 128 : i32
          %mul3A_748 = arith.muli %add3A_500, %mul3A_747 : i32
          %add3A_749 = arith.addi %mul3A_748, %add3A_746 : i32
          %broadcast_in_dim3A_750 = arith.constant 0 : i32
          %broadcast_in_dim3A_751 = vector.broadcast %broadcast_in_dim3A_750 : i32 to vector<16xi32>
          %add3A_752 = vector.broadcast %add3A_746 : i32 to vector<16xi32>
          %add3A_753 = arith.addi %broadcast_in_dim3A_751, %add3A_752 : vector<16xi32>
          %get3A_754 = arith.index_cast %add3A_749 : i32 to index
          %get3A_755 = arith.constant 0 : index
          %get3A_756 = tpu.vector_load %arg7[%get3A_754, %get3A_755] {strides = array<i32>} : memref<512x32xf32, #tpu.memory_space<vmem>>, vector<16xf32>,
          tpu.vector_store_idx %arg9[%add3A_96, %add3A_753], %get3A_756 : memref<32x129xf32, #tpu.memory_space<vmem>>[vector<16xi32>, vector<16xi32>], vector<16xf32>,
          %get3A_757 = arith.index_cast %add3A_749 : i32 to index
          %get3A_758 = arith.constant 16 : index
          %get3A_759 = tpu.vector_load %arg7[%get3A_757, %get3A_758] {strides = array<i32>} : memref<512x32xf32, #tpu.memory_space<vmem>>, vector<16xf32>,
          tpu.vector_store_idx %arg9[%add3A_99, %add3A_753], %get3A_759 : memref<32x129xf32, #tpu.memory_space<vmem>>[vector<16xi32>, vector<16xi32>], vector<16xf32>,
          %mul3A_760 = arith.constant 16 : i32
          %mul3A_761 = arith.muli %scan3A_676, %mul3A_760 : i32
          %add3A_762 = arith.constant 5 : i32
          %add3A_763 = arith.addi %mul3A_761, %add3A_762 : i32
          %mul3A_764 = arith.constant 128 : i32
          %mul3A_765 = arith.muli %add3A_500, %mul3A_764 : i32
          %add3A_766 = arith.addi %mul3A_765, %add3A_763 : i32
          %broadcast_in_dim3A_767 = arith.constant 0 : i32
          %broadcast_in_dim3A_768 = vector.broadcast %broadcast_in_dim3A_767 : i32 to vector<16xi32>
          %add3A_769 = vector.broadcast %add3A_763 : i32 to vector<16xi32>
          %add3A_770 = arith.addi %broadcast_in_dim3A_768, %add3A_769 : vector<16xi32>
          %get3A_771 = arith.index_cast %add3A_766 : i32 to index
          %get3A_772 = arith.constant 0 : index
          %get3A_773 = tpu.vector_load %arg7[%get3A_771, %get3A_772] {strides = array<i32>} : memref<512x32xf32, #tpu.memory_space<vmem>>, vector<16xf32>,
          tpu.vector_store_idx %arg9[%add3A_96, %add3A_770], %get3A_773 : memref<32x129xf32, #tpu.memory_space<vmem>>[vector<16xi32>, vector<16xi32>], vector<16xf32>,
          %get3A_774 = arith.index_cast %add3A_766 : i32 to index
          %get3A_775 = arith.constant 16 : index
          %get3A_776 = tpu.vector_load %arg7[%get3A_774, %get3A_775] {strides = array<i32>} : memref<512x32xf32, #tpu.memory_space<vmem>>, vector<16xf32>,
          tpu.vector_store_idx %arg9[%add3A_99, %add3A_770], %get3A_776 : memref<32x129xf32, #tpu.memory_space<vmem>>[vector<16xi32>, vector<16xi32>], vector<16xf32>,
          %mul3A_777 = arith.constant 16 : i32
          %mul3A_778 = arith.muli %scan3A_676, %mul3A_777 : i32
          %add3A_779 = arith.constant 6 : i32
          %add3A_780 = arith.addi %mul3A_778, %add3A_779 : i32
          %mul3A_781 = arith.constant 128 : i32
          %mul3A_782 = arith.muli %add3A_500, %mul3A_781 : i32
          %add3A_783 = arith.addi %mul3A_782, %add3A_780 : i32
          %broadcast_in_dim3A_784 = arith.constant 0 : i32
          %broadcast_in_dim3A_785 = vector.broadcast %broadcast_in_dim3A_784 : i32 to vector<16xi32>
          %add3A_786 = vector.broadcast %add3A_780 : i32 to vector<16xi32>
          %add3A_787 = arith.addi %broadcast_in_dim3A_785, %add3A_786 : vector<16xi32>
          %get3A_788 = arith.index_cast %add3A_783 : i32 to index
          %get3A_789 = arith.constant 0 : index
          %get3A_790 = tpu.vector_load %arg7[%get3A_788, %get3A_789] {strides = array<i32>} : memref<512x32xf32, #tpu.memory_space<vmem>>, vector<16xf32>,
          tpu.vector_store_idx %arg9[%add3A_96, %add3A_787], %get3A_790 : memref<32x129xf32, #tpu.memory_space<vmem>>[vector<16xi32>, vector<16xi32>], vector<16xf32>,
          %get3A_791 = arith.index_cast %add3A_783 : i32 to index
          %get3A_792 = arith.constant 16 : index
          %get3A_793 = tpu.vector_load %arg7[%get3A_791, %get3A_792] {strides = array<i32>} : memref<512x32xf32, #tpu.memory_space<vmem>>, vector<16xf32>,
          tpu.vector_store_idx %arg9[%add3A_99, %add3A_787], %get3A_793 : memref<32x129xf32, #tpu.memory_space<vmem>>[vector<16xi32>, vector<16xi32>], vector<16xf32>,
          %mul3A_794 = arith.constant 16 : i32
          %mul3A_795 = arith.muli %scan3A_676, %mul3A_794 : i32
          %add3A_796 = arith.constant 7 : i32
          %add3A_797 = arith.addi %mul3A_795, %add3A_796 : i32
          %mul3A_798 = arith.constant 128 : i32
          %mul3A_799 = arith.muli %add3A_500, %mul3A_798 : i32
          %add3A_800 = arith.addi %mul3A_799, %add3A_797 : i32
          %broadcast_in_dim3A_801 = arith.constant 0 : i32
          %broadcast_in_dim3A_802 = vector.broadcast %broadcast_in_dim3A_801 : i32 to vector<16xi32>
          %add3A_803 = vector.broadcast %add3A_797 : i32 to vector<16xi32>
          %add3A_804 = arith.addi %broadcast_in_dim3A_802, %add3A_803 : vector<16xi32>
          %get3A_805 = arith.index_cast %add3A_800 : i32 to index
          %get3A_806 = arith.constant 0 : index
          %get3A_807 = tpu.vector_load %arg7[%get3A_805, %get3A_806] {strides = array<i32>} : memref<512x32xf32, #tpu.memory_space<vmem>>, vector<16xf32>,
          tpu.vector_store_idx %arg9[%add3A_96, %add3A_804], %get3A_807 : memref<32x129xf32, #tpu.memory_space<vmem>>[vector<16xi32>, vector<16xi32>], vector<16xf32>,
          %get3A_808 = arith.index_cast %add3A_800 : i32 to index
          %get3A_809 = arith.constant 16 : index
          %get3A_810 = tpu.vector_load %arg7[%get3A_808, %get3A_809] {strides = array<i32>} : memref<512x32xf32, #tpu.memory_space<vmem>>, vector<16xf32>,
          tpu.vector_store_idx %arg9[%add3A_99, %add3A_804], %get3A_810 : memref<32x129xf32, #tpu.memory_space<vmem>>[vector<16xi32>, vector<16xi32>], vector<16xf32>,
          %mul3A_811 = arith.constant 16 : i32
          %mul3A_812 = arith.muli %scan3A_676, %mul3A_811 : i32
          %add3A_813 = arith.constant 8 : i32
          %add3A_814 = arith.addi %mul3A_812, %add3A_813 : i32
          %mul3A_815 = arith.constant 128 : i32
          %mul3A_816 = arith.muli %add3A_500, %mul3A_815 : i32
          %add3A_817 = arith.addi %mul3A_816, %add3A_814 : i32
          %broadcast_in_dim3A_818 = arith.constant 0 : i32
          %broadcast_in_dim3A_819 = vector.broadcast %broadcast_in_dim3A_818 : i32 to vector<16xi32>
          %add3A_820 = vector.broadcast %add3A_814 : i32 to vector<16xi32>
          %add3A_821 = arith.addi %broadcast_in_dim3A_819, %add3A_820 : vector<16xi32>
          %get3A_822 = arith.index_cast %add3A_817 : i32 to index
          %get3A_823 = arith.constant 0 : index
          %get3A_824 = tpu.vector_load %arg7[%get3A_822, %get3A_823] {strides = array<i32>} : memref<512x32xf32, #tpu.memory_space<vmem>>, vector<16xf32>,
          tpu.vector_store_idx %arg9[%add3A_96, %add3A_821], %get3A_824 : memref<32x129xf32, #tpu.memory_space<vmem>>[vector<16xi32>, vector<16xi32>], vector<16xf32>,
          %get3A_825 = arith.index_cast %add3A_817 : i32 to index
          %get3A_826 = arith.constant 16 : index
          %get3A_827 = tpu.vector_load %arg7[%get3A_825, %get3A_826] {strides = array<i32>} : memref<512x32xf32, #tpu.memory_space<vmem>>, vector<16xf32>,
          tpu.vector_store_idx %arg9[%add3A_99, %add3A_821], %get3A_827 : memref<32x129xf32, #tpu.memory_space<vmem>>[vector<16xi32>, vector<16xi32>], vector<16xf32>,
          %mul3A_828 = arith.constant 16 : i32
          %mul3A_829 = arith.muli %scan3A_676, %mul3A_828 : i32
          %add3A_830 = arith.constant 9 : i32
          %add3A_831 = arith.addi %mul3A_829, %add3A_830 : i32
          %mul3A_832 = arith.constant 128 : i32
          %mul3A_833 = arith.muli %add3A_500, %mul3A_832 : i32
          %add3A_834 = arith.addi %mul3A_833, %add3A_831 : i32
          %broadcast_in_dim3A_835 = arith.constant 0 : i32
          %broadcast_in_dim3A_836 = vector.broadcast %broadcast_in_dim3A_835 : i32 to vector<16xi32>
          %add3A_837 = vector.broadcast %add3A_831 : i32 to vector<16xi32>
          %add3A_838 = arith.addi %broadcast_in_dim3A_836, %add3A_837 : vector<16xi32>
          %get3A_839 = arith.index_cast %add3A_834 : i32 to index
          %get3A_840 = arith.constant 0 : index
          %get3A_841 = tpu.vector_load %arg7[%get3A_839, %get3A_840] {strides = array<i32>} : memref<512x32xf32, #tpu.memory_space<vmem>>, vector<16xf32>,
          tpu.vector_store_idx %arg9[%add3A_96, %add3A_838], %get3A_841 : memref<32x129xf32, #tpu.memory_space<vmem>>[vector<16xi32>, vector<16xi32>], vector<16xf32>,
          %get3A_842 = arith.index_cast %add3A_834 : i32 to index
          %get3A_843 = arith.constant 16 : index
          %get3A_844 = tpu.vector_load %arg7[%get3A_842, %get3A_843] {strides = array<i32>} : memref<512x32xf32, #tpu.memory_space<vmem>>, vector<16xf32>,
          tpu.vector_store_idx %arg9[%add3A_99, %add3A_838], %get3A_844 : memref<32x129xf32, #tpu.memory_space<vmem>>[vector<16xi32>, vector<16xi32>], vector<16xf32>,
          %mul3A_845 = arith.constant 16 : i32
          %mul3A_846 = arith.muli %scan3A_676, %mul3A_845 : i32
          %add3A_847 = arith.constant 10 : i32
          %add3A_848 = arith.addi %mul3A_846, %add3A_847 : i32
          %mul3A_849 = arith.constant 128 : i32
          %mul3A_850 = arith.muli %add3A_500, %mul3A_849 : i32
          %add3A_851 = arith.addi %mul3A_850, %add3A_848 : i32
          %broadcast_in_dim3A_852 = arith.constant 0 : i32
          %broadcast_in_dim3A_853 = vector.broadcast %broadcast_in_dim3A_852 : i32 to vector<16xi32>
          %add3A_854 = vector.broadcast %add3A_848 : i32 to vector<16xi32>
          %add3A_855 = arith.addi %broadcast_in_dim3A_853, %add3A_854 : vector<16xi32>
          %get3A_856 = arith.index_cast %add3A_851 : i32 to index
          %get3A_857 = arith.constant 0 : index
          %get3A_858 = tpu.vector_load %arg7[%get3A_856, %get3A_857] {strides = array<i32>} : memref<512x32xf32, #tpu.memory_space<vmem>>, vector<16xf32>,
          tpu.vector_store_idx %arg9[%add3A_96, %add3A_855], %get3A_858 : memref<32x129xf32, #tpu.memory_space<vmem>>[vector<16xi32>, vector<16xi32>], vector<16xf32>,
          %get3A_859 = arith.index_cast %add3A_851 : i32 to index
          %get3A_860 = arith.constant 16 : index
          %get3A_861 = tpu.vector_load %arg7[%get3A_859, %get3A_860] {strides = array<i32>} : memref<512x32xf32, #tpu.memory_space<vmem>>, vector<16xf32>,
          tpu.vector_store_idx %arg9[%add3A_99, %add3A_855], %get3A_861 : memref<32x129xf32, #tpu.memory_space<vmem>>[vector<16xi32>, vector<16xi32>], vector<16xf32>,
          %mul3A_862 = arith.constant 16 : i32
          %mul3A_863 = arith.muli %scan3A_676, %mul3A_862 : i32
          %add3A_864 = arith.constant 11 : i32
          %add3A_865 = arith.addi %mul3A_863, %add3A_864 : i32
          %mul3A_866 = arith.constant 128 : i32
          %mul3A_867 = arith.muli %add3A_500, %mul3A_866 : i32
          %add3A_868 = arith.addi %mul3A_867, %add3A_865 : i32
          %broadcast_in_dim3A_869 = arith.constant 0 : i32
          %broadcast_in_dim3A_870 = vector.broadcast %broadcast_in_dim3A_869 : i32 to vector<16xi32>
          %add3A_871 = vector.broadcast %add3A_865 : i32 to vector<16xi32>
          %add3A_872 = arith.addi %broadcast_in_dim3A_870, %add3A_871 : vector<16xi32>
          %get3A_873 = arith.index_cast %add3A_868 : i32 to index
          %get3A_874 = arith.constant 0 : index
          %get3A_875 = tpu.vector_load %arg7[%get3A_873, %get3A_874] {strides = array<i32>} : memref<512x32xf32, #tpu.memory_space<vmem>>, vector<16xf32>,
          tpu.vector_store_idx %arg9[%add3A_96, %add3A_872], %get3A_875 : memref<32x129xf32, #tpu.memory_space<vmem>>[vector<16xi32>, vector<16xi32>], vector<16xf32>,
          %get3A_876 = arith.index_cast %add3A_868 : i32 to index
          %get3A_877 = arith.constant 16 : index
          %get3A_878 = tpu.vector_load %arg7[%get3A_876, %get3A_877] {strides = array<i32>} : memref<512x32xf32, #tpu.memory_space<vmem>>, vector<16xf32>,
          tpu.vector_store_idx %arg9[%add3A_99, %add3A_872], %get3A_878 : memref<32x129xf32, #tpu.memory_space<vmem>>[vector<16xi32>, vector<16xi32>], vector<16xf32>,
          %mul3A_879 = arith.constant 16 : i32
          %mul3A_880 = arith.muli %scan3A_676, %mul3A_879 : i32
          %add3A_881 = arith.constant 12 : i32
          %add3A_882 = arith.addi %mul3A_880, %add3A_881 : i32
          %mul3A_883 = arith.constant 128 : i32
          %mul3A_884 = arith.muli %add3A_500, %mul3A_883 : i32
          %add3A_885 = arith.addi %mul3A_884, %add3A_882 : i32
          %broadcast_in_dim3A_886 = arith.constant 0 : i32
          %broadcast_in_dim3A_887 = vector.broadcast %broadcast_in_dim3A_886 : i32 to vector<16xi32>
          %add3A_888 = vector.broadcast %add3A_882 : i32 to vector<16xi32>
          %add3A_889 = arith.addi %broadcast_in_dim3A_887, %add3A_888 : vector<16xi32>
          %get3A_890 = arith.index_cast %add3A_885 : i32 to index
          %get3A_891 = arith.constant 0 : index
          %get3A_892 = tpu.vector_load %arg7[%get3A_890, %get3A_891] {strides = array<i32>} : memref<512x32xf32, #tpu.memory_space<vmem>>, vector<16xf32>,
          tpu.vector_store_idx %arg9[%add3A_96, %add3A_889], %get3A_892 : memref<32x129xf32, #tpu.memory_space<vmem>>[vector<16xi32>, vector<16xi32>], vector<16xf32>,
          %get3A_893 = arith.index_cast %add3A_885 : i32 to index
          %get3A_894 = arith.constant 16 : index
          %get3A_895 = tpu.vector_load %arg7[%get3A_893, %get3A_894] {strides = array<i32>} : memref<512x32xf32, #tpu.memory_space<vmem>>, vector<16xf32>,
          tpu.vector_store_idx %arg9[%add3A_99, %add3A_889], %get3A_895 : memref<32x129xf32, #tpu.memory_space<vmem>>[vector<16xi32>, vector<16xi32>], vector<16xf32>,
          %mul3A_896 = arith.constant 16 : i32
          %mul3A_897 = arith.muli %scan3A_676, %mul3A_896 : i32
          %add3A_898 = arith.constant 13 : i32
          %add3A_899 = arith.addi %mul3A_897, %add3A_898 : i32
          %mul3A_900 = arith.constant 128 : i32
          %mul3A_901 = arith.muli %add3A_500, %mul3A_900 : i32
          %add3A_902 = arith.addi %mul3A_901, %add3A_899 : i32
          %broadcast_in_dim3A_903 = arith.constant 0 : i32
          %broadcast_in_dim3A_904 = vector.broadcast %broadcast_in_dim3A_903 : i32 to vector<16xi32>
          %add3A_905 = vector.broadcast %add3A_899 : i32 to vector<16xi32>
          %add3A_906 = arith.addi %broadcast_in_dim3A_904, %add3A_905 : vector<16xi32>
          %get3A_907 = arith.index_cast %add3A_902 : i32 to index
          %get3A_908 = arith.constant 0 : index
          %get3A_909 = tpu.vector_load %arg7[%get3A_907, %get3A_908] {strides = array<i32>} : memref<512x32xf32, #tpu.memory_space<vmem>>, vector<16xf32>,
          tpu.vector_store_idx %arg9[%add3A_96, %add3A_906], %get3A_909 : memref<32x129xf32, #tpu.memory_space<vmem>>[vector<16xi32>, vector<16xi32>], vector<16xf32>,
          %get3A_910 = arith.index_cast %add3A_902 : i32 to index
          %get3A_911 = arith.constant 16 : index
          %get3A_912 = tpu.vector_load %arg7[%get3A_910, %get3A_911] {strides = array<i32>} : memref<512x32xf32, #tpu.memory_space<vmem>>, vector<16xf32>,
          tpu.vector_store_idx %arg9[%add3A_99, %add3A_906], %get3A_912 : memref<32x129xf32, #tpu.memory_space<vmem>>[vector<16xi32>, vector<16xi32>], vector<16xf32>,
          %mul3A_913 = arith.constant 16 : i32
          %mul3A_914 = arith.muli %scan3A_676, %mul3A_913 : i32
          %add3A_915 = arith.constant 14 : i32
          %add3A_916 = arith.addi %mul3A_914, %add3A_915 : i32
          %mul3A_917 = arith.constant 128 : i32
          %mul3A_918 = arith.muli %add3A_500, %mul3A_917 : i32
          %add3A_919 = arith.addi %mul3A_918, %add3A_916 : i32
          %broadcast_in_dim3A_920 = arith.constant 0 : i32
          %broadcast_in_dim3A_921 = vector.broadcast %broadcast_in_dim3A_920 : i32 to vector<16xi32>
          %add3A_922 = vector.broadcast %add3A_916 : i32 to vector<16xi32>
          %add3A_923 = arith.addi %broadcast_in_dim3A_921, %add3A_922 : vector<16xi32>
          %get3A_924 = arith.index_cast %add3A_919 : i32 to index
          %get3A_925 = arith.constant 0 : index
          %get3A_926 = tpu.vector_load %arg7[%get3A_924, %get3A_925] {strides = array<i32>} : memref<512x32xf32, #tpu.memory_space<vmem>>, vector<16xf32>,
          tpu.vector_store_idx %arg9[%add3A_96, %add3A_923], %get3A_926 : memref<32x129xf32, #tpu.memory_space<vmem>>[vector<16xi32>, vector<16xi32>], vector<16xf32>,
          %get3A_927 = arith.index_cast %add3A_919 : i32 to index
          %get3A_928 = arith.constant 16 : index
          %get3A_929 = tpu.vector_load %arg7[%get3A_927, %get3A_928] {strides = array<i32>} : memref<512x32xf32, #tpu.memory_space<vmem>>, vector<16xf32>,
          tpu.vector_store_idx %arg9[%add3A_99, %add3A_923], %get3A_929 : memref<32x129xf32, #tpu.memory_space<vmem>>[vector<16xi32>, vector<16xi32>], vector<16xf32>,
          %mul3A_930 = arith.constant 16 : i32
          %mul3A_931 = arith.muli %scan3A_676, %mul3A_930 : i32
          %add3A_932 = arith.constant 15 : i32
          %add3A_933 = arith.addi %mul3A_931, %add3A_932 : i32
          %mul3A_934 = arith.constant 128 : i32
          %mul3A_935 = arith.muli %add3A_500, %mul3A_934 : i32
          %add3A_936 = arith.addi %mul3A_935, %add3A_933 : i32
          %broadcast_in_dim3A_937 = arith.constant 0 : i32
          %broadcast_in_dim3A_938 = vector.broadcast %broadcast_in_dim3A_937 : i32 to vector<16xi32>
          %add3A_939 = vector.broadcast %add3A_933 : i32 to vector<16xi32>
          %add3A_940 = arith.addi %broadcast_in_dim3A_938, %add3A_939 : vector<16xi32>
          %get3A_941 = arith.index_cast %add3A_936 : i32 to index
          %get3A_942 = arith.constant 0 : index
          %get3A_943 = tpu.vector_load %arg7[%get3A_941, %get3A_942] {strides = array<i32>} : memref<512x32xf32, #tpu.memory_space<vmem>>, vector<16xf32>,
          tpu.vector_store_idx %arg9[%add3A_96, %add3A_940], %get3A_943 : memref<32x129xf32, #tpu.memory_space<vmem>>[vector<16xi32>, vector<16xi32>], vector<16xf32>,
          %get3A_944 = arith.index_cast %add3A_936 : i32 to index
          %get3A_945 = arith.constant 16 : index
          %get3A_946 = tpu.vector_load %arg7[%get3A_944, %get3A_945] {strides = array<i32>} : memref<512x32xf32, #tpu.memory_space<vmem>>, vector<16xf32>,
          tpu.vector_store_idx %arg9[%add3A_99, %add3A_940], %get3A_946 : memref<32x129xf32, #tpu.memory_space<vmem>>[vector<16xi32>, vector<16xi32>], vector<16xf32>,
        }
        %scan3A_513 = arith.constant 8 : i32
        %mul3A_514 = arith.constant 4 : i32
        %mul3A_515 = arith.muli %select_n3A_134, %mul3A_514 : i32
        %add3A_516 = arith.constant 0 : i32
        %add3A_517 = arith.addi %mul3A_515, %add3A_516 : i32
        %dma_start3A_518 = arith.constant 0 : i32
        %dma_start3A_519 = arith.constant 0 : i32
        %dma_start3A_520 = tpu.memref_slice %arg9[%dma_start3A_518, %dma_start3A_519] : memref<32x129xf32, #tpu.memory_space<vmem>> -> memref<8x128xf32, #tpu.memory_space<vmem>>
        %dma_start3A_521 = arith.constant 0 : i32
        %dma_start3A_522 = arith.constant 0 : i32
        %dma_start3A_523 = tpu.memref_slice %arg4[%add3A_517, %add3A_503, %dma_start3A_521, %dma_start3A_522] : memref<800x32x8x128xf32, #tpu.memory_space<hbm>> -> memref<1x1x8x128xf32, #tpu.memory_space<hbm>>
        %dma_start3A_524 = tpu.memref_squeeze %dma_start3A_523 : memref<1x1x8x128xf32, #tpu.memory_space<hbm>> -> memref<8x128xf32, #tpu.memory_space<hbm>>
        %dma_start3A_525 = arith.constant 0 : i32
        %dma_start3A_526 = arith.constant 0 : i32
        %dma_start3A_527 = tpu.memref_slice %arg4[%add3A_517, %add3A_503, %dma_start3A_525, %dma_start3A_526] : memref<800x32x8x128xf32, #tpu.memory_space<hbm>> -> memref<1x1x8x128xf32, #tpu.memory_space<hbm>>
        %dma_start3A_528 = tpu.memref_squeeze %dma_start3A_527 : memref<1x1x8x128xf32, #tpu.memory_space<hbm>> -> memref<8x128xf32, #tpu.memory_space<hbm>>
        %dma_start3A_529 = arith.constant 0 : i32
        %dma_start3A_530 = arith.constant 0 : i32
        %dma_start3A_531 = tpu.memref_slice %arg9[%dma_start3A_529, %dma_start3A_530] : memref<32x129xf32, #tpu.memory_space<vmem>> -> memref<8x128xf32, #tpu.memory_space<vmem>>
        tpu.enqueue_dma source(%dma_start3A_531 : memref<8x128xf32, #tpu.memory_space<vmem>>) target(%dma_start3A_528 : memref<8x128xf32, #tpu.memory_space<hbm>>) target_semaphore(%arg15 : memref<!tpu.dma_semaphore, #tpu.memory_space<semaphore_mem>>)
        %mul3A_532 = arith.constant 4 : i32
        %mul3A_533 = arith.muli %select_n3A_134, %mul3A_532 : i32
        %add3A_534 = arith.constant 1 : i32
        %add3A_535 = arith.addi %mul3A_533, %add3A_534 : i32
        %dma_start3A_536 = arith.constant 8 : i32
        %dma_start3A_537 = arith.constant 0 : i32
        %dma_start3A_538 = tpu.memref_slice %arg9[%dma_start3A_536, %dma_start3A_537] : memref<32x129xf32, #tpu.memory_space<vmem>> -> memref<8x128xf32, #tpu.memory_space<vmem>>
        %dma_start3A_539 = arith.constant 0 : i32
        %dma_start3A_540 = arith.constant 0 : i32
        %dma_start3A_541 = tpu.memref_slice %arg4[%add3A_535, %add3A_503, %dma_start3A_539, %dma_start3A_540] : memref<800x32x8x128xf32, #tpu.memory_space<hbm>> -> memref<1x1x8x128xf32, #tpu.memory_space<hbm>>
        %dma_start3A_542 = tpu.memref_squeeze %dma_start3A_541 : memref<1x1x8x128xf32, #tpu.memory_space<hbm>> -> memref<8x128xf32, #tpu.memory_space<hbm>>
        %dma_start3A_543 = arith.constant 0 : i32
        %dma_start3A_544 = arith.constant 0 : i32
        %dma_start3A_545 = tpu.memref_slice %arg4[%add3A_535, %add3A_503, %dma_start3A_543, %dma_start3A_544] : memref<800x32x8x128xf32, #tpu.memory_space<hbm>> -> memref<1x1x8x128xf32, #tpu.memory_space<hbm>>
        %dma_start3A_546 = tpu.memref_squeeze %dma_start3A_545 : memref<1x1x8x128xf32, #tpu.memory_space<hbm>> -> memref<8x128xf32, #tpu.memory_space<hbm>>
        %dma_start3A_547 = arith.constant 8 : i32
        %dma_start3A_548 = arith.constant 0 : i32
        %dma_start3A_549 = tpu.memref_slice %arg9[%dma_start3A_547, %dma_start3A_548] : memref<32x129xf32, #tpu.memory_space<vmem>> -> memref<8x128xf32, #tpu.memory_space<vmem>>
        tpu.enqueue_dma source(%dma_start3A_549 : memref<8x128xf32, #tpu.memory_space<vmem>>) target(%dma_start3A_546 : memref<8x128xf32, #tpu.memory_space<hbm>>) target_semaphore(%arg15 : memref<!tpu.dma_semaphore, #tpu.memory_space<semaphore_mem>>)
        %mul3A_550 = arith.constant 4 : i32
        %mul3A_551 = arith.muli %select_n3A_134, %mul3A_550 : i32
        %add3A_552 = arith.constant 2 : i32
        %add3A_553 = arith.addi %mul3A_551, %add3A_552 : i32
        %dma_start3A_554 = arith.constant 16 : i32
        %dma_start3A_555 = arith.constant 0 : i32
        %dma_start3A_556 = tpu.memref_slice %arg9[%dma_start3A_554, %dma_start3A_555] : memref<32x129xf32, #tpu.memory_space<vmem>> -> memref<8x128xf32, #tpu.memory_space<vmem>>
        %dma_start3A_557 = arith.constant 0 : i32
        %dma_start3A_558 = arith.constant 0 : i32
        %dma_start3A_559 = tpu.memref_slice %arg4[%add3A_553, %add3A_503, %dma_start3A_557, %dma_start3A_558] : memref<800x32x8x128xf32, #tpu.memory_space<hbm>> -> memref<1x1x8x128xf32, #tpu.memory_space<hbm>>
        %dma_start3A_560 = tpu.memref_squeeze %dma_start3A_559 : memref<1x1x8x128xf32, #tpu.memory_space<hbm>> -> memref<8x128xf32, #tpu.memory_space<hbm>>
        %dma_start3A_561 = arith.constant 0 : i32
        %dma_start3A_562 = arith.constant 0 : i32
        %dma_start3A_563 = tpu.memref_slice %arg4[%add3A_553, %add3A_503, %dma_start3A_561, %dma_start3A_562] : memref<800x32x8x128xf32, #tpu.memory_space<hbm>> -> memref<1x1x8x128xf32, #tpu.memory_space<hbm>>
        %dma_start3A_564 = tpu.memref_squeeze %dma_start3A_563 : memref<1x1x8x128xf32, #tpu.memory_space<hbm>> -> memref<8x128xf32, #tpu.memory_space<hbm>>
        %dma_start3A_565 = arith.constant 16 : i32
        %dma_start3A_566 = arith.constant 0 : i32
        %dma_start3A_567 = tpu.memref_slice %arg9[%dma_start3A_565, %dma_start3A_566] : memref<32x129xf32, #tpu.memory_space<vmem>> -> memref<8x128xf32, #tpu.memory_space<vmem>>
        tpu.enqueue_dma source(%dma_start3A_567 : memref<8x128xf32, #tpu.memory_space<vmem>>) target(%dma_start3A_564 : memref<8x128xf32, #tpu.memory_space<hbm>>) target_semaphore(%arg15 : memref<!tpu.dma_semaphore, #tpu.memory_space<semaphore_mem>>)
        %mul3A_568 = arith.constant 4 : i32
        %mul3A_569 = arith.muli %select_n3A_134, %mul3A_568 : i32
        %add3A_570 = arith.constant 3 : i32
        %add3A_571 = arith.addi %mul3A_569, %add3A_570 : i32
        %dma_start3A_572 = arith.constant 24 : i32
        %dma_start3A_573 = arith.constant 0 : i32
        %dma_start3A_574 = tpu.memref_slice %arg9[%dma_start3A_572, %dma_start3A_573] : memref<32x129xf32, #tpu.memory_space<vmem>> -> memref<8x128xf32, #tpu.memory_space<vmem>>
        %dma_start3A_575 = arith.constant 0 : i32
        %dma_start3A_576 = arith.constant 0 : i32
        %dma_start3A_577 = tpu.memref_slice %arg4[%add3A_571, %add3A_503, %dma_start3A_575, %dma_start3A_576] : memref<800x32x8x128xf32, #tpu.memory_space<hbm>> -> memref<1x1x8x128xf32, #tpu.memory_space<hbm>>
        %dma_start3A_578 = tpu.memref_squeeze %dma_start3A_577 : memref<1x1x8x128xf32, #tpu.memory_space<hbm>> -> memref<8x128xf32, #tpu.memory_space<hbm>>
        %dma_start3A_579 = arith.constant 0 : i32
        %dma_start3A_580 = arith.constant 0 : i32
        %dma_start3A_581 = tpu.memref_slice %arg4[%add3A_571, %add3A_503, %dma_start3A_579, %dma_start3A_580] : memref<800x32x8x128xf32, #tpu.memory_space<hbm>> -> memref<1x1x8x128xf32, #tpu.memory_space<hbm>>
        %dma_start3A_582 = tpu.memref_squeeze %dma_start3A_581 : memref<1x1x8x128xf32, #tpu.memory_space<hbm>> -> memref<8x128xf32, #tpu.memory_space<hbm>>
        %dma_start3A_583 = arith.constant 24 : i32
        %dma_start3A_584 = arith.constant 0 : i32
        %dma_start3A_585 = tpu.memref_slice %arg9[%dma_start3A_583, %dma_start3A_584] : memref<32x129xf32, #tpu.memory_space<vmem>> -> memref<8x128xf32, #tpu.memory_space<vmem>>
        tpu.enqueue_dma source(%dma_start3A_585 : memref<8x128xf32, #tpu.memory_space<vmem>>) target(%dma_start3A_582 : memref<8x128xf32, #tpu.memory_space<hbm>>) target_semaphore(%arg15 : memref<!tpu.dma_semaphore, #tpu.memory_space<semaphore_mem>>)
        %mul3A_586 = arith.constant 2 : i32
        %mul3A_587 = arith.muli %scan3A_496, %mul3A_586 : i32
        %add3A_588 = arith.constant 1 : i32
        %add3A_589 = arith.addi %mul3A_587, %add3A_588 : i32
        %mul3A_590 = arith.constant 4 : i32
        %mul3A_591 = arith.muli %select_n3A_150, %mul3A_590 : i32
        %add3A_592 = arith.addi %mul3A_591, %add3A_589 : i32
        %gt3A_593 = arith.constant 0 : i32
        %gt3A_594 = arith.cmpi sgt, %scan3A_496, %gt3A_593 : i32
        %convert_element_type3A_595 = arith.extui %gt3A_594 : i1 to i32
        %cond3A_596 = arith.constant 0 : i32
        %cond3A_597 = arith.cmpi ne, %convert_element_type3A_595, %cond3A_596 : i32
        scf.if %cond3A_597 {
          %dma_wait3A_676 = arith.constant 0 : i32
          %dma_wait3A_677 = arith.constant 0 : i32
          %dma_wait3A_678 = arith.constant 0 : i32
          %dma_wait3A_679 = arith.constant 0 : i32
          %dma_wait3A_680 = tpu.memref_slice %arg9[%dma_wait3A_678, %dma_wait3A_679] : memref<32x129xf32, #tpu.memory_space<vmem>> -> memref<8x128xf32, #tpu.memory_space<vmem>>
          %dma_wait3A_681 = arith.constant 0 : i32
          %dma_wait3A_682 = arith.constant 0 : i32
          %dma_wait3A_683 = tpu.memref_slice %arg4[%dma_wait3A_676, %dma_wait3A_677, %dma_wait3A_681, %dma_wait3A_682] : memref<800x32x8x128xf32, #tpu.memory_space<hbm>> -> memref<1x1x8x128xf32, #tpu.memory_space<hbm>>
          %dma_wait3A_684 = tpu.memref_squeeze %dma_wait3A_683 : memref<1x1x8x128xf32, #tpu.memory_space<hbm>> -> memref<8x128xf32, #tpu.memory_space<hbm>>
          %dma_wait3A_685 = arith.constant 0 : i32
          %dma_wait3A_686 = arith.constant 0 : i32
          %dma_wait3A_687 = tpu.memref_slice %arg4[%dma_wait3A_676, %dma_wait3A_677, %dma_wait3A_685, %dma_wait3A_686] : memref<800x32x8x128xf32, #tpu.memory_space<hbm>> -> memref<1x1x8x128xf32, #tpu.memory_space<hbm>>
          %dma_wait3A_688 = tpu.memref_squeeze %dma_wait3A_687 : memref<1x1x8x128xf32, #tpu.memory_space<hbm>> -> memref<8x128xf32, #tpu.memory_space<hbm>>
          %dma_wait3A_689 = arith.constant 0 : i32
          %dma_wait3A_690 = arith.constant 0 : i32
          %dma_wait3A_691 = tpu.memref_slice %arg9[%dma_wait3A_689, %dma_wait3A_690] : memref<32x129xf32, #tpu.memory_space<vmem>> -> memref<8x128xf32, #tpu.memory_space<vmem>>
          tpu.wait_dma2 semaphore(%arg15 : memref<!tpu.dma_semaphore, #tpu.memory_space<semaphore_mem>>) src(%dma_wait3A_691 : memref<8x128xf32, #tpu.memory_space<vmem>>) dst(%dma_wait3A_688 : memref<8x128xf32, #tpu.memory_space<hbm>>)
          %dma_wait3A_692 = arith.constant 0 : i32
          %dma_wait3A_693 = arith.constant 0 : i32
          %dma_wait3A_694 = arith.constant 0 : i32
          %dma_wait3A_695 = arith.constant 0 : i32
          %dma_wait3A_696 = tpu.memref_slice %arg9[%dma_wait3A_694, %dma_wait3A_695] : memref<32x129xf32, #tpu.memory_space<vmem>> -> memref<8x128xf32, #tpu.memory_space<vmem>>
          %dma_wait3A_697 = arith.constant 0 : i32
          %dma_wait3A_698 = arith.constant 0 : i32
          %dma_wait3A_699 = tpu.memref_slice %arg4[%dma_wait3A_692, %dma_wait3A_693, %dma_wait3A_697, %dma_wait3A_698] : memref<800x32x8x128xf32, #tpu.memory_space<hbm>> -> memref<1x1x8x128xf32, #tpu.memory_space<hbm>>
          %dma_wait3A_700 = tpu.memref_squeeze %dma_wait3A_699 : memref<1x1x8x128xf32, #tpu.memory_space<hbm>> -> memref<8x128xf32, #tpu.memory_space<hbm>>
          %dma_wait3A_701 = arith.constant 0 : i32
          %dma_wait3A_702 = arith.constant 0 : i32
          %dma_wait3A_703 = tpu.memref_slice %arg4[%dma_wait3A_692, %dma_wait3A_693, %dma_wait3A_701, %dma_wait3A_702] : memref<800x32x8x128xf32, #tpu.memory_space<hbm>> -> memref<1x1x8x128xf32, #tpu.memory_space<hbm>>
          %dma_wait3A_704 = tpu.memref_squeeze %dma_wait3A_703 : memref<1x1x8x128xf32, #tpu.memory_space<hbm>> -> memref<8x128xf32, #tpu.memory_space<hbm>>
          %dma_wait3A_705 = arith.constant 0 : i32
          %dma_wait3A_706 = arith.constant 0 : i32
          %dma_wait3A_707 = tpu.memref_slice %arg9[%dma_wait3A_705, %dma_wait3A_706] : memref<32x129xf32, #tpu.memory_space<vmem>> -> memref<8x128xf32, #tpu.memory_space<vmem>>
          tpu.wait_dma2 semaphore(%arg15 : memref<!tpu.dma_semaphore, #tpu.memory_space<semaphore_mem>>) src(%dma_wait3A_707 : memref<8x128xf32, #tpu.memory_space<vmem>>) dst(%dma_wait3A_704 : memref<8x128xf32, #tpu.memory_space<hbm>>)
          %dma_wait3A_708 = arith.constant 0 : i32
          %dma_wait3A_709 = arith.constant 0 : i32
          %dma_wait3A_710 = arith.constant 0 : i32
          %dma_wait3A_711 = arith.constant 0 : i32
          %dma_wait3A_712 = tpu.memref_slice %arg9[%dma_wait3A_710, %dma_wait3A_711] : memref<32x129xf32, #tpu.memory_space<vmem>> -> memref<8x128xf32, #tpu.memory_space<vmem>>
          %dma_wait3A_713 = arith.constant 0 : i32
          %dma_wait3A_714 = arith.constant 0 : i32
          %dma_wait3A_715 = tpu.memref_slice %arg4[%dma_wait3A_708, %dma_wait3A_709, %dma_wait3A_713, %dma_wait3A_714] : memref<800x32x8x128xf32, #tpu.memory_space<hbm>> -> memref<1x1x8x128xf32, #tpu.memory_space<hbm>>
          %dma_wait3A_716 = tpu.memref_squeeze %dma_wait3A_715 : memref<1x1x8x128xf32, #tpu.memory_space<hbm>> -> memref<8x128xf32, #tpu.memory_space<hbm>>
          %dma_wait3A_717 = arith.constant 0 : i32
          %dma_wait3A_718 = arith.constant 0 : i32
          %dma_wait3A_719 = tpu.memref_slice %arg4[%dma_wait3A_708, %dma_wait3A_709, %dma_wait3A_717, %dma_wait3A_718] : memref<800x32x8x128xf32, #tpu.memory_space<hbm>> -> memref<1x1x8x128xf32, #tpu.memory_space<hbm>>
          %dma_wait3A_720 = tpu.memref_squeeze %dma_wait3A_719 : memref<1x1x8x128xf32, #tpu.memory_space<hbm>> -> memref<8x128xf32, #tpu.memory_space<hbm>>
          %dma_wait3A_721 = arith.constant 0 : i32
          %dma_wait3A_722 = arith.constant 0 : i32
          %dma_wait3A_723 = tpu.memref_slice %arg9[%dma_wait3A_721, %dma_wait3A_722] : memref<32x129xf32, #tpu.memory_space<vmem>> -> memref<8x128xf32, #tpu.memory_space<vmem>>
          tpu.wait_dma2 semaphore(%arg15 : memref<!tpu.dma_semaphore, #tpu.memory_space<semaphore_mem>>) src(%dma_wait3A_723 : memref<8x128xf32, #tpu.memory_space<vmem>>) dst(%dma_wait3A_720 : memref<8x128xf32, #tpu.memory_space<hbm>>)
          %dma_wait3A_724 = arith.constant 0 : i32
          %dma_wait3A_725 = arith.constant 0 : i32
          %dma_wait3A_726 = arith.constant 0 : i32
          %dma_wait3A_727 = arith.constant 0 : i32
          %dma_wait3A_728 = tpu.memref_slice %arg9[%dma_wait3A_726, %dma_wait3A_727] : memref<32x129xf32, #tpu.memory_space<vmem>> -> memref<8x128xf32, #tpu.memory_space<vmem>>
          %dma_wait3A_729 = arith.constant 0 : i32
          %dma_wait3A_730 = arith.constant 0 : i32
          %dma_wait3A_731 = tpu.memref_slice %arg4[%dma_wait3A_724, %dma_wait3A_725, %dma_wait3A_729, %dma_wait3A_730] : memref<800x32x8x128xf32, #tpu.memory_space<hbm>> -> memref<1x1x8x128xf32, #tpu.memory_space<hbm>>
          %dma_wait3A_732 = tpu.memref_squeeze %dma_wait3A_731 : memref<1x1x8x128xf32, #tpu.memory_space<hbm>> -> memref<8x128xf32, #tpu.memory_space<hbm>>
          %dma_wait3A_733 = arith.constant 0 : i32
          %dma_wait3A_734 = arith.constant 0 : i32
          %dma_wait3A_735 = tpu.memref_slice %arg4[%dma_wait3A_724, %dma_wait3A_725, %dma_wait3A_733, %dma_wait3A_734] : memref<800x32x8x128xf32, #tpu.memory_space<hbm>> -> memref<1x1x8x128xf32, #tpu.memory_space<hbm>>
          %dma_wait3A_736 = tpu.memref_squeeze %dma_wait3A_735 : memref<1x1x8x128xf32, #tpu.memory_space<hbm>> -> memref<8x128xf32, #tpu.memory_space<hbm>>
          %dma_wait3A_737 = arith.constant 0 : i32
          %dma_wait3A_738 = arith.constant 0 : i32
          %dma_wait3A_739 = tpu.memref_slice %arg9[%dma_wait3A_737, %dma_wait3A_738] : memref<32x129xf32, #tpu.memory_space<vmem>> -> memref<8x128xf32, #tpu.memory_space<vmem>>
          tpu.wait_dma2 semaphore(%arg15 : memref<!tpu.dma_semaphore, #tpu.memory_space<semaphore_mem>>) src(%dma_wait3A_739 : memref<8x128xf32, #tpu.memory_space<vmem>>) dst(%dma_wait3A_736 : memref<8x128xf32, #tpu.memory_space<hbm>>)
        } else {
        }
        %scan3A_598 = arith.constant 0 : i32
        %scan3A_599 = arith.constant 0 : i32
        %scan3A_600 = arith.constant 8 : i32
        %scan3A_601 = arith.addi %scan3A_599, %scan3A_600 : i32
        %scan3A_602 = arith.constant 1 : i32
        scf.for %scan3A_676 = %scan3A_599 to %scan3A_601 step %scan3A_602  : i32 {
          %mul3A_677 = arith.constant 16 : i32
          %mul3A_678 = arith.muli %scan3A_676, %mul3A_677 : i32
          %add3A_679 = arith.constant 0 : i32
          %add3A_680 = arith.addi %mul3A_678, %add3A_679 : i32
          %mul3A_681 = arith.constant 128 : i32
          %mul3A_682 = arith.muli %add3A_589, %mul3A_681 : i32
          %add3A_683 = arith.addi %mul3A_682, %add3A_680 : i32
          %broadcast_in_dim3A = arith.constant 0 : i32
          %broadcast_in_dim3A_684 = vector.broadcast %broadcast_in_dim3A : i32 to vector<16xi32>
          %add3A_685 = vector.broadcast %add3A_680 : i32 to vector<16xi32>
          %add3A_686 = arith.addi %broadcast_in_dim3A_684, %add3A_685 : vector<16xi32>
          %get3A = arith.index_cast %add3A_683 : i32 to index
          %get3A_687 = arith.constant 0 : index
          %get3A_688 = tpu.vector_load %arg7[%get3A, %get3A_687] {strides = array<i32>} : memref<512x32xf32, #tpu.memory_space<vmem>>, vector<16xf32>,
          tpu.vector_store_idx %arg10[%add3A_96, %add3A_686], %get3A_688 : memref<32x129xf32, #tpu.memory_space<vmem>>[vector<16xi32>, vector<16xi32>], vector<16xf32>,
          %get3A_689 = arith.index_cast %add3A_683 : i32 to index
          %get3A_690 = arith.constant 16 : index
          %get3A_691 = tpu.vector_load %arg7[%get3A_689, %get3A_690] {strides = array<i32>} : memref<512x32xf32, #tpu.memory_space<vmem>>, vector<16xf32>,
          tpu.vector_store_idx %arg10[%add3A_99, %add3A_686], %get3A_691 : memref<32x129xf32, #tpu.memory_space<vmem>>[vector<16xi32>, vector<16xi32>], vector<16xf32>,
          %mul3A_692 = arith.constant 16 : i32
          %mul3A_693 = arith.muli %scan3A_676, %mul3A_692 : i32
          %add3A_694 = arith.constant 1 : i32
          %add3A_695 = arith.addi %mul3A_693, %add3A_694 : i32
          %mul3A_696 = arith.constant 128 : i32
          %mul3A_697 = arith.muli %add3A_589, %mul3A_696 : i32
          %add3A_698 = arith.addi %mul3A_697, %add3A_695 : i32
          %broadcast_in_dim3A_699 = arith.constant 0 : i32
          %broadcast_in_dim3A_700 = vector.broadcast %broadcast_in_dim3A_699 : i32 to vector<16xi32>
          %add3A_701 = vector.broadcast %add3A_695 : i32 to vector<16xi32>
          %add3A_702 = arith.addi %broadcast_in_dim3A_700, %add3A_701 : vector<16xi32>
          %get3A_703 = arith.index_cast %add3A_698 : i32 to index
          %get3A_704 = arith.constant 0 : index
          %get3A_705 = tpu.vector_load %arg7[%get3A_703, %get3A_704] {strides = array<i32>} : memref<512x32xf32, #tpu.memory_space<vmem>>, vector<16xf32>,
          tpu.vector_store_idx %arg10[%add3A_96, %add3A_702], %get3A_705 : memref<32x129xf32, #tpu.memory_space<vmem>>[vector<16xi32>, vector<16xi32>], vector<16xf32>,
          %get3A_706 = arith.index_cast %add3A_698 : i32 to index
          %get3A_707 = arith.constant 16 : index
          %get3A_708 = tpu.vector_load %arg7[%get3A_706, %get3A_707] {strides = array<i32>} : memref<512x32xf32, #tpu.memory_space<vmem>>, vector<16xf32>,
          tpu.vector_store_idx %arg10[%add3A_99, %add3A_702], %get3A_708 : memref<32x129xf32, #tpu.memory_space<vmem>>[vector<16xi32>, vector<16xi32>], vector<16xf32>,
          %mul3A_709 = arith.constant 16 : i32
          %mul3A_710 = arith.muli %scan3A_676, %mul3A_709 : i32
          %add3A_711 = arith.constant 2 : i32
          %add3A_712 = arith.addi %mul3A_710, %add3A_711 : i32
          %mul3A_713 = arith.constant 128 : i32
          %mul3A_714 = arith.muli %add3A_589, %mul3A_713 : i32
          %add3A_715 = arith.addi %mul3A_714, %add3A_712 : i32
          %broadcast_in_dim3A_716 = arith.constant 0 : i32
          %broadcast_in_dim3A_717 = vector.broadcast %broadcast_in_dim3A_716 : i32 to vector<16xi32>
          %add3A_718 = vector.broadcast %add3A_712 : i32 to vector<16xi32>
          %add3A_719 = arith.addi %broadcast_in_dim3A_717, %add3A_718 : vector<16xi32>
          %get3A_720 = arith.index_cast %add3A_715 : i32 to index
          %get3A_721 = arith.constant 0 : index
          %get3A_722 = tpu.vector_load %arg7[%get3A_720, %get3A_721] {strides = array<i32>} : memref<512x32xf32, #tpu.memory_space<vmem>>, vector<16xf32>,
          tpu.vector_store_idx %arg10[%add3A_96, %add3A_719], %get3A_722 : memref<32x129xf32, #tpu.memory_space<vmem>>[vector<16xi32>, vector<16xi32>], vector<16xf32>,
          %get3A_723 = arith.index_cast %add3A_715 : i32 to index
          %get3A_724 = arith.constant 16 : index
          %get3A_725 = tpu.vector_load %arg7[%get3A_723, %get3A_724] {strides = array<i32>} : memref<512x32xf32, #tpu.memory_space<vmem>>, vector<16xf32>,
          tpu.vector_store_idx %arg10[%add3A_99, %add3A_719], %get3A_725 : memref<32x129xf32, #tpu.memory_space<vmem>>[vector<16xi32>, vector<16xi32>], vector<16xf32>,
          %mul3A_726 = arith.constant 16 : i32
          %mul3A_727 = arith.muli %scan3A_676, %mul3A_726 : i32
          %add3A_728 = arith.constant 3 : i32
          %add3A_729 = arith.addi %mul3A_727, %add3A_728 : i32
          %mul3A_730 = arith.constant 128 : i32
          %mul3A_731 = arith.muli %add3A_589, %mul3A_730 : i32
          %add3A_732 = arith.addi %mul3A_731, %add3A_729 : i32
          %broadcast_in_dim3A_733 = arith.constant 0 : i32
          %broadcast_in_dim3A_734 = vector.broadcast %broadcast_in_dim3A_733 : i32 to vector<16xi32>
          %add3A_735 = vector.broadcast %add3A_729 : i32 to vector<16xi32>
          %add3A_736 = arith.addi %broadcast_in_dim3A_734, %add3A_735 : vector<16xi32>
          %get3A_737 = arith.index_cast %add3A_732 : i32 to index
          %get3A_738 = arith.constant 0 : index
          %get3A_739 = tpu.vector_load %arg7[%get3A_737, %get3A_738] {strides = array<i32>} : memref<512x32xf32, #tpu.memory_space<vmem>>, vector<16xf32>,
          tpu.vector_store_idx %arg10[%add3A_96, %add3A_736], %get3A_739 : memref<32x129xf32, #tpu.memory_space<vmem>>[vector<16xi32>, vector<16xi32>], vector<16xf32>,
          %get3A_740 = arith.index_cast %add3A_732 : i32 to index
          %get3A_741 = arith.constant 16 : index
          %get3A_742 = tpu.vector_load %arg7[%get3A_740, %get3A_741] {strides = array<i32>} : memref<512x32xf32, #tpu.memory_space<vmem>>, vector<16xf32>,
          tpu.vector_store_idx %arg10[%add3A_99, %add3A_736], %get3A_742 : memref<32x129xf32, #tpu.memory_space<vmem>>[vector<16xi32>, vector<16xi32>], vector<16xf32>,
          %mul3A_743 = arith.constant 16 : i32
          %mul3A_744 = arith.muli %scan3A_676, %mul3A_743 : i32
          %add3A_745 = arith.constant 4 : i32
          %add3A_746 = arith.addi %mul3A_744, %add3A_745 : i32
          %mul3A_747 = arith.constant 128 : i32
          %mul3A_748 = arith.muli %add3A_589, %mul3A_747 : i32
          %add3A_749 = arith.addi %mul3A_748, %add3A_746 : i32
          %broadcast_in_dim3A_750 = arith.constant 0 : i32
          %broadcast_in_dim3A_751 = vector.broadcast %broadcast_in_dim3A_750 : i32 to vector<16xi32>
          %add3A_752 = vector.broadcast %add3A_746 : i32 to vector<16xi32>
          %add3A_753 = arith.addi %broadcast_in_dim3A_751, %add3A_752 : vector<16xi32>
          %get3A_754 = arith.index_cast %add3A_749 : i32 to index
          %get3A_755 = arith.constant 0 : index
          %get3A_756 = tpu.vector_load %arg7[%get3A_754, %get3A_755] {strides = array<i32>} : memref<512x32xf32, #tpu.memory_space<vmem>>, vector<16xf32>,
          tpu.vector_store_idx %arg10[%add3A_96, %add3A_753], %get3A_756 : memref<32x129xf32, #tpu.memory_space<vmem>>[vector<16xi32>, vector<16xi32>], vector<16xf32>,
          %get3A_757 = arith.index_cast %add3A_749 : i32 to index
          %get3A_758 = arith.constant 16 : index
          %get3A_759 = tpu.vector_load %arg7[%get3A_757, %get3A_758] {strides = array<i32>} : memref<512x32xf32, #tpu.memory_space<vmem>>, vector<16xf32>,
          tpu.vector_store_idx %arg10[%add3A_99, %add3A_753], %get3A_759 : memref<32x129xf32, #tpu.memory_space<vmem>>[vector<16xi32>, vector<16xi32>], vector<16xf32>,
          %mul3A_760 = arith.constant 16 : i32
          %mul3A_761 = arith.muli %scan3A_676, %mul3A_760 : i32
          %add3A_762 = arith.constant 5 : i32
          %add3A_763 = arith.addi %mul3A_761, %add3A_762 : i32
          %mul3A_764 = arith.constant 128 : i32
          %mul3A_765 = arith.muli %add3A_589, %mul3A_764 : i32
          %add3A_766 = arith.addi %mul3A_765, %add3A_763 : i32
          %broadcast_in_dim3A_767 = arith.constant 0 : i32
          %broadcast_in_dim3A_768 = vector.broadcast %broadcast_in_dim3A_767 : i32 to vector<16xi32>
          %add3A_769 = vector.broadcast %add3A_763 : i32 to vector<16xi32>
          %add3A_770 = arith.addi %broadcast_in_dim3A_768, %add3A_769 : vector<16xi32>
          %get3A_771 = arith.index_cast %add3A_766 : i32 to index
          %get3A_772 = arith.constant 0 : index
          %get3A_773 = tpu.vector_load %arg7[%get3A_771, %get3A_772] {strides = array<i32>} : memref<512x32xf32, #tpu.memory_space<vmem>>, vector<16xf32>,
          tpu.vector_store_idx %arg10[%add3A_96, %add3A_770], %get3A_773 : memref<32x129xf32, #tpu.memory_space<vmem>>[vector<16xi32>, vector<16xi32>], vector<16xf32>,
          %get3A_774 = arith.index_cast %add3A_766 : i32 to index
          %get3A_775 = arith.constant 16 : index
          %get3A_776 = tpu.vector_load %arg7[%get3A_774, %get3A_775] {strides = array<i32>} : memref<512x32xf32, #tpu.memory_space<vmem>>, vector<16xf32>,
          tpu.vector_store_idx %arg10[%add3A_99, %add3A_770], %get3A_776 : memref<32x129xf32, #tpu.memory_space<vmem>>[vector<16xi32>, vector<16xi32>], vector<16xf32>,
          %mul3A_777 = arith.constant 16 : i32
          %mul3A_778 = arith.muli %scan3A_676, %mul3A_777 : i32
          %add3A_779 = arith.constant 6 : i32
          %add3A_780 = arith.addi %mul3A_778, %add3A_779 : i32
          %mul3A_781 = arith.constant 128 : i32
          %mul3A_782 = arith.muli %add3A_589, %mul3A_781 : i32
          %add3A_783 = arith.addi %mul3A_782, %add3A_780 : i32
          %broadcast_in_dim3A_784 = arith.constant 0 : i32
          %broadcast_in_dim3A_785 = vector.broadcast %broadcast_in_dim3A_784 : i32 to vector<16xi32>
          %add3A_786 = vector.broadcast %add3A_780 : i32 to vector<16xi32>
          %add3A_787 = arith.addi %broadcast_in_dim3A_785, %add3A_786 : vector<16xi32>
          %get3A_788 = arith.index_cast %add3A_783 : i32 to index
          %get3A_789 = arith.constant 0 : index
          %get3A_790 = tpu.vector_load %arg7[%get3A_788, %get3A_789] {strides = array<i32>} : memref<512x32xf32, #tpu.memory_space<vmem>>, vector<16xf32>,
          tpu.vector_store_idx %arg10[%add3A_96, %add3A_787], %get3A_790 : memref<32x129xf32, #tpu.memory_space<vmem>>[vector<16xi32>, vector<16xi32>], vector<16xf32>,
          %get3A_791 = arith.index_cast %add3A_783 : i32 to index
          %get3A_792 = arith.constant 16 : index
          %get3A_793 = tpu.vector_load %arg7[%get3A_791, %get3A_792] {strides = array<i32>} : memref<512x32xf32, #tpu.memory_space<vmem>>, vector<16xf32>,
          tpu.vector_store_idx %arg10[%add3A_99, %add3A_787], %get3A_793 : memref<32x129xf32, #tpu.memory_space<vmem>>[vector<16xi32>, vector<16xi32>], vector<16xf32>,
          %mul3A_794 = arith.constant 16 : i32
          %mul3A_795 = arith.muli %scan3A_676, %mul3A_794 : i32
          %add3A_796 = arith.constant 7 : i32
          %add3A_797 = arith.addi %mul3A_795, %add3A_796 : i32
          %mul3A_798 = arith.constant 128 : i32
          %mul3A_799 = arith.muli %add3A_589, %mul3A_798 : i32
          %add3A_800 = arith.addi %mul3A_799, %add3A_797 : i32
          %broadcast_in_dim3A_801 = arith.constant 0 : i32
          %broadcast_in_dim3A_802 = vector.broadcast %broadcast_in_dim3A_801 : i32 to vector<16xi32>
          %add3A_803 = vector.broadcast %add3A_797 : i32 to vector<16xi32>
          %add3A_804 = arith.addi %broadcast_in_dim3A_802, %add3A_803 : vector<16xi32>
          %get3A_805 = arith.index_cast %add3A_800 : i32 to index
          %get3A_806 = arith.constant 0 : index
          %get3A_807 = tpu.vector_load %arg7[%get3A_805, %get3A_806] {strides = array<i32>} : memref<512x32xf32, #tpu.memory_space<vmem>>, vector<16xf32>,
          tpu.vector_store_idx %arg10[%add3A_96, %add3A_804], %get3A_807 : memref<32x129xf32, #tpu.memory_space<vmem>>[vector<16xi32>, vector<16xi32>], vector<16xf32>,
          %get3A_808 = arith.index_cast %add3A_800 : i32 to index
          %get3A_809 = arith.constant 16 : index
          %get3A_810 = tpu.vector_load %arg7[%get3A_808, %get3A_809] {strides = array<i32>} : memref<512x32xf32, #tpu.memory_space<vmem>>, vector<16xf32>,
          tpu.vector_store_idx %arg10[%add3A_99, %add3A_804], %get3A_810 : memref<32x129xf32, #tpu.memory_space<vmem>>[vector<16xi32>, vector<16xi32>], vector<16xf32>,
          %mul3A_811 = arith.constant 16 : i32
          %mul3A_812 = arith.muli %scan3A_676, %mul3A_811 : i32
          %add3A_813 = arith.constant 8 : i32
          %add3A_814 = arith.addi %mul3A_812, %add3A_813 : i32
          %mul3A_815 = arith.constant 128 : i32
          %mul3A_816 = arith.muli %add3A_589, %mul3A_815 : i32
          %add3A_817 = arith.addi %mul3A_816, %add3A_814 : i32
          %broadcast_in_dim3A_818 = arith.constant 0 : i32
          %broadcast_in_dim3A_819 = vector.broadcast %broadcast_in_dim3A_818 : i32 to vector<16xi32>
          %add3A_820 = vector.broadcast %add3A_814 : i32 to vector<16xi32>
          %add3A_821 = arith.addi %broadcast_in_dim3A_819, %add3A_820 : vector<16xi32>
          %get3A_822 = arith.index_cast %add3A_817 : i32 to index
          %get3A_823 = arith.constant 0 : index
          %get3A_824 = tpu.vector_load %arg7[%get3A_822, %get3A_823] {strides = array<i32>} : memref<512x32xf32, #tpu.memory_space<vmem>>, vector<16xf32>,
          tpu.vector_store_idx %arg10[%add3A_96, %add3A_821], %get3A_824 : memref<32x129xf32, #tpu.memory_space<vmem>>[vector<16xi32>, vector<16xi32>], vector<16xf32>,
          %get3A_825 = arith.index_cast %add3A_817 : i32 to index
          %get3A_826 = arith.constant 16 : index
          %get3A_827 = tpu.vector_load %arg7[%get3A_825, %get3A_826] {strides = array<i32>} : memref<512x32xf32, #tpu.memory_space<vmem>>, vector<16xf32>,
          tpu.vector_store_idx %arg10[%add3A_99, %add3A_821], %get3A_827 : memref<32x129xf32, #tpu.memory_space<vmem>>[vector<16xi32>, vector<16xi32>], vector<16xf32>,
          %mul3A_828 = arith.constant 16 : i32
          %mul3A_829 = arith.muli %scan3A_676, %mul3A_828 : i32
          %add3A_830 = arith.constant 9 : i32
          %add3A_831 = arith.addi %mul3A_829, %add3A_830 : i32
          %mul3A_832 = arith.constant 128 : i32
          %mul3A_833 = arith.muli %add3A_589, %mul3A_832 : i32
          %add3A_834 = arith.addi %mul3A_833, %add3A_831 : i32
          %broadcast_in_dim3A_835 = arith.constant 0 : i32
          %broadcast_in_dim3A_836 = vector.broadcast %broadcast_in_dim3A_835 : i32 to vector<16xi32>
          %add3A_837 = vector.broadcast %add3A_831 : i32 to vector<16xi32>
          %add3A_838 = arith.addi %broadcast_in_dim3A_836, %add3A_837 : vector<16xi32>
          %get3A_839 = arith.index_cast %add3A_834 : i32 to index
          %get3A_840 = arith.constant 0 : index
          %get3A_841 = tpu.vector_load %arg7[%get3A_839, %get3A_840] {strides = array<i32>} : memref<512x32xf32, #tpu.memory_space<vmem>>, vector<16xf32>,
          tpu.vector_store_idx %arg10[%add3A_96, %add3A_838], %get3A_841 : memref<32x129xf32, #tpu.memory_space<vmem>>[vector<16xi32>, vector<16xi32>], vector<16xf32>,
          %get3A_842 = arith.index_cast %add3A_834 : i32 to index
          %get3A_843 = arith.constant 16 : index
          %get3A_844 = tpu.vector_load %arg7[%get3A_842, %get3A_843] {strides = array<i32>} : memref<512x32xf32, #tpu.memory_space<vmem>>, vector<16xf32>,
          tpu.vector_store_idx %arg10[%add3A_99, %add3A_838], %get3A_844 : memref<32x129xf32, #tpu.memory_space<vmem>>[vector<16xi32>, vector<16xi32>], vector<16xf32>,
          %mul3A_845 = arith.constant 16 : i32
          %mul3A_846 = arith.muli %scan3A_676, %mul3A_845 : i32
          %add3A_847 = arith.constant 10 : i32
          %add3A_848 = arith.addi %mul3A_846, %add3A_847 : i32
          %mul3A_849 = arith.constant 128 : i32
          %mul3A_850 = arith.muli %add3A_589, %mul3A_849 : i32
          %add3A_851 = arith.addi %mul3A_850, %add3A_848 : i32
          %broadcast_in_dim3A_852 = arith.constant 0 : i32
          %broadcast_in_dim3A_853 = vector.broadcast %broadcast_in_dim3A_852 : i32 to vector<16xi32>
          %add3A_854 = vector.broadcast %add3A_848 : i32 to vector<16xi32>
          %add3A_855 = arith.addi %broadcast_in_dim3A_853, %add3A_854 : vector<16xi32>
          %get3A_856 = arith.index_cast %add3A_851 : i32 to index
          %get3A_857 = arith.constant 0 : index
          %get3A_858 = tpu.vector_load %arg7[%get3A_856, %get3A_857] {strides = array<i32>} : memref<512x32xf32, #tpu.memory_space<vmem>>, vector<16xf32>,
          tpu.vector_store_idx %arg10[%add3A_96, %add3A_855], %get3A_858 : memref<32x129xf32, #tpu.memory_space<vmem>>[vector<16xi32>, vector<16xi32>], vector<16xf32>,
          %get3A_859 = arith.index_cast %add3A_851 : i32 to index
          %get3A_860 = arith.constant 16 : index
          %get3A_861 = tpu.vector_load %arg7[%get3A_859, %get3A_860] {strides = array<i32>} : memref<512x32xf32, #tpu.memory_space<vmem>>, vector<16xf32>,
          tpu.vector_store_idx %arg10[%add3A_99, %add3A_855], %get3A_861 : memref<32x129xf32, #tpu.memory_space<vmem>>[vector<16xi32>, vector<16xi32>], vector<16xf32>,
          %mul3A_862 = arith.constant 16 : i32
          %mul3A_863 = arith.muli %scan3A_676, %mul3A_862 : i32
          %add3A_864 = arith.constant 11 : i32
          %add3A_865 = arith.addi %mul3A_863, %add3A_864 : i32
          %mul3A_866 = arith.constant 128 : i32
          %mul3A_867 = arith.muli %add3A_589, %mul3A_866 : i32
          %add3A_868 = arith.addi %mul3A_867, %add3A_865 : i32
          %broadcast_in_dim3A_869 = arith.constant 0 : i32
          %broadcast_in_dim3A_870 = vector.broadcast %broadcast_in_dim3A_869 : i32 to vector<16xi32>
          %add3A_871 = vector.broadcast %add3A_865 : i32 to vector<16xi32>
          %add3A_872 = arith.addi %broadcast_in_dim3A_870, %add3A_871 : vector<16xi32>
          %get3A_873 = arith.index_cast %add3A_868 : i32 to index
          %get3A_874 = arith.constant 0 : index
          %get3A_875 = tpu.vector_load %arg7[%get3A_873, %get3A_874] {strides = array<i32>} : memref<512x32xf32, #tpu.memory_space<vmem>>, vector<16xf32>,
          tpu.vector_store_idx %arg10[%add3A_96, %add3A_872], %get3A_875 : memref<32x129xf32, #tpu.memory_space<vmem>>[vector<16xi32>, vector<16xi32>], vector<16xf32>,
          %get3A_876 = arith.index_cast %add3A_868 : i32 to index
          %get3A_877 = arith.constant 16 : index
          %get3A_878 = tpu.vector_load %arg7[%get3A_876, %get3A_877] {strides = array<i32>} : memref<512x32xf32, #tpu.memory_space<vmem>>, vector<16xf32>,
          tpu.vector_store_idx %arg10[%add3A_99, %add3A_872], %get3A_878 : memref<32x129xf32, #tpu.memory_space<vmem>>[vector<16xi32>, vector<16xi32>], vector<16xf32>,
          %mul3A_879 = arith.constant 16 : i32
          %mul3A_880 = arith.muli %scan3A_676, %mul3A_879 : i32
          %add3A_881 = arith.constant 12 : i32
          %add3A_882 = arith.addi %mul3A_880, %add3A_881 : i32
          %mul3A_883 = arith.constant 128 : i32
          %mul3A_884 = arith.muli %add3A_589, %mul3A_883 : i32
          %add3A_885 = arith.addi %mul3A_884, %add3A_882 : i32
          %broadcast_in_dim3A_886 = arith.constant 0 : i32
          %broadcast_in_dim3A_887 = vector.broadcast %broadcast_in_dim3A_886 : i32 to vector<16xi32>
          %add3A_888 = vector.broadcast %add3A_882 : i32 to vector<16xi32>
          %add3A_889 = arith.addi %broadcast_in_dim3A_887, %add3A_888 : vector<16xi32>
          %get3A_890 = arith.index_cast %add3A_885 : i32 to index
          %get3A_891 = arith.constant 0 : index
          %get3A_892 = tpu.vector_load %arg7[%get3A_890, %get3A_891] {strides = array<i32>} : memref<512x32xf32, #tpu.memory_space<vmem>>, vector<16xf32>,
          tpu.vector_store_idx %arg10[%add3A_96, %add3A_889], %get3A_892 : memref<32x129xf32, #tpu.memory_space<vmem>>[vector<16xi32>, vector<16xi32>], vector<16xf32>,
          %get3A_893 = arith.index_cast %add3A_885 : i32 to index
          %get3A_894 = arith.constant 16 : index
          %get3A_895 = tpu.vector_load %arg7[%get3A_893, %get3A_894] {strides = array<i32>} : memref<512x32xf32, #tpu.memory_space<vmem>>, vector<16xf32>,
          tpu.vector_store_idx %arg10[%add3A_99, %add3A_889], %get3A_895 : memref<32x129xf32, #tpu.memory_space<vmem>>[vector<16xi32>, vector<16xi32>], vector<16xf32>,
          %mul3A_896 = arith.constant 16 : i32
          %mul3A_897 = arith.muli %scan3A_676, %mul3A_896 : i32
          %add3A_898 = arith.constant 13 : i32
          %add3A_899 = arith.addi %mul3A_897, %add3A_898 : i32
          %mul3A_900 = arith.constant 128 : i32
          %mul3A_901 = arith.muli %add3A_589, %mul3A_900 : i32
          %add3A_902 = arith.addi %mul3A_901, %add3A_899 : i32
          %broadcast_in_dim3A_903 = arith.constant 0 : i32
          %broadcast_in_dim3A_904 = vector.broadcast %broadcast_in_dim3A_903 : i32 to vector<16xi32>
          %add3A_905 = vector.broadcast %add3A_899 : i32 to vector<16xi32>
          %add3A_906 = arith.addi %broadcast_in_dim3A_904, %add3A_905 : vector<16xi32>
          %get3A_907 = arith.index_cast %add3A_902 : i32 to index
          %get3A_908 = arith.constant 0 : index
          %get3A_909 = tpu.vector_load %arg7[%get3A_907, %get3A_908] {strides = array<i32>} : memref<512x32xf32, #tpu.memory_space<vmem>>, vector<16xf32>,
          tpu.vector_store_idx %arg10[%add3A_96, %add3A_906], %get3A_909 : memref<32x129xf32, #tpu.memory_space<vmem>>[vector<16xi32>, vector<16xi32>], vector<16xf32>,
          %get3A_910 = arith.index_cast %add3A_902 : i32 to index
          %get3A_911 = arith.constant 16 : index
          %get3A_912 = tpu.vector_load %arg7[%get3A_910, %get3A_911] {strides = array<i32>} : memref<512x32xf32, #tpu.memory_space<vmem>>, vector<16xf32>,
          tpu.vector_store_idx %arg10[%add3A_99, %add3A_906], %get3A_912 : memref<32x129xf32, #tpu.memory_space<vmem>>[vector<16xi32>, vector<16xi32>], vector<16xf32>,
          %mul3A_913 = arith.constant 16 : i32
          %mul3A_914 = arith.muli %scan3A_676, %mul3A_913 : i32
          %add3A_915 = arith.constant 14 : i32
          %add3A_916 = arith.addi %mul3A_914, %add3A_915 : i32
          %mul3A_917 = arith.constant 128 : i32
          %mul3A_918 = arith.muli %add3A_589, %mul3A_917 : i32
          %add3A_919 = arith.addi %mul3A_918, %add3A_916 : i32
          %broadcast_in_dim3A_920 = arith.constant 0 : i32
          %broadcast_in_dim3A_921 = vector.broadcast %broadcast_in_dim3A_920 : i32 to vector<16xi32>
          %add3A_922 = vector.broadcast %add3A_916 : i32 to vector<16xi32>
          %add3A_923 = arith.addi %broadcast_in_dim3A_921, %add3A_922 : vector<16xi32>
          %get3A_924 = arith.index_cast %add3A_919 : i32 to index
          %get3A_925 = arith.constant 0 : index
          %get3A_926 = tpu.vector_load %arg7[%get3A_924, %get3A_925] {strides = array<i32>} : memref<512x32xf32, #tpu.memory_space<vmem>>, vector<16xf32>,
          tpu.vector_store_idx %arg10[%add3A_96, %add3A_923], %get3A_926 : memref<32x129xf32, #tpu.memory_space<vmem>>[vector<16xi32>, vector<16xi32>], vector<16xf32>,
          %get3A_927 = arith.index_cast %add3A_919 : i32 to index
          %get3A_928 = arith.constant 16 : index
          %get3A_929 = tpu.vector_load %arg7[%get3A_927, %get3A_928] {strides = array<i32>} : memref<512x32xf32, #tpu.memory_space<vmem>>, vector<16xf32>,
          tpu.vector_store_idx %arg10[%add3A_99, %add3A_923], %get3A_929 : memref<32x129xf32, #tpu.memory_space<vmem>>[vector<16xi32>, vector<16xi32>], vector<16xf32>,
          %mul3A_930 = arith.constant 16 : i32
          %mul3A_931 = arith.muli %scan3A_676, %mul3A_930 : i32
          %add3A_932 = arith.constant 15 : i32
          %add3A_933 = arith.addi %mul3A_931, %add3A_932 : i32
          %mul3A_934 = arith.constant 128 : i32
          %mul3A_935 = arith.muli %add3A_589, %mul3A_934 : i32
          %add3A_936 = arith.addi %mul3A_935, %add3A_933 : i32
          %broadcast_in_dim3A_937 = arith.constant 0 : i32
          %broadcast_in_dim3A_938 = vector.broadcast %broadcast_in_dim3A_937 : i32 to vector<16xi32>
          %add3A_939 = vector.broadcast %add3A_933 : i32 to vector<16xi32>
          %add3A_940 = arith.addi %broadcast_in_dim3A_938, %add3A_939 : vector<16xi32>
          %get3A_941 = arith.index_cast %add3A_936 : i32 to index
          %get3A_942 = arith.constant 0 : index
          %get3A_943 = tpu.vector_load %arg7[%get3A_941, %get3A_942] {strides = array<i32>} : memref<512x32xf32, #tpu.memory_space<vmem>>, vector<16xf32>,
          tpu.vector_store_idx %arg10[%add3A_96, %add3A_940], %get3A_943 : memref<32x129xf32, #tpu.memory_space<vmem>>[vector<16xi32>, vector<16xi32>], vector<16xf32>,
          %get3A_944 = arith.index_cast %add3A_936 : i32 to index
          %get3A_945 = arith.constant 16 : index
          %get3A_946 = tpu.vector_load %arg7[%get3A_944, %get3A_945] {strides = array<i32>} : memref<512x32xf32, #tpu.memory_space<vmem>>, vector<16xf32>,
          tpu.vector_store_idx %arg10[%add3A_99, %add3A_940], %get3A_946 : memref<32x129xf32, #tpu.memory_space<vmem>>[vector<16xi32>, vector<16xi32>], vector<16xf32>,
        }
        %scan3A_603 = arith.constant 8 : i32
        %mul3A_604 = arith.constant 4 : i32
        %mul3A_605 = arith.muli %select_n3A_134, %mul3A_604 : i32
        %add3A_606 = arith.constant 0 : i32
        %add3A_607 = arith.addi %mul3A_605, %add3A_606 : i32
        %dma_start3A_608 = arith.constant 0 : i32
        %dma_start3A_609 = arith.constant 0 : i32
        %dma_start3A_610 = tpu.memref_slice %arg10[%dma_start3A_608, %dma_start3A_609] : memref<32x129xf32, #tpu.memory_space<vmem>> -> memref<8x128xf32, #tpu.memory_space<vmem>>
        %dma_start3A_611 = arith.constant 0 : i32
        %dma_start3A_612 = arith.constant 0 : i32
        %dma_start3A_613 = tpu.memref_slice %arg4[%add3A_607, %add3A_592, %dma_start3A_611, %dma_start3A_612] : memref<800x32x8x128xf32, #tpu.memory_space<hbm>> -> memref<1x1x8x128xf32, #tpu.memory_space<hbm>>
        %dma_start3A_614 = tpu.memref_squeeze %dma_start3A_613 : memref<1x1x8x128xf32, #tpu.memory_space<hbm>> -> memref<8x128xf32, #tpu.memory_space<hbm>>
        %dma_start3A_615 = arith.constant 0 : i32
        %dma_start3A_616 = arith.constant 0 : i32
        %dma_start3A_617 = tpu.memref_slice %arg4[%add3A_607, %add3A_592, %dma_start3A_615, %dma_start3A_616] : memref<800x32x8x128xf32, #tpu.memory_space<hbm>> -> memref<1x1x8x128xf32, #tpu.memory_space<hbm>>
        %dma_start3A_618 = tpu.memref_squeeze %dma_start3A_617 : memref<1x1x8x128xf32, #tpu.memory_space<hbm>> -> memref<8x128xf32, #tpu.memory_space<hbm>>
        %dma_start3A_619 = arith.constant 0 : i32
        %dma_start3A_620 = arith.constant 0 : i32
        %dma_start3A_621 = tpu.memref_slice %arg10[%dma_start3A_619, %dma_start3A_620] : memref<32x129xf32, #tpu.memory_space<vmem>> -> memref<8x128xf32, #tpu.memory_space<vmem>>
        tpu.enqueue_dma source(%dma_start3A_621 : memref<8x128xf32, #tpu.memory_space<vmem>>) target(%dma_start3A_618 : memref<8x128xf32, #tpu.memory_space<hbm>>) target_semaphore(%arg15 : memref<!tpu.dma_semaphore, #tpu.memory_space<semaphore_mem>>)
        %mul3A_622 = arith.constant 4 : i32
        %mul3A_623 = arith.muli %select_n3A_134, %mul3A_622 : i32
        %add3A_624 = arith.constant 1 : i32
        %add3A_625 = arith.addi %mul3A_623, %add3A_624 : i32
        %dma_start3A_626 = arith.constant 8 : i32
        %dma_start3A_627 = arith.constant 0 : i32
        %dma_start3A_628 = tpu.memref_slice %arg10[%dma_start3A_626, %dma_start3A_627] : memref<32x129xf32, #tpu.memory_space<vmem>> -> memref<8x128xf32, #tpu.memory_space<vmem>>
        %dma_start3A_629 = arith.constant 0 : i32
        %dma_start3A_630 = arith.constant 0 : i32
        %dma_start3A_631 = tpu.memref_slice %arg4[%add3A_625, %add3A_592, %dma_start3A_629, %dma_start3A_630] : memref<800x32x8x128xf32, #tpu.memory_space<hbm>> -> memref<1x1x8x128xf32, #tpu.memory_space<hbm>>
        %dma_start3A_632 = tpu.memref_squeeze %dma_start3A_631 : memref<1x1x8x128xf32, #tpu.memory_space<hbm>> -> memref<8x128xf32, #tpu.memory_space<hbm>>
        %dma_start3A_633 = arith.constant 0 : i32
        %dma_start3A_634 = arith.constant 0 : i32
        %dma_start3A_635 = tpu.memref_slice %arg4[%add3A_625, %add3A_592, %dma_start3A_633, %dma_start3A_634] : memref<800x32x8x128xf32, #tpu.memory_space<hbm>> -> memref<1x1x8x128xf32, #tpu.memory_space<hbm>>
        %dma_start3A_636 = tpu.memref_squeeze %dma_start3A_635 : memref<1x1x8x128xf32, #tpu.memory_space<hbm>> -> memref<8x128xf32, #tpu.memory_space<hbm>>
        %dma_start3A_637 = arith.constant 8 : i32
        %dma_start3A_638 = arith.constant 0 : i32
        %dma_start3A_639 = tpu.memref_slice %arg10[%dma_start3A_637, %dma_start3A_638] : memref<32x129xf32, #tpu.memory_space<vmem>> -> memref<8x128xf32, #tpu.memory_space<vmem>>
        tpu.enqueue_dma source(%dma_start3A_639 : memref<8x128xf32, #tpu.memory_space<vmem>>) target(%dma_start3A_636 : memref<8x128xf32, #tpu.memory_space<hbm>>) target_semaphore(%arg15 : memref<!tpu.dma_semaphore, #tpu.memory_space<semaphore_mem>>)
        %mul3A_640 = arith.constant 4 : i32
        %mul3A_641 = arith.muli %select_n3A_134, %mul3A_640 : i32
        %add3A_642 = arith.constant 2 : i32
        %add3A_643 = arith.addi %mul3A_641, %add3A_642 : i32
        %dma_start3A_644 = arith.constant 16 : i32
        %dma_start3A_645 = arith.constant 0 : i32
        %dma_start3A_646 = tpu.memref_slice %arg10[%dma_start3A_644, %dma_start3A_645] : memref<32x129xf32, #tpu.memory_space<vmem>> -> memref<8x128xf32, #tpu.memory_space<vmem>>
        %dma_start3A_647 = arith.constant 0 : i32
        %dma_start3A_648 = arith.constant 0 : i32
        %dma_start3A_649 = tpu.memref_slice %arg4[%add3A_643, %add3A_592, %dma_start3A_647, %dma_start3A_648] : memref<800x32x8x128xf32, #tpu.memory_space<hbm>> -> memref<1x1x8x128xf32, #tpu.memory_space<hbm>>
        %dma_start3A_650 = tpu.memref_squeeze %dma_start3A_649 : memref<1x1x8x128xf32, #tpu.memory_space<hbm>> -> memref<8x128xf32, #tpu.memory_space<hbm>>
        %dma_start3A_651 = arith.constant 0 : i32
        %dma_start3A_652 = arith.constant 0 : i32
        %dma_start3A_653 = tpu.memref_slice %arg4[%add3A_643, %add3A_592, %dma_start3A_651, %dma_start3A_652] : memref<800x32x8x128xf32, #tpu.memory_space<hbm>> -> memref<1x1x8x128xf32, #tpu.memory_space<hbm>>
        %dma_start3A_654 = tpu.memref_squeeze %dma_start3A_653 : memref<1x1x8x128xf32, #tpu.memory_space<hbm>> -> memref<8x128xf32, #tpu.memory_space<hbm>>
        %dma_start3A_655 = arith.constant 16 : i32
        %dma_start3A_656 = arith.constant 0 : i32
        %dma_start3A_657 = tpu.memref_slice %arg10[%dma_start3A_655, %dma_start3A_656] : memref<32x129xf32, #tpu.memory_space<vmem>> -> memref<8x128xf32, #tpu.memory_space<vmem>>
        tpu.enqueue_dma source(%dma_start3A_657 : memref<8x128xf32, #tpu.memory_space<vmem>>) target(%dma_start3A_654 : memref<8x128xf32, #tpu.memory_space<hbm>>) target_semaphore(%arg15 : memref<!tpu.dma_semaphore, #tpu.memory_space<semaphore_mem>>)
        %mul3A_658 = arith.constant 4 : i32
        %mul3A_659 = arith.muli %select_n3A_134, %mul3A_658 : i32
        %add3A_660 = arith.constant 3 : i32
        %add3A_661 = arith.addi %mul3A_659, %add3A_660 : i32
        %dma_start3A_662 = arith.constant 24 : i32
        %dma_start3A_663 = arith.constant 0 : i32
        %dma_start3A_664 = tpu.memref_slice %arg10[%dma_start3A_662, %dma_start3A_663] : memref<32x129xf32, #tpu.memory_space<vmem>> -> memref<8x128xf32, #tpu.memory_space<vmem>>
        %dma_start3A_665 = arith.constant 0 : i32
        %dma_start3A_666 = arith.constant 0 : i32
        %dma_start3A_667 = tpu.memref_slice %arg4[%add3A_661, %add3A_592, %dma_start3A_665, %dma_start3A_666] : memref<800x32x8x128xf32, #tpu.memory_space<hbm>> -> memref<1x1x8x128xf32, #tpu.memory_space<hbm>>
        %dma_start3A_668 = tpu.memref_squeeze %dma_start3A_667 : memref<1x1x8x128xf32, #tpu.memory_space<hbm>> -> memref<8x128xf32, #tpu.memory_space<hbm>>
        %dma_start3A_669 = arith.constant 0 : i32
        %dma_start3A_670 = arith.constant 0 : i32
        %dma_start3A_671 = tpu.memref_slice %arg4[%add3A_661, %add3A_592, %dma_start3A_669, %dma_start3A_670] : memref<800x32x8x128xf32, #tpu.memory_space<hbm>> -> memref<1x1x8x128xf32, #tpu.memory_space<hbm>>
        %dma_start3A_672 = tpu.memref_squeeze %dma_start3A_671 : memref<1x1x8x128xf32, #tpu.memory_space<hbm>> -> memref<8x128xf32, #tpu.memory_space<hbm>>
        %dma_start3A_673 = arith.constant 24 : i32
        %dma_start3A_674 = arith.constant 0 : i32
        %dma_start3A_675 = tpu.memref_slice %arg10[%dma_start3A_673, %dma_start3A_674] : memref<32x129xf32, #tpu.memory_space<vmem>> -> memref<8x128xf32, #tpu.memory_space<vmem>>
        tpu.enqueue_dma source(%dma_start3A_675 : memref<8x128xf32, #tpu.memory_space<vmem>>) target(%dma_start3A_672 : memref<8x128xf32, #tpu.memory_space<hbm>>) target_semaphore(%arg15 : memref<!tpu.dma_semaphore, #tpu.memory_space<semaphore_mem>>)
      }
      %scan3A_172 = arith.constant 2 : i32
      %dma_wait3A_173 = arith.constant 0 : i32
      %dma_wait3A_174 = arith.constant 0 : i32
      %dma_wait3A_175 = arith.constant 0 : i32
      %dma_wait3A_176 = arith.constant 0 : i32
      %dma_wait3A_177 = tpu.memref_slice %arg9[%dma_wait3A_175, %dma_wait3A_176] : memref<32x129xf32, #tpu.memory_space<vmem>> -> memref<8x128xf32, #tpu.memory_space<vmem>>
      %dma_wait3A_178 = arith.constant 0 : i32
      %dma_wait3A_179 = arith.constant 0 : i32
      %dma_wait3A_180 = tpu.memref_slice %arg4[%dma_wait3A_173, %dma_wait3A_174, %dma_wait3A_178, %dma_wait3A_179] : memref<800x32x8x128xf32, #tpu.memory_space<hbm>> -> memref<1x1x8x128xf32, #tpu.memory_space<hbm>>
      %dma_wait3A_181 = tpu.memref_squeeze %dma_wait3A_180 : memref<1x1x8x128xf32, #tpu.memory_space<hbm>> -> memref<8x128xf32, #tpu.memory_space<hbm>>
      %dma_wait3A_182 = arith.constant 0 : i32
      %dma_wait3A_183 = arith.constant 0 : i32
      %dma_wait3A_184 = tpu.memref_slice %arg4[%dma_wait3A_173, %dma_wait3A_174, %dma_wait3A_182, %dma_wait3A_183] : memref<800x32x8x128xf32, #tpu.memory_space<hbm>> -> memref<1x1x8x128xf32, #tpu.memory_space<hbm>>
      %dma_wait3A_185 = tpu.memref_squeeze %dma_wait3A_184 : memref<1x1x8x128xf32, #tpu.memory_space<hbm>> -> memref<8x128xf32, #tpu.memory_space<hbm>>
      %dma_wait3A_186 = arith.constant 0 : i32
      %dma_wait3A_187 = arith.constant 0 : i32
      %dma_wait3A_188 = tpu.memref_slice %arg9[%dma_wait3A_186, %dma_wait3A_187] : memref<32x129xf32, #tpu.memory_space<vmem>> -> memref<8x128xf32, #tpu.memory_space<vmem>>
      tpu.wait_dma2 semaphore(%arg15 : memref<!tpu.dma_semaphore, #tpu.memory_space<semaphore_mem>>) src(%dma_wait3A_188 : memref<8x128xf32, #tpu.memory_space<vmem>>) dst(%dma_wait3A_185 : memref<8x128xf32, #tpu.memory_space<hbm>>)
      %dma_wait3A_189 = arith.constant 0 : i32
      %dma_wait3A_190 = arith.constant 0 : i32
      %dma_wait3A_191 = arith.constant 0 : i32
      %dma_wait3A_192 = arith.constant 0 : i32
      %dma_wait3A_193 = tpu.memref_slice %arg9[%dma_wait3A_191, %dma_wait3A_192] : memref<32x129xf32, #tpu.memory_space<vmem>> -> memref<8x128xf32, #tpu.memory_space<vmem>>
      %dma_wait3A_194 = arith.constant 0 : i32
      %dma_wait3A_195 = arith.constant 0 : i32
      %dma_wait3A_196 = tpu.memref_slice %arg4[%dma_wait3A_189, %dma_wait3A_190, %dma_wait3A_194, %dma_wait3A_195] : memref<800x32x8x128xf32, #tpu.memory_space<hbm>> -> memref<1x1x8x128xf32, #tpu.memory_space<hbm>>
      %dma_wait3A_197 = tpu.memref_squeeze %dma_wait3A_196 : memref<1x1x8x128xf32, #tpu.memory_space<hbm>> -> memref<8x128xf32, #tpu.memory_space<hbm>>
      %dma_wait3A_198 = arith.constant 0 : i32
      %dma_wait3A_199 = arith.constant 0 : i32
      %dma_wait3A_200 = tpu.memref_slice %arg4[%dma_wait3A_189, %dma_wait3A_190, %dma_wait3A_198, %dma_wait3A_199] : memref<800x32x8x128xf32, #tpu.memory_space<hbm>> -> memref<1x1x8x128xf32, #tpu.memory_space<hbm>>
      %dma_wait3A_201 = tpu.memref_squeeze %dma_wait3A_200 : memref<1x1x8x128xf32, #tpu.memory_space<hbm>> -> memref<8x128xf32, #tpu.memory_space<hbm>>
      %dma_wait3A_202 = arith.constant 0 : i32
      %dma_wait3A_203 = arith.constant 0 : i32
      %dma_wait3A_204 = tpu.memref_slice %arg9[%dma_wait3A_202, %dma_wait3A_203] : memref<32x129xf32, #tpu.memory_space<vmem>> -> memref<8x128xf32, #tpu.memory_space<vmem>>
      tpu.wait_dma2 semaphore(%arg15 : memref<!tpu.dma_semaphore, #tpu.memory_space<semaphore_mem>>) src(%dma_wait3A_204 : memref<8x128xf32, #tpu.memory_space<vmem>>) dst(%dma_wait3A_201 : memref<8x128xf32, #tpu.memory_space<hbm>>)
      %dma_wait3A_205 = arith.constant 0 : i32
      %dma_wait3A_206 = arith.constant 0 : i32
      %dma_wait3A_207 = arith.constant 0 : i32
      %dma_wait3A_208 = arith.constant 0 : i32
      %dma_wait3A_209 = tpu.memref_slice %arg9[%dma_wait3A_207, %dma_wait3A_208] : memref<32x129xf32, #tpu.memory_space<vmem>> -> memref<8x128xf32, #tpu.memory_space<vmem>>
      %dma_wait3A_210 = arith.constant 0 : i32
      %dma_wait3A_211 = arith.constant 0 : i32
      %dma_wait3A_212 = tpu.memref_slice %arg4[%dma_wait3A_205, %dma_wait3A_206, %dma_wait3A_210, %dma_wait3A_211] : memref<800x32x8x128xf32, #tpu.memory_space<hbm>> -> memref<1x1x8x128xf32, #tpu.memory_space<hbm>>
      %dma_wait3A_213 = tpu.memref_squeeze %dma_wait3A_212 : memref<1x1x8x128xf32, #tpu.memory_space<hbm>> -> memref<8x128xf32, #tpu.memory_space<hbm>>
      %dma_wait3A_214 = arith.constant 0 : i32
      %dma_wait3A_215 = arith.constant 0 : i32
      %dma_wait3A_216 = tpu.memref_slice %arg4[%dma_wait3A_205, %dma_wait3A_206, %dma_wait3A_214, %dma_wait3A_215] : memref<800x32x8x128xf32, #tpu.memory_space<hbm>> -> memref<1x1x8x128xf32, #tpu.memory_space<hbm>>
      %dma_wait3A_217 = tpu.memref_squeeze %dma_wait3A_216 : memref<1x1x8x128xf32, #tpu.memory_space<hbm>> -> memref<8x128xf32, #tpu.memory_space<hbm>>
      %dma_wait3A_218 = arith.constant 0 : i32
      %dma_wait3A_219 = arith.constant 0 : i32
      %dma_wait3A_220 = tpu.memref_slice %arg9[%dma_wait3A_218, %dma_wait3A_219] : memref<32x129xf32, #tpu.memory_space<vmem>> -> memref<8x128xf32, #tpu.memory_space<vmem>>
      tpu.wait_dma2 semaphore(%arg15 : memref<!tpu.dma_semaphore, #tpu.memory_space<semaphore_mem>>) src(%dma_wait3A_220 : memref<8x128xf32, #tpu.memory_space<vmem>>) dst(%dma_wait3A_217 : memref<8x128xf32, #tpu.memory_space<hbm>>)
      %dma_wait3A_221 = arith.constant 0 : i32
      %dma_wait3A_222 = arith.constant 0 : i32
      %dma_wait3A_223 = arith.constant 0 : i32
      %dma_wait3A_224 = arith.constant 0 : i32
      %dma_wait3A_225 = tpu.memref_slice %arg9[%dma_wait3A_223, %dma_wait3A_224] : memref<32x129xf32, #tpu.memory_space<vmem>> -> memref<8x128xf32, #tpu.memory_space<vmem>>
      %dma_wait3A_226 = arith.constant 0 : i32
      %dma_wait3A_227 = arith.constant 0 : i32
      %dma_wait3A_228 = tpu.memref_slice %arg4[%dma_wait3A_221, %dma_wait3A_222, %dma_wait3A_226, %dma_wait3A_227] : memref<800x32x8x128xf32, #tpu.memory_space<hbm>> -> memref<1x1x8x128xf32, #tpu.memory_space<hbm>>
      %dma_wait3A_229 = tpu.memref_squeeze %dma_wait3A_228 : memref<1x1x8x128xf32, #tpu.memory_space<hbm>> -> memref<8x128xf32, #tpu.memory_space<hbm>>
      %dma_wait3A_230 = arith.constant 0 : i32
      %dma_wait3A_231 = arith.constant 0 : i32
      %dma_wait3A_232 = tpu.memref_slice %arg4[%dma_wait3A_221, %dma_wait3A_222, %dma_wait3A_230, %dma_wait3A_231] : memref<800x32x8x128xf32, #tpu.memory_space<hbm>> -> memref<1x1x8x128xf32, #tpu.memory_space<hbm>>
      %dma_wait3A_233 = tpu.memref_squeeze %dma_wait3A_232 : memref<1x1x8x128xf32, #tpu.memory_space<hbm>> -> memref<8x128xf32, #tpu.memory_space<hbm>>
      %dma_wait3A_234 = arith.constant 0 : i32
      %dma_wait3A_235 = arith.constant 0 : i32
      %dma_wait3A_236 = tpu.memref_slice %arg9[%dma_wait3A_234, %dma_wait3A_235] : memref<32x129xf32, #tpu.memory_space<vmem>> -> memref<8x128xf32, #tpu.memory_space<vmem>>
      tpu.wait_dma2 semaphore(%arg15 : memref<!tpu.dma_semaphore, #tpu.memory_space<semaphore_mem>>) src(%dma_wait3A_236 : memref<8x128xf32, #tpu.memory_space<vmem>>) dst(%dma_wait3A_233 : memref<8x128xf32, #tpu.memory_space<hbm>>)
      %dma_wait3A_237 = arith.constant 0 : i32
      %dma_wait3A_238 = arith.constant 0 : i32
      %dma_wait3A_239 = arith.constant 0 : i32
      %dma_wait3A_240 = arith.constant 0 : i32
      %dma_wait3A_241 = tpu.memref_slice %arg9[%dma_wait3A_239, %dma_wait3A_240] : memref<32x129xf32, #tpu.memory_space<vmem>> -> memref<8x128xf32, #tpu.memory_space<vmem>>
      %dma_wait3A_242 = arith.constant 0 : i32
      %dma_wait3A_243 = arith.constant 0 : i32
      %dma_wait3A_244 = tpu.memref_slice %arg4[%dma_wait3A_237, %dma_wait3A_238, %dma_wait3A_242, %dma_wait3A_243] : memref<800x32x8x128xf32, #tpu.memory_space<hbm>> -> memref<1x1x8x128xf32, #tpu.memory_space<hbm>>
      %dma_wait3A_245 = tpu.memref_squeeze %dma_wait3A_244 : memref<1x1x8x128xf32, #tpu.memory_space<hbm>> -> memref<8x128xf32, #tpu.memory_space<hbm>>
      %dma_wait3A_246 = arith.constant 0 : i32
      %dma_wait3A_247 = arith.constant 0 : i32
      %dma_wait3A_248 = tpu.memref_slice %arg4[%dma_wait3A_237, %dma_wait3A_238, %dma_wait3A_246, %dma_wait3A_247] : memref<800x32x8x128xf32, #tpu.memory_space<hbm>> -> memref<1x1x8x128xf32, #tpu.memory_space<hbm>>
      %dma_wait3A_249 = tpu.memref_squeeze %dma_wait3A_248 : memref<1x1x8x128xf32, #tpu.memory_space<hbm>> -> memref<8x128xf32, #tpu.memory_space<hbm>>
      %dma_wait3A_250 = arith.constant 0 : i32
      %dma_wait3A_251 = arith.constant 0 : i32
      %dma_wait3A_252 = tpu.memref_slice %arg9[%dma_wait3A_250, %dma_wait3A_251] : memref<32x129xf32, #tpu.memory_space<vmem>> -> memref<8x128xf32, #tpu.memory_space<vmem>>
      tpu.wait_dma2 semaphore(%arg15 : memref<!tpu.dma_semaphore, #tpu.memory_space<semaphore_mem>>) src(%dma_wait3A_252 : memref<8x128xf32, #tpu.memory_space<vmem>>) dst(%dma_wait3A_249 : memref<8x128xf32, #tpu.memory_space<hbm>>)
      %dma_wait3A_253 = arith.constant 0 : i32
      %dma_wait3A_254 = arith.constant 0 : i32
      %dma_wait3A_255 = arith.constant 0 : i32
      %dma_wait3A_256 = arith.constant 0 : i32
      %dma_wait3A_257 = tpu.memref_slice %arg9[%dma_wait3A_255, %dma_wait3A_256] : memref<32x129xf32, #tpu.memory_space<vmem>> -> memref<8x128xf32, #tpu.memory_space<vmem>>
      %dma_wait3A_258 = arith.constant 0 : i32
      %dma_wait3A_259 = arith.constant 0 : i32
      %dma_wait3A_260 = tpu.memref_slice %arg4[%dma_wait3A_253, %dma_wait3A_254, %dma_wait3A_258, %dma_wait3A_259] : memref<800x32x8x128xf32, #tpu.memory_space<hbm>> -> memref<1x1x8x128xf32, #tpu.memory_space<hbm>>
      %dma_wait3A_261 = tpu.memref_squeeze %dma_wait3A_260 : memref<1x1x8x128xf32, #tpu.memory_space<hbm>> -> memref<8x128xf32, #tpu.memory_space<hbm>>
      %dma_wait3A_262 = arith.constant 0 : i32
      %dma_wait3A_263 = arith.constant 0 : i32
      %dma_wait3A_264 = tpu.memref_slice %arg4[%dma_wait3A_253, %dma_wait3A_254, %dma_wait3A_262, %dma_wait3A_263] : memref<800x32x8x128xf32, #tpu.memory_space<hbm>> -> memref<1x1x8x128xf32, #tpu.memory_space<hbm>>
      %dma_wait3A_265 = tpu.memref_squeeze %dma_wait3A_264 : memref<1x1x8x128xf32, #tpu.memory_space<hbm>> -> memref<8x128xf32, #tpu.memory_space<hbm>>
      %dma_wait3A_266 = arith.constant 0 : i32
      %dma_wait3A_267 = arith.constant 0 : i32
      %dma_wait3A_268 = tpu.memref_slice %arg9[%dma_wait3A_266, %dma_wait3A_267] : memref<32x129xf32, #tpu.memory_space<vmem>> -> memref<8x128xf32, #tpu.memory_space<vmem>>
      tpu.wait_dma2 semaphore(%arg15 : memref<!tpu.dma_semaphore, #tpu.memory_space<semaphore_mem>>) src(%dma_wait3A_268 : memref<8x128xf32, #tpu.memory_space<vmem>>) dst(%dma_wait3A_265 : memref<8x128xf32, #tpu.memory_space<hbm>>)
      %dma_wait3A_269 = arith.constant 0 : i32
      %dma_wait3A_270 = arith.constant 0 : i32
      %dma_wait3A_271 = arith.constant 0 : i32
      %dma_wait3A_272 = arith.constant 0 : i32
      %dma_wait3A_273 = tpu.memref_slice %arg9[%dma_wait3A_271, %dma_wait3A_272] : memref<32x129xf32, #tpu.memory_space<vmem>> -> memref<8x128xf32, #tpu.memory_space<vmem>>
      %dma_wait3A_274 = arith.constant 0 : i32
      %dma_wait3A_275 = arith.constant 0 : i32
      %dma_wait3A_276 = tpu.memref_slice %arg4[%dma_wait3A_269, %dma_wait3A_270, %dma_wait3A_274, %dma_wait3A_275] : memref<800x32x8x128xf32, #tpu.memory_space<hbm>> -> memref<1x1x8x128xf32, #tpu.memory_space<hbm>>
      %dma_wait3A_277 = tpu.memref_squeeze %dma_wait3A_276 : memref<1x1x8x128xf32, #tpu.memory_space<hbm>> -> memref<8x128xf32, #tpu.memory_space<hbm>>
      %dma_wait3A_278 = arith.constant 0 : i32
      %dma_wait3A_279 = arith.constant 0 : i32
      %dma_wait3A_280 = tpu.memref_slice %arg4[%dma_wait3A_269, %dma_wait3A_270, %dma_wait3A_278, %dma_wait3A_279] : memref<800x32x8x128xf32, #tpu.memory_space<hbm>> -> memref<1x1x8x128xf32, #tpu.memory_space<hbm>>
      %dma_wait3A_281 = tpu.memref_squeeze %dma_wait3A_280 : memref<1x1x8x128xf32, #tpu.memory_space<hbm>> -> memref<8x128xf32, #tpu.memory_space<hbm>>
      %dma_wait3A_282 = arith.constant 0 : i32
      %dma_wait3A_283 = arith.constant 0 : i32
      %dma_wait3A_284 = tpu.memref_slice %arg9[%dma_wait3A_282, %dma_wait3A_283] : memref<32x129xf32, #tpu.memory_space<vmem>> -> memref<8x128xf32, #tpu.memory_space<vmem>>
      tpu.wait_dma2 semaphore(%arg15 : memref<!tpu.dma_semaphore, #tpu.memory_space<semaphore_mem>>) src(%dma_wait3A_284 : memref<8x128xf32, #tpu.memory_space<vmem>>) dst(%dma_wait3A_281 : memref<8x128xf32, #tpu.memory_space<hbm>>)
      %dma_wait3A_285 = arith.constant 0 : i32
      %dma_wait3A_286 = arith.constant 0 : i32
      %dma_wait3A_287 = arith.constant 0 : i32
      %dma_wait3A_288 = arith.constant 0 : i32
      %dma_wait3A_289 = tpu.memref_slice %arg9[%dma_wait3A_287, %dma_wait3A_288] : memref<32x129xf32, #tpu.memory_space<vmem>> -> memref<8x128xf32, #tpu.memory_space<vmem>>
      %dma_wait3A_290 = arith.constant 0 : i32
      %dma_wait3A_291 = arith.constant 0 : i32
      %dma_wait3A_292 = tpu.memref_slice %arg4[%dma_wait3A_285, %dma_wait3A_286, %dma_wait3A_290, %dma_wait3A_291] : memref<800x32x8x128xf32, #tpu.memory_space<hbm>> -> memref<1x1x8x128xf32, #tpu.memory_space<hbm>>
      %dma_wait3A_293 = tpu.memref_squeeze %dma_wait3A_292 : memref<1x1x8x128xf32, #tpu.memory_space<hbm>> -> memref<8x128xf32, #tpu.memory_space<hbm>>
      %dma_wait3A_294 = arith.constant 0 : i32
      %dma_wait3A_295 = arith.constant 0 : i32
      %dma_wait3A_296 = tpu.memref_slice %arg4[%dma_wait3A_285, %dma_wait3A_286, %dma_wait3A_294, %dma_wait3A_295] : memref<800x32x8x128xf32, #tpu.memory_space<hbm>> -> memref<1x1x8x128xf32, #tpu.memory_space<hbm>>
      %dma_wait3A_297 = tpu.memref_squeeze %dma_wait3A_296 : memref<1x1x8x128xf32, #tpu.memory_space<hbm>> -> memref<8x128xf32, #tpu.memory_space<hbm>>
      %dma_wait3A_298 = arith.constant 0 : i32
      %dma_wait3A_299 = arith.constant 0 : i32
      %dma_wait3A_300 = tpu.memref_slice %arg9[%dma_wait3A_298, %dma_wait3A_299] : memref<32x129xf32, #tpu.memory_space<vmem>> -> memref<8x128xf32, #tpu.memory_space<vmem>>
      tpu.wait_dma2 semaphore(%arg15 : memref<!tpu.dma_semaphore, #tpu.memory_space<semaphore_mem>>) src(%dma_wait3A_300 : memref<8x128xf32, #tpu.memory_space<vmem>>) dst(%dma_wait3A_297 : memref<8x128xf32, #tpu.memory_space<hbm>>)
      %mul3A_301 = arith.constant 2 : i32
      %mul3A_302 = arith.muli %mul3A_301, %scan3A_105 : i32
      %add3A_303 = arith.constant 1 : i32
      %add3A_304 = arith.addi %mul3A_302, %add3A_303 : i32
      %add3A_305 = arith.addi %mul3A_2, %add3A_304 : i32
      %jit3A_306 = arith.constant 8 : i32
      %div3A_307 = arith.divsi %add3A_305, %jit3A_306 : i32
      %sign3A_308 = arith.constant 0 : i32
      %sign3A_309 = arith.cmpi sgt, %add3A_305, %sign3A_308 : i32
      %sign3A_310 = arith.extui %sign3A_309 : i1 to i32
      %sign3A_311 = arith.constant 0 : i32
      %sign3A_312 = arith.cmpi slt, %add3A_305, %sign3A_311 : i32
      %sign3A_313 = arith.extui %sign3A_312 : i1 to i32
      %sign3A_314 = arith.subi %sign3A_310, %sign3A_313 : i32
      %sign3A_315 = arith.constant 0 : i32
      %sign3A_316 = arith.cmpi sgt, %jit3A_306, %sign3A_315 : i32
      %sign3A_317 = arith.extui %sign3A_316 : i1 to i32
      %sign3A_318 = arith.constant 0 : i32
      %sign3A_319 = arith.cmpi slt, %jit3A_306, %sign3A_318 : i32
      %sign3A_320 = arith.extui %sign3A_319 : i1 to i32
      %sign3A_321 = arith.subi %sign3A_317, %sign3A_320 : i32
      %ne3A_322 = arith.cmpi ne, %sign3A_314, %sign3A_321 : i32
      %rem3A_323 = arith.remsi %add3A_305, %jit3A_306 : i32
      %ne3A_324 = arith.constant 0 : i32
      %ne3A_325 = arith.cmpi ne, %rem3A_323, %ne3A_324 : i32
      %and3A_326 = arith.andi %ne3A_322, %ne3A_325 : i1
      %sub3A_327 = arith.constant 1 : i32
      %sub3A_328 = arith.subi %div3A_307, %sub3A_327 : i32
      %select_n3A_329 = arith.select %and3A_326, %sub3A_328, %div3A_307 : i32
      %jit3A_330 = arith.constant 8 : i32
      %eq3A_331 = arith.constant 0 : i32
      %eq3A_332 = arith.cmpi eq, %jit3A_330, %eq3A_331 : i32
      %jit3A_333 = arith.constant 1 : i32
      %select_n3A_334 = arith.select %eq3A_332, %jit3A_333, %jit3A_330 : i32
      %rem3A_335 = arith.remsi %add3A_305, %select_n3A_334 : i32
      %ne3A_336 = arith.constant 0 : i32
      %ne3A_337 = arith.cmpi ne, %rem3A_335, %ne3A_336 : i32
      %lt3A_338 = arith.constant 0 : i32
      %lt3A_339 = arith.cmpi slt, %rem3A_335, %lt3A_338 : i32
      %lt3A_340 = arith.constant 0 : i32
      %lt3A_341 = arith.cmpi slt, %select_n3A_334, %lt3A_340 : i32
      %ne3A_342 = arith.xori %lt3A_339, %lt3A_341 : i1
      %and3A_343 = arith.andi %ne3A_342, %ne3A_337 : i1
      %add3A_344 = arith.addi %rem3A_335, %select_n3A_334 : i32
      %select_n3A_345 = arith.select %and3A_343, %add3A_344, %rem3A_335 : i32
      %dma_wait3A_346 = arith.constant 0 : i32
      %dma_wait3A_347 = arith.constant 0 : i32
      %dma_wait3A_348 = tpu.memref_slice %arg3[%dma_wait3A_346, %dma_wait3A_347] : memref<1000000x32xf32, #tpu.memory_space<hbm>> -> memref<512x32xf32, #tpu.memory_space<hbm>>
      %dma_wait3A_349 = arith.constant 0 : i32
      %dma_wait3A_350 = arith.constant 0 : i32
      %dma_wait3A_351 = tpu.memref_slice %arg3[%dma_wait3A_349, %dma_wait3A_350] : memref<1000000x32xf32, #tpu.memory_space<hbm>> -> memref<512x32xf32, #tpu.memory_space<hbm>>
      tpu.wait_dma2 semaphore(%arg14 : memref<!tpu.dma_semaphore, #tpu.memory_space<semaphore_mem>>) src(%dma_wait3A_351 : memref<512x32xf32, #tpu.memory_space<hbm>>) dst(%arg8 : memref<512x32xf32, #tpu.memory_space<vmem>>)
      %lt3A_352 = arith.constant 24 : i32
      %lt3A_353 = arith.cmpi slt, %scan3A_105, %lt3A_352 : i32
      %convert_element_type3A_354 = arith.extui %lt3A_353 : i1 to i32
      %cond3A_355 = arith.constant 0 : i32
      %cond3A_356 = arith.cmpi ne, %convert_element_type3A_354, %cond3A_355 : i32
      scf.if %cond3A_356 {
        %dma_wait3A_496 = arith.constant 0 : i32
        %dma_wait3A_497 = tpu.memref_slice %arg2[%dma_wait3A_496] : memref<819200xi32, #tpu.memory_space<hbm>> -> memref<512xi32, #tpu.memory_space<hbm>>
        %dma_wait3A_498 = arith.constant 0 : i32
        %dma_wait3A_499 = tpu.memref_slice %arg2[%dma_wait3A_498] : memref<819200xi32, #tpu.memory_space<hbm>> -> memref<512xi32, #tpu.memory_space<hbm>>
        tpu.wait_dma2 semaphore(%arg11 : memref<!tpu.dma_semaphore, #tpu.memory_space<semaphore_mem>>) src(%dma_wait3A_499 : memref<512xi32, #tpu.memory_space<hbm>>) dst(%arg5 : memref<512xi32, #tpu.memory_space<vmem>>)
        %dma_start3A_500 = arith.constant 0 : i32
        %dma_start3A_501 = arith.constant 0 : i32
        %dma_start3A_502 = tpu.memref_slice %arg3[%dma_start3A_500, %dma_start3A_501] : memref<1000000x32xf32, #tpu.memory_space<hbm>> -> memref<1000000x32xf32, #tpu.memory_space<hbm>>
        tpu.enqueue_indirect_dma source(%dma_start3A_502 : memref<1000000x32xf32, #tpu.memory_space<hbm>>) target(%arg7 : memref<512x32xf32, #tpu.memory_space<vmem>>) offsets(%arg5 : memref<512xi32, #tpu.memory_space<vmem>>) semaphore(%arg13 : memref<!tpu.dma_semaphore, #tpu.memory_space<semaphore_mem>>)
      } else {
      }
      %lt3A_357 = arith.constant 24 : i32
      %lt3A_358 = arith.cmpi slt, %scan3A_105, %lt3A_357 : i32
      %convert_element_type3A_359 = arith.extui %lt3A_358 : i1 to i32
      %cond3A_360 = arith.constant 0 : i32
      %cond3A_361 = arith.cmpi ne, %convert_element_type3A_359, %cond3A_360 : i32
      scf.if %cond3A_361 {
        %add3A_496 = arith.constant 2 : i32
        %add3A_497 = arith.addi %add3A_305, %add3A_496 : i32
        %jit3A_498 = arith.constant 8 : i32
        %div3A_499 = arith.divsi %add3A_497, %jit3A_498 : i32
        %sign3A_500 = arith.constant 0 : i32
        %sign3A_501 = arith.cmpi sgt, %add3A_497, %sign3A_500 : i32
        %sign3A_502 = arith.extui %sign3A_501 : i1 to i32
        %sign3A_503 = arith.constant 0 : i32
        %sign3A_504 = arith.cmpi slt, %add3A_497, %sign3A_503 : i32
        %sign3A_505 = arith.extui %sign3A_504 : i1 to i32
        %sign3A_506 = arith.subi %sign3A_502, %sign3A_505 : i32
        %sign3A_507 = arith.constant 0 : i32
        %sign3A_508 = arith.cmpi sgt, %jit3A_498, %sign3A_507 : i32
        %sign3A_509 = arith.extui %sign3A_508 : i1 to i32
        %sign3A_510 = arith.constant 0 : i32
        %sign3A_511 = arith.cmpi slt, %jit3A_498, %sign3A_510 : i32
        %sign3A_512 = arith.extui %sign3A_511 : i1 to i32
        %sign3A_513 = arith.subi %sign3A_509, %sign3A_512 : i32
        %ne3A_514 = arith.cmpi ne, %sign3A_506, %sign3A_513 : i32
        %rem3A_515 = arith.remsi %add3A_497, %jit3A_498 : i32
        %ne3A_516 = arith.constant 0 : i32
        %ne3A_517 = arith.cmpi ne, %rem3A_515, %ne3A_516 : i32
        %and3A_518 = arith.andi %ne3A_514, %ne3A_517 : i1
        %sub3A_519 = arith.constant 1 : i32
        %sub3A_520 = arith.subi %div3A_499, %sub3A_519 : i32
        %select_n3A_521 = arith.select %and3A_518, %sub3A_520, %div3A_499 : i32
        %mul3A_522 = arith.constant 4096 : i32
        %mul3A_523 = arith.muli %select_n3A_521, %mul3A_522 : i32
        %jit3A_524 = arith.constant 8 : i32
        %eq3A_525 = arith.constant 0 : i32
        %eq3A_526 = arith.cmpi eq, %jit3A_524, %eq3A_525 : i32
        %jit3A_527 = arith.constant 1 : i32
        %select_n3A_528 = arith.select %eq3A_526, %jit3A_527, %jit3A_524 : i32
        %rem3A_529 = arith.remsi %add3A_497, %select_n3A_528 : i32
        %ne3A_530 = arith.constant 0 : i32
        %ne3A_531 = arith.cmpi ne, %rem3A_529, %ne3A_530 : i32
        %lt3A_532 = arith.constant 0 : i32
        %lt3A_533 = arith.cmpi slt, %rem3A_529, %lt3A_532 : i32
        %lt3A_534 = arith.constant 0 : i32
        %lt3A_535 = arith.cmpi slt, %select_n3A_528, %lt3A_534 : i32
        %ne3A_536 = arith.xori %lt3A_533, %lt3A_535 : i1
        %and3A_537 = arith.andi %ne3A_536, %ne3A_531 : i1
        %add3A_538 = arith.addi %rem3A_529, %select_n3A_528 : i32
        %select_n3A_539 = arith.select %and3A_537, %add3A_538, %rem3A_529 : i32
        %mul3A_540 = arith.constant 512 : i32
        %mul3A_541 = arith.muli %select_n3A_539, %mul3A_540 : i32
        %add3A_542 = arith.addi %mul3A_523, %mul3A_541 : i32
        %dma_start3A_543 = tpu.memref_slice %arg2[%add3A_542] : memref<819200xi32, #tpu.memory_space<hbm>> -> memref<512xi32, #tpu.memory_space<hbm>>
        %dma_start3A_544 = tpu.memref_slice %arg2[%add3A_542] : memref<819200xi32, #tpu.memory_space<hbm>> -> memref<512xi32, #tpu.memory_space<hbm>>
        tpu.enqueue_dma source(%dma_start3A_544 : memref<512xi32, #tpu.memory_space<hbm>>) target(%arg6 : memref<512xi32, #tpu.memory_space<vmem>>) target_semaphore(%arg12 : memref<!tpu.dma_semaphore, #tpu.memory_space<semaphore_mem>>)
      } else {
      }
      %scan3A_362 = arith.constant 0 : i32
      %scan3A_363 = arith.constant 0 : i32
      %scan3A_364 = arith.constant 2 : i32
      %scan3A_365 = arith.addi %scan3A_363, %scan3A_364 : i32
      %scan3A_366 = arith.constant 1 : i32
      scf.for %scan3A_496 = %scan3A_363 to %scan3A_365 step %scan3A_366  : i32 {
        %mul3A_497 = arith.constant 2 : i32
        %mul3A_498 = arith.muli %scan3A_496, %mul3A_497 : i32
        %add3A_499 = arith.constant 0 : i32
        %add3A_500 = arith.addi %mul3A_498, %add3A_499 : i32
        %mul3A_501 = arith.constant 4 : i32
        %mul3A_502 = arith.muli %select_n3A_345, %mul3A_501 : i32
        %add3A_503 = arith.addi %mul3A_502, %add3A_500 : i32
        %gt3A = arith.constant 0 : i32
        %gt3A_504 = arith.cmpi sgt, %scan3A_496, %gt3A : i32
        %convert_element_type3A_505 = arith.extui %gt3A_504 : i1 to i32
        %cond3A_506 = arith.constant 0 : i32
        %cond3A_507 = arith.cmpi ne, %convert_element_type3A_505, %cond3A_506 : i32
        scf.if %cond3A_507 {
          %dma_wait3A_676 = arith.constant 0 : i32
          %dma_wait3A_677 = arith.constant 0 : i32
          %dma_wait3A_678 = arith.constant 0 : i32
          %dma_wait3A_679 = arith.constant 0 : i32
          %dma_wait3A_680 = tpu.memref_slice %arg9[%dma_wait3A_678, %dma_wait3A_679] : memref<32x129xf32, #tpu.memory_space<vmem>> -> memref<8x128xf32, #tpu.memory_space<vmem>>
          %dma_wait3A_681 = arith.constant 0 : i32
          %dma_wait3A_682 = arith.constant 0 : i32
          %dma_wait3A_683 = tpu.memref_slice %arg4[%dma_wait3A_676, %dma_wait3A_677, %dma_wait3A_681, %dma_wait3A_682] : memref<800x32x8x128xf32, #tpu.memory_space<hbm>> -> memref<1x1x8x128xf32, #tpu.memory_space<hbm>>
          %dma_wait3A_684 = tpu.memref_squeeze %dma_wait3A_683 : memref<1x1x8x128xf32, #tpu.memory_space<hbm>> -> memref<8x128xf32, #tpu.memory_space<hbm>>
          %dma_wait3A_685 = arith.constant 0 : i32
          %dma_wait3A_686 = arith.constant 0 : i32
          %dma_wait3A_687 = tpu.memref_slice %arg4[%dma_wait3A_676, %dma_wait3A_677, %dma_wait3A_685, %dma_wait3A_686] : memref<800x32x8x128xf32, #tpu.memory_space<hbm>> -> memref<1x1x8x128xf32, #tpu.memory_space<hbm>>
          %dma_wait3A_688 = tpu.memref_squeeze %dma_wait3A_687 : memref<1x1x8x128xf32, #tpu.memory_space<hbm>> -> memref<8x128xf32, #tpu.memory_space<hbm>>
          %dma_wait3A_689 = arith.constant 0 : i32
          %dma_wait3A_690 = arith.constant 0 : i32
          %dma_wait3A_691 = tpu.memref_slice %arg9[%dma_wait3A_689, %dma_wait3A_690] : memref<32x129xf32, #tpu.memory_space<vmem>> -> memref<8x128xf32, #tpu.memory_space<vmem>>
          tpu.wait_dma2 semaphore(%arg15 : memref<!tpu.dma_semaphore, #tpu.memory_space<semaphore_mem>>) src(%dma_wait3A_691 : memref<8x128xf32, #tpu.memory_space<vmem>>) dst(%dma_wait3A_688 : memref<8x128xf32, #tpu.memory_space<hbm>>)
          %dma_wait3A_692 = arith.constant 0 : i32
          %dma_wait3A_693 = arith.constant 0 : i32
          %dma_wait3A_694 = arith.constant 0 : i32
          %dma_wait3A_695 = arith.constant 0 : i32
          %dma_wait3A_696 = tpu.memref_slice %arg9[%dma_wait3A_694, %dma_wait3A_695] : memref<32x129xf32, #tpu.memory_space<vmem>> -> memref<8x128xf32, #tpu.memory_space<vmem>>
          %dma_wait3A_697 = arith.constant 0 : i32
          %dma_wait3A_698 = arith.constant 0 : i32
          %dma_wait3A_699 = tpu.memref_slice %arg4[%dma_wait3A_692, %dma_wait3A_693, %dma_wait3A_697, %dma_wait3A_698] : memref<800x32x8x128xf32, #tpu.memory_space<hbm>> -> memref<1x1x8x128xf32, #tpu.memory_space<hbm>>
          %dma_wait3A_700 = tpu.memref_squeeze %dma_wait3A_699 : memref<1x1x8x128xf32, #tpu.memory_space<hbm>> -> memref<8x128xf32, #tpu.memory_space<hbm>>
          %dma_wait3A_701 = arith.constant 0 : i32
          %dma_wait3A_702 = arith.constant 0 : i32
          %dma_wait3A_703 = tpu.memref_slice %arg4[%dma_wait3A_692, %dma_wait3A_693, %dma_wait3A_701, %dma_wait3A_702] : memref<800x32x8x128xf32, #tpu.memory_space<hbm>> -> memref<1x1x8x128xf32, #tpu.memory_space<hbm>>
          %dma_wait3A_704 = tpu.memref_squeeze %dma_wait3A_703 : memref<1x1x8x128xf32, #tpu.memory_space<hbm>> -> memref<8x128xf32, #tpu.memory_space<hbm>>
          %dma_wait3A_705 = arith.constant 0 : i32
          %dma_wait3A_706 = arith.constant 0 : i32
          %dma_wait3A_707 = tpu.memref_slice %arg9[%dma_wait3A_705, %dma_wait3A_706] : memref<32x129xf32, #tpu.memory_space<vmem>> -> memref<8x128xf32, #tpu.memory_space<vmem>>
          tpu.wait_dma2 semaphore(%arg15 : memref<!tpu.dma_semaphore, #tpu.memory_space<semaphore_mem>>) src(%dma_wait3A_707 : memref<8x128xf32, #tpu.memory_space<vmem>>) dst(%dma_wait3A_704 : memref<8x128xf32, #tpu.memory_space<hbm>>)
          %dma_wait3A_708 = arith.constant 0 : i32
          %dma_wait3A_709 = arith.constant 0 : i32
          %dma_wait3A_710 = arith.constant 0 : i32
          %dma_wait3A_711 = arith.constant 0 : i32
          %dma_wait3A_712 = tpu.memref_slice %arg9[%dma_wait3A_710, %dma_wait3A_711] : memref<32x129xf32, #tpu.memory_space<vmem>> -> memref<8x128xf32, #tpu.memory_space<vmem>>
          %dma_wait3A_713 = arith.constant 0 : i32
          %dma_wait3A_714 = arith.constant 0 : i32
          %dma_wait3A_715 = tpu.memref_slice %arg4[%dma_wait3A_708, %dma_wait3A_709, %dma_wait3A_713, %dma_wait3A_714] : memref<800x32x8x128xf32, #tpu.memory_space<hbm>> -> memref<1x1x8x128xf32, #tpu.memory_space<hbm>>
          %dma_wait3A_716 = tpu.memref_squeeze %dma_wait3A_715 : memref<1x1x8x128xf32, #tpu.memory_space<hbm>> -> memref<8x128xf32, #tpu.memory_space<hbm>>
          %dma_wait3A_717 = arith.constant 0 : i32
          %dma_wait3A_718 = arith.constant 0 : i32
          %dma_wait3A_719 = tpu.memref_slice %arg4[%dma_wait3A_708, %dma_wait3A_709, %dma_wait3A_717, %dma_wait3A_718] : memref<800x32x8x128xf32, #tpu.memory_space<hbm>> -> memref<1x1x8x128xf32, #tpu.memory_space<hbm>>
          %dma_wait3A_720 = tpu.memref_squeeze %dma_wait3A_719 : memref<1x1x8x128xf32, #tpu.memory_space<hbm>> -> memref<8x128xf32, #tpu.memory_space<hbm>>
          %dma_wait3A_721 = arith.constant 0 : i32
          %dma_wait3A_722 = arith.constant 0 : i32
          %dma_wait3A_723 = tpu.memref_slice %arg9[%dma_wait3A_721, %dma_wait3A_722] : memref<32x129xf32, #tpu.memory_space<vmem>> -> memref<8x128xf32, #tpu.memory_space<vmem>>
          tpu.wait_dma2 semaphore(%arg15 : memref<!tpu.dma_semaphore, #tpu.memory_space<semaphore_mem>>) src(%dma_wait3A_723 : memref<8x128xf32, #tpu.memory_space<vmem>>) dst(%dma_wait3A_720 : memref<8x128xf32, #tpu.memory_space<hbm>>)
          %dma_wait3A_724 = arith.constant 0 : i32
          %dma_wait3A_725 = arith.constant 0 : i32
          %dma_wait3A_726 = arith.constant 0 : i32
          %dma_wait3A_727 = arith.constant 0 : i32
          %dma_wait3A_728 = tpu.memref_slice %arg9[%dma_wait3A_726, %dma_wait3A_727] : memref<32x129xf32, #tpu.memory_space<vmem>> -> memref<8x128xf32, #tpu.memory_space<vmem>>
          %dma_wait3A_729 = arith.constant 0 : i32
          %dma_wait3A_730 = arith.constant 0 : i32
          %dma_wait3A_731 = tpu.memref_slice %arg4[%dma_wait3A_724, %dma_wait3A_725, %dma_wait3A_729, %dma_wait3A_730] : memref<800x32x8x128xf32, #tpu.memory_space<hbm>> -> memref<1x1x8x128xf32, #tpu.memory_space<hbm>>
          %dma_wait3A_732 = tpu.memref_squeeze %dma_wait3A_731 : memref<1x1x8x128xf32, #tpu.memory_space<hbm>> -> memref<8x128xf32, #tpu.memory_space<hbm>>
          %dma_wait3A_733 = arith.constant 0 : i32
          %dma_wait3A_734 = arith.constant 0 : i32
          %dma_wait3A_735 = tpu.memref_slice %arg4[%dma_wait3A_724, %dma_wait3A_725, %dma_wait3A_733, %dma_wait3A_734] : memref<800x32x8x128xf32, #tpu.memory_space<hbm>> -> memref<1x1x8x128xf32, #tpu.memory_space<hbm>>
          %dma_wait3A_736 = tpu.memref_squeeze %dma_wait3A_735 : memref<1x1x8x128xf32, #tpu.memory_space<hbm>> -> memref<8x128xf32, #tpu.memory_space<hbm>>
          %dma_wait3A_737 = arith.constant 0 : i32
          %dma_wait3A_738 = arith.constant 0 : i32
          %dma_wait3A_739 = tpu.memref_slice %arg9[%dma_wait3A_737, %dma_wait3A_738] : memref<32x129xf32, #tpu.memory_space<vmem>> -> memref<8x128xf32, #tpu.memory_space<vmem>>
          tpu.wait_dma2 semaphore(%arg15 : memref<!tpu.dma_semaphore, #tpu.memory_space<semaphore_mem>>) src(%dma_wait3A_739 : memref<8x128xf32, #tpu.memory_space<vmem>>) dst(%dma_wait3A_736 : memref<8x128xf32, #tpu.memory_space<hbm>>)
        } else {
        }
        %scan3A_508 = arith.constant 0 : i32
        %scan3A_509 = arith.constant 0 : i32
        %scan3A_510 = arith.constant 8 : i32
        %scan3A_511 = arith.addi %scan3A_509, %scan3A_510 : i32
        %scan3A_512 = arith.constant 1 : i32
        scf.for %scan3A_676 = %scan3A_509 to %scan3A_511 step %scan3A_512  : i32 {
          %mul3A_677 = arith.constant 16 : i32
          %mul3A_678 = arith.muli %scan3A_676, %mul3A_677 : i32
          %add3A_679 = arith.constant 0 : i32
          %add3A_680 = arith.addi %mul3A_678, %add3A_679 : i32
          %mul3A_681 = arith.constant 128 : i32
          %mul3A_682 = arith.muli %add3A_500, %mul3A_681 : i32
          %add3A_683 = arith.addi %mul3A_682, %add3A_680 : i32
          %broadcast_in_dim3A = arith.constant 0 : i32
          %broadcast_in_dim3A_684 = vector.broadcast %broadcast_in_dim3A : i32 to vector<16xi32>
          %add3A_685 = vector.broadcast %add3A_680 : i32 to vector<16xi32>
          %add3A_686 = arith.addi %broadcast_in_dim3A_684, %add3A_685 : vector<16xi32>
          %get3A = arith.index_cast %add3A_683 : i32 to index
          %get3A_687 = arith.constant 0 : index
          %get3A_688 = tpu.vector_load %arg8[%get3A, %get3A_687] {strides = array<i32>} : memref<512x32xf32, #tpu.memory_space<vmem>>, vector<16xf32>,
          tpu.vector_store_idx %arg9[%add3A_96, %add3A_686], %get3A_688 : memref<32x129xf32, #tpu.memory_space<vmem>>[vector<16xi32>, vector<16xi32>], vector<16xf32>,
          %get3A_689 = arith.index_cast %add3A_683 : i32 to index
          %get3A_690 = arith.constant 16 : index
          %get3A_691 = tpu.vector_load %arg8[%get3A_689, %get3A_690] {strides = array<i32>} : memref<512x32xf32, #tpu.memory_space<vmem>>, vector<16xf32>,
          tpu.vector_store_idx %arg9[%add3A_99, %add3A_686], %get3A_691 : memref<32x129xf32, #tpu.memory_space<vmem>>[vector<16xi32>, vector<16xi32>], vector<16xf32>,
          %mul3A_692 = arith.constant 16 : i32
          %mul3A_693 = arith.muli %scan3A_676, %mul3A_692 : i32
          %add3A_694 = arith.constant 1 : i32
          %add3A_695 = arith.addi %mul3A_693, %add3A_694 : i32
          %mul3A_696 = arith.constant 128 : i32
          %mul3A_697 = arith.muli %add3A_500, %mul3A_696 : i32
          %add3A_698 = arith.addi %mul3A_697, %add3A_695 : i32
          %broadcast_in_dim3A_699 = arith.constant 0 : i32
          %broadcast_in_dim3A_700 = vector.broadcast %broadcast_in_dim3A_699 : i32 to vector<16xi32>
          %add3A_701 = vector.broadcast %add3A_695 : i32 to vector<16xi32>
          %add3A_702 = arith.addi %broadcast_in_dim3A_700, %add3A_701 : vector<16xi32>
          %get3A_703 = arith.index_cast %add3A_698 : i32 to index
          %get3A_704 = arith.constant 0 : index
          %get3A_705 = tpu.vector_load %arg8[%get3A_703, %get3A_704] {strides = array<i32>} : memref<512x32xf32, #tpu.memory_space<vmem>>, vector<16xf32>,
          tpu.vector_store_idx %arg9[%add3A_96, %add3A_702], %get3A_705 : memref<32x129xf32, #tpu.memory_space<vmem>>[vector<16xi32>, vector<16xi32>], vector<16xf32>,
          %get3A_706 = arith.index_cast %add3A_698 : i32 to index
          %get3A_707 = arith.constant 16 : index
          %get3A_708 = tpu.vector_load %arg8[%get3A_706, %get3A_707] {strides = array<i32>} : memref<512x32xf32, #tpu.memory_space<vmem>>, vector<16xf32>,
          tpu.vector_store_idx %arg9[%add3A_99, %add3A_702], %get3A_708 : memref<32x129xf32, #tpu.memory_space<vmem>>[vector<16xi32>, vector<16xi32>], vector<16xf32>,
          %mul3A_709 = arith.constant 16 : i32
          %mul3A_710 = arith.muli %scan3A_676, %mul3A_709 : i32
          %add3A_711 = arith.constant 2 : i32
          %add3A_712 = arith.addi %mul3A_710, %add3A_711 : i32
          %mul3A_713 = arith.constant 128 : i32
          %mul3A_714 = arith.muli %add3A_500, %mul3A_713 : i32
          %add3A_715 = arith.addi %mul3A_714, %add3A_712 : i32
          %broadcast_in_dim3A_716 = arith.constant 0 : i32
          %broadcast_in_dim3A_717 = vector.broadcast %broadcast_in_dim3A_716 : i32 to vector<16xi32>
          %add3A_718 = vector.broadcast %add3A_712 : i32 to vector<16xi32>
          %add3A_719 = arith.addi %broadcast_in_dim3A_717, %add3A_718 : vector<16xi32>
          %get3A_720 = arith.index_cast %add3A_715 : i32 to index
          %get3A_721 = arith.constant 0 : index
          %get3A_722 = tpu.vector_load %arg8[%get3A_720, %get3A_721] {strides = array<i32>} : memref<512x32xf32, #tpu.memory_space<vmem>>, vector<16xf32>,
          tpu.vector_store_idx %arg9[%add3A_96, %add3A_719], %get3A_722 : memref<32x129xf32, #tpu.memory_space<vmem>>[vector<16xi32>, vector<16xi32>], vector<16xf32>,
          %get3A_723 = arith.index_cast %add3A_715 : i32 to index
          %get3A_724 = arith.constant 16 : index
          %get3A_725 = tpu.vector_load %arg8[%get3A_723, %get3A_724] {strides = array<i32>} : memref<512x32xf32, #tpu.memory_space<vmem>>, vector<16xf32>,
          tpu.vector_store_idx %arg9[%add3A_99, %add3A_719], %get3A_725 : memref<32x129xf32, #tpu.memory_space<vmem>>[vector<16xi32>, vector<16xi32>], vector<16xf32>,
          %mul3A_726 = arith.constant 16 : i32
          %mul3A_727 = arith.muli %scan3A_676, %mul3A_726 : i32
          %add3A_728 = arith.constant 3 : i32
          %add3A_729 = arith.addi %mul3A_727, %add3A_728 : i32
          %mul3A_730 = arith.constant 128 : i32
          %mul3A_731 = arith.muli %add3A_500, %mul3A_730 : i32
          %add3A_732 = arith.addi %mul3A_731, %add3A_729 : i32
          %broadcast_in_dim3A_733 = arith.constant 0 : i32
          %broadcast_in_dim3A_734 = vector.broadcast %broadcast_in_dim3A_733 : i32 to vector<16xi32>
          %add3A_735 = vector.broadcast %add3A_729 : i32 to vector<16xi32>
          %add3A_736 = arith.addi %broadcast_in_dim3A_734, %add3A_735 : vector<16xi32>
          %get3A_737 = arith.index_cast %add3A_732 : i32 to index
          %get3A_738 = arith.constant 0 : index
          %get3A_739 = tpu.vector_load %arg8[%get3A_737, %get3A_738] {strides = array<i32>} : memref<512x32xf32, #tpu.memory_space<vmem>>, vector<16xf32>,
          tpu.vector_store_idx %arg9[%add3A_96, %add3A_736], %get3A_739 : memref<32x129xf32, #tpu.memory_space<vmem>>[vector<16xi32>, vector<16xi32>], vector<16xf32>,
          %get3A_740 = arith.index_cast %add3A_732 : i32 to index
          %get3A_741 = arith.constant 16 : index
          %get3A_742 = tpu.vector_load %arg8[%get3A_740, %get3A_741] {strides = array<i32>} : memref<512x32xf32, #tpu.memory_space<vmem>>, vector<16xf32>,
          tpu.vector_store_idx %arg9[%add3A_99, %add3A_736], %get3A_742 : memref<32x129xf32, #tpu.memory_space<vmem>>[vector<16xi32>, vector<16xi32>], vector<16xf32>,
          %mul3A_743 = arith.constant 16 : i32
          %mul3A_744 = arith.muli %scan3A_676, %mul3A_743 : i32
          %add3A_745 = arith.constant 4 : i32
          %add3A_746 = arith.addi %mul3A_744, %add3A_745 : i32
          %mul3A_747 = arith.constant 128 : i32
          %mul3A_748 = arith.muli %add3A_500, %mul3A_747 : i32
          %add3A_749 = arith.addi %mul3A_748, %add3A_746 : i32
          %broadcast_in_dim3A_750 = arith.constant 0 : i32
          %broadcast_in_dim3A_751 = vector.broadcast %broadcast_in_dim3A_750 : i32 to vector<16xi32>
          %add3A_752 = vector.broadcast %add3A_746 : i32 to vector<16xi32>
          %add3A_753 = arith.addi %broadcast_in_dim3A_751, %add3A_752 : vector<16xi32>
          %get3A_754 = arith.index_cast %add3A_749 : i32 to index
          %get3A_755 = arith.constant 0 : index
          %get3A_756 = tpu.vector_load %arg8[%get3A_754, %get3A_755] {strides = array<i32>} : memref<512x32xf32, #tpu.memory_space<vmem>>, vector<16xf32>,
          tpu.vector_store_idx %arg9[%add3A_96, %add3A_753], %get3A_756 : memref<32x129xf32, #tpu.memory_space<vmem>>[vector<16xi32>, vector<16xi32>], vector<16xf32>,
          %get3A_757 = arith.index_cast %add3A_749 : i32 to index
          %get3A_758 = arith.constant 16 : index
          %get3A_759 = tpu.vector_load %arg8[%get3A_757, %get3A_758] {strides = array<i32>} : memref<512x32xf32, #tpu.memory_space<vmem>>, vector<16xf32>,
          tpu.vector_store_idx %arg9[%add3A_99, %add3A_753], %get3A_759 : memref<32x129xf32, #tpu.memory_space<vmem>>[vector<16xi32>, vector<16xi32>], vector<16xf32>,
          %mul3A_760 = arith.constant 16 : i32
          %mul3A_761 = arith.muli %scan3A_676, %mul3A_760 : i32
          %add3A_762 = arith.constant 5 : i32
          %add3A_763 = arith.addi %mul3A_761, %add3A_762 : i32
          %mul3A_764 = arith.constant 128 : i32
          %mul3A_765 = arith.muli %add3A_500, %mul3A_764 : i32
          %add3A_766 = arith.addi %mul3A_765, %add3A_763 : i32
          %broadcast_in_dim3A_767 = arith.constant 0 : i32
          %broadcast_in_dim3A_768 = vector.broadcast %broadcast_in_dim3A_767 : i32 to vector<16xi32>
          %add3A_769 = vector.broadcast %add3A_763 : i32 to vector<16xi32>
          %add3A_770 = arith.addi %broadcast_in_dim3A_768, %add3A_769 : vector<16xi32>
          %get3A_771 = arith.index_cast %add3A_766 : i32 to index
          %get3A_772 = arith.constant 0 : index
          %get3A_773 = tpu.vector_load %arg8[%get3A_771, %get3A_772] {strides = array<i32>} : memref<512x32xf32, #tpu.memory_space<vmem>>, vector<16xf32>,
          tpu.vector_store_idx %arg9[%add3A_96, %add3A_770], %get3A_773 : memref<32x129xf32, #tpu.memory_space<vmem>>[vector<16xi32>, vector<16xi32>], vector<16xf32>,
          %get3A_774 = arith.index_cast %add3A_766 : i32 to index
          %get3A_775 = arith.constant 16 : index
          %get3A_776 = tpu.vector_load %arg8[%get3A_774, %get3A_775] {strides = array<i32>} : memref<512x32xf32, #tpu.memory_space<vmem>>, vector<16xf32>,
          tpu.vector_store_idx %arg9[%add3A_99, %add3A_770], %get3A_776 : memref<32x129xf32, #tpu.memory_space<vmem>>[vector<16xi32>, vector<16xi32>], vector<16xf32>,
          %mul3A_777 = arith.constant 16 : i32
          %mul3A_778 = arith.muli %scan3A_676, %mul3A_777 : i32
          %add3A_779 = arith.constant 6 : i32
          %add3A_780 = arith.addi %mul3A_778, %add3A_779 : i32
          %mul3A_781 = arith.constant 128 : i32
          %mul3A_782 = arith.muli %add3A_500, %mul3A_781 : i32
          %add3A_783 = arith.addi %mul3A_782, %add3A_780 : i32
          %broadcast_in_dim3A_784 = arith.constant 0 : i32
          %broadcast_in_dim3A_785 = vector.broadcast %broadcast_in_dim3A_784 : i32 to vector<16xi32>
          %add3A_786 = vector.broadcast %add3A_780 : i32 to vector<16xi32>
          %add3A_787 = arith.addi %broadcast_in_dim3A_785, %add3A_786 : vector<16xi32>
          %get3A_788 = arith.index_cast %add3A_783 : i32 to index
          %get3A_789 = arith.constant 0 : index
          %get3A_790 = tpu.vector_load %arg8[%get3A_788, %get3A_789] {strides = array<i32>} : memref<512x32xf32, #tpu.memory_space<vmem>>, vector<16xf32>,
          tpu.vector_store_idx %arg9[%add3A_96, %add3A_787], %get3A_790 : memref<32x129xf32, #tpu.memory_space<vmem>>[vector<16xi32>, vector<16xi32>], vector<16xf32>,
          %get3A_791 = arith.index_cast %add3A_783 : i32 to index
          %get3A_792 = arith.constant 16 : index
          %get3A_793 = tpu.vector_load %arg8[%get3A_791, %get3A_792] {strides = array<i32>} : memref<512x32xf32, #tpu.memory_space<vmem>>, vector<16xf32>,
          tpu.vector_store_idx %arg9[%add3A_99, %add3A_787], %get3A_793 : memref<32x129xf32, #tpu.memory_space<vmem>>[vector<16xi32>, vector<16xi32>], vector<16xf32>,
          %mul3A_794 = arith.constant 16 : i32
          %mul3A_795 = arith.muli %scan3A_676, %mul3A_794 : i32
          %add3A_796 = arith.constant 7 : i32
          %add3A_797 = arith.addi %mul3A_795, %add3A_796 : i32
          %mul3A_798 = arith.constant 128 : i32
          %mul3A_799 = arith.muli %add3A_500, %mul3A_798 : i32
          %add3A_800 = arith.addi %mul3A_799, %add3A_797 : i32
          %broadcast_in_dim3A_801 = arith.constant 0 : i32
          %broadcast_in_dim3A_802 = vector.broadcast %broadcast_in_dim3A_801 : i32 to vector<16xi32>
          %add3A_803 = vector.broadcast %add3A_797 : i32 to vector<16xi32>
          %add3A_804 = arith.addi %broadcast_in_dim3A_802, %add3A_803 : vector<16xi32>
          %get3A_805 = arith.index_cast %add3A_800 : i32 to index
          %get3A_806 = arith.constant 0 : index
          %get3A_807 = tpu.vector_load %arg8[%get3A_805, %get3A_806] {strides = array<i32>} : memref<512x32xf32, #tpu.memory_space<vmem>>, vector<16xf32>,
          tpu.vector_store_idx %arg9[%add3A_96, %add3A_804], %get3A_807 : memref<32x129xf32, #tpu.memory_space<vmem>>[vector<16xi32>, vector<16xi32>], vector<16xf32>,
          %get3A_808 = arith.index_cast %add3A_800 : i32 to index
          %get3A_809 = arith.constant 16 : index
          %get3A_810 = tpu.vector_load %arg8[%get3A_808, %get3A_809] {strides = array<i32>} : memref<512x32xf32, #tpu.memory_space<vmem>>, vector<16xf32>,
          tpu.vector_store_idx %arg9[%add3A_99, %add3A_804], %get3A_810 : memref<32x129xf32, #tpu.memory_space<vmem>>[vector<16xi32>, vector<16xi32>], vector<16xf32>,
          %mul3A_811 = arith.constant 16 : i32
          %mul3A_812 = arith.muli %scan3A_676, %mul3A_811 : i32
          %add3A_813 = arith.constant 8 : i32
          %add3A_814 = arith.addi %mul3A_812, %add3A_813 : i32
          %mul3A_815 = arith.constant 128 : i32
          %mul3A_816 = arith.muli %add3A_500, %mul3A_815 : i32
          %add3A_817 = arith.addi %mul3A_816, %add3A_814 : i32
          %broadcast_in_dim3A_818 = arith.constant 0 : i32
          %broadcast_in_dim3A_819 = vector.broadcast %broadcast_in_dim3A_818 : i32 to vector<16xi32>
          %add3A_820 = vector.broadcast %add3A_814 : i32 to vector<16xi32>
          %add3A_821 = arith.addi %broadcast_in_dim3A_819, %add3A_820 : vector<16xi32>
          %get3A_822 = arith.index_cast %add3A_817 : i32 to index
          %get3A_823 = arith.constant 0 : index
          %get3A_824 = tpu.vector_load %arg8[%get3A_822, %get3A_823] {strides = array<i32>} : memref<512x32xf32, #tpu.memory_space<vmem>>, vector<16xf32>,
          tpu.vector_store_idx %arg9[%add3A_96, %add3A_821], %get3A_824 : memref<32x129xf32, #tpu.memory_space<vmem>>[vector<16xi32>, vector<16xi32>], vector<16xf32>,
          %get3A_825 = arith.index_cast %add3A_817 : i32 to index
          %get3A_826 = arith.constant 16 : index
          %get3A_827 = tpu.vector_load %arg8[%get3A_825, %get3A_826] {strides = array<i32>} : memref<512x32xf32, #tpu.memory_space<vmem>>, vector<16xf32>,
          tpu.vector_store_idx %arg9[%add3A_99, %add3A_821], %get3A_827 : memref<32x129xf32, #tpu.memory_space<vmem>>[vector<16xi32>, vector<16xi32>], vector<16xf32>,
          %mul3A_828 = arith.constant 16 : i32
          %mul3A_829 = arith.muli %scan3A_676, %mul3A_828 : i32
          %add3A_830 = arith.constant 9 : i32
          %add3A_831 = arith.addi %mul3A_829, %add3A_830 : i32
          %mul3A_832 = arith.constant 128 : i32
          %mul3A_833 = arith.muli %add3A_500, %mul3A_832 : i32
          %add3A_834 = arith.addi %mul3A_833, %add3A_831 : i32
          %broadcast_in_dim3A_835 = arith.constant 0 : i32
          %broadcast_in_dim3A_836 = vector.broadcast %broadcast_in_dim3A_835 : i32 to vector<16xi32>
          %add3A_837 = vector.broadcast %add3A_831 : i32 to vector<16xi32>
          %add3A_838 = arith.addi %broadcast_in_dim3A_836, %add3A_837 : vector<16xi32>
          %get3A_839 = arith.index_cast %add3A_834 : i32 to index
          %get3A_840 = arith.constant 0 : index
          %get3A_841 = tpu.vector_load %arg8[%get3A_839, %get3A_840] {strides = array<i32>} : memref<512x32xf32, #tpu.memory_space<vmem>>, vector<16xf32>,
          tpu.vector_store_idx %arg9[%add3A_96, %add3A_838], %get3A_841 : memref<32x129xf32, #tpu.memory_space<vmem>>[vector<16xi32>, vector<16xi32>], vector<16xf32>,
          %get3A_842 = arith.index_cast %add3A_834 : i32 to index
          %get3A_843 = arith.constant 16 : index
          %get3A_844 = tpu.vector_load %arg8[%get3A_842, %get3A_843] {strides = array<i32>} : memref<512x32xf32, #tpu.memory_space<vmem>>, vector<16xf32>,
          tpu.vector_store_idx %arg9[%add3A_99, %add3A_838], %get3A_844 : memref<32x129xf32, #tpu.memory_space<vmem>>[vector<16xi32>, vector<16xi32>], vector<16xf32>,
          %mul3A_845 = arith.constant 16 : i32
          %mul3A_846 = arith.muli %scan3A_676, %mul3A_845 : i32
          %add3A_847 = arith.constant 10 : i32
          %add3A_848 = arith.addi %mul3A_846, %add3A_847 : i32
          %mul3A_849 = arith.constant 128 : i32
          %mul3A_850 = arith.muli %add3A_500, %mul3A_849 : i32
          %add3A_851 = arith.addi %mul3A_850, %add3A_848 : i32
          %broadcast_in_dim3A_852 = arith.constant 0 : i32
          %broadcast_in_dim3A_853 = vector.broadcast %broadcast_in_dim3A_852 : i32 to vector<16xi32>
          %add3A_854 = vector.broadcast %add3A_848 : i32 to vector<16xi32>
          %add3A_855 = arith.addi %broadcast_in_dim3A_853, %add3A_854 : vector<16xi32>
          %get3A_856 = arith.index_cast %add3A_851 : i32 to index
          %get3A_857 = arith.constant 0 : index
          %get3A_858 = tpu.vector_load %arg8[%get3A_856, %get3A_857] {strides = array<i32>} : memref<512x32xf32, #tpu.memory_space<vmem>>, vector<16xf32>,
          tpu.vector_store_idx %arg9[%add3A_96, %add3A_855], %get3A_858 : memref<32x129xf32, #tpu.memory_space<vmem>>[vector<16xi32>, vector<16xi32>], vector<16xf32>,
          %get3A_859 = arith.index_cast %add3A_851 : i32 to index
          %get3A_860 = arith.constant 16 : index
          %get3A_861 = tpu.vector_load %arg8[%get3A_859, %get3A_860] {strides = array<i32>} : memref<512x32xf32, #tpu.memory_space<vmem>>, vector<16xf32>,
          tpu.vector_store_idx %arg9[%add3A_99, %add3A_855], %get3A_861 : memref<32x129xf32, #tpu.memory_space<vmem>>[vector<16xi32>, vector<16xi32>], vector<16xf32>,
          %mul3A_862 = arith.constant 16 : i32
          %mul3A_863 = arith.muli %scan3A_676, %mul3A_862 : i32
          %add3A_864 = arith.constant 11 : i32
          %add3A_865 = arith.addi %mul3A_863, %add3A_864 : i32
          %mul3A_866 = arith.constant 128 : i32
          %mul3A_867 = arith.muli %add3A_500, %mul3A_866 : i32
          %add3A_868 = arith.addi %mul3A_867, %add3A_865 : i32
          %broadcast_in_dim3A_869 = arith.constant 0 : i32
          %broadcast_in_dim3A_870 = vector.broadcast %broadcast_in_dim3A_869 : i32 to vector<16xi32>
          %add3A_871 = vector.broadcast %add3A_865 : i32 to vector<16xi32>
          %add3A_872 = arith.addi %broadcast_in_dim3A_870, %add3A_871 : vector<16xi32>
          %get3A_873 = arith.index_cast %add3A_868 : i32 to index
          %get3A_874 = arith.constant 0 : index
          %get3A_875 = tpu.vector_load %arg8[%get3A_873, %get3A_874] {strides = array<i32>} : memref<512x32xf32, #tpu.memory_space<vmem>>, vector<16xf32>,
          tpu.vector_store_idx %arg9[%add3A_96, %add3A_872], %get3A_875 : memref<32x129xf32, #tpu.memory_space<vmem>>[vector<16xi32>, vector<16xi32>], vector<16xf32>,
          %get3A_876 = arith.index_cast %add3A_868 : i32 to index
          %get3A_877 = arith.constant 16 : index
          %get3A_878 = tpu.vector_load %arg8[%get3A_876, %get3A_877] {strides = array<i32>} : memref<512x32xf32, #tpu.memory_space<vmem>>, vector<16xf32>,
          tpu.vector_store_idx %arg9[%add3A_99, %add3A_872], %get3A_878 : memref<32x129xf32, #tpu.memory_space<vmem>>[vector<16xi32>, vector<16xi32>], vector<16xf32>,
          %mul3A_879 = arith.constant 16 : i32
          %mul3A_880 = arith.muli %scan3A_676, %mul3A_879 : i32
          %add3A_881 = arith.constant 12 : i32
          %add3A_882 = arith.addi %mul3A_880, %add3A_881 : i32
          %mul3A_883 = arith.constant 128 : i32
          %mul3A_884 = arith.muli %add3A_500, %mul3A_883 : i32
          %add3A_885 = arith.addi %mul3A_884, %add3A_882 : i32
          %broadcast_in_dim3A_886 = arith.constant 0 : i32
          %broadcast_in_dim3A_887 = vector.broadcast %broadcast_in_dim3A_886 : i32 to vector<16xi32>
          %add3A_888 = vector.broadcast %add3A_882 : i32 to vector<16xi32>
          %add3A_889 = arith.addi %broadcast_in_dim3A_887, %add3A_888 : vector<16xi32>
          %get3A_890 = arith.index_cast %add3A_885 : i32 to index
          %get3A_891 = arith.constant 0 : index
          %get3A_892 = tpu.vector_load %arg8[%get3A_890, %get3A_891] {strides = array<i32>} : memref<512x32xf32, #tpu.memory_space<vmem>>, vector<16xf32>,
          tpu.vector_store_idx %arg9[%add3A_96, %add3A_889], %get3A_892 : memref<32x129xf32, #tpu.memory_space<vmem>>[vector<16xi32>, vector<16xi32>], vector<16xf32>,
          %get3A_893 = arith.index_cast %add3A_885 : i32 to index
          %get3A_894 = arith.constant 16 : index
          %get3A_895 = tpu.vector_load %arg8[%get3A_893, %get3A_894] {strides = array<i32>} : memref<512x32xf32, #tpu.memory_space<vmem>>, vector<16xf32>,
          tpu.vector_store_idx %arg9[%add3A_99, %add3A_889], %get3A_895 : memref<32x129xf32, #tpu.memory_space<vmem>>[vector<16xi32>, vector<16xi32>], vector<16xf32>,
          %mul3A_896 = arith.constant 16 : i32
          %mul3A_897 = arith.muli %scan3A_676, %mul3A_896 : i32
          %add3A_898 = arith.constant 13 : i32
          %add3A_899 = arith.addi %mul3A_897, %add3A_898 : i32
          %mul3A_900 = arith.constant 128 : i32
          %mul3A_901 = arith.muli %add3A_500, %mul3A_900 : i32
          %add3A_902 = arith.addi %mul3A_901, %add3A_899 : i32
          %broadcast_in_dim3A_903 = arith.constant 0 : i32
          %broadcast_in_dim3A_904 = vector.broadcast %broadcast_in_dim3A_903 : i32 to vector<16xi32>
          %add3A_905 = vector.broadcast %add3A_899 : i32 to vector<16xi32>
          %add3A_906 = arith.addi %broadcast_in_dim3A_904, %add3A_905 : vector<16xi32>
          %get3A_907 = arith.index_cast %add3A_902 : i32 to index
          %get3A_908 = arith.constant 0 : index
          %get3A_909 = tpu.vector_load %arg8[%get3A_907, %get3A_908] {strides = array<i32>} : memref<512x32xf32, #tpu.memory_space<vmem>>, vector<16xf32>,
          tpu.vector_store_idx %arg9[%add3A_96, %add3A_906], %get3A_909 : memref<32x129xf32, #tpu.memory_space<vmem>>[vector<16xi32>, vector<16xi32>], vector<16xf32>,
          %get3A_910 = arith.index_cast %add3A_902 : i32 to index
          %get3A_911 = arith.constant 16 : index
          %get3A_912 = tpu.vector_load %arg8[%get3A_910, %get3A_911] {strides = array<i32>} : memref<512x32xf32, #tpu.memory_space<vmem>>, vector<16xf32>,
          tpu.vector_store_idx %arg9[%add3A_99, %add3A_906], %get3A_912 : memref<32x129xf32, #tpu.memory_space<vmem>>[vector<16xi32>, vector<16xi32>], vector<16xf32>,
          %mul3A_913 = arith.constant 16 : i32
          %mul3A_914 = arith.muli %scan3A_676, %mul3A_913 : i32
          %add3A_915 = arith.constant 14 : i32
          %add3A_916 = arith.addi %mul3A_914, %add3A_915 : i32
          %mul3A_917 = arith.constant 128 : i32
          %mul3A_918 = arith.muli %add3A_500, %mul3A_917 : i32
          %add3A_919 = arith.addi %mul3A_918, %add3A_916 : i32
          %broadcast_in_dim3A_920 = arith.constant 0 : i32
          %broadcast_in_dim3A_921 = vector.broadcast %broadcast_in_dim3A_920 : i32 to vector<16xi32>
          %add3A_922 = vector.broadcast %add3A_916 : i32 to vector<16xi32>
          %add3A_923 = arith.addi %broadcast_in_dim3A_921, %add3A_922 : vector<16xi32>
          %get3A_924 = arith.index_cast %add3A_919 : i32 to index
          %get3A_925 = arith.constant 0 : index
          %get3A_926 = tpu.vector_load %arg8[%get3A_924, %get3A_925] {strides = array<i32>} : memref<512x32xf32, #tpu.memory_space<vmem>>, vector<16xf32>,
          tpu.vector_store_idx %arg9[%add3A_96, %add3A_923], %get3A_926 : memref<32x129xf32, #tpu.memory_space<vmem>>[vector<16xi32>, vector<16xi32>], vector<16xf32>,
          %get3A_927 = arith.index_cast %add3A_919 : i32 to index
          %get3A_928 = arith.constant 16 : index
          %get3A_929 = tpu.vector_load %arg8[%get3A_927, %get3A_928] {strides = array<i32>} : memref<512x32xf32, #tpu.memory_space<vmem>>, vector<16xf32>,
          tpu.vector_store_idx %arg9[%add3A_99, %add3A_923], %get3A_929 : memref<32x129xf32, #tpu.memory_space<vmem>>[vector<16xi32>, vector<16xi32>], vector<16xf32>,
          %mul3A_930 = arith.constant 16 : i32
          %mul3A_931 = arith.muli %scan3A_676, %mul3A_930 : i32
          %add3A_932 = arith.constant 15 : i32
          %add3A_933 = arith.addi %mul3A_931, %add3A_932 : i32
          %mul3A_934 = arith.constant 128 : i32
          %mul3A_935 = arith.muli %add3A_500, %mul3A_934 : i32
          %add3A_936 = arith.addi %mul3A_935, %add3A_933 : i32
          %broadcast_in_dim3A_937 = arith.constant 0 : i32
          %broadcast_in_dim3A_938 = vector.broadcast %broadcast_in_dim3A_937 : i32 to vector<16xi32>
          %add3A_939 = vector.broadcast %add3A_933 : i32 to vector<16xi32>
          %add3A_940 = arith.addi %broadcast_in_dim3A_938, %add3A_939 : vector<16xi32>
          %get3A_941 = arith.index_cast %add3A_936 : i32 to index
          %get3A_942 = arith.constant 0 : index
          %get3A_943 = tpu.vector_load %arg8[%get3A_941, %get3A_942] {strides = array<i32>} : memref<512x32xf32, #tpu.memory_space<vmem>>, vector<16xf32>,
          tpu.vector_store_idx %arg9[%add3A_96, %add3A_940], %get3A_943 : memref<32x129xf32, #tpu.memory_space<vmem>>[vector<16xi32>, vector<16xi32>], vector<16xf32>,
          %get3A_944 = arith.index_cast %add3A_936 : i32 to index
          %get3A_945 = arith.constant 16 : index
          %get3A_946 = tpu.vector_load %arg8[%get3A_944, %get3A_945] {strides = array<i32>} : memref<512x32xf32, #tpu.memory_space<vmem>>, vector<16xf32>,
          tpu.vector_store_idx %arg9[%add3A_99, %add3A_940], %get3A_946 : memref<32x129xf32, #tpu.memory_space<vmem>>[vector<16xi32>, vector<16xi32>], vector<16xf32>,
        }
        %scan3A_513 = arith.constant 8 : i32
        %mul3A_514 = arith.constant 4 : i32
        %mul3A_515 = arith.muli %select_n3A_329, %mul3A_514 : i32
        %add3A_516 = arith.constant 0 : i32
        %add3A_517 = arith.addi %mul3A_515, %add3A_516 : i32
        %dma_start3A_518 = arith.constant 0 : i32
        %dma_start3A_519 = arith.constant 0 : i32
        %dma_start3A_520 = tpu.memref_slice %arg9[%dma_start3A_518, %dma_start3A_519] : memref<32x129xf32, #tpu.memory_space<vmem>> -> memref<8x128xf32, #tpu.memory_space<vmem>>
        %dma_start3A_521 = arith.constant 0 : i32
        %dma_start3A_522 = arith.constant 0 : i32
        %dma_start3A_523 = tpu.memref_slice %arg4[%add3A_517, %add3A_503, %dma_start3A_521, %dma_start3A_522] : memref<800x32x8x128xf32, #tpu.memory_space<hbm>> -> memref<1x1x8x128xf32, #tpu.memory_space<hbm>>
        %dma_start3A_524 = tpu.memref_squeeze %dma_start3A_523 : memref<1x1x8x128xf32, #tpu.memory_space<hbm>> -> memref<8x128xf32, #tpu.memory_space<hbm>>
        %dma_start3A_525 = arith.constant 0 : i32
        %dma_start3A_526 = arith.constant 0 : i32
        %dma_start3A_527 = tpu.memref_slice %arg4[%add3A_517, %add3A_503, %dma_start3A_525, %dma_start3A_526] : memref<800x32x8x128xf32, #tpu.memory_space<hbm>> -> memref<1x1x8x128xf32, #tpu.memory_space<hbm>>
        %dma_start3A_528 = tpu.memref_squeeze %dma_start3A_527 : memref<1x1x8x128xf32, #tpu.memory_space<hbm>> -> memref<8x128xf32, #tpu.memory_space<hbm>>
        %dma_start3A_529 = arith.constant 0 : i32
        %dma_start3A_530 = arith.constant 0 : i32
        %dma_start3A_531 = tpu.memref_slice %arg9[%dma_start3A_529, %dma_start3A_530] : memref<32x129xf32, #tpu.memory_space<vmem>> -> memref<8x128xf32, #tpu.memory_space<vmem>>
        tpu.enqueue_dma source(%dma_start3A_531 : memref<8x128xf32, #tpu.memory_space<vmem>>) target(%dma_start3A_528 : memref<8x128xf32, #tpu.memory_space<hbm>>) target_semaphore(%arg15 : memref<!tpu.dma_semaphore, #tpu.memory_space<semaphore_mem>>)
        %mul3A_532 = arith.constant 4 : i32
        %mul3A_533 = arith.muli %select_n3A_329, %mul3A_532 : i32
        %add3A_534 = arith.constant 1 : i32
        %add3A_535 = arith.addi %mul3A_533, %add3A_534 : i32
        %dma_start3A_536 = arith.constant 8 : i32
        %dma_start3A_537 = arith.constant 0 : i32
        %dma_start3A_538 = tpu.memref_slice %arg9[%dma_start3A_536, %dma_start3A_537] : memref<32x129xf32, #tpu.memory_space<vmem>> -> memref<8x128xf32, #tpu.memory_space<vmem>>
        %dma_start3A_539 = arith.constant 0 : i32
        %dma_start3A_540 = arith.constant 0 : i32
        %dma_start3A_541 = tpu.memref_slice %arg4[%add3A_535, %add3A_503, %dma_start3A_539, %dma_start3A_540] : memref<800x32x8x128xf32, #tpu.memory_space<hbm>> -> memref<1x1x8x128xf32, #tpu.memory_space<hbm>>
        %dma_start3A_542 = tpu.memref_squeeze %dma_start3A_541 : memref<1x1x8x128xf32, #tpu.memory_space<hbm>> -> memref<8x128xf32, #tpu.memory_space<hbm>>
        %dma_start3A_543 = arith.constant 0 : i32
        %dma_start3A_544 = arith.constant 0 : i32
        %dma_start3A_545 = tpu.memref_slice %arg4[%add3A_535, %add3A_503, %dma_start3A_543, %dma_start3A_544] : memref<800x32x8x128xf32, #tpu.memory_space<hbm>> -> memref<1x1x8x128xf32, #tpu.memory_space<hbm>>
        %dma_start3A_546 = tpu.memref_squeeze %dma_start3A_545 : memref<1x1x8x128xf32, #tpu.memory_space<hbm>> -> memref<8x128xf32, #tpu.memory_space<hbm>>
        %dma_start3A_547 = arith.constant 8 : i32
        %dma_start3A_548 = arith.constant 0 : i32
        %dma_start3A_549 = tpu.memref_slice %arg9[%dma_start3A_547, %dma_start3A_548] : memref<32x129xf32, #tpu.memory_space<vmem>> -> memref<8x128xf32, #tpu.memory_space<vmem>>
        tpu.enqueue_dma source(%dma_start3A_549 : memref<8x128xf32, #tpu.memory_space<vmem>>) target(%dma_start3A_546 : memref<8x128xf32, #tpu.memory_space<hbm>>) target_semaphore(%arg15 : memref<!tpu.dma_semaphore, #tpu.memory_space<semaphore_mem>>)
        %mul3A_550 = arith.constant 4 : i32
        %mul3A_551 = arith.muli %select_n3A_329, %mul3A_550 : i32
        %add3A_552 = arith.constant 2 : i32
        %add3A_553 = arith.addi %mul3A_551, %add3A_552 : i32
        %dma_start3A_554 = arith.constant 16 : i32
        %dma_start3A_555 = arith.constant 0 : i32
        %dma_start3A_556 = tpu.memref_slice %arg9[%dma_start3A_554, %dma_start3A_555] : memref<32x129xf32, #tpu.memory_space<vmem>> -> memref<8x128xf32, #tpu.memory_space<vmem>>
        %dma_start3A_557 = arith.constant 0 : i32
        %dma_start3A_558 = arith.constant 0 : i32
        %dma_start3A_559 = tpu.memref_slice %arg4[%add3A_553, %add3A_503, %dma_start3A_557, %dma_start3A_558] : memref<800x32x8x128xf32, #tpu.memory_space<hbm>> -> memref<1x1x8x128xf32, #tpu.memory_space<hbm>>
        %dma_start3A_560 = tpu.memref_squeeze %dma_start3A_559 : memref<1x1x8x128xf32, #tpu.memory_space<hbm>> -> memref<8x128xf32, #tpu.memory_space<hbm>>
        %dma_start3A_561 = arith.constant 0 : i32
        %dma_start3A_562 = arith.constant 0 : i32
        %dma_start3A_563 = tpu.memref_slice %arg4[%add3A_553, %add3A_503, %dma_start3A_561, %dma_start3A_562] : memref<800x32x8x128xf32, #tpu.memory_space<hbm>> -> memref<1x1x8x128xf32, #tpu.memory_space<hbm>>
        %dma_start3A_564 = tpu.memref_squeeze %dma_start3A_563 : memref<1x1x8x128xf32, #tpu.memory_space<hbm>> -> memref<8x128xf32, #tpu.memory_space<hbm>>
        %dma_start3A_565 = arith.constant 16 : i32
        %dma_start3A_566 = arith.constant 0 : i32
        %dma_start3A_567 = tpu.memref_slice %arg9[%dma_start3A_565, %dma_start3A_566] : memref<32x129xf32, #tpu.memory_space<vmem>> -> memref<8x128xf32, #tpu.memory_space<vmem>>
        tpu.enqueue_dma source(%dma_start3A_567 : memref<8x128xf32, #tpu.memory_space<vmem>>) target(%dma_start3A_564 : memref<8x128xf32, #tpu.memory_space<hbm>>) target_semaphore(%arg15 : memref<!tpu.dma_semaphore, #tpu.memory_space<semaphore_mem>>)
        %mul3A_568 = arith.constant 4 : i32
        %mul3A_569 = arith.muli %select_n3A_329, %mul3A_568 : i32
        %add3A_570 = arith.constant 3 : i32
        %add3A_571 = arith.addi %mul3A_569, %add3A_570 : i32
        %dma_start3A_572 = arith.constant 24 : i32
        %dma_start3A_573 = arith.constant 0 : i32
        %dma_start3A_574 = tpu.memref_slice %arg9[%dma_start3A_572, %dma_start3A_573] : memref<32x129xf32, #tpu.memory_space<vmem>> -> memref<8x128xf32, #tpu.memory_space<vmem>>
        %dma_start3A_575 = arith.constant 0 : i32
        %dma_start3A_576 = arith.constant 0 : i32
        %dma_start3A_577 = tpu.memref_slice %arg4[%add3A_571, %add3A_503, %dma_start3A_575, %dma_start3A_576] : memref<800x32x8x128xf32, #tpu.memory_space<hbm>> -> memref<1x1x8x128xf32, #tpu.memory_space<hbm>>
        %dma_start3A_578 = tpu.memref_squeeze %dma_start3A_577 : memref<1x1x8x128xf32, #tpu.memory_space<hbm>> -> memref<8x128xf32, #tpu.memory_space<hbm>>
        %dma_start3A_579 = arith.constant 0 : i32
        %dma_start3A_580 = arith.constant 0 : i32
        %dma_start3A_581 = tpu.memref_slice %arg4[%add3A_571, %add3A_503, %dma_start3A_579, %dma_start3A_580] : memref<800x32x8x128xf32, #tpu.memory_space<hbm>> -> memref<1x1x8x128xf32, #tpu.memory_space<hbm>>
        %dma_start3A_582 = tpu.memref_squeeze %dma_start3A_581 : memref<1x1x8x128xf32, #tpu.memory_space<hbm>> -> memref<8x128xf32, #tpu.memory_space<hbm>>
        %dma_start3A_583 = arith.constant 24 : i32
        %dma_start3A_584 = arith.constant 0 : i32
        %dma_start3A_585 = tpu.memref_slice %arg9[%dma_start3A_583, %dma_start3A_584] : memref<32x129xf32, #tpu.memory_space<vmem>> -> memref<8x128xf32, #tpu.memory_space<vmem>>
        tpu.enqueue_dma source(%dma_start3A_585 : memref<8x128xf32, #tpu.memory_space<vmem>>) target(%dma_start3A_582 : memref<8x128xf32, #tpu.memory_space<hbm>>) target_semaphore(%arg15 : memref<!tpu.dma_semaphore, #tpu.memory_space<semaphore_mem>>)
        %mul3A_586 = arith.constant 2 : i32
        %mul3A_587 = arith.muli %scan3A_496, %mul3A_586 : i32
        %add3A_588 = arith.constant 1 : i32
        %add3A_589 = arith.addi %mul3A_587, %add3A_588 : i32
        %mul3A_590 = arith.constant 4 : i32
        %mul3A_591 = arith.muli %select_n3A_345, %mul3A_590 : i32
        %add3A_592 = arith.addi %mul3A_591, %add3A_589 : i32
        %gt3A_593 = arith.constant 0 : i32
        %gt3A_594 = arith.cmpi sgt, %scan3A_496, %gt3A_593 : i32
        %convert_element_type3A_595 = arith.extui %gt3A_594 : i1 to i32
        %cond3A_596 = arith.constant 0 : i32
        %cond3A_597 = arith.cmpi ne, %convert_element_type3A_595, %cond3A_596 : i32
        scf.if %cond3A_597 {
          %dma_wait3A_676 = arith.constant 0 : i32
          %dma_wait3A_677 = arith.constant 0 : i32
          %dma_wait3A_678 = arith.constant 0 : i32
          %dma_wait3A_679 = arith.constant 0 : i32
          %dma_wait3A_680 = tpu.memref_slice %arg9[%dma_wait3A_678, %dma_wait3A_679] : memref<32x129xf32, #tpu.memory_space<vmem>> -> memref<8x128xf32, #tpu.memory_space<vmem>>
          %dma_wait3A_681 = arith.constant 0 : i32
          %dma_wait3A_682 = arith.constant 0 : i32
          %dma_wait3A_683 = tpu.memref_slice %arg4[%dma_wait3A_676, %dma_wait3A_677, %dma_wait3A_681, %dma_wait3A_682] : memref<800x32x8x128xf32, #tpu.memory_space<hbm>> -> memref<1x1x8x128xf32, #tpu.memory_space<hbm>>
          %dma_wait3A_684 = tpu.memref_squeeze %dma_wait3A_683 : memref<1x1x8x128xf32, #tpu.memory_space<hbm>> -> memref<8x128xf32, #tpu.memory_space<hbm>>
          %dma_wait3A_685 = arith.constant 0 : i32
          %dma_wait3A_686 = arith.constant 0 : i32
          %dma_wait3A_687 = tpu.memref_slice %arg4[%dma_wait3A_676, %dma_wait3A_677, %dma_wait3A_685, %dma_wait3A_686] : memref<800x32x8x128xf32, #tpu.memory_space<hbm>> -> memref<1x1x8x128xf32, #tpu.memory_space<hbm>>
          %dma_wait3A_688 = tpu.memref_squeeze %dma_wait3A_687 : memref<1x1x8x128xf32, #tpu.memory_space<hbm>> -> memref<8x128xf32, #tpu.memory_space<hbm>>
          %dma_wait3A_689 = arith.constant 0 : i32
          %dma_wait3A_690 = arith.constant 0 : i32
          %dma_wait3A_691 = tpu.memref_slice %arg9[%dma_wait3A_689, %dma_wait3A_690] : memref<32x129xf32, #tpu.memory_space<vmem>> -> memref<8x128xf32, #tpu.memory_space<vmem>>
          tpu.wait_dma2 semaphore(%arg15 : memref<!tpu.dma_semaphore, #tpu.memory_space<semaphore_mem>>) src(%dma_wait3A_691 : memref<8x128xf32, #tpu.memory_space<vmem>>) dst(%dma_wait3A_688 : memref<8x128xf32, #tpu.memory_space<hbm>>)
          %dma_wait3A_692 = arith.constant 0 : i32
          %dma_wait3A_693 = arith.constant 0 : i32
          %dma_wait3A_694 = arith.constant 0 : i32
          %dma_wait3A_695 = arith.constant 0 : i32
          %dma_wait3A_696 = tpu.memref_slice %arg9[%dma_wait3A_694, %dma_wait3A_695] : memref<32x129xf32, #tpu.memory_space<vmem>> -> memref<8x128xf32, #tpu.memory_space<vmem>>
          %dma_wait3A_697 = arith.constant 0 : i32
          %dma_wait3A_698 = arith.constant 0 : i32
          %dma_wait3A_699 = tpu.memref_slice %arg4[%dma_wait3A_692, %dma_wait3A_693, %dma_wait3A_697, %dma_wait3A_698] : memref<800x32x8x128xf32, #tpu.memory_space<hbm>> -> memref<1x1x8x128xf32, #tpu.memory_space<hbm>>
          %dma_wait3A_700 = tpu.memref_squeeze %dma_wait3A_699 : memref<1x1x8x128xf32, #tpu.memory_space<hbm>> -> memref<8x128xf32, #tpu.memory_space<hbm>>
          %dma_wait3A_701 = arith.constant 0 : i32
          %dma_wait3A_702 = arith.constant 0 : i32
          %dma_wait3A_703 = tpu.memref_slice %arg4[%dma_wait3A_692, %dma_wait3A_693, %dma_wait3A_701, %dma_wait3A_702] : memref<800x32x8x128xf32, #tpu.memory_space<hbm>> -> memref<1x1x8x128xf32, #tpu.memory_space<hbm>>
          %dma_wait3A_704 = tpu.memref_squeeze %dma_wait3A_703 : memref<1x1x8x128xf32, #tpu.memory_space<hbm>> -> memref<8x128xf32, #tpu.memory_space<hbm>>
          %dma_wait3A_705 = arith.constant 0 : i32
          %dma_wait3A_706 = arith.constant 0 : i32
          %dma_wait3A_707 = tpu.memref_slice %arg9[%dma_wait3A_705, %dma_wait3A_706] : memref<32x129xf32, #tpu.memory_space<vmem>> -> memref<8x128xf32, #tpu.memory_space<vmem>>
          tpu.wait_dma2 semaphore(%arg15 : memref<!tpu.dma_semaphore, #tpu.memory_space<semaphore_mem>>) src(%dma_wait3A_707 : memref<8x128xf32, #tpu.memory_space<vmem>>) dst(%dma_wait3A_704 : memref<8x128xf32, #tpu.memory_space<hbm>>)
          %dma_wait3A_708 = arith.constant 0 : i32
          %dma_wait3A_709 = arith.constant 0 : i32
          %dma_wait3A_710 = arith.constant 0 : i32
          %dma_wait3A_711 = arith.constant 0 : i32
          %dma_wait3A_712 = tpu.memref_slice %arg9[%dma_wait3A_710, %dma_wait3A_711] : memref<32x129xf32, #tpu.memory_space<vmem>> -> memref<8x128xf32, #tpu.memory_space<vmem>>
          %dma_wait3A_713 = arith.constant 0 : i32
          %dma_wait3A_714 = arith.constant 0 : i32
          %dma_wait3A_715 = tpu.memref_slice %arg4[%dma_wait3A_708, %dma_wait3A_709, %dma_wait3A_713, %dma_wait3A_714] : memref<800x32x8x128xf32, #tpu.memory_space<hbm>> -> memref<1x1x8x128xf32, #tpu.memory_space<hbm>>
          %dma_wait3A_716 = tpu.memref_squeeze %dma_wait3A_715 : memref<1x1x8x128xf32, #tpu.memory_space<hbm>> -> memref<8x128xf32, #tpu.memory_space<hbm>>
          %dma_wait3A_717 = arith.constant 0 : i32
          %dma_wait3A_718 = arith.constant 0 : i32
          %dma_wait3A_719 = tpu.memref_slice %arg4[%dma_wait3A_708, %dma_wait3A_709, %dma_wait3A_717, %dma_wait3A_718] : memref<800x32x8x128xf32, #tpu.memory_space<hbm>> -> memref<1x1x8x128xf32, #tpu.memory_space<hbm>>
          %dma_wait3A_720 = tpu.memref_squeeze %dma_wait3A_719 : memref<1x1x8x128xf32, #tpu.memory_space<hbm>> -> memref<8x128xf32, #tpu.memory_space<hbm>>
          %dma_wait3A_721 = arith.constant 0 : i32
          %dma_wait3A_722 = arith.constant 0 : i32
          %dma_wait3A_723 = tpu.memref_slice %arg9[%dma_wait3A_721, %dma_wait3A_722] : memref<32x129xf32, #tpu.memory_space<vmem>> -> memref<8x128xf32, #tpu.memory_space<vmem>>
          tpu.wait_dma2 semaphore(%arg15 : memref<!tpu.dma_semaphore, #tpu.memory_space<semaphore_mem>>) src(%dma_wait3A_723 : memref<8x128xf32, #tpu.memory_space<vmem>>) dst(%dma_wait3A_720 : memref<8x128xf32, #tpu.memory_space<hbm>>)
          %dma_wait3A_724 = arith.constant 0 : i32
          %dma_wait3A_725 = arith.constant 0 : i32
          %dma_wait3A_726 = arith.constant 0 : i32
          %dma_wait3A_727 = arith.constant 0 : i32
          %dma_wait3A_728 = tpu.memref_slice %arg9[%dma_wait3A_726, %dma_wait3A_727] : memref<32x129xf32, #tpu.memory_space<vmem>> -> memref<8x128xf32, #tpu.memory_space<vmem>>
          %dma_wait3A_729 = arith.constant 0 : i32
          %dma_wait3A_730 = arith.constant 0 : i32
          %dma_wait3A_731 = tpu.memref_slice %arg4[%dma_wait3A_724, %dma_wait3A_725, %dma_wait3A_729, %dma_wait3A_730] : memref<800x32x8x128xf32, #tpu.memory_space<hbm>> -> memref<1x1x8x128xf32, #tpu.memory_space<hbm>>
          %dma_wait3A_732 = tpu.memref_squeeze %dma_wait3A_731 : memref<1x1x8x128xf32, #tpu.memory_space<hbm>> -> memref<8x128xf32, #tpu.memory_space<hbm>>
          %dma_wait3A_733 = arith.constant 0 : i32
          %dma_wait3A_734 = arith.constant 0 : i32
          %dma_wait3A_735 = tpu.memref_slice %arg4[%dma_wait3A_724, %dma_wait3A_725, %dma_wait3A_733, %dma_wait3A_734] : memref<800x32x8x128xf32, #tpu.memory_space<hbm>> -> memref<1x1x8x128xf32, #tpu.memory_space<hbm>>
          %dma_wait3A_736 = tpu.memref_squeeze %dma_wait3A_735 : memref<1x1x8x128xf32, #tpu.memory_space<hbm>> -> memref<8x128xf32, #tpu.memory_space<hbm>>
          %dma_wait3A_737 = arith.constant 0 : i32
          %dma_wait3A_738 = arith.constant 0 : i32
          %dma_wait3A_739 = tpu.memref_slice %arg9[%dma_wait3A_737, %dma_wait3A_738] : memref<32x129xf32, #tpu.memory_space<vmem>> -> memref<8x128xf32, #tpu.memory_space<vmem>>
          tpu.wait_dma2 semaphore(%arg15 : memref<!tpu.dma_semaphore, #tpu.memory_space<semaphore_mem>>) src(%dma_wait3A_739 : memref<8x128xf32, #tpu.memory_space<vmem>>) dst(%dma_wait3A_736 : memref<8x128xf32, #tpu.memory_space<hbm>>)
        } else {
        }
        %scan3A_598 = arith.constant 0 : i32
        %scan3A_599 = arith.constant 0 : i32
        %scan3A_600 = arith.constant 8 : i32
        %scan3A_601 = arith.addi %scan3A_599, %scan3A_600 : i32
        %scan3A_602 = arith.constant 1 : i32
        scf.for %scan3A_676 = %scan3A_599 to %scan3A_601 step %scan3A_602  : i32 {
          %mul3A_677 = arith.constant 16 : i32
          %mul3A_678 = arith.muli %scan3A_676, %mul3A_677 : i32
          %add3A_679 = arith.constant 0 : i32
          %add3A_680 = arith.addi %mul3A_678, %add3A_679 : i32
          %mul3A_681 = arith.constant 128 : i32
          %mul3A_682 = arith.muli %add3A_589, %mul3A_681 : i32
          %add3A_683 = arith.addi %mul3A_682, %add3A_680 : i32
          %broadcast_in_dim3A = arith.constant 0 : i32
          %broadcast_in_dim3A_684 = vector.broadcast %broadcast_in_dim3A : i32 to vector<16xi32>
          %add3A_685 = vector.broadcast %add3A_680 : i32 to vector<16xi32>
          %add3A_686 = arith.addi %broadcast_in_dim3A_684, %add3A_685 : vector<16xi32>
          %get3A = arith.index_cast %add3A_683 : i32 to index
          %get3A_687 = arith.constant 0 : index
          %get3A_688 = tpu.vector_load %arg8[%get3A, %get3A_687] {strides = array<i32>} : memref<512x32xf32, #tpu.memory_space<vmem>>, vector<16xf32>,
          tpu.vector_store_idx %arg10[%add3A_96, %add3A_686], %get3A_688 : memref<32x129xf32, #tpu.memory_space<vmem>>[vector<16xi32>, vector<16xi32>], vector<16xf32>,
          %get3A_689 = arith.index_cast %add3A_683 : i32 to index
          %get3A_690 = arith.constant 16 : index
          %get3A_691 = tpu.vector_load %arg8[%get3A_689, %get3A_690] {strides = array<i32>} : memref<512x32xf32, #tpu.memory_space<vmem>>, vector<16xf32>,
          tpu.vector_store_idx %arg10[%add3A_99, %add3A_686], %get3A_691 : memref<32x129xf32, #tpu.memory_space<vmem>>[vector<16xi32>, vector<16xi32>], vector<16xf32>,
          %mul3A_692 = arith.constant 16 : i32
          %mul3A_693 = arith.muli %scan3A_676, %mul3A_692 : i32
          %add3A_694 = arith.constant 1 : i32
          %add3A_695 = arith.addi %mul3A_693, %add3A_694 : i32
          %mul3A_696 = arith.constant 128 : i32
          %mul3A_697 = arith.muli %add3A_589, %mul3A_696 : i32
          %add3A_698 = arith.addi %mul3A_697, %add3A_695 : i32
          %broadcast_in_dim3A_699 = arith.constant 0 : i32
          %broadcast_in_dim3A_700 = vector.broadcast %broadcast_in_dim3A_699 : i32 to vector<16xi32>
          %add3A_701 = vector.broadcast %add3A_695 : i32 to vector<16xi32>
          %add3A_702 = arith.addi %broadcast_in_dim3A_700, %add3A_701 : vector<16xi32>
          %get3A_703 = arith.index_cast %add3A_698 : i32 to index
          %get3A_704 = arith.constant 0 : index
          %get3A_705 = tpu.vector_load %arg8[%get3A_703, %get3A_704] {strides = array<i32>} : memref<512x32xf32, #tpu.memory_space<vmem>>, vector<16xf32>,
          tpu.vector_store_idx %arg10[%add3A_96, %add3A_702], %get3A_705 : memref<32x129xf32, #tpu.memory_space<vmem>>[vector<16xi32>, vector<16xi32>], vector<16xf32>,
          %get3A_706 = arith.index_cast %add3A_698 : i32 to index
          %get3A_707 = arith.constant 16 : index
          %get3A_708 = tpu.vector_load %arg8[%get3A_706, %get3A_707] {strides = array<i32>} : memref<512x32xf32, #tpu.memory_space<vmem>>, vector<16xf32>,
          tpu.vector_store_idx %arg10[%add3A_99, %add3A_702], %get3A_708 : memref<32x129xf32, #tpu.memory_space<vmem>>[vector<16xi32>, vector<16xi32>], vector<16xf32>,
          %mul3A_709 = arith.constant 16 : i32
          %mul3A_710 = arith.muli %scan3A_676, %mul3A_709 : i32
          %add3A_711 = arith.constant 2 : i32
          %add3A_712 = arith.addi %mul3A_710, %add3A_711 : i32
          %mul3A_713 = arith.constant 128 : i32
          %mul3A_714 = arith.muli %add3A_589, %mul3A_713 : i32
          %add3A_715 = arith.addi %mul3A_714, %add3A_712 : i32
          %broadcast_in_dim3A_716 = arith.constant 0 : i32
          %broadcast_in_dim3A_717 = vector.broadcast %broadcast_in_dim3A_716 : i32 to vector<16xi32>
          %add3A_718 = vector.broadcast %add3A_712 : i32 to vector<16xi32>
          %add3A_719 = arith.addi %broadcast_in_dim3A_717, %add3A_718 : vector<16xi32>
          %get3A_720 = arith.index_cast %add3A_715 : i32 to index
          %get3A_721 = arith.constant 0 : index
          %get3A_722 = tpu.vector_load %arg8[%get3A_720, %get3A_721] {strides = array<i32>} : memref<512x32xf32, #tpu.memory_space<vmem>>, vector<16xf32>,
          tpu.vector_store_idx %arg10[%add3A_96, %add3A_719], %get3A_722 : memref<32x129xf32, #tpu.memory_space<vmem>>[vector<16xi32>, vector<16xi32>], vector<16xf32>,
          %get3A_723 = arith.index_cast %add3A_715 : i32 to index
          %get3A_724 = arith.constant 16 : index
          %get3A_725 = tpu.vector_load %arg8[%get3A_723, %get3A_724] {strides = array<i32>} : memref<512x32xf32, #tpu.memory_space<vmem>>, vector<16xf32>,
          tpu.vector_store_idx %arg10[%add3A_99, %add3A_719], %get3A_725 : memref<32x129xf32, #tpu.memory_space<vmem>>[vector<16xi32>, vector<16xi32>], vector<16xf32>,
          %mul3A_726 = arith.constant 16 : i32
          %mul3A_727 = arith.muli %scan3A_676, %mul3A_726 : i32
          %add3A_728 = arith.constant 3 : i32
          %add3A_729 = arith.addi %mul3A_727, %add3A_728 : i32
          %mul3A_730 = arith.constant 128 : i32
          %mul3A_731 = arith.muli %add3A_589, %mul3A_730 : i32
          %add3A_732 = arith.addi %mul3A_731, %add3A_729 : i32
          %broadcast_in_dim3A_733 = arith.constant 0 : i32
          %broadcast_in_dim3A_734 = vector.broadcast %broadcast_in_dim3A_733 : i32 to vector<16xi32>
          %add3A_735 = vector.broadcast %add3A_729 : i32 to vector<16xi32>
          %add3A_736 = arith.addi %broadcast_in_dim3A_734, %add3A_735 : vector<16xi32>
          %get3A_737 = arith.index_cast %add3A_732 : i32 to index
          %get3A_738 = arith.constant 0 : index
          %get3A_739 = tpu.vector_load %arg8[%get3A_737, %get3A_738] {strides = array<i32>} : memref<512x32xf32, #tpu.memory_space<vmem>>, vector<16xf32>,
          tpu.vector_store_idx %arg10[%add3A_96, %add3A_736], %get3A_739 : memref<32x129xf32, #tpu.memory_space<vmem>>[vector<16xi32>, vector<16xi32>], vector<16xf32>,
          %get3A_740 = arith.index_cast %add3A_732 : i32 to index
          %get3A_741 = arith.constant 16 : index
          %get3A_742 = tpu.vector_load %arg8[%get3A_740, %get3A_741] {strides = array<i32>} : memref<512x32xf32, #tpu.memory_space<vmem>>, vector<16xf32>,
          tpu.vector_store_idx %arg10[%add3A_99, %add3A_736], %get3A_742 : memref<32x129xf32, #tpu.memory_space<vmem>>[vector<16xi32>, vector<16xi32>], vector<16xf32>,
          %mul3A_743 = arith.constant 16 : i32
          %mul3A_744 = arith.muli %scan3A_676, %mul3A_743 : i32
          %add3A_745 = arith.constant 4 : i32
          %add3A_746 = arith.addi %mul3A_744, %add3A_745 : i32
          %mul3A_747 = arith.constant 128 : i32
          %mul3A_748 = arith.muli %add3A_589, %mul3A_747 : i32
          %add3A_749 = arith.addi %mul3A_748, %add3A_746 : i32
          %broadcast_in_dim3A_750 = arith.constant 0 : i32
          %broadcast_in_dim3A_751 = vector.broadcast %broadcast_in_dim3A_750 : i32 to vector<16xi32>
          %add3A_752 = vector.broadcast %add3A_746 : i32 to vector<16xi32>
          %add3A_753 = arith.addi %broadcast_in_dim3A_751, %add3A_752 : vector<16xi32>
          %get3A_754 = arith.index_cast %add3A_749 : i32 to index
          %get3A_755 = arith.constant 0 : index
          %get3A_756 = tpu.vector_load %arg8[%get3A_754, %get3A_755] {strides = array<i32>} : memref<512x32xf32, #tpu.memory_space<vmem>>, vector<16xf32>,
          tpu.vector_store_idx %arg10[%add3A_96, %add3A_753], %get3A_756 : memref<32x129xf32, #tpu.memory_space<vmem>>[vector<16xi32>, vector<16xi32>], vector<16xf32>,
          %get3A_757 = arith.index_cast %add3A_749 : i32 to index
          %get3A_758 = arith.constant 16 : index
          %get3A_759 = tpu.vector_load %arg8[%get3A_757, %get3A_758] {strides = array<i32>} : memref<512x32xf32, #tpu.memory_space<vmem>>, vector<16xf32>,
          tpu.vector_store_idx %arg10[%add3A_99, %add3A_753], %get3A_759 : memref<32x129xf32, #tpu.memory_space<vmem>>[vector<16xi32>, vector<16xi32>], vector<16xf32>,
          %mul3A_760 = arith.constant 16 : i32
          %mul3A_761 = arith.muli %scan3A_676, %mul3A_760 : i32
          %add3A_762 = arith.constant 5 : i32
          %add3A_763 = arith.addi %mul3A_761, %add3A_762 : i32
          %mul3A_764 = arith.constant 128 : i32
          %mul3A_765 = arith.muli %add3A_589, %mul3A_764 : i32
          %add3A_766 = arith.addi %mul3A_765, %add3A_763 : i32
          %broadcast_in_dim3A_767 = arith.constant 0 : i32
          %broadcast_in_dim3A_768 = vector.broadcast %broadcast_in_dim3A_767 : i32 to vector<16xi32>
          %add3A_769 = vector.broadcast %add3A_763 : i32 to vector<16xi32>
          %add3A_770 = arith.addi %broadcast_in_dim3A_768, %add3A_769 : vector<16xi32>
          %get3A_771 = arith.index_cast %add3A_766 : i32 to index
          %get3A_772 = arith.constant 0 : index
          %get3A_773 = tpu.vector_load %arg8[%get3A_771, %get3A_772] {strides = array<i32>} : memref<512x32xf32, #tpu.memory_space<vmem>>, vector<16xf32>,
          tpu.vector_store_idx %arg10[%add3A_96, %add3A_770], %get3A_773 : memref<32x129xf32, #tpu.memory_space<vmem>>[vector<16xi32>, vector<16xi32>], vector<16xf32>,
          %get3A_774 = arith.index_cast %add3A_766 : i32 to index
          %get3A_775 = arith.constant 16 : index
          %get3A_776 = tpu.vector_load %arg8[%get3A_774, %get3A_775] {strides = array<i32>} : memref<512x32xf32, #tpu.memory_space<vmem>>, vector<16xf32>,
          tpu.vector_store_idx %arg10[%add3A_99, %add3A_770], %get3A_776 : memref<32x129xf32, #tpu.memory_space<vmem>>[vector<16xi32>, vector<16xi32>], vector<16xf32>,
          %mul3A_777 = arith.constant 16 : i32
          %mul3A_778 = arith.muli %scan3A_676, %mul3A_777 : i32
          %add3A_779 = arith.constant 6 : i32
          %add3A_780 = arith.addi %mul3A_778, %add3A_779 : i32
          %mul3A_781 = arith.constant 128 : i32
          %mul3A_782 = arith.muli %add3A_589, %mul3A_781 : i32
          %add3A_783 = arith.addi %mul3A_782, %add3A_780 : i32
          %broadcast_in_dim3A_784 = arith.constant 0 : i32
          %broadcast_in_dim3A_785 = vector.broadcast %broadcast_in_dim3A_784 : i32 to vector<16xi32>
          %add3A_786 = vector.broadcast %add3A_780 : i32 to vector<16xi32>
          %add3A_787 = arith.addi %broadcast_in_dim3A_785, %add3A_786 : vector<16xi32>
          %get3A_788 = arith.index_cast %add3A_783 : i32 to index
          %get3A_789 = arith.constant 0 : index
          %get3A_790 = tpu.vector_load %arg8[%get3A_788, %get3A_789] {strides = array<i32>} : memref<512x32xf32, #tpu.memory_space<vmem>>, vector<16xf32>,
          tpu.vector_store_idx %arg10[%add3A_96, %add3A_787], %get3A_790 : memref<32x129xf32, #tpu.memory_space<vmem>>[vector<16xi32>, vector<16xi32>], vector<16xf32>,
          %get3A_791 = arith.index_cast %add3A_783 : i32 to index
          %get3A_792 = arith.constant 16 : index
          %get3A_793 = tpu.vector_load %arg8[%get3A_791, %get3A_792] {strides = array<i32>} : memref<512x32xf32, #tpu.memory_space<vmem>>, vector<16xf32>,
          tpu.vector_store_idx %arg10[%add3A_99, %add3A_787], %get3A_793 : memref<32x129xf32, #tpu.memory_space<vmem>>[vector<16xi32>, vector<16xi32>], vector<16xf32>,
          %mul3A_794 = arith.constant 16 : i32
          %mul3A_795 = arith.muli %scan3A_676, %mul3A_794 : i32
          %add3A_796 = arith.constant 7 : i32
          %add3A_797 = arith.addi %mul3A_795, %add3A_796 : i32
          %mul3A_798 = arith.constant 128 : i32
          %mul3A_799 = arith.muli %add3A_589, %mul3A_798 : i32
          %add3A_800 = arith.addi %mul3A_799, %add3A_797 : i32
          %broadcast_in_dim3A_801 = arith.constant 0 : i32
          %broadcast_in_dim3A_802 = vector.broadcast %broadcast_in_dim3A_801 : i32 to vector<16xi32>
          %add3A_803 = vector.broadcast %add3A_797 : i32 to vector<16xi32>
          %add3A_804 = arith.addi %broadcast_in_dim3A_802, %add3A_803 : vector<16xi32>
          %get3A_805 = arith.index_cast %add3A_800 : i32 to index
          %get3A_806 = arith.constant 0 : index
          %get3A_807 = tpu.vector_load %arg8[%get3A_805, %get3A_806] {strides = array<i32>} : memref<512x32xf32, #tpu.memory_space<vmem>>, vector<16xf32>,
          tpu.vector_store_idx %arg10[%add3A_96, %add3A_804], %get3A_807 : memref<32x129xf32, #tpu.memory_space<vmem>>[vector<16xi32>, vector<16xi32>], vector<16xf32>,
          %get3A_808 = arith.index_cast %add3A_800 : i32 to index
          %get3A_809 = arith.constant 16 : index
          %get3A_810 = tpu.vector_load %arg8[%get3A_808, %get3A_809] {strides = array<i32>} : memref<512x32xf32, #tpu.memory_space<vmem>>, vector<16xf32>,
          tpu.vector_store_idx %arg10[%add3A_99, %add3A_804], %get3A_810 : memref<32x129xf32, #tpu.memory_space<vmem>>[vector<16xi32>, vector<16xi32>], vector<16xf32>,
          %mul3A_811 = arith.constant 16 : i32
          %mul3A_812 = arith.muli %scan3A_676, %mul3A_811 : i32
          %add3A_813 = arith.constant 8 : i32
          %add3A_814 = arith.addi %mul3A_812, %add3A_813 : i32
          %mul3A_815 = arith.constant 128 : i32
          %mul3A_816 = arith.muli %add3A_589, %mul3A_815 : i32
          %add3A_817 = arith.addi %mul3A_816, %add3A_814 : i32
          %broadcast_in_dim3A_818 = arith.constant 0 : i32
          %broadcast_in_dim3A_819 = vector.broadcast %broadcast_in_dim3A_818 : i32 to vector<16xi32>
          %add3A_820 = vector.broadcast %add3A_814 : i32 to vector<16xi32>
          %add3A_821 = arith.addi %broadcast_in_dim3A_819, %add3A_820 : vector<16xi32>
          %get3A_822 = arith.index_cast %add3A_817 : i32 to index
          %get3A_823 = arith.constant 0 : index
          %get3A_824 = tpu.vector_load %arg8[%get3A_822, %get3A_823] {strides = array<i32>} : memref<512x32xf32, #tpu.memory_space<vmem>>, vector<16xf32>,
          tpu.vector_store_idx %arg10[%add3A_96, %add3A_821], %get3A_824 : memref<32x129xf32, #tpu.memory_space<vmem>>[vector<16xi32>, vector<16xi32>], vector<16xf32>,
          %get3A_825 = arith.index_cast %add3A_817 : i32 to index
          %get3A_826 = arith.constant 16 : index
          %get3A_827 = tpu.vector_load %arg8[%get3A_825, %get3A_826] {strides = array<i32>} : memref<512x32xf32, #tpu.memory_space<vmem>>, vector<16xf32>,
          tpu.vector_store_idx %arg10[%add3A_99, %add3A_821], %get3A_827 : memref<32x129xf32, #tpu.memory_space<vmem>>[vector<16xi32>, vector<16xi32>], vector<16xf32>,
          %mul3A_828 = arith.constant 16 : i32
          %mul3A_829 = arith.muli %scan3A_676, %mul3A_828 : i32
          %add3A_830 = arith.constant 9 : i32
          %add3A_831 = arith.addi %mul3A_829, %add3A_830 : i32
          %mul3A_832 = arith.constant 128 : i32
          %mul3A_833 = arith.muli %add3A_589, %mul3A_832 : i32
          %add3A_834 = arith.addi %mul3A_833, %add3A_831 : i32
          %broadcast_in_dim3A_835 = arith.constant 0 : i32
          %broadcast_in_dim3A_836 = vector.broadcast %broadcast_in_dim3A_835 : i32 to vector<16xi32>
          %add3A_837 = vector.broadcast %add3A_831 : i32 to vector<16xi32>
          %add3A_838 = arith.addi %broadcast_in_dim3A_836, %add3A_837 : vector<16xi32>
          %get3A_839 = arith.index_cast %add3A_834 : i32 to index
          %get3A_840 = arith.constant 0 : index
          %get3A_841 = tpu.vector_load %arg8[%get3A_839, %get3A_840] {strides = array<i32>} : memref<512x32xf32, #tpu.memory_space<vmem>>, vector<16xf32>,
          tpu.vector_store_idx %arg10[%add3A_96, %add3A_838], %get3A_841 : memref<32x129xf32, #tpu.memory_space<vmem>>[vector<16xi32>, vector<16xi32>], vector<16xf32>,
          %get3A_842 = arith.index_cast %add3A_834 : i32 to index
          %get3A_843 = arith.constant 16 : index
          %get3A_844 = tpu.vector_load %arg8[%get3A_842, %get3A_843] {strides = array<i32>} : memref<512x32xf32, #tpu.memory_space<vmem>>, vector<16xf32>,
          tpu.vector_store_idx %arg10[%add3A_99, %add3A_838], %get3A_844 : memref<32x129xf32, #tpu.memory_space<vmem>>[vector<16xi32>, vector<16xi32>], vector<16xf32>,
          %mul3A_845 = arith.constant 16 : i32
          %mul3A_846 = arith.muli %scan3A_676, %mul3A_845 : i32
          %add3A_847 = arith.constant 10 : i32
          %add3A_848 = arith.addi %mul3A_846, %add3A_847 : i32
          %mul3A_849 = arith.constant 128 : i32
          %mul3A_850 = arith.muli %add3A_589, %mul3A_849 : i32
          %add3A_851 = arith.addi %mul3A_850, %add3A_848 : i32
          %broadcast_in_dim3A_852 = arith.constant 0 : i32
          %broadcast_in_dim3A_853 = vector.broadcast %broadcast_in_dim3A_852 : i32 to vector<16xi32>
          %add3A_854 = vector.broadcast %add3A_848 : i32 to vector<16xi32>
          %add3A_855 = arith.addi %broadcast_in_dim3A_853, %add3A_854 : vector<16xi32>
          %get3A_856 = arith.index_cast %add3A_851 : i32 to index
          %get3A_857 = arith.constant 0 : index
          %get3A_858 = tpu.vector_load %arg8[%get3A_856, %get3A_857] {strides = array<i32>} : memref<512x32xf32, #tpu.memory_space<vmem>>, vector<16xf32>,
          tpu.vector_store_idx %arg10[%add3A_96, %add3A_855], %get3A_858 : memref<32x129xf32, #tpu.memory_space<vmem>>[vector<16xi32>, vector<16xi32>], vector<16xf32>,
          %get3A_859 = arith.index_cast %add3A_851 : i32 to index
          %get3A_860 = arith.constant 16 : index
          %get3A_861 = tpu.vector_load %arg8[%get3A_859, %get3A_860] {strides = array<i32>} : memref<512x32xf32, #tpu.memory_space<vmem>>, vector<16xf32>,
          tpu.vector_store_idx %arg10[%add3A_99, %add3A_855], %get3A_861 : memref<32x129xf32, #tpu.memory_space<vmem>>[vector<16xi32>, vector<16xi32>], vector<16xf32>,
          %mul3A_862 = arith.constant 16 : i32
          %mul3A_863 = arith.muli %scan3A_676, %mul3A_862 : i32
          %add3A_864 = arith.constant 11 : i32
          %add3A_865 = arith.addi %mul3A_863, %add3A_864 : i32
          %mul3A_866 = arith.constant 128 : i32
          %mul3A_867 = arith.muli %add3A_589, %mul3A_866 : i32
          %add3A_868 = arith.addi %mul3A_867, %add3A_865 : i32
          %broadcast_in_dim3A_869 = arith.constant 0 : i32
          %broadcast_in_dim3A_870 = vector.broadcast %broadcast_in_dim3A_869 : i32 to vector<16xi32>
          %add3A_871 = vector.broadcast %add3A_865 : i32 to vector<16xi32>
          %add3A_872 = arith.addi %broadcast_in_dim3A_870, %add3A_871 : vector<16xi32>
          %get3A_873 = arith.index_cast %add3A_868 : i32 to index
          %get3A_874 = arith.constant 0 : index
          %get3A_875 = tpu.vector_load %arg8[%get3A_873, %get3A_874] {strides = array<i32>} : memref<512x32xf32, #tpu.memory_space<vmem>>, vector<16xf32>,
          tpu.vector_store_idx %arg10[%add3A_96, %add3A_872], %get3A_875 : memref<32x129xf32, #tpu.memory_space<vmem>>[vector<16xi32>, vector<16xi32>], vector<16xf32>,
          %get3A_876 = arith.index_cast %add3A_868 : i32 to index
          %get3A_877 = arith.constant 16 : index
          %get3A_878 = tpu.vector_load %arg8[%get3A_876, %get3A_877] {strides = array<i32>} : memref<512x32xf32, #tpu.memory_space<vmem>>, vector<16xf32>,
          tpu.vector_store_idx %arg10[%add3A_99, %add3A_872], %get3A_878 : memref<32x129xf32, #tpu.memory_space<vmem>>[vector<16xi32>, vector<16xi32>], vector<16xf32>,
          %mul3A_879 = arith.constant 16 : i32
          %mul3A_880 = arith.muli %scan3A_676, %mul3A_879 : i32
          %add3A_881 = arith.constant 12 : i32
          %add3A_882 = arith.addi %mul3A_880, %add3A_881 : i32
          %mul3A_883 = arith.constant 128 : i32
          %mul3A_884 = arith.muli %add3A_589, %mul3A_883 : i32
          %add3A_885 = arith.addi %mul3A_884, %add3A_882 : i32
          %broadcast_in_dim3A_886 = arith.constant 0 : i32
          %broadcast_in_dim3A_887 = vector.broadcast %broadcast_in_dim3A_886 : i32 to vector<16xi32>
          %add3A_888 = vector.broadcast %add3A_882 : i32 to vector<16xi32>
          %add3A_889 = arith.addi %broadcast_in_dim3A_887, %add3A_888 : vector<16xi32>
          %get3A_890 = arith.index_cast %add3A_885 : i32 to index
          %get3A_891 = arith.constant 0 : index
          %get3A_892 = tpu.vector_load %arg8[%get3A_890, %get3A_891] {strides = array<i32>} : memref<512x32xf32, #tpu.memory_space<vmem>>, vector<16xf32>,
          tpu.vector_store_idx %arg10[%add3A_96, %add3A_889], %get3A_892 : memref<32x129xf32, #tpu.memory_space<vmem>>[vector<16xi32>, vector<16xi32>], vector<16xf32>,
          %get3A_893 = arith.index_cast %add3A_885 : i32 to index
          %get3A_894 = arith.constant 16 : index
          %get3A_895 = tpu.vector_load %arg8[%get3A_893, %get3A_894] {strides = array<i32>} : memref<512x32xf32, #tpu.memory_space<vmem>>, vector<16xf32>,
          tpu.vector_store_idx %arg10[%add3A_99, %add3A_889], %get3A_895 : memref<32x129xf32, #tpu.memory_space<vmem>>[vector<16xi32>, vector<16xi32>], vector<16xf32>,
          %mul3A_896 = arith.constant 16 : i32
          %mul3A_897 = arith.muli %scan3A_676, %mul3A_896 : i32
          %add3A_898 = arith.constant 13 : i32
          %add3A_899 = arith.addi %mul3A_897, %add3A_898 : i32
          %mul3A_900 = arith.constant 128 : i32
          %mul3A_901 = arith.muli %add3A_589, %mul3A_900 : i32
          %add3A_902 = arith.addi %mul3A_901, %add3A_899 : i32
          %broadcast_in_dim3A_903 = arith.constant 0 : i32
          %broadcast_in_dim3A_904 = vector.broadcast %broadcast_in_dim3A_903 : i32 to vector<16xi32>
          %add3A_905 = vector.broadcast %add3A_899 : i32 to vector<16xi32>
          %add3A_906 = arith.addi %broadcast_in_dim3A_904, %add3A_905 : vector<16xi32>
          %get3A_907 = arith.index_cast %add3A_902 : i32 to index
          %get3A_908 = arith.constant 0 : index
          %get3A_909 = tpu.vector_load %arg8[%get3A_907, %get3A_908] {strides = array<i32>} : memref<512x32xf32, #tpu.memory_space<vmem>>, vector<16xf32>,
          tpu.vector_store_idx %arg10[%add3A_96, %add3A_906], %get3A_909 : memref<32x129xf32, #tpu.memory_space<vmem>>[vector<16xi32>, vector<16xi32>], vector<16xf32>,
          %get3A_910 = arith.index_cast %add3A_902 : i32 to index
          %get3A_911 = arith.constant 16 : index
          %get3A_912 = tpu.vector_load %arg8[%get3A_910, %get3A_911] {strides = array<i32>} : memref<512x32xf32, #tpu.memory_space<vmem>>, vector<16xf32>,
          tpu.vector_store_idx %arg10[%add3A_99, %add3A_906], %get3A_912 : memref<32x129xf32, #tpu.memory_space<vmem>>[vector<16xi32>, vector<16xi32>], vector<16xf32>,
          %mul3A_913 = arith.constant 16 : i32
          %mul3A_914 = arith.muli %scan3A_676, %mul3A_913 : i32
          %add3A_915 = arith.constant 14 : i32
          %add3A_916 = arith.addi %mul3A_914, %add3A_915 : i32
          %mul3A_917 = arith.constant 128 : i32
          %mul3A_918 = arith.muli %add3A_589, %mul3A_917 : i32
          %add3A_919 = arith.addi %mul3A_918, %add3A_916 : i32
          %broadcast_in_dim3A_920 = arith.constant 0 : i32
          %broadcast_in_dim3A_921 = vector.broadcast %broadcast_in_dim3A_920 : i32 to vector<16xi32>
          %add3A_922 = vector.broadcast %add3A_916 : i32 to vector<16xi32>
          %add3A_923 = arith.addi %broadcast_in_dim3A_921, %add3A_922 : vector<16xi32>
          %get3A_924 = arith.index_cast %add3A_919 : i32 to index
          %get3A_925 = arith.constant 0 : index
          %get3A_926 = tpu.vector_load %arg8[%get3A_924, %get3A_925] {strides = array<i32>} : memref<512x32xf32, #tpu.memory_space<vmem>>, vector<16xf32>,
          tpu.vector_store_idx %arg10[%add3A_96, %add3A_923], %get3A_926 : memref<32x129xf32, #tpu.memory_space<vmem>>[vector<16xi32>, vector<16xi32>], vector<16xf32>,
          %get3A_927 = arith.index_cast %add3A_919 : i32 to index
          %get3A_928 = arith.constant 16 : index
          %get3A_929 = tpu.vector_load %arg8[%get3A_927, %get3A_928] {strides = array<i32>} : memref<512x32xf32, #tpu.memory_space<vmem>>, vector<16xf32>,
          tpu.vector_store_idx %arg10[%add3A_99, %add3A_923], %get3A_929 : memref<32x129xf32, #tpu.memory_space<vmem>>[vector<16xi32>, vector<16xi32>], vector<16xf32>,
          %mul3A_930 = arith.constant 16 : i32
          %mul3A_931 = arith.muli %scan3A_676, %mul3A_930 : i32
          %add3A_932 = arith.constant 15 : i32
          %add3A_933 = arith.addi %mul3A_931, %add3A_932 : i32
          %mul3A_934 = arith.constant 128 : i32
          %mul3A_935 = arith.muli %add3A_589, %mul3A_934 : i32
          %add3A_936 = arith.addi %mul3A_935, %add3A_933 : i32
          %broadcast_in_dim3A_937 = arith.constant 0 : i32
          %broadcast_in_dim3A_938 = vector.broadcast %broadcast_in_dim3A_937 : i32 to vector<16xi32>
          %add3A_939 = vector.broadcast %add3A_933 : i32 to vector<16xi32>
          %add3A_940 = arith.addi %broadcast_in_dim3A_938, %add3A_939 : vector<16xi32>
          %get3A_941 = arith.index_cast %add3A_936 : i32 to index
          %get3A_942 = arith.constant 0 : index
          %get3A_943 = tpu.vector_load %arg8[%get3A_941, %get3A_942] {strides = array<i32>} : memref<512x32xf32, #tpu.memory_space<vmem>>, vector<16xf32>,
          tpu.vector_store_idx %arg10[%add3A_96, %add3A_940], %get3A_943 : memref<32x129xf32, #tpu.memory_space<vmem>>[vector<16xi32>, vector<16xi32>], vector<16xf32>,
          %get3A_944 = arith.index_cast %add3A_936 : i32 to index
          %get3A_945 = arith.constant 16 : index
          %get3A_946 = tpu.vector_load %arg8[%get3A_944, %get3A_945] {strides = array<i32>} : memref<512x32xf32, #tpu.memory_space<vmem>>, vector<16xf32>,
          tpu.vector_store_idx %arg10[%add3A_99, %add3A_940], %get3A_946 : memref<32x129xf32, #tpu.memory_space<vmem>>[vector<16xi32>, vector<16xi32>], vector<16xf32>,
        }
        %scan3A_603 = arith.constant 8 : i32
        %mul3A_604 = arith.constant 4 : i32
        %mul3A_605 = arith.muli %select_n3A_329, %mul3A_604 : i32
        %add3A_606 = arith.constant 0 : i32
        %add3A_607 = arith.addi %mul3A_605, %add3A_606 : i32
        %dma_start3A_608 = arith.constant 0 : i32
        %dma_start3A_609 = arith.constant 0 : i32
        %dma_start3A_610 = tpu.memref_slice %arg10[%dma_start3A_608, %dma_start3A_609] : memref<32x129xf32, #tpu.memory_space<vmem>> -> memref<8x128xf32, #tpu.memory_space<vmem>>
        %dma_start3A_611 = arith.constant 0 : i32
        %dma_start3A_612 = arith.constant 0 : i32
        %dma_start3A_613 = tpu.memref_slice %arg4[%add3A_607, %add3A_592, %dma_start3A_611, %dma_start3A_612] : memref<800x32x8x128xf32, #tpu.memory_space<hbm>> -> memref<1x1x8x128xf32, #tpu.memory_space<hbm>>
        %dma_start3A_614 = tpu.memref_squeeze %dma_start3A_613 : memref<1x1x8x128xf32, #tpu.memory_space<hbm>> -> memref<8x128xf32, #tpu.memory_space<hbm>>
        %dma_start3A_615 = arith.constant 0 : i32
        %dma_start3A_616 = arith.constant 0 : i32
        %dma_start3A_617 = tpu.memref_slice %arg4[%add3A_607, %add3A_592, %dma_start3A_615, %dma_start3A_616] : memref<800x32x8x128xf32, #tpu.memory_space<hbm>> -> memref<1x1x8x128xf32, #tpu.memory_space<hbm>>
        %dma_start3A_618 = tpu.memref_squeeze %dma_start3A_617 : memref<1x1x8x128xf32, #tpu.memory_space<hbm>> -> memref<8x128xf32, #tpu.memory_space<hbm>>
        %dma_start3A_619 = arith.constant 0 : i32
        %dma_start3A_620 = arith.constant 0 : i32
        %dma_start3A_621 = tpu.memref_slice %arg10[%dma_start3A_619, %dma_start3A_620] : memref<32x129xf32, #tpu.memory_space<vmem>> -> memref<8x128xf32, #tpu.memory_space<vmem>>
        tpu.enqueue_dma source(%dma_start3A_621 : memref<8x128xf32, #tpu.memory_space<vmem>>) target(%dma_start3A_618 : memref<8x128xf32, #tpu.memory_space<hbm>>) target_semaphore(%arg15 : memref<!tpu.dma_semaphore, #tpu.memory_space<semaphore_mem>>)
        %mul3A_622 = arith.constant 4 : i32
        %mul3A_623 = arith.muli %select_n3A_329, %mul3A_622 : i32
        %add3A_624 = arith.constant 1 : i32
        %add3A_625 = arith.addi %mul3A_623, %add3A_624 : i32
        %dma_start3A_626 = arith.constant 8 : i32
        %dma_start3A_627 = arith.constant 0 : i32
        %dma_start3A_628 = tpu.memref_slice %arg10[%dma_start3A_626, %dma_start3A_627] : memref<32x129xf32, #tpu.memory_space<vmem>> -> memref<8x128xf32, #tpu.memory_space<vmem>>
        %dma_start3A_629 = arith.constant 0 : i32
        %dma_start3A_630 = arith.constant 0 : i32
        %dma_start3A_631 = tpu.memref_slice %arg4[%add3A_625, %add3A_592, %dma_start3A_629, %dma_start3A_630] : memref<800x32x8x128xf32, #tpu.memory_space<hbm>> -> memref<1x1x8x128xf32, #tpu.memory_space<hbm>>
        %dma_start3A_632 = tpu.memref_squeeze %dma_start3A_631 : memref<1x1x8x128xf32, #tpu.memory_space<hbm>> -> memref<8x128xf32, #tpu.memory_space<hbm>>
        %dma_start3A_633 = arith.constant 0 : i32
        %dma_start3A_634 = arith.constant 0 : i32
        %dma_start3A_635 = tpu.memref_slice %arg4[%add3A_625, %add3A_592, %dma_start3A_633, %dma_start3A_634] : memref<800x32x8x128xf32, #tpu.memory_space<hbm>> -> memref<1x1x8x128xf32, #tpu.memory_space<hbm>>
        %dma_start3A_636 = tpu.memref_squeeze %dma_start3A_635 : memref<1x1x8x128xf32, #tpu.memory_space<hbm>> -> memref<8x128xf32, #tpu.memory_space<hbm>>
        %dma_start3A_637 = arith.constant 8 : i32
        %dma_start3A_638 = arith.constant 0 : i32
        %dma_start3A_639 = tpu.memref_slice %arg10[%dma_start3A_637, %dma_start3A_638] : memref<32x129xf32, #tpu.memory_space<vmem>> -> memref<8x128xf32, #tpu.memory_space<vmem>>
        tpu.enqueue_dma source(%dma_start3A_639 : memref<8x128xf32, #tpu.memory_space<vmem>>) target(%dma_start3A_636 : memref<8x128xf32, #tpu.memory_space<hbm>>) target_semaphore(%arg15 : memref<!tpu.dma_semaphore, #tpu.memory_space<semaphore_mem>>)
        %mul3A_640 = arith.constant 4 : i32
        %mul3A_641 = arith.muli %select_n3A_329, %mul3A_640 : i32
        %add3A_642 = arith.constant 2 : i32
        %add3A_643 = arith.addi %mul3A_641, %add3A_642 : i32
        %dma_start3A_644 = arith.constant 16 : i32
        %dma_start3A_645 = arith.constant 0 : i32
        %dma_start3A_646 = tpu.memref_slice %arg10[%dma_start3A_644, %dma_start3A_645] : memref<32x129xf32, #tpu.memory_space<vmem>> -> memref<8x128xf32, #tpu.memory_space<vmem>>
        %dma_start3A_647 = arith.constant 0 : i32
        %dma_start3A_648 = arith.constant 0 : i32
        %dma_start3A_649 = tpu.memref_slice %arg4[%add3A_643, %add3A_592, %dma_start3A_647, %dma_start3A_648] : memref<800x32x8x128xf32, #tpu.memory_space<hbm>> -> memref<1x1x8x128xf32, #tpu.memory_space<hbm>>
        %dma_start3A_650 = tpu.memref_squeeze %dma_start3A_649 : memref<1x1x8x128xf32, #tpu.memory_space<hbm>> -> memref<8x128xf32, #tpu.memory_space<hbm>>
        %dma_start3A_651 = arith.constant 0 : i32
        %dma_start3A_652 = arith.constant 0 : i32
        %dma_start3A_653 = tpu.memref_slice %arg4[%add3A_643, %add3A_592, %dma_start3A_651, %dma_start3A_652] : memref<800x32x8x128xf32, #tpu.memory_space<hbm>> -> memref<1x1x8x128xf32, #tpu.memory_space<hbm>>
        %dma_start3A_654 = tpu.memref_squeeze %dma_start3A_653 : memref<1x1x8x128xf32, #tpu.memory_space<hbm>> -> memref<8x128xf32, #tpu.memory_space<hbm>>
        %dma_start3A_655 = arith.constant 16 : i32
        %dma_start3A_656 = arith.constant 0 : i32
        %dma_start3A_657 = tpu.memref_slice %arg10[%dma_start3A_655, %dma_start3A_656] : memref<32x129xf32, #tpu.memory_space<vmem>> -> memref<8x128xf32, #tpu.memory_space<vmem>>
        tpu.enqueue_dma source(%dma_start3A_657 : memref<8x128xf32, #tpu.memory_space<vmem>>) target(%dma_start3A_654 : memref<8x128xf32, #tpu.memory_space<hbm>>) target_semaphore(%arg15 : memref<!tpu.dma_semaphore, #tpu.memory_space<semaphore_mem>>)
        %mul3A_658 = arith.constant 4 : i32
        %mul3A_659 = arith.muli %select_n3A_329, %mul3A_658 : i32
        %add3A_660 = arith.constant 3 : i32
        %add3A_661 = arith.addi %mul3A_659, %add3A_660 : i32
        %dma_start3A_662 = arith.constant 24 : i32
        %dma_start3A_663 = arith.constant 0 : i32
        %dma_start3A_664 = tpu.memref_slice %arg10[%dma_start3A_662, %dma_start3A_663] : memref<32x129xf32, #tpu.memory_space<vmem>> -> memref<8x128xf32, #tpu.memory_space<vmem>>
        %dma_start3A_665 = arith.constant 0 : i32
        %dma_start3A_666 = arith.constant 0 : i32
        %dma_start3A_667 = tpu.memref_slice %arg4[%add3A_661, %add3A_592, %dma_start3A_665, %dma_start3A_666] : memref<800x32x8x128xf32, #tpu.memory_space<hbm>> -> memref<1x1x8x128xf32, #tpu.memory_space<hbm>>
        %dma_start3A_668 = tpu.memref_squeeze %dma_start3A_667 : memref<1x1x8x128xf32, #tpu.memory_space<hbm>> -> memref<8x128xf32, #tpu.memory_space<hbm>>
        %dma_start3A_669 = arith.constant 0 : i32
        %dma_start3A_670 = arith.constant 0 : i32
        %dma_start3A_671 = tpu.memref_slice %arg4[%add3A_661, %add3A_592, %dma_start3A_669, %dma_start3A_670] : memref<800x32x8x128xf32, #tpu.memory_space<hbm>> -> memref<1x1x8x128xf32, #tpu.memory_space<hbm>>
        %dma_start3A_672 = tpu.memref_squeeze %dma_start3A_671 : memref<1x1x8x128xf32, #tpu.memory_space<hbm>> -> memref<8x128xf32, #tpu.memory_space<hbm>>
        %dma_start3A_673 = arith.constant 24 : i32
        %dma_start3A_674 = arith.constant 0 : i32
        %dma_start3A_675 = tpu.memref_slice %arg10[%dma_start3A_673, %dma_start3A_674] : memref<32x129xf32, #tpu.memory_space<vmem>> -> memref<8x128xf32, #tpu.memory_space<vmem>>
        tpu.enqueue_dma source(%dma_start3A_675 : memref<8x128xf32, #tpu.memory_space<vmem>>) target(%dma_start3A_672 : memref<8x128xf32, #tpu.memory_space<hbm>>) target_semaphore(%arg15 : memref<!tpu.dma_semaphore, #tpu.memory_space<semaphore_mem>>)
      }
      %scan3A_367 = arith.constant 2 : i32
      %dma_wait3A_368 = arith.constant 0 : i32
      %dma_wait3A_369 = arith.constant 0 : i32
      %dma_wait3A_370 = arith.constant 0 : i32
      %dma_wait3A_371 = arith.constant 0 : i32
      %dma_wait3A_372 = tpu.memref_slice %arg9[%dma_wait3A_370, %dma_wait3A_371] : memref<32x129xf32, #tpu.memory_space<vmem>> -> memref<8x128xf32, #tpu.memory_space<vmem>>
      %dma_wait3A_373 = arith.constant 0 : i32
      %dma_wait3A_374 = arith.constant 0 : i32
      %dma_wait3A_375 = tpu.memref_slice %arg4[%dma_wait3A_368, %dma_wait3A_369, %dma_wait3A_373, %dma_wait3A_374] : memref<800x32x8x128xf32, #tpu.memory_space<hbm>> -> memref<1x1x8x128xf32, #tpu.memory_space<hbm>>
      %dma_wait3A_376 = tpu.memref_squeeze %dma_wait3A_375 : memref<1x1x8x128xf32, #tpu.memory_space<hbm>> -> memref<8x128xf32, #tpu.memory_space<hbm>>
      %dma_wait3A_377 = arith.constant 0 : i32
      %dma_wait3A_378 = arith.constant 0 : i32
      %dma_wait3A_379 = tpu.memref_slice %arg4[%dma_wait3A_368, %dma_wait3A_369, %dma_wait3A_377, %dma_wait3A_378] : memref<800x32x8x128xf32, #tpu.memory_space<hbm>> -> memref<1x1x8x128xf32, #tpu.memory_space<hbm>>
      %dma_wait3A_380 = tpu.memref_squeeze %dma_wait3A_379 : memref<1x1x8x128xf32, #tpu.memory_space<hbm>> -> memref<8x128xf32, #tpu.memory_space<hbm>>
      %dma_wait3A_381 = arith.constant 0 : i32
      %dma_wait3A_382 = arith.constant 0 : i32
      %dma_wait3A_383 = tpu.memref_slice %arg9[%dma_wait3A_381, %dma_wait3A_382] : memref<32x129xf32, #tpu.memory_space<vmem>> -> memref<8x128xf32, #tpu.memory_space<vmem>>
      tpu.wait_dma2 semaphore(%arg15 : memref<!tpu.dma_semaphore, #tpu.memory_space<semaphore_mem>>) src(%dma_wait3A_383 : memref<8x128xf32, #tpu.memory_space<vmem>>) dst(%dma_wait3A_380 : memref<8x128xf32, #tpu.memory_space<hbm>>)
      %dma_wait3A_384 = arith.constant 0 : i32
      %dma_wait3A_385 = arith.constant 0 : i32
      %dma_wait3A_386 = arith.constant 0 : i32
      %dma_wait3A_387 = arith.constant 0 : i32
      %dma_wait3A_388 = tpu.memref_slice %arg9[%dma_wait3A_386, %dma_wait3A_387] : memref<32x129xf32, #tpu.memory_space<vmem>> -> memref<8x128xf32, #tpu.memory_space<vmem>>
      %dma_wait3A_389 = arith.constant 0 : i32
      %dma_wait3A_390 = arith.constant 0 : i32
      %dma_wait3A_391 = tpu.memref_slice %arg4[%dma_wait3A_384, %dma_wait3A_385, %dma_wait3A_389, %dma_wait3A_390] : memref<800x32x8x128xf32, #tpu.memory_space<hbm>> -> memref<1x1x8x128xf32, #tpu.memory_space<hbm>>
      %dma_wait3A_392 = tpu.memref_squeeze %dma_wait3A_391 : memref<1x1x8x128xf32, #tpu.memory_space<hbm>> -> memref<8x128xf32, #tpu.memory_space<hbm>>
      %dma_wait3A_393 = arith.constant 0 : i32
      %dma_wait3A_394 = arith.constant 0 : i32
      %dma_wait3A_395 = tpu.memref_slice %arg4[%dma_wait3A_384, %dma_wait3A_385, %dma_wait3A_393, %dma_wait3A_394] : memref<800x32x8x128xf32, #tpu.memory_space<hbm>> -> memref<1x1x8x128xf32, #tpu.memory_space<hbm>>
      %dma_wait3A_396 = tpu.memref_squeeze %dma_wait3A_395 : memref<1x1x8x128xf32, #tpu.memory_space<hbm>> -> memref<8x128xf32, #tpu.memory_space<hbm>>
      %dma_wait3A_397 = arith.constant 0 : i32
      %dma_wait3A_398 = arith.constant 0 : i32
      %dma_wait3A_399 = tpu.memref_slice %arg9[%dma_wait3A_397, %dma_wait3A_398] : memref<32x129xf32, #tpu.memory_space<vmem>> -> memref<8x128xf32, #tpu.memory_space<vmem>>
      tpu.wait_dma2 semaphore(%arg15 : memref<!tpu.dma_semaphore, #tpu.memory_space<semaphore_mem>>) src(%dma_wait3A_399 : memref<8x128xf32, #tpu.memory_space<vmem>>) dst(%dma_wait3A_396 : memref<8x128xf32, #tpu.memory_space<hbm>>)
      %dma_wait3A_400 = arith.constant 0 : i32
      %dma_wait3A_401 = arith.constant 0 : i32
      %dma_wait3A_402 = arith.constant 0 : i32
      %dma_wait3A_403 = arith.constant 0 : i32
      %dma_wait3A_404 = tpu.memref_slice %arg9[%dma_wait3A_402, %dma_wait3A_403] : memref<32x129xf32, #tpu.memory_space<vmem>> -> memref<8x128xf32, #tpu.memory_space<vmem>>
      %dma_wait3A_405 = arith.constant 0 : i32
      %dma_wait3A_406 = arith.constant 0 : i32
      %dma_wait3A_407 = tpu.memref_slice %arg4[%dma_wait3A_400, %dma_wait3A_401, %dma_wait3A_405, %dma_wait3A_406] : memref<800x32x8x128xf32, #tpu.memory_space<hbm>> -> memref<1x1x8x128xf32, #tpu.memory_space<hbm>>
      %dma_wait3A_408 = tpu.memref_squeeze %dma_wait3A_407 : memref<1x1x8x128xf32, #tpu.memory_space<hbm>> -> memref<8x128xf32, #tpu.memory_space<hbm>>
      %dma_wait3A_409 = arith.constant 0 : i32
      %dma_wait3A_410 = arith.constant 0 : i32
      %dma_wait3A_411 = tpu.memref_slice %arg4[%dma_wait3A_400, %dma_wait3A_401, %dma_wait3A_409, %dma_wait3A_410] : memref<800x32x8x128xf32, #tpu.memory_space<hbm>> -> memref<1x1x8x128xf32, #tpu.memory_space<hbm>>
      %dma_wait3A_412 = tpu.memref_squeeze %dma_wait3A_411 : memref<1x1x8x128xf32, #tpu.memory_space<hbm>> -> memref<8x128xf32, #tpu.memory_space<hbm>>
      %dma_wait3A_413 = arith.constant 0 : i32
      %dma_wait3A_414 = arith.constant 0 : i32
      %dma_wait3A_415 = tpu.memref_slice %arg9[%dma_wait3A_413, %dma_wait3A_414] : memref<32x129xf32, #tpu.memory_space<vmem>> -> memref<8x128xf32, #tpu.memory_space<vmem>>
      tpu.wait_dma2 semaphore(%arg15 : memref<!tpu.dma_semaphore, #tpu.memory_space<semaphore_mem>>) src(%dma_wait3A_415 : memref<8x128xf32, #tpu.memory_space<vmem>>) dst(%dma_wait3A_412 : memref<8x128xf32, #tpu.memory_space<hbm>>)
      %dma_wait3A_416 = arith.constant 0 : i32
      %dma_wait3A_417 = arith.constant 0 : i32
      %dma_wait3A_418 = arith.constant 0 : i32
      %dma_wait3A_419 = arith.constant 0 : i32
      %dma_wait3A_420 = tpu.memref_slice %arg9[%dma_wait3A_418, %dma_wait3A_419] : memref<32x129xf32, #tpu.memory_space<vmem>> -> memref<8x128xf32, #tpu.memory_space<vmem>>
      %dma_wait3A_421 = arith.constant 0 : i32
      %dma_wait3A_422 = arith.constant 0 : i32
      %dma_wait3A_423 = tpu.memref_slice %arg4[%dma_wait3A_416, %dma_wait3A_417, %dma_wait3A_421, %dma_wait3A_422] : memref<800x32x8x128xf32, #tpu.memory_space<hbm>> -> memref<1x1x8x128xf32, #tpu.memory_space<hbm>>
      %dma_wait3A_424 = tpu.memref_squeeze %dma_wait3A_423 : memref<1x1x8x128xf32, #tpu.memory_space<hbm>> -> memref<8x128xf32, #tpu.memory_space<hbm>>
      %dma_wait3A_425 = arith.constant 0 : i32
      %dma_wait3A_426 = arith.constant 0 : i32
      %dma_wait3A_427 = tpu.memref_slice %arg4[%dma_wait3A_416, %dma_wait3A_417, %dma_wait3A_425, %dma_wait3A_426] : memref<800x32x8x128xf32, #tpu.memory_space<hbm>> -> memref<1x1x8x128xf32, #tpu.memory_space<hbm>>
      %dma_wait3A_428 = tpu.memref_squeeze %dma_wait3A_427 : memref<1x1x8x128xf32, #tpu.memory_space<hbm>> -> memref<8x128xf32, #tpu.memory_space<hbm>>
      %dma_wait3A_429 = arith.constant 0 : i32
      %dma_wait3A_430 = arith.constant 0 : i32
      %dma_wait3A_431 = tpu.memref_slice %arg9[%dma_wait3A_429, %dma_wait3A_430] : memref<32x129xf32, #tpu.memory_space<vmem>> -> memref<8x128xf32, #tpu.memory_space<vmem>>
      tpu.wait_dma2 semaphore(%arg15 : memref<!tpu.dma_semaphore, #tpu.memory_space<semaphore_mem>>) src(%dma_wait3A_431 : memref<8x128xf32, #tpu.memory_space<vmem>>) dst(%dma_wait3A_428 : memref<8x128xf32, #tpu.memory_space<hbm>>)
      %dma_wait3A_432 = arith.constant 0 : i32
      %dma_wait3A_433 = arith.constant 0 : i32
      %dma_wait3A_434 = arith.constant 0 : i32
      %dma_wait3A_435 = arith.constant 0 : i32
      %dma_wait3A_436 = tpu.memref_slice %arg9[%dma_wait3A_434, %dma_wait3A_435] : memref<32x129xf32, #tpu.memory_space<vmem>> -> memref<8x128xf32, #tpu.memory_space<vmem>>
      %dma_wait3A_437 = arith.constant 0 : i32
      %dma_wait3A_438 = arith.constant 0 : i32
      %dma_wait3A_439 = tpu.memref_slice %arg4[%dma_wait3A_432, %dma_wait3A_433, %dma_wait3A_437, %dma_wait3A_438] : memref<800x32x8x128xf32, #tpu.memory_space<hbm>> -> memref<1x1x8x128xf32, #tpu.memory_space<hbm>>
      %dma_wait3A_440 = tpu.memref_squeeze %dma_wait3A_439 : memref<1x1x8x128xf32, #tpu.memory_space<hbm>> -> memref<8x128xf32, #tpu.memory_space<hbm>>
      %dma_wait3A_441 = arith.constant 0 : i32
      %dma_wait3A_442 = arith.constant 0 : i32
      %dma_wait3A_443 = tpu.memref_slice %arg4[%dma_wait3A_432, %dma_wait3A_433, %dma_wait3A_441, %dma_wait3A_442] : memref<800x32x8x128xf32, #tpu.memory_space<hbm>> -> memref<1x1x8x128xf32, #tpu.memory_space<hbm>>
      %dma_wait3A_444 = tpu.memref_squeeze %dma_wait3A_443 : memref<1x1x8x128xf32, #tpu.memory_space<hbm>> -> memref<8x128xf32, #tpu.memory_space<hbm>>
      %dma_wait3A_445 = arith.constant 0 : i32
      %dma_wait3A_446 = arith.constant 0 : i32
      %dma_wait3A_447 = tpu.memref_slice %arg9[%dma_wait3A_445, %dma_wait3A_446] : memref<32x129xf32, #tpu.memory_space<vmem>> -> memref<8x128xf32, #tpu.memory_space<vmem>>
      tpu.wait_dma2 semaphore(%arg15 : memref<!tpu.dma_semaphore, #tpu.memory_space<semaphore_mem>>) src(%dma_wait3A_447 : memref<8x128xf32, #tpu.memory_space<vmem>>) dst(%dma_wait3A_444 : memref<8x128xf32, #tpu.memory_space<hbm>>)
      %dma_wait3A_448 = arith.constant 0 : i32
      %dma_wait3A_449 = arith.constant 0 : i32
      %dma_wait3A_450 = arith.constant 0 : i32
      %dma_wait3A_451 = arith.constant 0 : i32
      %dma_wait3A_452 = tpu.memref_slice %arg9[%dma_wait3A_450, %dma_wait3A_451] : memref<32x129xf32, #tpu.memory_space<vmem>> -> memref<8x128xf32, #tpu.memory_space<vmem>>
      %dma_wait3A_453 = arith.constant 0 : i32
      %dma_wait3A_454 = arith.constant 0 : i32
      %dma_wait3A_455 = tpu.memref_slice %arg4[%dma_wait3A_448, %dma_wait3A_449, %dma_wait3A_453, %dma_wait3A_454] : memref<800x32x8x128xf32, #tpu.memory_space<hbm>> -> memref<1x1x8x128xf32, #tpu.memory_space<hbm>>
      %dma_wait3A_456 = tpu.memref_squeeze %dma_wait3A_455 : memref<1x1x8x128xf32, #tpu.memory_space<hbm>> -> memref<8x128xf32, #tpu.memory_space<hbm>>
      %dma_wait3A_457 = arith.constant 0 : i32
      %dma_wait3A_458 = arith.constant 0 : i32
      %dma_wait3A_459 = tpu.memref_slice %arg4[%dma_wait3A_448, %dma_wait3A_449, %dma_wait3A_457, %dma_wait3A_458] : memref<800x32x8x128xf32, #tpu.memory_space<hbm>> -> memref<1x1x8x128xf32, #tpu.memory_space<hbm>>
      %dma_wait3A_460 = tpu.memref_squeeze %dma_wait3A_459 : memref<1x1x8x128xf32, #tpu.memory_space<hbm>> -> memref<8x128xf32, #tpu.memory_space<hbm>>
      %dma_wait3A_461 = arith.constant 0 : i32
      %dma_wait3A_462 = arith.constant 0 : i32
      %dma_wait3A_463 = tpu.memref_slice %arg9[%dma_wait3A_461, %dma_wait3A_462] : memref<32x129xf32, #tpu.memory_space<vmem>> -> memref<8x128xf32, #tpu.memory_space<vmem>>
      tpu.wait_dma2 semaphore(%arg15 : memref<!tpu.dma_semaphore, #tpu.memory_space<semaphore_mem>>) src(%dma_wait3A_463 : memref<8x128xf32, #tpu.memory_space<vmem>>) dst(%dma_wait3A_460 : memref<8x128xf32, #tpu.memory_space<hbm>>)
      %dma_wait3A_464 = arith.constant 0 : i32
      %dma_wait3A_465 = arith.constant 0 : i32
      %dma_wait3A_466 = arith.constant 0 : i32
      %dma_wait3A_467 = arith.constant 0 : i32
      %dma_wait3A_468 = tpu.memref_slice %arg9[%dma_wait3A_466, %dma_wait3A_467] : memref<32x129xf32, #tpu.memory_space<vmem>> -> memref<8x128xf32, #tpu.memory_space<vmem>>
      %dma_wait3A_469 = arith.constant 0 : i32
      %dma_wait3A_470 = arith.constant 0 : i32
      %dma_wait3A_471 = tpu.memref_slice %arg4[%dma_wait3A_464, %dma_wait3A_465, %dma_wait3A_469, %dma_wait3A_470] : memref<800x32x8x128xf32, #tpu.memory_space<hbm>> -> memref<1x1x8x128xf32, #tpu.memory_space<hbm>>
      %dma_wait3A_472 = tpu.memref_squeeze %dma_wait3A_471 : memref<1x1x8x128xf32, #tpu.memory_space<hbm>> -> memref<8x128xf32, #tpu.memory_space<hbm>>
      %dma_wait3A_473 = arith.constant 0 : i32
      %dma_wait3A_474 = arith.constant 0 : i32
      %dma_wait3A_475 = tpu.memref_slice %arg4[%dma_wait3A_464, %dma_wait3A_465, %dma_wait3A_473, %dma_wait3A_474] : memref<800x32x8x128xf32, #tpu.memory_space<hbm>> -> memref<1x1x8x128xf32, #tpu.memory_space<hbm>>
      %dma_wait3A_476 = tpu.memref_squeeze %dma_wait3A_475 : memref<1x1x8x128xf32, #tpu.memory_space<hbm>> -> memref<8x128xf32, #tpu.memory_space<hbm>>
      %dma_wait3A_477 = arith.constant 0 : i32
      %dma_wait3A_478 = arith.constant 0 : i32
      %dma_wait3A_479 = tpu.memref_slice %arg9[%dma_wait3A_477, %dma_wait3A_478] : memref<32x129xf32, #tpu.memory_space<vmem>> -> memref<8x128xf32, #tpu.memory_space<vmem>>
      tpu.wait_dma2 semaphore(%arg15 : memref<!tpu.dma_semaphore, #tpu.memory_space<semaphore_mem>>) src(%dma_wait3A_479 : memref<8x128xf32, #tpu.memory_space<vmem>>) dst(%dma_wait3A_476 : memref<8x128xf32, #tpu.memory_space<hbm>>)
      %dma_wait3A_480 = arith.constant 0 : i32
      %dma_wait3A_481 = arith.constant 0 : i32
      %dma_wait3A_482 = arith.constant 0 : i32
      %dma_wait3A_483 = arith.constant 0 : i32
      %dma_wait3A_484 = tpu.memref_slice %arg9[%dma_wait3A_482, %dma_wait3A_483] : memref<32x129xf32, #tpu.memory_space<vmem>> -> memref<8x128xf32, #tpu.memory_space<vmem>>
      %dma_wait3A_485 = arith.constant 0 : i32
      %dma_wait3A_486 = arith.constant 0 : i32
      %dma_wait3A_487 = tpu.memref_slice %arg4[%dma_wait3A_480, %dma_wait3A_481, %dma_wait3A_485, %dma_wait3A_486] : memref<800x32x8x128xf32, #tpu.memory_space<hbm>> -> memref<1x1x8x128xf32, #tpu.memory_space<hbm>>
      %dma_wait3A_488 = tpu.memref_squeeze %dma_wait3A_487 : memref<1x1x8x128xf32, #tpu.memory_space<hbm>> -> memref<8x128xf32, #tpu.memory_space<hbm>>
      %dma_wait3A_489 = arith.constant 0 : i32
      %dma_wait3A_490 = arith.constant 0 : i32
      %dma_wait3A_491 = tpu.memref_slice %arg4[%dma_wait3A_480, %dma_wait3A_481, %dma_wait3A_489, %dma_wait3A_490] : memref<800x32x8x128xf32, #tpu.memory_space<hbm>> -> memref<1x1x8x128xf32, #tpu.memory_space<hbm>>
      %dma_wait3A_492 = tpu.memref_squeeze %dma_wait3A_491 : memref<1x1x8x128xf32, #tpu.memory_space<hbm>> -> memref<8x128xf32, #tpu.memory_space<hbm>>
      %dma_wait3A_493 = arith.constant 0 : i32
      %dma_wait3A_494 = arith.constant 0 : i32
      %dma_wait3A_495 = tpu.memref_slice %arg9[%dma_wait3A_493, %dma_wait3A_494] : memref<32x129xf32, #tpu.memory_space<vmem>> -> memref<8x128xf32, #tpu.memory_space<vmem>>
      tpu.wait_dma2 semaphore(%arg15 : memref<!tpu.dma_semaphore, #tpu.memory_space<semaphore_mem>>) src(%dma_wait3A_495 : memref<8x128xf32, #tpu.memory_space<vmem>>) dst(%dma_wait3A_492 : memref<8x128xf32, #tpu.memory_space<hbm>>)
    }
    %scan3A_104 = arith.constant 25 : i32
    return
  }
}

</mosaic_0001>

<sc_bundles>
// kernel: kernel.3.cloned.1.call-start
scs
__scs_entry_jumppad:
0x0: {  	(pc) =	sbr.rel $0x88, $3  }
0x1: {  	(tag) =	ssettag $0x0;
	lr =	simm.s32 $0x1  }
0x2: {  	[smem:$0x3F9F] =	sst lr;
	_ =	strace $0xD0000000  }
0x3: {  	_ = 	snop  }
0x4: {  	_ = 	snop  }
0x5: {  	_ = 	snop  }
0x6: {  	_ = 	snop  }
0x7: {  	_ = 	snop  }
__scs_overlays_trampoline_lowered:
0x8: {  	[smem:$0x3FAE] =	sst s0  }
0x9: {  	[smem:$0x3FAF] =	sst s1  }
0xa: {  	[smem:$0x3FB0] =	sst s2  }
0xb: {  	[smem:$0x3FB1] =	sst s3  }
0xc: {  	[smem:$0x3FB2] =	sst s4  }
0xd: {  	[smem:$0x3FB3] =	sst s5  }
0xe: {  	[smem:$0x3FB4] =	sst s6  }
0xf: {  	[smem:$0x3FB5] =	sst s7  }
0x10: {  	[smem:$0x3FB6] =	sst s8  }
0x11: {  	[smem:$0x3FB7] =	sst s9;
	s0 =	simm.s32 @!p0 $0x0  }
0x12: {  	s1 =	sld [smem:$0x3F9D];
	s0 =	simm.s32 @p0 $0x1  }
0x13: {  	[smem:$0x3FB8] =	sst s0;
	s0 =	simm.s32 @!p1 $0x0  }
0x14: {  	s2 =	sld [smem:$0x3F9C];
	s0 =	simm.s32 @p1 $0x1  }
0x15: {  	[smem:$0x3FB9] =	sst s0;
	s0 =	simm.s32 @!p2 $0x0  }
0x16: {  	s3 =	sld [smem:$0x3FDB];
	s0 =	simm.s32 @p2 $0x1  }
0x17: {  	s4 =	simm.s32 $0x1BF5;
	[smem:$0x3FBB] =	sst s0  }
0x18: {  	s0 =	sld [smem:$0x3F9E];
	_ =	swait.ge [sflag:s4], $0x0  }
0x19: {  	s7 =	sld [smem:$0x3F9F]  }
0x1a: {  	s8 =	sadd.s32 $0xFFFFE003, lr  }
0x1b: {  	s9 =	sadd.s32 $0xFFFFFEF7, lr;
	s5 =	simm.s32 $0xFFFFFFFF;
	p2 =	slt.u32 s8, $0xFFFFF086  }
0x1c: {  	p1 =	slt.u32 s9, $0xF7A;
	s5 =	simm.s32 @!p2 $0x0  }
0x1d: {  	s5 =	simm.s32 @p1 $0x1;
	p0 =	seq.s32 s7, s2  }
0x1e: {  	s7 =	smul.u32 @!p0 $0xF7A, s2;
	p2 =	seq.s32 @!p0 s5, $0x0  }
0x1f: {  	s9 =	smul.u32 $0xF7A, s1;
	s8 =	simm.s32 @!p0 $0x1BF5;
	p2 =	por !p2, p0  }
0x20: {  	[sflag:s8] =	ssyncset.s32 @!p0 $0xFFFFF086;
	s6 =	sadd.s32 @!p0 s3, s7;
	s7 =	simm.s32 @!p0 $0x108  }
0x21: {  	s3 =	sadd.s32 s3, s9;
	s6 =	sadd.s32 @!p0 $0x88, s6;
	s7 =	simm.s32 @p2 $0x1082  }
0x22: {  	[simem:s7], [sflag:s8] =	dma.local @!p0 [hbm:s6], $0xF7A  }
0x23: {  	s9 =	sor.u32 $0xD0000000, s2;
	s6 =	simm.s32 $0x108;
	_ =	swait.ge @!p0 [sflag:s8], $0x0  }
0x24: {  	s3 =	sadd.s32 $0x88, s3;
	s6 =	simm.s32 @!p1 $0x1082;
	[sflag:s4] =	ssyncset.s32 $0xFFFFF086  }
0x25: {  	[simem:s6], [sflag:s4] =	dma.local [hbm:s3], $0xF7A  }
0x26: {  	[smem:$0x3F9F] =	sst s1;
	(tag) =	ssettag s2;
	_ =	strace s9  }
0x27: {  	s1 =	sld [smem:$0x3FAF]  }
0x28: {  	s2 =	sld [smem:$0x3FB0]  }
0x29: {  	s4 =	sld [smem:$0x3FB2]  }
0x2a: {  	p0 =	seq.s32 s5, $0x0;
	s5 =	sld [smem:$0x3FB3]  }
0x2b: {  	s6 =	sld [smem:$0x3FB4]  }
0x2c: {  	s7 =	sld [smem:$0x3FB5]  }
0x2d: {  	s3 =	simm.s32 $0x108;
	s8 =	sld [smem:$0x3FB6]  }
0x2e: {  	s3 =	simm.s32 @!p0 $0x1082;
	s9 =	sld [smem:$0x3FB7]  }
0x2f: {  	lr =	sadd.s32 s0, s3;
	s0 =	sld [smem:$0x3FAE]  }
0x30: {  	s3 =	sld [smem:$0x3FB1]  }
0x31: {  	[smem:$0x3FBA] =	sst s10  }
0x32: {  	s10 =	sld [smem:$0x3FB8];
	_ =	sdelay $0x3  }
0x33: {  	p0 =	seq.s32 s10, $0x1;
	s10 =	sld [smem:$0x3FBA];
	_ =	sdelay $0x3  }
0x34: {  	[smem:$0x3FBA] =	sst s10  }
0x35: {  	s10 =	sld [smem:$0x3FB9];
	_ =	sdelay $0x3  }
0x36: {  	p1 =	seq.s32 s10, $0x1;
	s10 =	sld [smem:$0x3FBA];
	_ =	sdelay $0x3  }
0x37: {  	[smem:$0x3FBA] =	sst s10  }
0x38: {  	s10 =	sld [smem:$0x3FBB]  }
0x39: {  	_ = 	snop;
	(pc) =	sbr.ind lr, $3  }
0x3a: {  	_ = 	snop  }
0x3b: {  	_ = 	snop  }
0x3c: {  	p2 =	seq.s32 s10, $0x1;
	s10 =	sld [smem:$0x3FBA]  }
0x3d: {  	_ =	shalt  }
0x3e: {  	_ =	shalt  }
0x3f: {  	_ =	shalt  }
0x40: {  	_ =	shalt  }
0x41: {  	_ =	shalt  }
0x42: {  	_ =	shalt  }
0x43: {  	_ =	shalt  }
0x44: {  	_ =	shalt  }
0x45: {  	_ =	shalt  }
0x46: {  	_ =	shalt  }
0x47: {  	_ =	shalt  }
0x48: {  	_ =	shalt  }
0x49: {  	_ =	shalt  }
0x4a: {  	_ =	shalt  }
0x4b: {  	_ =	shalt  }
0x4c: {  	_ =	shalt  }
0x4d: {  	_ =	shalt  }
0x4e: {  	_ =	shalt  }
0x4f: {  	_ =	shalt  }
0x50: {  	_ =	shalt  }
0x51: {  	_ =	shalt  }
0x52: {  	_ =	shalt  }
0x53: {  	_ =	shalt  }
0x54: {  	_ =	shalt  }
0x55: {  	_ =	shalt  }
0x56: {  	_ =	shalt  }
0x57: {  	_ =	shalt  }
0x58: {  	_ =	shalt  }
0x59: {  	_ =	shalt  }
0x5a: {  	_ =	shalt  }
0x5b: {  	_ =	shalt  }
0x5c: {  	_ =	shalt  }
0x5d: {  	_ =	shalt  }
0x5e: {  	_ =	shalt  }
0x5f: {  	_ =	shalt  }
0x60: {  	_ =	shalt  }
0x61: {  	_ =	shalt  }
0x62: {  	_ =	shalt  }
0x63: {  	_ =	shalt  }
0x64: {  	_ =	shalt  }
0x65: {  	_ =	shalt  }
0x66: {  	_ =	shalt  }
0x67: {  	_ =	shalt  }
0x68: {  	_ =	shalt  }
0x69: {  	_ =	shalt  }
0x6a: {  	_ =	shalt  }
0x6b: {  	_ =	shalt  }
0x6c: {  	_ =	shalt  }
0x6d: {  	_ =	shalt  }
0x6e: {  	_ =	shalt  }
0x6f: {  	_ =	shalt  }
0x70: {  	_ =	shalt  }
0x71: {  	_ =	shalt  }
0x72: {  	_ =	shalt  }
0x73: {  	_ =	shalt  }
0x74: {  	_ =	shalt  }
0x75: {  	_ =	shalt  }
0x76: {  	_ =	shalt  }
0x77: {  	_ =	shalt  }
0x78: {  	_ =	shalt  }
0x79: {  	_ =	shalt  }
0x7a: {  	_ =	shalt  }
0x7b: {  	_ =	shalt  }
0x7c: {  	_ =	shalt  }
0x7d: {  	_ =	shalt  }
0x7e: {  	_ =	shalt  }
0x7f: {  	_ =	shalt  }
0x80: {  	_ =	shalt  }
0x81: {  	_ =	shalt  }
0x82: {  	_ =	shalt  }
0x83: {  	_ =	shalt  }
0x84: {  	_ =	shalt  }
0x85: {  	_ =	shalt  }
0x86: {  	_ =	shalt  }
0x87: {  	_ =	shalt  }
.Lfunc_end0:
.L_simem_size_0:
called_computation_lowered:
.L_overlay_start_0:
0x88: {  	s2 =	sld [smem:$0x3FD9]  }
0x89: {  	s3 =	sld [smem:$0x3FFE];
	_ =	sdelay $0x1  }
0x8a: {  	s1 =	srdreg.scid  }
0x8b: {  	s0 =	sand.u32 $0x1, s1  }
0x8c: {  	s17 =	sshll.u32 s0, $0xA;
	s2 =	sadd.s32 s3, s2  }
0x8d: {  	s2 =	sadd.s32 s2, s17  }
0x8e: {  	[smem:$0x3FC6] =	sst s2  }
0x8f: {  	_ = 	snop  }
0x90: {  	s2 =	sld [smem:$0x3FD0];
	(tm) =	ssettm $0x1  }
0x91: {  	s18 =	sld [smem:$0x3FFB];
	_ =	sdelay $0x3  }
0x92: {  	_ =	strace s18  }
0x93: {  	s3 =	sld [smem:$0x3FFC];
	_ =	sdelay $0x3  }
0x94: {  	_ =	strace s3  }
0x95: {  	s3 =	sld [smem:$0x3FFD];
	_ =	sdelay $0x3  }
0x96: {  	_ =	strace s3  }
0x97: {  	_ =	strace $0x8FFFFFFF  }
0x98: {  	s19 =	sld [smem:$0x3FDB];
	_ =	sdelay $0x1  }
0x99: {  	s4 =	simm.s32 $_scs_section_size  }
0x9a: {  	s5 =	simm.s32 $_size__tile_overlayer_lowered;
	s6 =	simm.s32 $_tile_overlayer_lowered  }
0x9b: {  	s22 =	simm.s32 $0x1BFF;
	s21 =	sshll.u32 s6, $0x1;
	s3 =	sadd.s32 s4, s19  }
0x9c: {  	s7 =	simm.s32 $0x0;
	s20 =	sshll.u32 s5, $0x1;
	s5 =	sadd.s32 s21, s3  }
0x9d: {  	[timem:s7], [sflag:s22] =	dma.local [hbm:s5], s20  }
0x9e: {  	_ =	swait.ge [sflag:s22], s20  }
0x9f: {  	s4 =	ssub.s32 $0x0, s20;
	[sflag:s22] =	ssyncset.done $0x0  }
0xa0: {  	[sflag:s22] =	ssyncadd.s32 s4;
	_ =	sdelay $0x1  }
0xa1: {  	s23 =	simm.s32 $0x1B8B  }
0xa2: {  	_ =	swait.ge [sflag:s23], $0x1  }
0xa3: {  	[sflag:s23] =	ssyncset.done $0x0  }
0xa4: {  	s25 =	simm.s32 $0x1B8E;
	s24 =	sld [smem:$0x3FFE];
	[sflag:s23] =	ssyncadd.s32 $0xFFFFFFFF  }
0xa5: {  	s26 =	simm.s32 $execute0_lowered;
	[smem:$0x3FD2] =	sst s25  }
0xa6: {  	s5 =	sshll.u32 s26, $0x1;
	_ =	strace $0x80000046;
	[dreg:$0x1] =	wrdreg $0xFFFFFFFF  }
0xa7: {  	s28 =	simm.s32 $_size_execute0_lowered;
	s3 =	sadd.s32 s3, s5;
	[dreg:$0x0] =	wrdreg $0x0  }
0xa8: {  	s5 =	sshll.u32 s28, $0x1;
	[dreg:$0x2] =	wrdreg s3  }
0xa9: {  	[dreg:$0x3] =	wrdreg s5  }
0xaa: {  	[dreg:$0x4] =	wrdreg $0xC0  }
0xab: {  	_ =	task [dreg:s7], $0x5FFFF  }
0xac: {  	[dreg:$0x1] =	wrdreg $0xFFFFFFFF  }
0xad: {  	[dreg:$0x0] =	wrdreg $0x60  }
0xae: {  	[dreg:$0x2] =	wrdreg s24  }
0xaf: {  	[dreg:$0x3] =	wrdreg s2  }
0xb0: {  	[dreg:$0x4] =	wrdreg $0x9  }
0xb1: {  	_ =	task.clear_ibuf [dreg:s7], $0x5FFFF;
	_ =	strace $0x90000046  }
0xb2: {  	s29 =	simm.s32 $0x9;
	_ =	strace $0x80000048  }
0xb3: {  	_ =	swait.ge [sflag:s29], $0x1  }
0xb4: {  	[sflag:s29] =	ssyncadd.s32 $0xFFFFFFFF  }
0xb5: {  	_ =	strace $0x90000048  }
0xb6: {  	_ =	sfence  }
0xb7: {  	s30 =	sld [smem:$0x0];
	_ =	sdelay $0x2  }
0xb8: {  	s31 =	sshll.u32 s1, $0xD;
	s1 =	sshrl.u32 s1, $0x2  }
0xb9: {  	s3 =	sand.u32 $0x4000, s31;
	s1 =	sadd.s32 s1, s30  }
0xba: {  	s0 =	sor.u32 s3, s0;
	s1 =	sshll.u32 s1, $0x11  }
0xbb: {  	s0 =	sor.u32 s1, s0  }
0xbc: {  	s0 =	sadd.s32 $0x8F2B, s0  }
0xbd: {  	[sflag:s0] =	ssyncadd.remote.s32 $0x1  }
0xbe: {  	_ =	sfence.sel $0xFFFF  }
0xbf: {  	[dreg:$0x0] =	wrdreg $0xFFFFFFFF;
	(pc) =	sbr.abs _section_cstart, $3  }
0xc0: {  	[dreg:$0x1] =	wrdreg $0xFFFFFFFF  }
0xc1: {  	_ =	task.clear_ibuf [dreg:s7], $0x2FFFF;
	_ =	strace $0x9FFFFFFF  }
0xc2: {  	(tm) =	ssettm $0x7FFFFFFF  }
0xc3: {  	_ =	shalt  }
tec
execute0_lowered:
.L_overlay_start_1:
0x0: {  	(tag) =	ssettag $0x1  }
0x1: {  	s0 =	srdreg.scid  }
0x2: {  	s1 =	stileid.u32;
	s4 =	rddreg [dreg:$0x0]  }
0x3: {  	s2 =	rddreg [dreg:$0x1];
	s3 =	simm.s32 $0x0;
	s16 =	simm.s32 $0x8400  }
0x4: {  	s20 =	simm.s32 $0x9500;
	s8 =	simm.s32 $0x9D80;
	s10 =	simm.s32 $0x9E08  }
0x5: {  	s15 =	simm.s32 $0x9E90;
	s11 =	simm.s32 $0x9F18;
	s13 =	simm.s32 $0x9FA0  }
0x6: {  	s14 =	simm.s32 $0xA028;
	s9 =	simm.s32 $0xA138;
	s17 =	simm.s32 $0xA248  }
0x7: {  	s18 =	simm.s32 $0xA2D0;
	s19 =	simm.s32 $0xA358;
	s21 =	simm.s32 $0xA3E0  }
0x8: {  	s22 =	simm.s32 $0xA468;
	s0 =	sand.u32 $0x1, s0;
	s1 =	sshll.u32 s1, $0x1  }
0x9: {  	s23 =	simm.s32 $0xA4F0;
	[smem:$0x7FF] =	sst s3;
	s1 =	sor.u32 s0, s1  }
0xa: {  	s7 =	sadd.s32 $0xF42A00, s4;
	s31 =	sadd.s32 $0x680, s4;
	s5 =	smul.u32 $0x6400, s1  }
0xb: {  	v0 =	vlaneseq.u32;
	s0 =	ssub.s32 $0x2, s0;
	_ =	strace $0x80000047;
	s6 =	sshll.u32 s1, $0xA  }
0xc: {  	v1 =	vimm.s32 $0x0;
	vm0 =	vcmask $0x300;
	v0 =	vmul.u32 $0x88, v0;
	[dreg:$0x3] =	wrdreg s7;
	s6 =	sand.u32 $0xC00, s6;
	s5 =	sand.u32 $0xFF000, s5  }
0xd: {  	v1 =	vsel vm0, $0x3, v1;
	s28 =	sshrl.u32 s0, $0x1;
	s1 =	smul.u32 $0x32, s1;
	s5 =	sor.u32 s6, s5  }
0xe: {  	[dreg:$0x8] =	wrdreg s31;
	v2 =	vadd.s32 $0x880, v0;
	v3 =	vor.u32 $0x1, v0;
	v4 =	vadd.s32 $0x881, v0;
	s0 =	ssub.s32 s0, s28;
	s5 =	sshrl.u32 s5, $0x3  }
0xf: {  	v5 =	vor.u32 $0x2, v0;
	v6 =	vadd.s32 $0x882, v0;
	v7 =	vor.u32 $0x3, v0;
	[dreg:$0x4] =	wrdreg s1;
	s0 =	smax.u32 s0, $0x1;
	s5 =	sadd.s32 s5, s4  }
0x10: {  	s24 =	simm.s32 $0xA578;
	v8 =	vadd.s32 $0x883, v0;
	v9 =	vor.u32 $0x4, v0;
	v10 =	vadd.s32 $0x884, v0;
	[dreg:$0x7] =	wrdreg s0;
	s29 =	sadd.s32 $0x600, s5  }
0x11: {  	v11 =	vor.u32 $0x5, v0;
	v12 =	vadd.s32 $0x885, v0;
	v13 =	vor.u32 $0x6, v0;
	s1 =	simm.s32 $0x0;
	s30 =	sadd.s32 $0x640, s5;
	[dreg:$0x5] =	wrdreg s29  }
0x12: {  	v14 =	vadd.s32 $0x886, v0;
	v15 =	vor.u32 $0x7, v0;
	v16 =	vadd.s32 $0x887, v0;
	s4 =	simm.s32 $0xA1C0;
	s5 =	simm.s32 $0xA0B0;
	[dreg:$0x6] =	wrdreg s30  }
.LBB2_1:
0x13: {  	[dreg:$0x9] =	wrdreg s1  }
0x14: {  	s0 =	rddreg [dreg:$0x5];
	s28 =	simm.s32 $0x1  }
0x15: {  	[tilespmem:s3], [sflag:$0x1] =	stream.linear.gather [hbm4b:s0+s3], $0x200, $0x38;
	[tilespmem:$0xA600] =	vst v63  }
0x16: {  	_ =	swait.ge [sflag:s28], $0x200  }
0x17: {  	s30 =	simm.s32 $0x200;
	[sflag:s28] =	ssyncset.done $0x0  }
0x18: {  	s6 =	simm.s32 $0x400;
	s29 =	rddreg [dreg:$0x3];
	[sflag:s28] =	ssyncadd.s32 $0xFFFFFE00  }
0x19: {  	[tilespmem:s6], [sflag:$0x3] =	stream.indirect.gather [hbm4b:s29+s30], $0x20, s3, s30, $0xb8;
	[tilespmem:$0xA600] =	vst v63  }
0x1a: {  	s7 =	simm.s32 $0x0;
	s31 =	rddreg [dreg:$0x6]  }
0x1b: {  	[tilespmem:s30], [sflag:$0x2] =	stream.linear.gather [hbm4b:s31+s3], $0x200, $0x38;
	[tilespmem:$0xA600] =	vst v63  }
.LBB2_2:
0x1c: {  	s0 =	simm.s32 $0x3  }
0x1d: {  	_ =	swait.ge [sflag:s0], $0x4000  }
0x1e: {  	[sflag:s0] =	ssyncset.done $0x0  }
0x1f: {  	s6 =	simm.s32 $0x2;
	s12 =	sshll.u32 s7, $0x1;
	[sflag:s0] =	ssyncadd.s32 $0xFFFFC000  }
0x20: {  	_ =	swait.ge [sflag:s6], $0x200;
	[dreg:$0xb] =	wrdreg s12  }
0x21: {  	s1 =	simm.s32 $0x200;
	[dreg:$0xa] =	wrdreg s7  }
0x22: {  	p0 =	seq.s32 s7, $0x18;
	p3 =	por $0x1, $0x1;
	s25 =	rddreg [dreg:$0x3]  }
0x23: {  	p2 =	por $0x0, $0x0;
	[sflag:s6] =	ssyncset.done $0x0;
	s26 =	rddreg [dreg:$0x4]  }
0x24: {  	[sflag:s6] =	ssyncadd.s32 $0xFFFFFE00;
	s6 =	simm.s32 $0x4400;
	s0 =	sadd.s32 s26, s12  }
0x25: {  	[tilespmem:s6], [sflag:$0x4] =	stream.indirect.gather [hbm4b:s25+s1], $0x20, s1, s1, $0xb8;
	[tilespmem:$0xA600] =	vst v63  }
0x26: {  	s1 =	sshll.u32 @!p0 s0, $0x6;
	s6 =	rddreg [dreg:$0x8];
	s31 =	sshll.u32 s0, $0x2  }
0x27: {  	s0 =	sshll.u32 s0, $0xE;
	s1 =	sadd.s32 @!p0 s6, s1;
	s6 =	simm.s32 @!p0 $0x0  }
0x28: {  	s25 =	sand.u32 $0x18, s31;
	s26 =	sand.u32 $0x7FFE0000, s0;
	s30 =	sor.u32 $0x18000, s0  }
0x29: {  	[tilespmem:s6], [sflag:$0x1] =	stream.linear.gather @!p0 [hbm4b:s1+s6], $0x200, $0x38;
	[tilespmem:$0xA600] =	vst v63  }
0x2a: {  	s28 =	sor.u32 $0x8000, s26;
	s29 =	sor.u32 $0x10000, s26;
	s1 =	simm.s32 $0x0  }
.LBB2_3:
0x2b: {  	s0 =	simm.s32 @p2 $0x5  }
0x2c: {  	_ =	swait.ge @p2 [sflag:s0], $0x400  }
0x2d: {  	[sflag:s0] =	ssyncset.done @p2 $0x0  }
0x2e: {  	[sflag:s0] =	ssyncadd.s32 @p2 $0xFFFFFC00  }
0x2f: {  	_ =	swait.ge @p2 [sflag:s0], $0x400  }
0x30: {  	[sflag:s0] =	ssyncset.done @p2 $0x0  }
0x31: {  	[sflag:s0] =	ssyncadd.s32 @p2 $0xFFFFFC00  }
0x32: {  	s6 =	simm.s32 $0x0;
	_ =	swait.ge @p2 [sflag:s0], $0x400  }
0x33: {  	v17 =	vmov s6;
	[sflag:s0] =	ssyncset.done @p2 $0x0  }
0x34: {  	v17 =	vshrl.u32 v17, $0x3;
	[sflag:s0] =	ssyncadd.s32 @p2 $0xFFFFFC00  }
0x35: {  	s12 =	sshll.u32 s1, $0xF;
	v17 =	vshll.u32 v17, v1;
	_ =	swait.ge @p2 [sflag:s0], $0x400  }
0x36: {  	s31 =	sshra.s32 s12, $0x2;
	v17 =	vbroadcast v17, $0x0;
	[sflag:s0] =	ssyncset.done @p2 $0x0  }
0x37: {  	[sflag:s0] =	ssyncadd.s32 @p2 $0xFFFFFC00;
	s0 =	sor.u32 $0x500, s31  }
0x38: {  	v19 =	vadd.s32 v0, v17;
	v18 =	vld [tilespmem:s0+$0xFFFFFF00];
	_ =	sdelay $0x4  }
0x39: {  	[tilespmem:v19+s16+$0x0] =	vst.idx.msk $0xffff, v18  }
0x3a: {  	s7 =	simm.s32 $0x1;
	v17 =	vadd.s32 v2, v17;
	v18 =	vld [tilespmem:s0+$0xFFFFFF10]  }
0x3b: {  	v19 =	vmov s7  }
0x3c: {  	v19 =	vshrl.u32 v19, $0x3  }
0x3d: {  	v19 =	vshll.u32 v19, v1  }
0x3e: {  	v19 =	vbroadcast v19, $0x0  }
0x3f: {  	[tilespmem:v17+s16+$0x0] =	vst.idx.msk $0xffff, v18  }
0x40: {  	v18 =	vadd.s32 v3, v19;
	v17 =	vld [tilespmem:s0+$0xFFFFFF20];
	_ =	sdelay $0x4  }
0x41: {  	[tilespmem:v18+s16+$0x0] =	vst.idx.msk $0xffff, v17  }
0x42: {  	s12 =	simm.s32 $0x2;
	v18 =	vadd.s32 v4, v19;
	v17 =	vld [tilespmem:s0+$0xFFFFFF30]  }
0x43: {  	v19 =	vmov s12  }
0x44: {  	v19 =	vshrl.u32 v19, $0x3  }
0x45: {  	v19 =	vshll.u32 v19, v1  }
0x46: {  	v19 =	vbroadcast v19, $0x0  }
0x47: {  	[tilespmem:v18+s16+$0x0] =	vst.idx.msk $0xffff, v17  }
0x48: {  	v18 =	vadd.s32 v5, v19;
	v17 =	vld [tilespmem:s0+$0xFFFFFF40];
	_ =	sdelay $0x4  }
0x49: {  	[tilespmem:v18+s16+$0x0] =	vst.idx.msk $0xffff, v17  }
0x4a: {  	s7 =	simm.s32 $0x3;
	v18 =	vadd.s32 v6, v19;
	v17 =	vld [tilespmem:s0+$0xFFFFFF50]  }
0x4b: {  	v19 =	vmov s7  }
0x4c: {  	v19 =	vshrl.u32 v19, $0x3  }
0x4d: {  	v19 =	vshll.u32 v19, v1  }
0x4e: {  	v19 =	vbroadcast v19, $0x0  }
0x4f: {  	[tilespmem:v18+s16+$0x0] =	vst.idx.msk $0xffff, v17  }
0x50: {  	v18 =	vadd.s32 v7, v19;
	v17 =	vld [tilespmem:s0+$0xFFFFFF60];
	_ =	sdelay $0x4  }
0x51: {  	[tilespmem:v18+s16+$0x0] =	vst.idx.msk $0xffff, v17  }
0x52: {  	s12 =	simm.s32 $0x4;
	v18 =	vadd.s32 v8, v19;
	v17 =	vld [tilespmem:s0+$0xFFFFFF70]  }
0x53: {  	v19 =	vmov s12  }
0x54: {  	v19 =	vshrl.u32 v19, $0x3  }
0x55: {  	v19 =	vshll.u32 v19, v1  }
0x56: {  	v19 =	vbroadcast v19, $0x0  }
0x57: {  	[tilespmem:v18+s16+$0x0] =	vst.idx.msk $0xffff, v17  }
0x58: {  	v18 =	vadd.s32 v9, v19;
	v17 =	vld [tilespmem:s0+$0xFFFFFF80];
	_ =	sdelay $0x4  }
0x59: {  	[tilespmem:v18+s16+$0x0] =	vst.idx.msk $0xffff, v17  }
0x5a: {  	s7 =	simm.s32 $0x5;
	v18 =	vadd.s32 v10, v19;
	v17 =	vld [tilespmem:s0+$0xFFFFFF90]  }
0x5b: {  	v19 =	vmov s7  }
0x5c: {  	v19 =	vshrl.u32 v19, $0x3  }
0x5d: {  	v19 =	vshll.u32 v19, v1  }
0x5e: {  	v19 =	vbroadcast v19, $0x0  }
0x5f: {  	[tilespmem:v18+s16+$0x0] =	vst.idx.msk $0xffff, v17  }
0x60: {  	v18 =	vadd.s32 v11, v19;
	v17 =	vld [tilespmem:s0+$0xFFFFFFA0];
	_ =	sdelay $0x4  }
0x61: {  	[tilespmem:v18+s16+$0x0] =	vst.idx.msk $0xffff, v17  }
0x62: {  	s12 =	simm.s32 $0x6;
	v18 =	vadd.s32 v12, v19;
	v17 =	vld [tilespmem:s0+$0xFFFFFFB0]  }
0x63: {  	v19 =	vmov s12  }
0x64: {  	v19 =	vshrl.u32 v19, $0x3  }
0x65: {  	v19 =	vshll.u32 v19, v1  }
0x66: {  	v19 =	vbroadcast v19, $0x0  }
0x67: {  	[tilespmem:v18+s16+$0x0] =	vst.idx.msk $0xffff, v17  }
0x68: {  	v18 =	vadd.s32 v13, v19;
	v17 =	vld [tilespmem:s0+$0xFFFFFFC0];
	_ =	sdelay $0x4  }
0x69: {  	[tilespmem:v18+s16+$0x0] =	vst.idx.msk $0xffff, v17  }
0x6a: {  	s7 =	simm.s32 $0x7;
	v18 =	vadd.s32 v14, v19;
	v17 =	vld [tilespmem:s0+$0xFFFFFFD0]  }
0x6b: {  	v19 =	vmov s7  }
0x6c: {  	v19 =	vshrl.u32 v19, $0x3  }
0x6d: {  	v19 =	vshll.u32 v19, v1  }
0x6e: {  	v19 =	vbroadcast v19, $0x0  }
0x6f: {  	[tilespmem:v18+s16+$0x0] =	vst.idx.msk $0xffff, v17  }
0x70: {  	v18 =	vadd.s32 v15, v19;
	v17 =	vld [tilespmem:s0+$0xFFFFFFE0];
	_ =	sdelay $0x4  }
0x71: {  	[tilespmem:v18+s16+$0x0] =	vst.idx.msk $0xffff, v17  }
0x72: {  	s12 =	simm.s32 $0x8;
	v18 =	vadd.s32 v16, v19;
	v17 =	vld [tilespmem:s0+$0xFFFFFFF0]  }
0x73: {  	v19 =	vmov s12  }
0x74: {  	v19 =	vshrl.u32 v19, $0x3  }
0x75: {  	v19 =	vshll.u32 v19, v1  }
0x76: {  	v19 =	vbroadcast v19, $0x0  }
0x77: {  	[tilespmem:v18+s16+$0x0] =	vst.idx.msk $0xffff, v17  }
0x78: {  	v18 =	vadd.s32 v0, v19;
	v17 =	vld [tilespmem:s0+$0x0];
	_ =	sdelay $0x4  }
0x79: {  	[tilespmem:v18+s16+$0x0] =	vst.idx.msk $0xffff, v17  }
0x7a: {  	s7 =	simm.s32 $0x9;
	v18 =	vadd.s32 v2, v19;
	v17 =	vld [tilespmem:s0+$0x10]  }
0x7b: {  	v19 =	vmov s7  }
0x7c: {  	v19 =	vshrl.u32 v19, $0x3  }
0x7d: {  	v19 =	vshll.u32 v19, v1  }
0x7e: {  	v19 =	vbroadcast v19, $0x0  }
0x7f: {  	[tilespmem:v18+s16+$0x0] =	vst.idx.msk $0xffff, v17  }
0x80: {  	v18 =	vadd.s32 v3, v19;
	v17 =	vld [tilespmem:s0+$0x20];
	_ =	sdelay $0x4  }
0x81: {  	[tilespmem:v18+s16+$0x0] =	vst.idx.msk $0xffff, v17  }
0x82: {  	s12 =	simm.s32 $0xA;
	v18 =	vadd.s32 v4, v19;
	v17 =	vld [tilespmem:s0+$0x30]  }
0x83: {  	v19 =	vmov s12  }
0x84: {  	v19 =	vshrl.u32 v19, $0x3  }
0x85: {  	v19 =	vshll.u32 v19, v1  }
0x86: {  	v19 =	vbroadcast v19, $0x0  }
0x87: {  	[tilespmem:v18+s16+$0x0] =	vst.idx.msk $0xffff, v17  }
0x88: {  	v18 =	vadd.s32 v5, v19;
	v17 =	vld [tilespmem:s0+$0x40];
	_ =	sdelay $0x4  }
0x89: {  	[tilespmem:v18+s16+$0x0] =	vst.idx.msk $0xffff, v17  }
0x8a: {  	s7 =	simm.s32 $0xB;
	v18 =	vadd.s32 v6, v19;
	v17 =	vld [tilespmem:s0+$0x50]  }
0x8b: {  	v19 =	vmov s7  }
0x8c: {  	v19 =	vshrl.u32 v19, $0x3  }
0x8d: {  	v19 =	vshll.u32 v19, v1  }
0x8e: {  	v19 =	vbroadcast v19, $0x0  }
0x8f: {  	[tilespmem:v18+s16+$0x0] =	vst.idx.msk $0xffff, v17  }
0x90: {  	v18 =	vadd.s32 v7, v19;
	v17 =	vld [tilespmem:s0+$0x60];
	_ =	sdelay $0x4  }
0x91: {  	[tilespmem:v18+s16+$0x0] =	vst.idx.msk $0xffff, v17  }
0x92: {  	s12 =	simm.s32 $0xC;
	v18 =	vadd.s32 v8, v19;
	v17 =	vld [tilespmem:s0+$0x70]  }
0x93: {  	v19 =	vmov s12  }
0x94: {  	v19 =	vshrl.u32 v19, $0x3  }
0x95: {  	v19 =	vshll.u32 v19, v1  }
0x96: {  	v19 =	vbroadcast v19, $0x0  }
0x97: {  	[tilespmem:v18+s16+$0x0] =	vst.idx.msk $0xffff, v17  }
0x98: {  	v18 =	vadd.s32 v9, v19;
	v17 =	vld [tilespmem:s0+$0x80];
	_ =	sdelay $0x4  }
0x99: {  	[tilespmem:v18+s16+$0x0] =	vst.idx.msk $0xffff, v17  }
0x9a: {  	s7 =	simm.s32 $0xD;
	v18 =	vadd.s32 v10, v19;
	v17 =	vld [tilespmem:s0+$0x90]  }
0x9b: {  	v19 =	vmov s7  }
0x9c: {  	v19 =	vshrl.u32 v19, $0x3  }
0x9d: {  	v19 =	vshll.u32 v19, v1  }
0x9e: {  	v19 =	vbroadcast v19, $0x0  }
0x9f: {  	[tilespmem:v18+s16+$0x0] =	vst.idx.msk $0xffff, v17  }
0xa0: {  	v18 =	vadd.s32 v11, v19;
	v17 =	vld [tilespmem:s0+$0xA0];
	_ =	sdelay $0x4  }
0xa1: {  	[tilespmem:v18+s16+$0x0] =	vst.idx.msk $0xffff, v17  }
0xa2: {  	s12 =	simm.s32 $0xE;
	v18 =	vadd.s32 v12, v19;
	v17 =	vld [tilespmem:s0+$0xB0]  }
0xa3: {  	v19 =	vmov s12  }
0xa4: {  	v19 =	vshrl.u32 v19, $0x3  }
0xa5: {  	v19 =	vshll.u32 v19, v1  }
0xa6: {  	v19 =	vbroadcast v19, $0x0  }
0xa7: {  	[tilespmem:v18+s16+$0x0] =	vst.idx.msk $0xffff, v17  }
0xa8: {  	v18 =	vadd.s32 v13, v19;
	v17 =	vld [tilespmem:s0+$0xC0];
	_ =	sdelay $0x4  }
0xa9: {  	[tilespmem:v18+s16+$0x0] =	vst.idx.msk $0xffff, v17  }
0xaa: {  	s7 =	simm.s32 $0xF;
	v18 =	vadd.s32 v14, v19;
	v17 =	vld [tilespmem:s0+$0xD0]  }
0xab: {  	v19 =	vmov s7  }
0xac: {  	v19 =	vshrl.u32 v19, $0x3  }
0xad: {  	v19 =	vshll.u32 v19, v1  }
0xae: {  	v19 =	vbroadcast v19, $0x0  }
0xaf: {  	[tilespmem:v18+s16+$0x0] =	vst.idx.msk $0xffff, v17  }
0xb0: {  	v18 =	vadd.s32 v15, v19;
	v17 =	vld [tilespmem:s0+$0xE0];
	_ =	sdelay $0x4  }
0xb1: {  	p1 =	por p3, p3;
	s6 =	simm.s32 $0x2F;
	s12 =	sshll.u32 s1, $0x1;
	[tilespmem:v18+s16+$0x0] =	vst.idx.msk $0xffff, v17  }
0xb2: {  	s1 =	sor.u32 s25, s12;
	s12 =	simm.s32 $0x1F;
	s7 =	simm.s32 $0x10;
	v18 =	vadd.s32 v16, v19;
	v17 =	vld [tilespmem:s0+$0xF0]  }
.LBB2_4:
0xb3: {  	p3 =	sne.s32 s6, $0x7F;
	v19 =	vmov s7  }
0xb4: {  	v19 =	vshrl.u32 v19, $0x3  }
0xb5: {  	v19 =	vshll.u32 v19, v1  }
0xb6: {  	v19 =	vbroadcast v19, $0x0  }
0xb7: {  	s0 =	sadd.s32 $0x200, s0;
	[tilespmem:v18+s16+$0x0] =	vst.idx.msk $0xffff, v17  }
0xb8: {  	v17 =	vld [tilespmem:s0+$0xFFFFFF00];
	v18 =	vadd.s32 v0, v19;
	_ =	sdelay $0x4  }
0xb9: {  	[tilespmem:v18+s16+$0x0] =	vst.idx.msk $0xffff, v17  }
0xba: {  	s7 =	sadd.s32 $0xFFFFFFF2, s12;
	v18 =	vadd.s32 v2, v19;
	v17 =	vld [tilespmem:s0+$0xFFFFFF10]  }
0xbb: {  	v19 =	vmov s7  }
0xbc: {  	v19 =	vshrl.u32 v19, $0x3  }
0xbd: {  	v19 =	vshll.u32 v19, v1  }
0xbe: {  	v19 =	vbroadcast v19, $0x0  }
0xbf: {  	[tilespmem:v18+s16+$0x0] =	vst.idx.msk $0xffff, v17  }
0xc0: {  	v18 =	vadd.s32 v3, v19;
	v17 =	vld [tilespmem:s0+$0xFFFFFF20];
	_ =	sdelay $0x4  }
0xc1: {  	[tilespmem:v18+s16+$0x0] =	vst.idx.msk $0xffff, v17  }
0xc2: {  	s7 =	sadd.s32 $0xFFFFFFF3, s12;
	v18 =	vadd.s32 v4, v19;
	v17 =	vld [tilespmem:s0+$0xFFFFFF30]  }
0xc3: {  	v19 =	vmov s7  }
0xc4: {  	v19 =	vshrl.u32 v19, $0x3  }
0xc5: {  	v19 =	vshll.u32 v19, v1  }
0xc6: {  	v19 =	vbroadcast v19, $0x0  }
0xc7: {  	[tilespmem:v18+s16+$0x0] =	vst.idx.msk $0xffff, v17  }
0xc8: {  	v18 =	vadd.s32 v5, v19;
	v17 =	vld [tilespmem:s0+$0xFFFFFF40];
	_ =	sdelay $0x4  }
0xc9: {  	[tilespmem:v18+s16+$0x0] =	vst.idx.msk $0xffff, v17  }
0xca: {  	s7 =	sadd.s32 $0xFFFFFFF4, s12;
	v18 =	vadd.s32 v6, v19;
	v17 =	vld [tilespmem:s0+$0xFFFFFF50]  }
0xcb: {  	v19 =	vmov s7  }
0xcc: {  	v19 =	vshrl.u32 v19, $0x3  }
0xcd: {  	v19 =	vshll.u32 v19, v1  }
0xce: {  	v19 =	vbroadcast v19, $0x0  }
0xcf: {  	[tilespmem:v18+s16+$0x0] =	vst.idx.msk $0xffff, v17  }
0xd0: {  	v18 =	vadd.s32 v7, v19;
	v17 =	vld [tilespmem:s0+$0xFFFFFF60];
	_ =	sdelay $0x4  }
0xd1: {  	[tilespmem:v18+s16+$0x0] =	vst.idx.msk $0xffff, v17  }
0xd2: {  	s7 =	sadd.s32 $0xFFFFFFF5, s12;
	v18 =	vadd.s32 v8, v19;
	v17 =	vld [tilespmem:s0+$0xFFFFFF70]  }
0xd3: {  	v19 =	vmov s7  }
0xd4: {  	v19 =	vshrl.u32 v19, $0x3  }
0xd5: {  	v19 =	vshll.u32 v19, v1  }
0xd6: {  	v19 =	vbroadcast v19, $0x0  }
0xd7: {  	[tilespmem:v18+s16+$0x0] =	vst.idx.msk $0xffff, v17  }
0xd8: {  	v18 =	vadd.s32 v9, v19;
	v17 =	vld [tilespmem:s0+$0xFFFFFF80];
	_ =	sdelay $0x4  }
0xd9: {  	[tilespmem:v18+s16+$0x0] =	vst.idx.msk $0xffff, v17  }
0xda: {  	s7 =	sadd.s32 $0xFFFFFFF6, s12;
	v18 =	vadd.s32 v10, v19;
	v17 =	vld [tilespmem:s0+$0xFFFFFF90]  }
0xdb: {  	v19 =	vmov s7  }
0xdc: {  	v19 =	vshrl.u32 v19, $0x3  }
0xdd: {  	v19 =	vshll.u32 v19, v1  }
0xde: {  	v19 =	vbroadcast v19, $0x0  }
0xdf: {  	[tilespmem:v18+s16+$0x0] =	vst.idx.msk $0xffff, v17  }
0xe0: {  	v18 =	vadd.s32 v11, v19;
	v17 =	vld [tilespmem:s0+$0xFFFFFFA0];
	_ =	sdelay $0x4  }
0xe1: {  	[tilespmem:v18+s16+$0x0] =	vst.idx.msk $0xffff, v17  }
0xe2: {  	s7 =	sadd.s32 $0xFFFFFFF7, s12;
	v18 =	vadd.s32 v12, v19;
	v17 =	vld [tilespmem:s0+$0xFFFFFFB0]  }
0xe3: {  	v19 =	vmov s7  }
0xe4: {  	v19 =	vshrl.u32 v19, $0x3  }
0xe5: {  	v19 =	vshll.u32 v19, v1  }
0xe6: {  	v19 =	vbroadcast v19, $0x0  }
0xe7: {  	[tilespmem:v18+s16+$0x0] =	vst.idx.msk $0xffff, v17  }
0xe8: {  	v18 =	vadd.s32 v13, v19;
	v17 =	vld [tilespmem:s0+$0xFFFFFFC0];
	_ =	sdelay $0x4  }
0xe9: {  	[tilespmem:v18+s16+$0x0] =	vst.idx.msk $0xffff, v17  }
0xea: {  	s7 =	sadd.s32 $0xFFFFFFF8, s12;
	v18 =	vadd.s32 v14, v19;
	v17 =	vld [tilespmem:s0+$0xFFFFFFD0]  }
0xeb: {  	v19 =	vmov s7  }
0xec: {  	v19 =	vshrl.u32 v19, $0x3  }
0xed: {  	v19 =	vshll.u32 v19, v1  }
0xee: {  	v19 =	vbroadcast v19, $0x0  }
0xef: {  	[tilespmem:v18+s16+$0x0] =	vst.idx.msk $0xffff, v17  }
0xf0: {  	v18 =	vadd.s32 v15, v19;
	v17 =	vld [tilespmem:s0+$0xFFFFFFE0];
	_ =	sdelay $0x4  }
0xf1: {  	[tilespmem:v18+s16+$0x0] =	vst.idx.msk $0xffff, v17  }
0xf2: {  	s7 =	sadd.s32 $0xFFFFFFF9, s12;
	v18 =	vadd.s32 v16, v19;
	v17 =	vld [tilespmem:s0+$0xFFFFFFF0]  }
0xf3: {  	v19 =	vmov s7  }
0xf4: {  	v19 =	vshrl.u32 v19, $0x3  }
0xf5: {  	v19 =	vshll.u32 v19, v1  }
0xf6: {  	v19 =	vbroadcast v19, $0x0  }
0xf7: {  	[tilespmem:v18+s16+$0x0] =	vst.idx.msk $0xffff, v17  }
0xf8: {  	v18 =	vadd.s32 v0, v19;
	v17 =	vld [tilespmem:s0+$0x0];
	_ =	sdelay $0x4  }
0xf9: {  	[tilespmem:v18+s16+$0x0] =	vst.idx.msk $0xffff, v17  }
0xfa: {  	s7 =	sadd.s32 $0xFFFFFFFA, s12;
	v18 =	vadd.s32 v2, v19;
	v17 =	vld [tilespmem:s0+$0x10]  }
0xfb: {  	v19 =	vmov s7  }
0xfc: {  	v19 =	vshrl.u32 v19, $0x3  }
0xfd: {  	v19 =	vshll.u32 v19, v1  }
0xfe: {  	v19 =	vbroadcast v19, $0x0  }
0xff: {  	[tilespmem:v18+s16+$0x0] =	vst.idx.msk $0xffff, v17  }
0x100: {  	v18 =	vadd.s32 v3, v19;
	v17 =	vld [tilespmem:s0+$0x20];
	_ =	sdelay $0x4  }
0x101: {  	[tilespmem:v18+s16+$0x0] =	vst.idx.msk $0xffff, v17  }
0x102: {  	s7 =	sadd.s32 $0xFFFFFFFB, s12;
	v18 =	vadd.s32 v4, v19;
	v17 =	vld [tilespmem:s0+$0x30]  }
0x103: {  	v19 =	vmov s7  }
0x104: {  	v19 =	vshrl.u32 v19, $0x3  }
0x105: {  	v19 =	vshll.u32 v19, v1  }
0x106: {  	v19 =	vbroadcast v19, $0x0  }
0x107: {  	[tilespmem:v18+s16+$0x0] =	vst.idx.msk $0xffff, v17  }
0x108: {  	v18 =	vadd.s32 v5, v19;
	v17 =	vld [tilespmem:s0+$0x40];
	_ =	sdelay $0x4  }
0x109: {  	[tilespmem:v18+s16+$0x0] =	vst.idx.msk $0xffff, v17  }
0x10a: {  	s7 =	sadd.s32 $0xFFFFFFFC, s12;
	v18 =	vadd.s32 v6, v19;
	v17 =	vld [tilespmem:s0+$0x50]  }
0x10b: {  	v19 =	vmov s7  }
0x10c: {  	v19 =	vshrl.u32 v19, $0x3  }
0x10d: {  	v19 =	vshll.u32 v19, v1  }
0x10e: {  	v19 =	vbroadcast v19, $0x0  }
0x10f: {  	[tilespmem:v18+s16+$0x0] =	vst.idx.msk $0xffff, v17  }
0x110: {  	v18 =	vadd.s32 v7, v19;
	v17 =	vld [tilespmem:s0+$0x60];
	_ =	sdelay $0x4  }
0x111: {  	[tilespmem:v18+s16+$0x0] =	vst.idx.msk $0xffff, v17  }
0x112: {  	s7 =	sadd.s32 $0xFFFFFFFD, s12;
	v18 =	vadd.s32 v8, v19;
	v17 =	vld [tilespmem:s0+$0x70]  }
0x113: {  	v19 =	vmov s7  }
0x114: {  	v19 =	vshrl.u32 v19, $0x3  }
0x115: {  	v19 =	vshll.u32 v19, v1  }
0x116: {  	v19 =	vbroadcast v19, $0x0  }
0x117: {  	[tilespmem:v18+s16+$0x0] =	vst.idx.msk $0xffff, v17  }
0x118: {  	v18 =	vadd.s32 v9, v19;
	v17 =	vld [tilespmem:s0+$0x80];
	_ =	sdelay $0x4  }
0x119: {  	[tilespmem:v18+s16+$0x0] =	vst.idx.msk $0xffff, v17  }
0x11a: {  	s7 =	sadd.s32 $0xFFFFFFFE, s12;
	v18 =	vadd.s32 v10, v19;
	v17 =	vld [tilespmem:s0+$0x90]  }
0x11b: {  	v19 =	vmov s7  }
0x11c: {  	v19 =	vshrl.u32 v19, $0x3  }
0x11d: {  	v19 =	vshll.u32 v19, v1  }
0x11e: {  	v19 =	vbroadcast v19, $0x0  }
0x11f: {  	[tilespmem:v18+s16+$0x0] =	vst.idx.msk $0xffff, v17  }
0x120: {  	v18 =	vadd.s32 v11, v19;
	v17 =	vld [tilespmem:s0+$0xA0];
	_ =	sdelay $0x4  }
0x121: {  	[tilespmem:v18+s16+$0x0] =	vst.idx.msk $0xffff, v17  }
0x122: {  	s7 =	sadd.s32 $0xFFFFFFFF, s12;
	v18 =	vadd.s32 v12, v19;
	v17 =	vld [tilespmem:s0+$0xB0]  }
0x123: {  	v19 =	vmov s7  }
0x124: {  	v19 =	vshrl.u32 v19, $0x3  }
0x125: {  	v19 =	vshll.u32 v19, v1  }
0x126: {  	v19 =	vbroadcast v19, $0x0  }
0x127: {  	[tilespmem:v18+s16+$0x0] =	vst.idx.msk $0xffff, v17  }
0x128: {  	v18 =	vadd.s32 v13, v19;
	v17 =	vld [tilespmem:s0+$0xC0];
	_ =	sdelay $0x4  }
0x129: {  	[tilespmem:v18+s16+$0x0] =	vst.idx.msk $0xffff, v17  }
0x12a: {  	v18 =	vadd.s32 v14, v19;
	v17 =	vld [tilespmem:s0+$0xD0]  }
0x12b: {  	v19 =	vmov s12;
	s12 =	smov.u32 s6  }
0x12c: {  	v19 =	vshrl.u32 v19, $0x3  }
0x12d: {  	v19 =	vshll.u32 v19, v1  }
0x12e: {  	v19 =	vbroadcast v19, $0x0  }
0x12f: {  	[tilespmem:v18+s16+$0x0] =	vst.idx.msk $0xffff, v17  }
0x130: {  	v18 =	vadd.s32 v15, v19;
	v17 =	vld [tilespmem:s0+$0xE0];
	_ =	sdelay $0x1  }
.Ltmp0:
0x131: {  	(pc) =	sbr.rel @p3 .LBB2_4-.Ltmp0, $3  }
0x132: {  	_ =	sdelay $0x1  }
0x133: {  	[tilespmem:v18+s16+$0x0] =	vst.idx.msk $0xffff, v17  }
0x134: {  	s6 =	sadd.s32 $0x10, s6;
	s7 =	sadd.s32 $0xFFFFFFF1, s12;
	v18 =	vadd.s32 v16, v19;
	v17 =	vld [tilespmem:s0+$0xF0]  }
0x135: {  	v19 =	vmov s7  }
0x136: {  	v19 =	vshrl.u32 v19, $0x3  }
0x137: {  	v19 =	vshll.u32 v19, v1  }
0x138: {  	v19 =	vbroadcast v19, $0x0  }
0x139: {  	s0 =	sadd.s32 $0x200, s0;
	[tilespmem:v18+s16+$0x0] =	vst.idx.msk $0xffff, v17  }
0x13a: {  	v17 =	vld [tilespmem:s0+$0xFFFFFF00];
	v18 =	vadd.s32 v0, v19;
	_ =	sdelay $0x4  }
0x13b: {  	[tilespmem:v18+s16+$0x0] =	vst.idx.msk $0xffff, v17  }
0x13c: {  	s6 =	sadd.s32 $0xFFFFFFF2, s12;
	v18 =	vadd.s32 v2, v19;
	v17 =	vld [tilespmem:s0+$0xFFFFFF10]  }
0x13d: {  	v19 =	vmov s6  }
0x13e: {  	v19 =	vshrl.u32 v19, $0x3  }
0x13f: {  	v19 =	vshll.u32 v19, v1  }
0x140: {  	v19 =	vbroadcast v19, $0x0  }
0x141: {  	[tilespmem:v18+s16+$0x0] =	vst.idx.msk $0xffff, v17  }
0x142: {  	v18 =	vadd.s32 v3, v19;
	v17 =	vld [tilespmem:s0+$0xFFFFFF20];
	_ =	sdelay $0x4  }
0x143: {  	[tilespmem:v18+s16+$0x0] =	vst.idx.msk $0xffff, v17  }
0x144: {  	s7 =	sadd.s32 $0xFFFFFFF3, s12;
	v18 =	vadd.s32 v4, v19;
	v17 =	vld [tilespmem:s0+$0xFFFFFF30]  }
0x145: {  	v19 =	vmov s7  }
0x146: {  	v19 =	vshrl.u32 v19, $0x3  }
0x147: {  	v19 =	vshll.u32 v19, v1  }
0x148: {  	v19 =	vbroadcast v19, $0x0  }
0x149: {  	[tilespmem:v18+s16+$0x0] =	vst.idx.msk $0xffff, v17  }
0x14a: {  	v18 =	vadd.s32 v5, v19;
	v17 =	vld [tilespmem:s0+$0xFFFFFF40];
	_ =	sdelay $0x4  }
0x14b: {  	[tilespmem:v18+s16+$0x0] =	vst.idx.msk $0xffff, v17  }
0x14c: {  	s7 =	sadd.s32 $0xFFFFFFF4, s12;
	v18 =	vadd.s32 v6, v19;
	v17 =	vld [tilespmem:s0+$0xFFFFFF50]  }
0x14d: {  	v19 =	vmov s7  }
0x14e: {  	v19 =	vshrl.u32 v19, $0x3  }
0x14f: {  	v19 =	vshll.u32 v19, v1  }
0x150: {  	v19 =	vbroadcast v19, $0x0  }
0x151: {  	[tilespmem:v18+s16+$0x0] =	vst.idx.msk $0xffff, v17  }
0x152: {  	v18 =	vadd.s32 v7, v19;
	v17 =	vld [tilespmem:s0+$0xFFFFFF60];
	_ =	sdelay $0x4  }
0x153: {  	[tilespmem:v18+s16+$0x0] =	vst.idx.msk $0xffff, v17  }
0x154: {  	s7 =	sadd.s32 $0xFFFFFFF5, s12;
	v18 =	vadd.s32 v8, v19;
	v17 =	vld [tilespmem:s0+$0xFFFFFF70]  }
0x155: {  	v19 =	vmov s7  }
0x156: {  	v19 =	vshrl.u32 v19, $0x3  }
0x157: {  	v19 =	vshll.u32 v19, v1  }
0x158: {  	v19 =	vbroadcast v19, $0x0  }
0x159: {  	[tilespmem:v18+s16+$0x0] =	vst.idx.msk $0xffff, v17  }
0x15a: {  	v18 =	vadd.s32 v9, v19;
	v17 =	vld [tilespmem:s0+$0xFFFFFF80];
	_ =	sdelay $0x4  }
0x15b: {  	[tilespmem:v18+s16+$0x0] =	vst.idx.msk $0xffff, v17  }
0x15c: {  	s7 =	sadd.s32 $0xFFFFFFF6, s12;
	v18 =	vadd.s32 v10, v19;
	v17 =	vld [tilespmem:s0+$0xFFFFFF90]  }
0x15d: {  	v19 =	vmov s7  }
0x15e: {  	v19 =	vshrl.u32 v19, $0x3  }
0x15f: {  	v19 =	vshll.u32 v19, v1  }
0x160: {  	v19 =	vbroadcast v19, $0x0  }
0x161: {  	[tilespmem:v18+s16+$0x0] =	vst.idx.msk $0xffff, v17  }
0x162: {  	v18 =	vadd.s32 v11, v19;
	v17 =	vld [tilespmem:s0+$0xFFFFFFA0];
	_ =	sdelay $0x4  }
0x163: {  	[tilespmem:v18+s16+$0x0] =	vst.idx.msk $0xffff, v17  }
0x164: {  	s7 =	sadd.s32 $0xFFFFFFF7, s12;
	v18 =	vadd.s32 v12, v19;
	v17 =	vld [tilespmem:s0+$0xFFFFFFB0]  }
0x165: {  	v19 =	vmov s7  }
0x166: {  	v19 =	vshrl.u32 v19, $0x3  }
0x167: {  	v19 =	vshll.u32 v19, v1  }
0x168: {  	v19 =	vbroadcast v19, $0x0  }
0x169: {  	[tilespmem:v18+s16+$0x0] =	vst.idx.msk $0xffff, v17  }
0x16a: {  	v18 =	vadd.s32 v13, v19;
	v17 =	vld [tilespmem:s0+$0xFFFFFFC0];
	_ =	sdelay $0x4  }
0x16b: {  	[tilespmem:v18+s16+$0x0] =	vst.idx.msk $0xffff, v17  }
0x16c: {  	s7 =	sadd.s32 $0xFFFFFFF8, s12;
	v18 =	vadd.s32 v14, v19;
	v17 =	vld [tilespmem:s0+$0xFFFFFFD0]  }
0x16d: {  	v19 =	vmov s7  }
0x16e: {  	v19 =	vshrl.u32 v19, $0x3  }
0x16f: {  	v19 =	vshll.u32 v19, v1  }
0x170: {  	v19 =	vbroadcast v19, $0x0  }
0x171: {  	[tilespmem:v18+s16+$0x0] =	vst.idx.msk $0xffff, v17  }
0x172: {  	v18 =	vadd.s32 v15, v19;
	v17 =	vld [tilespmem:s0+$0xFFFFFFE0];
	_ =	sdelay $0x4  }
0x173: {  	[tilespmem:v18+s16+$0x0] =	vst.idx.msk $0xffff, v17  }
0x174: {  	s7 =	sadd.s32 $0xFFFFFFF9, s12;
	v18 =	vadd.s32 v16, v19;
	v17 =	vld [tilespmem:s0+$0xFFFFFFF0]  }
0x175: {  	v19 =	vmov s7  }
0x176: {  	v19 =	vshrl.u32 v19, $0x3  }
0x177: {  	v19 =	vshll.u32 v19, v1  }
0x178: {  	v19 =	vbroadcast v19, $0x0  }
0x179: {  	[tilespmem:v18+s16+$0x0] =	vst.idx.msk $0xffff, v17  }
0x17a: {  	v18 =	vadd.s32 v0, v19;
	v17 =	vld [tilespmem:s0+$0x0];
	_ =	sdelay $0x4  }
0x17b: {  	[tilespmem:v18+s16+$0x0] =	vst.idx.msk $0xffff, v17  }
0x17c: {  	s7 =	sadd.s32 $0xFFFFFFFA, s12;
	v18 =	vadd.s32 v2, v19;
	v17 =	vld [tilespmem:s0+$0x10]  }
0x17d: {  	v19 =	vmov s7  }
0x17e: {  	v19 =	vshrl.u32 v19, $0x3  }
0x17f: {  	v19 =	vshll.u32 v19, v1  }
0x180: {  	v19 =	vbroadcast v19, $0x0  }
0x181: {  	[tilespmem:v18+s16+$0x0] =	vst.idx.msk $0xffff, v17  }
0x182: {  	v18 =	vadd.s32 v3, v19;
	v17 =	vld [tilespmem:s0+$0x20];
	_ =	sdelay $0x4  }
0x183: {  	[tilespmem:v18+s16+$0x0] =	vst.idx.msk $0xffff, v17  }
0x184: {  	s7 =	sadd.s32 $0xFFFFFFFB, s12;
	v18 =	vadd.s32 v4, v19;
	v17 =	vld [tilespmem:s0+$0x30]  }
0x185: {  	v19 =	vmov s7  }
0x186: {  	v19 =	vshrl.u32 v19, $0x3  }
0x187: {  	v19 =	vshll.u32 v19, v1  }
0x188: {  	v19 =	vbroadcast v19, $0x0  }
0x189: {  	[tilespmem:v18+s16+$0x0] =	vst.idx.msk $0xffff, v17  }
0x18a: {  	v18 =	vadd.s32 v5, v19;
	v17 =	vld [tilespmem:s0+$0x40];
	_ =	sdelay $0x4  }
0x18b: {  	[tilespmem:v18+s16+$0x0] =	vst.idx.msk $0xffff, v17  }
0x18c: {  	s7 =	sadd.s32 $0xFFFFFFFC, s12;
	v18 =	vadd.s32 v6, v19;
	v17 =	vld [tilespmem:s0+$0x50]  }
0x18d: {  	v19 =	vmov s7  }
0x18e: {  	v19 =	vshrl.u32 v19, $0x3  }
0x18f: {  	v19 =	vshll.u32 v19, v1  }
0x190: {  	v19 =	vbroadcast v19, $0x0  }
0x191: {  	[tilespmem:v18+s16+$0x0] =	vst.idx.msk $0xffff, v17  }
0x192: {  	v18 =	vadd.s32 v7, v19;
	v17 =	vld [tilespmem:s0+$0x60];
	_ =	sdelay $0x4  }
0x193: {  	[tilespmem:v18+s16+$0x0] =	vst.idx.msk $0xffff, v17  }
0x194: {  	s7 =	sadd.s32 $0xFFFFFFFD, s12;
	v18 =	vadd.s32 v8, v19;
	v17 =	vld [tilespmem:s0+$0x70]  }
0x195: {  	v19 =	vmov s7  }
0x196: {  	v19 =	vshrl.u32 v19, $0x3  }
0x197: {  	v19 =	vshll.u32 v19, v1  }
0x198: {  	v19 =	vbroadcast v19, $0x0  }
0x199: {  	[tilespmem:v18+s16+$0x0] =	vst.idx.msk $0xffff, v17  }
0x19a: {  	v18 =	vadd.s32 v9, v19;
	v17 =	vld [tilespmem:s0+$0x80];
	_ =	sdelay $0x4  }
0x19b: {  	[tilespmem:v18+s16+$0x0] =	vst.idx.msk $0xffff, v17  }
0x19c: {  	s7 =	sadd.s32 $0xFFFFFFFE, s12;
	v18 =	vadd.s32 v10, v19;
	v17 =	vld [tilespmem:s0+$0x90]  }
0x19d: {  	v19 =	vmov s7  }
0x19e: {  	v19 =	vshrl.u32 v19, $0x3  }
0x19f: {  	v19 =	vshll.u32 v19, v1  }
0x1a0: {  	v19 =	vbroadcast v19, $0x0  }
0x1a1: {  	[tilespmem:v18+s16+$0x0] =	vst.idx.msk $0xffff, v17  }
0x1a2: {  	v18 =	vadd.s32 v11, v19;
	v17 =	vld [tilespmem:s0+$0xA0];
	_ =	sdelay $0x4  }
0x1a3: {  	[tilespmem:v18+s16+$0x0] =	vst.idx.msk $0xffff, v17  }
0x1a4: {  	s7 =	sadd.s32 $0xFFFFFFFF, s12;
	v18 =	vadd.s32 v12, v19;
	v17 =	vld [tilespmem:s0+$0xB0]  }
0x1a5: {  	v19 =	vmov s7  }
0x1a6: {  	v19 =	vshrl.u32 v19, $0x3  }
0x1a7: {  	v19 =	vshll.u32 v19, v1  }
0x1a8: {  	v19 =	vbroadcast v19, $0x0  }
0x1a9: {  	[tilespmem:v18+s16+$0x0] =	vst.idx.msk $0xffff, v17  }
0x1aa: {  	v18 =	vadd.s32 v13, v19;
	v17 =	vld [tilespmem:s0+$0xC0];
	_ =	sdelay $0x4  }
0x1ab: {  	[tilespmem:v18+s16+$0x0] =	vst.idx.msk $0xffff, v17  }
0x1ac: {  	v18 =	vadd.s32 v14, v19;
	v17 =	vld [tilespmem:s0+$0xD0]  }
0x1ad: {  	v19 =	vmov s12  }
0x1ae: {  	v19 =	vshrl.u32 v19, $0x3  }
0x1af: {  	v19 =	vshll.u32 v19, v1  }
0x1b0: {  	v19 =	vbroadcast v19, $0x0  }
0x1b1: {  	[tilespmem:v18+s16+$0x0] =	vst.idx.msk $0xffff, v17  }
0x1b2: {  	v18 =	vadd.s32 v15, v19;
	v17 =	vld [tilespmem:s0+$0xE0];
	_ =	sdelay $0x4  }
0x1b3: {  	[tilespmem:v18+s16+$0x0] =	vst.idx.msk $0xffff, v17  }
0x1b4: {  	v18 =	vadd.s32 v16, v19;
	v17 =	vld [tilespmem:s0+$0xF0];
	_ =	sdelay $0x1  }
0x1b5: {  	s0 =	sshll.u32 s1, $0xA  }
0x1b6: {  	s7 =	sor.u32 s26, s0  }
0x1b7: {  	s6 =	sshrl.u32 s7, $0x3  }
0x1b8: {  	s6 =	sadd.s32 s2, s6;
	[tilespmem:v18+s16+$0x0] =	vst.idx.msk $0xffff, v17  }
0x1b9: {  	[hbm4b:s6+s3] =	stream.linear.scatter [tilespmem:s16], [sflag:$0x5], $0x80, $0x38;
	[tilespmem:$0xA600] =	vst v63  }
0x1ba: {  	s12 =	simm.s32 $0x8488;
	s7 =	sadd.s32 $0x10, s6  }
0x1bb: {  	[hbm4b:s7+s3] =	stream.linear.scatter [tilespmem:s12], [sflag:$0x5], $0x80, $0x38;
	[tilespmem:$0xA600] =	vst v63  }
0x1bc: {  	s7 =	sadd.s32 $0x20, s6;
	s12 =	simm.s32 $0x8510  }
0x1bd: {  	[hbm4b:s7+s3] =	stream.linear.scatter [tilespmem:s12], [sflag:$0x5], $0x80, $0x38;
	[tilespmem:$0xA600] =	vst v63  }
0x1be: {  	s7 =	sadd.s32 $0x30, s6;
	s12 =	simm.s32 $0x8598  }
0x1bf: {  	[hbm4b:s7+s3] =	stream.linear.scatter [tilespmem:s12], [sflag:$0x5], $0x80, $0x38;
	[tilespmem:$0xA600] =	vst v63  }
0x1c0: {  	s7 =	sadd.s32 $0x40, s6;
	s12 =	simm.s32 $0x8620  }
0x1c1: {  	[hbm4b:s7+s3] =	stream.linear.scatter [tilespmem:s12], [sflag:$0x5], $0x80, $0x38;
	[tilespmem:$0xA600] =	vst v63  }
0x1c2: {  	s7 =	sadd.s32 $0x50, s6;
	s12 =	simm.s32 $0x86A8  }
0x1c3: {  	[hbm4b:s7+s3] =	stream.linear.scatter [tilespmem:s12], [sflag:$0x5], $0x80, $0x38;
	[tilespmem:$0xA600] =	vst v63  }
0x1c4: {  	s7 =	sadd.s32 $0x60, s6;
	s12 =	simm.s32 $0x8730  }
0x1c5: {  	[hbm4b:s7+s3] =	stream.linear.scatter [tilespmem:s12], [sflag:$0x5], $0x80, $0x38;
	[tilespmem:$0xA600] =	vst v63  }
0x1c6: {  	s6 =	sadd.s32 $0x70, s6;
	s12 =	simm.s32 $0x87B8;
	s7 =	sor.u32 s28, s0  }
0x1c7: {  	[hbm4b:s6+s3] =	stream.linear.scatter [tilespmem:s12], [sflag:$0x5], $0x80, $0x38;
	[tilespmem:$0xA600] =	vst v63  }
0x1c8: {  	s6 =	sshrl.u32 s7, $0x3  }
0x1c9: {  	s12 =	simm.s32 $0x8840;
	s6 =	sadd.s32 s2, s6  }
0x1ca: {  	[hbm4b:s6+s3] =	stream.linear.scatter [tilespmem:s12], [sflag:$0x5], $0x80, $0x38;
	[tilespmem:$0xA600] =	vst v63  }
0x1cb: {  	s7 =	sadd.s32 $0x10, s6;
	s12 =	simm.s32 $0x88C8  }
0x1cc: {  	[hbm4b:s7+s3] =	stream.linear.scatter [tilespmem:s12], [sflag:$0x5], $0x80, $0x38;
	[tilespmem:$0xA600] =	vst v63  }
0x1cd: {  	s7 =	sadd.s32 $0x20, s6;
	s12 =	simm.s32 $0x8950  }
0x1ce: {  	[hbm4b:s7+s3] =	stream.linear.scatter [tilespmem:s12], [sflag:$0x5], $0x80, $0x38;
	[tilespmem:$0xA600] =	vst v63  }
0x1cf: {  	s7 =	sadd.s32 $0x30, s6;
	s12 =	simm.s32 $0x89D8  }
0x1d0: {  	[hbm4b:s7+s3] =	stream.linear.scatter [tilespmem:s12], [sflag:$0x5], $0x80, $0x38;
	[tilespmem:$0xA600] =	vst v63  }
0x1d1: {  	s7 =	sadd.s32 $0x40, s6;
	s12 =	simm.s32 $0x8A60  }
0x1d2: {  	[hbm4b:s7+s3] =	stream.linear.scatter [tilespmem:s12], [sflag:$0x5], $0x80, $0x38;
	[tilespmem:$0xA600] =	vst v63  }
0x1d3: {  	s7 =	sadd.s32 $0x50, s6;
	s12 =	simm.s32 $0x8AE8  }
0x1d4: {  	[hbm4b:s7+s3] =	stream.linear.scatter [tilespmem:s12], [sflag:$0x5], $0x80, $0x38;
	[tilespmem:$0xA600] =	vst v63  }
0x1d5: {  	s7 =	sadd.s32 $0x60, s6;
	s12 =	simm.s32 $0x8B70  }
0x1d6: {  	[hbm4b:s7+s3] =	stream.linear.scatter [tilespmem:s12], [sflag:$0x5], $0x80, $0x38;
	[tilespmem:$0xA600] =	vst v63  }
0x1d7: {  	s6 =	sadd.s32 $0x70, s6;
	s12 =	simm.s32 $0x8BF8;
	s7 =	sor.u32 s29, s0  }
0x1d8: {  	[hbm4b:s6+s3] =	stream.linear.scatter [tilespmem:s12], [sflag:$0x5], $0x80, $0x38;
	[tilespmem:$0xA600] =	vst v63  }
0x1d9: {  	s6 =	sshrl.u32 s7, $0x3  }
0x1da: {  	s12 =	simm.s32 $0x8C80;
	s6 =	sadd.s32 s2, s6  }
0x1db: {  	[hbm4b:s6+s3] =	stream.linear.scatter [tilespmem:s12], [sflag:$0x5], $0x80, $0x38;
	[tilespmem:$0xA600] =	vst v63  }
0x1dc: {  	s7 =	sadd.s32 $0x10, s6;
	s12 =	simm.s32 $0x8D08  }
0x1dd: {  	[hbm4b:s7+s3] =	stream.linear.scatter [tilespmem:s12], [sflag:$0x5], $0x80, $0x38;
	[tilespmem:$0xA600] =	vst v63  }
0x1de: {  	s7 =	sadd.s32 $0x20, s6;
	s12 =	simm.s32 $0x8D90  }
0x1df: {  	[hbm4b:s7+s3] =	stream.linear.scatter [tilespmem:s12], [sflag:$0x5], $0x80, $0x38;
	[tilespmem:$0xA600] =	vst v63  }
0x1e0: {  	s7 =	sadd.s32 $0x30, s6;
	s12 =	simm.s32 $0x8E18  }
0x1e1: {  	[hbm4b:s7+s3] =	stream.linear.scatter [tilespmem:s12], [sflag:$0x5], $0x80, $0x38;
	[tilespmem:$0xA600] =	vst v63  }
0x1e2: {  	s7 =	sadd.s32 $0x40, s6;
	s12 =	simm.s32 $0x8EA0  }
0x1e3: {  	[hbm4b:s7+s3] =	stream.linear.scatter [tilespmem:s12], [sflag:$0x5], $0x80, $0x38;
	[tilespmem:$0xA600] =	vst v63  }
0x1e4: {  	s7 =	sadd.s32 $0x50, s6;
	s12 =	simm.s32 $0x8F28  }
0x1e5: {  	[hbm4b:s7+s3] =	stream.linear.scatter [tilespmem:s12], [sflag:$0x5], $0x80, $0x38;
	[tilespmem:$0xA600] =	vst v63  }
0x1e6: {  	s0 =	sor.u32 s30, s0;
	s7 =	sadd.s32 $0x60, s6;
	s12 =	simm.s32 $0x8FB0  }
0x1e7: {  	[hbm4b:s7+s3] =	stream.linear.scatter [tilespmem:s12], [sflag:$0x5], $0x80, $0x38;
	[tilespmem:$0xA600] =	vst v63  }
0x1e8: {  	s0 =	sshrl.u32 s0, $0x3;
	s6 =	sadd.s32 $0x70, s6;
	s12 =	simm.s32 $0x9038  }
0x1e9: {  	[hbm4b:s6+s3] =	stream.linear.scatter [tilespmem:s12], [sflag:$0x5], $0x80, $0x38;
	[tilespmem:$0xA600] =	vst v63  }
0x1ea: {  	s0 =	sadd.s32 s2, s0;
	s12 =	simm.s32 $0x90C0  }
0x1eb: {  	[hbm4b:s0+s3] =	stream.linear.scatter [tilespmem:s12], [sflag:$0x5], $0x80, $0x38;
	[tilespmem:$0xA600] =	vst v63  }
0x1ec: {  	s7 =	sadd.s32 $0x10, s0;
	s12 =	simm.s32 $0x9148  }
0x1ed: {  	[hbm4b:s7+s3] =	stream.linear.scatter [tilespmem:s12], [sflag:$0x5], $0x80, $0x38;
	[tilespmem:$0xA600] =	vst v63  }
0x1ee: {  	s7 =	sadd.s32 $0x20, s0;
	s12 =	simm.s32 $0x91D0  }
0x1ef: {  	[hbm4b:s7+s3] =	stream.linear.scatter [tilespmem:s12], [sflag:$0x5], $0x80, $0x38;
	[tilespmem:$0xA600] =	vst v63  }
0x1f0: {  	s7 =	sadd.s32 $0x30, s0;
	s12 =	simm.s32 $0x9258  }
0x1f1: {  	[hbm4b:s7+s3] =	stream.linear.scatter [tilespmem:s12], [sflag:$0x5], $0x80, $0x38;
	[tilespmem:$0xA600] =	vst v63  }
0x1f2: {  	s7 =	sadd.s32 $0x40, s0;
	s12 =	simm.s32 $0x92E0  }
0x1f3: {  	[hbm4b:s7+s3] =	stream.linear.scatter [tilespmem:s12], [sflag:$0x5], $0x80, $0x38;
	[tilespmem:$0xA600] =	vst v63  }
0x1f4: {  	s7 =	sadd.s32 $0x50, s0;
	s12 =	simm.s32 $0x9368  }
0x1f5: {  	[hbm4b:s7+s3] =	stream.linear.scatter [tilespmem:s12], [sflag:$0x5], $0x80, $0x38;
	[tilespmem:$0xA600] =	vst v63  }
0x1f6: {  	s7 =	sadd.s32 $0x60, s0;
	s12 =	simm.s32 $0x93F0  }
0x1f7: {  	[hbm4b:s7+s3] =	stream.linear.scatter [tilespmem:s12], [sflag:$0x5], $0x80, $0x38;
	[tilespmem:$0xA600] =	vst v63  }
0x1f8: {  	s0 =	sadd.s32 $0x70, s0;
	s7 =	simm.s32 $0x9478  }
0x1f9: {  	[hbm4b:s0+s3] =	stream.linear.scatter [tilespmem:s7], [sflag:$0x5], $0x80, $0x38;
	[tilespmem:$0xA600] =	vst v63  }
0x1fa: {  	s0 =	simm.s32 @p2 $0x5  }
0x1fb: {  	_ =	swait.ge @p2 [sflag:s0], $0x400  }
0x1fc: {  	[sflag:s0] =	ssyncset.done @p2 $0x0  }
0x1fd: {  	[sflag:s0] =	ssyncadd.s32 @p2 $0xFFFFFC00  }
0x1fe: {  	_ =	swait.ge @p2 [sflag:s0], $0x400  }
0x1ff: {  	[sflag:s0] =	ssyncset.done @p2 $0x0  }
0x200: {  	[sflag:s0] =	ssyncadd.s32 @p2 $0xFFFFFC00  }
0x201: {  	s12 =	simm.s32 $0x0;
	_ =	swait.ge @p2 [sflag:s0], $0x400  }
0x202: {  	v17 =	vmov s12;
	[sflag:s0] =	ssyncset.done @p2 $0x0  }
0x203: {  	v17 =	vshrl.u32 v17, $0x3;
	[sflag:s0] =	ssyncadd.s32 @p2 $0xFFFFFC00  }
0x204: {  	v17 =	vshll.u32 v17, v1;
	_ =	swait.ge @p2 [sflag:s0], $0x400  }
0x205: {  	v17 =	vbroadcast v17, $0x0;
	[sflag:s0] =	ssyncset.done @p2 $0x0  }
0x206: {  	[sflag:s0] =	ssyncadd.s32 @p2 $0xFFFFFC00;
	s0 =	sadd.s32 $0x15F0, s31  }
0x207: {  	v19 =	vadd.s32 v0, v17;
	v18 =	vld [tilespmem:s0+$0xFFFFFE10];
	_ =	sdelay $0x4  }
0x208: {  	[tilespmem:v19+s20+$0x0] =	vst.idx.msk $0xffff, v18  }
0x209: {  	s7 =	simm.s32 $0x1;
	v17 =	vadd.s32 v2, v17;
	v18 =	vld [tilespmem:s0+$0xFFFFFE20]  }
0x20a: {  	v19 =	vmov s7  }
0x20b: {  	v19 =	vshrl.u32 v19, $0x3  }
0x20c: {  	v19 =	vshll.u32 v19, v1  }
0x20d: {  	v19 =	vbroadcast v19, $0x0  }
0x20e: {  	[tilespmem:v17+s20+$0x0] =	vst.idx.msk $0xffff, v18  }
0x20f: {  	v18 =	vadd.s32 v3, v19;
	v17 =	vld [tilespmem:s0+$0xFFFFFE30];
	_ =	sdelay $0x4  }
0x210: {  	[tilespmem:v18+s20+$0x0] =	vst.idx.msk $0xffff, v17  }
0x211: {  	s12 =	simm.s32 $0x2;
	v18 =	vadd.s32 v4, v19;
	v17 =	vld [tilespmem:s0+$0xFFFFFE40]  }
0x212: {  	v19 =	vmov s12  }
0x213: {  	v19 =	vshrl.u32 v19, $0x3  }
0x214: {  	v19 =	vshll.u32 v19, v1  }
0x215: {  	v19 =	vbroadcast v19, $0x0  }
0x216: {  	[tilespmem:v18+s20+$0x0] =	vst.idx.msk $0xffff, v17  }
0x217: {  	v18 =	vadd.s32 v5, v19;
	v17 =	vld [tilespmem:s0+$0xFFFFFE50];
	_ =	sdelay $0x4  }
0x218: {  	[tilespmem:v18+s20+$0x0] =	vst.idx.msk $0xffff, v17  }
0x219: {  	s31 =	simm.s32 $0x3;
	v18 =	vadd.s32 v6, v19;
	v17 =	vld [tilespmem:s0+$0xFFFFFE60]  }
0x21a: {  	v19 =	vmov s31  }
0x21b: {  	v19 =	vshrl.u32 v19, $0x3  }
0x21c: {  	v19 =	vshll.u32 v19, v1  }
0x21d: {  	v19 =	vbroadcast v19, $0x0  }
0x21e: {  	[tilespmem:v18+s20+$0x0] =	vst.idx.msk $0xffff, v17  }
0x21f: {  	v18 =	vadd.s32 v7, v19;
	v17 =	vld [tilespmem:s0+$0xFFFFFE70];
	_ =	sdelay $0x4  }
0x220: {  	[tilespmem:v18+s20+$0x0] =	vst.idx.msk $0xffff, v17  }
0x221: {  	s7 =	simm.s32 $0x4;
	v18 =	vadd.s32 v8, v19;
	v17 =	vld [tilespmem:s0+$0xFFFFFE80]  }
0x222: {  	v19 =	vmov s7  }
0x223: {  	v19 =	vshrl.u32 v19, $0x3  }
0x224: {  	v19 =	vshll.u32 v19, v1  }
0x225: {  	v19 =	vbroadcast v19, $0x0  }
0x226: {  	[tilespmem:v18+s20+$0x0] =	vst.idx.msk $0xffff, v17  }
0x227: {  	v18 =	vadd.s32 v9, v19;
	v17 =	vld [tilespmem:s0+$0xFFFFFE90];
	_ =	sdelay $0x4  }
0x228: {  	[tilespmem:v18+s20+$0x0] =	vst.idx.msk $0xffff, v17  }
0x229: {  	s12 =	simm.s32 $0x5;
	v18 =	vadd.s32 v10, v19;
	v17 =	vld [tilespmem:s0+$0xFFFFFEA0]  }
0x22a: {  	v19 =	vmov s12  }
0x22b: {  	v19 =	vshrl.u32 v19, $0x3  }
0x22c: {  	v19 =	vshll.u32 v19, v1  }
0x22d: {  	v19 =	vbroadcast v19, $0x0  }
0x22e: {  	[tilespmem:v18+s20+$0x0] =	vst.idx.msk $0xffff, v17  }
0x22f: {  	v18 =	vadd.s32 v11, v19;
	v17 =	vld [tilespmem:s0+$0xFFFFFEB0];
	_ =	sdelay $0x4  }
0x230: {  	[tilespmem:v18+s20+$0x0] =	vst.idx.msk $0xffff, v17  }
0x231: {  	s31 =	simm.s32 $0x6;
	v18 =	vadd.s32 v12, v19;
	v17 =	vld [tilespmem:s0+$0xFFFFFEC0]  }
0x232: {  	v19 =	vmov s31  }
0x233: {  	v19 =	vshrl.u32 v19, $0x3  }
0x234: {  	v19 =	vshll.u32 v19, v1  }
0x235: {  	v19 =	vbroadcast v19, $0x0  }
0x236: {  	[tilespmem:v18+s20+$0x0] =	vst.idx.msk $0xffff, v17  }
0x237: {  	v18 =	vadd.s32 v13, v19;
	v17 =	vld [tilespmem:s0+$0xFFFFFED0];
	_ =	sdelay $0x4  }
0x238: {  	[tilespmem:v18+s20+$0x0] =	vst.idx.msk $0xffff, v17  }
0x239: {  	s7 =	simm.s32 $0x7;
	v18 =	vadd.s32 v14, v19;
	v17 =	vld [tilespmem:s0+$0xFFFFFEE0]  }
0x23a: {  	v19 =	vmov s7  }
0x23b: {  	v19 =	vshrl.u32 v19, $0x3  }
0x23c: {  	v19 =	vshll.u32 v19, v1  }
0x23d: {  	v19 =	vbroadcast v19, $0x0  }
0x23e: {  	[tilespmem:v18+s20+$0x0] =	vst.idx.msk $0xffff, v17  }
0x23f: {  	v18 =	vadd.s32 v15, v19;
	v17 =	vld [tilespmem:s0+$0xFFFFFEF0];
	_ =	sdelay $0x4  }
0x240: {  	[tilespmem:v18+s20+$0x0] =	vst.idx.msk $0xffff, v17  }
0x241: {  	s12 =	simm.s32 $0x8;
	v18 =	vadd.s32 v16, v19;
	v17 =	vld [tilespmem:s0+$0xFFFFFF00]  }
0x242: {  	v19 =	vmov s12  }
0x243: {  	v19 =	vshrl.u32 v19, $0x3  }
0x244: {  	v19 =	vshll.u32 v19, v1  }
0x245: {  	v19 =	vbroadcast v19, $0x0  }
0x246: {  	[tilespmem:v18+s20+$0x0] =	vst.idx.msk $0xffff, v17  }
0x247: {  	v18 =	vadd.s32 v0, v19;
	v17 =	vld [tilespmem:s0+$0xFFFFFF10];
	_ =	sdelay $0x4  }
0x248: {  	[tilespmem:v18+s20+$0x0] =	vst.idx.msk $0xffff, v17  }
0x249: {  	s31 =	simm.s32 $0x9;
	v18 =	vadd.s32 v2, v19;
	v17 =	vld [tilespmem:s0+$0xFFFFFF20]  }
0x24a: {  	v19 =	vmov s31  }
0x24b: {  	v19 =	vshrl.u32 v19, $0x3  }
0x24c: {  	v19 =	vshll.u32 v19, v1  }
0x24d: {  	v19 =	vbroadcast v19, $0x0  }
0x24e: {  	[tilespmem:v18+s20+$0x0] =	vst.idx.msk $0xffff, v17  }
0x24f: {  	v18 =	vadd.s32 v3, v19;
	v17 =	vld [tilespmem:s0+$0xFFFFFF30];
	_ =	sdelay $0x4  }
0x250: {  	[tilespmem:v18+s20+$0x0] =	vst.idx.msk $0xffff, v17  }
0x251: {  	s7 =	simm.s32 $0xA;
	v18 =	vadd.s32 v4, v19;
	v17 =	vld [tilespmem:s0+$0xFFFFFF40]  }
0x252: {  	v19 =	vmov s7  }
0x253: {  	v19 =	vshrl.u32 v19, $0x3  }
0x254: {  	v19 =	vshll.u32 v19, v1  }
0x255: {  	v19 =	vbroadcast v19, $0x0  }
0x256: {  	[tilespmem:v18+s20+$0x0] =	vst.idx.msk $0xffff, v17  }
0x257: {  	v18 =	vadd.s32 v5, v19;
	v17 =	vld [tilespmem:s0+$0xFFFFFF50];
	_ =	sdelay $0x4  }
0x258: {  	[tilespmem:v18+s20+$0x0] =	vst.idx.msk $0xffff, v17  }
0x259: {  	s12 =	simm.s32 $0xB;
	v18 =	vadd.s32 v6, v19;
	v17 =	vld [tilespmem:s0+$0xFFFFFF60]  }
0x25a: {  	v19 =	vmov s12  }
0x25b: {  	v19 =	vshrl.u32 v19, $0x3  }
0x25c: {  	v19 =	vshll.u32 v19, v1  }
0x25d: {  	v19 =	vbroadcast v19, $0x0  }
0x25e: {  	[tilespmem:v18+s20+$0x0] =	vst.idx.msk $0xffff, v17  }
0x25f: {  	v18 =	vadd.s32 v7, v19;
	v17 =	vld [tilespmem:s0+$0xFFFFFF70];
	_ =	sdelay $0x4  }
0x260: {  	[tilespmem:v18+s20+$0x0] =	vst.idx.msk $0xffff, v17  }
0x261: {  	s31 =	simm.s32 $0xC;
	v18 =	vadd.s32 v8, v19;
	v17 =	vld [tilespmem:s0+$0xFFFFFF80]  }
0x262: {  	v19 =	vmov s31  }
0x263: {  	v19 =	vshrl.u32 v19, $0x3  }
0x264: {  	v19 =	vshll.u32 v19, v1  }
0x265: {  	v19 =	vbroadcast v19, $0x0  }
0x266: {  	[tilespmem:v18+s20+$0x0] =	vst.idx.msk $0xffff, v17  }
0x267: {  	v18 =	vadd.s32 v9, v19;
	v17 =	vld [tilespmem:s0+$0xFFFFFF90];
	_ =	sdelay $0x4  }
0x268: {  	[tilespmem:v18+s20+$0x0] =	vst.idx.msk $0xffff, v17  }
0x269: {  	s7 =	simm.s32 $0xD;
	v18 =	vadd.s32 v10, v19;
	v17 =	vld [tilespmem:s0+$0xFFFFFFA0]  }
0x26a: {  	v19 =	vmov s7  }
0x26b: {  	v19 =	vshrl.u32 v19, $0x3  }
0x26c: {  	v19 =	vshll.u32 v19, v1  }
0x26d: {  	v19 =	vbroadcast v19, $0x0  }
0x26e: {  	[tilespmem:v18+s20+$0x0] =	vst.idx.msk $0xffff, v17  }
0x26f: {  	v18 =	vadd.s32 v11, v19;
	v17 =	vld [tilespmem:s0+$0xFFFFFFB0];
	_ =	sdelay $0x4  }
0x270: {  	[tilespmem:v18+s20+$0x0] =	vst.idx.msk $0xffff, v17  }
0x271: {  	s12 =	simm.s32 $0xE;
	v18 =	vadd.s32 v12, v19;
	v17 =	vld [tilespmem:s0+$0xFFFFFFC0]  }
0x272: {  	v19 =	vmov s12  }
0x273: {  	v19 =	vshrl.u32 v19, $0x3  }
0x274: {  	v19 =	vshll.u32 v19, v1  }
0x275: {  	v19 =	vbroadcast v19, $0x0  }
0x276: {  	[tilespmem:v18+s20+$0x0] =	vst.idx.msk $0xffff, v17  }
0x277: {  	v18 =	vadd.s32 v13, v19;
	v17 =	vld [tilespmem:s0+$0xFFFFFFD0];
	_ =	sdelay $0x4  }
0x278: {  	[tilespmem:v18+s20+$0x0] =	vst.idx.msk $0xffff, v17  }
0x279: {  	s31 =	simm.s32 $0xF;
	v18 =	vadd.s32 v14, v19;
	v17 =	vld [tilespmem:s0+$0xFFFFFFE0]  }
0x27a: {  	v19 =	vmov s31  }
0x27b: {  	v19 =	vshrl.u32 v19, $0x3  }
0x27c: {  	v19 =	vshll.u32 v19, v1  }
0x27d: {  	v19 =	vbroadcast v19, $0x0  }
0x27e: {  	[tilespmem:v18+s20+$0x0] =	vst.idx.msk $0xffff, v17  }
0x27f: {  	v18 =	vadd.s32 v15, v19;
	v17 =	vld [tilespmem:s0+$0xFFFFFFF0];
	_ =	sdelay $0x4  }
0x280: {  	s1 =	sor.u32 $0x1, s1;
	[tilespmem:v18+s20+$0x0] =	vst.idx.msk $0xffff, v17  }
0x281: {  	s6 =	simm.s32 $0x2F;
	s7 =	simm.s32 $0x10;
	s12 =	simm.s32 $0x1F;
	v18 =	vadd.s32 v16, v19;
	v17 =	vld [tilespmem:s0+$0x0]  }
.LBB2_6:
0x282: {  	p2 =	sne.s32 s6, $0x7F;
	v19 =	vmov s7  }
0x283: {  	v19 =	vshrl.u32 v19, $0x3  }
0x284: {  	v19 =	vshll.u32 v19, v1  }
0x285: {  	v19 =	vbroadcast v19, $0x0  }
0x286: {  	s0 =	sadd.s32 $0x200, s0;
	[tilespmem:v18+s20+$0x0] =	vst.idx.msk $0xffff, v17  }
0x287: {  	v17 =	vld [tilespmem:s0+$0xFFFFFE10];
	v18 =	vadd.s32 v0, v19;
	_ =	sdelay $0x4  }
0x288: {  	[tilespmem:v18+s20+$0x0] =	vst.idx.msk $0xffff, v17  }
0x289: {  	s7 =	sadd.s32 $0xFFFFFFF2, s12;
	v18 =	vadd.s32 v2, v19;
	v17 =	vld [tilespmem:s0+$0xFFFFFE20]  }
0x28a: {  	v19 =	vmov s7  }
0x28b: {  	v19 =	vshrl.u32 v19, $0x3  }
0x28c: {  	v19 =	vshll.u32 v19, v1  }
0x28d: {  	v19 =	vbroadcast v19, $0x0  }
0x28e: {  	[tilespmem:v18+s20+$0x0] =	vst.idx.msk $0xffff, v17  }
0x28f: {  	v18 =	vadd.s32 v3, v19;
	v17 =	vld [tilespmem:s0+$0xFFFFFE30];
	_ =	sdelay $0x4  }
0x290: {  	[tilespmem:v18+s20+$0x0] =	vst.idx.msk $0xffff, v17  }
0x291: {  	s7 =	sadd.s32 $0xFFFFFFF3, s12;
	v18 =	vadd.s32 v4, v19;
	v17 =	vld [tilespmem:s0+$0xFFFFFE40]  }
0x292: {  	v19 =	vmov s7  }
0x293: {  	v19 =	vshrl.u32 v19, $0x3  }
0x294: {  	v19 =	vshll.u32 v19, v1  }
0x295: {  	v19 =	vbroadcast v19, $0x0  }
0x296: {  	[tilespmem:v18+s20+$0x0] =	vst.idx.msk $0xffff, v17  }
0x297: {  	v18 =	vadd.s32 v5, v19;
	v17 =	vld [tilespmem:s0+$0xFFFFFE50];
	_ =	sdelay $0x4  }
0x298: {  	[tilespmem:v18+s20+$0x0] =	vst.idx.msk $0xffff, v17  }
0x299: {  	s7 =	sadd.s32 $0xFFFFFFF4, s12;
	v18 =	vadd.s32 v6, v19;
	v17 =	vld [tilespmem:s0+$0xFFFFFE60]  }
0x29a: {  	v19 =	vmov s7  }
0x29b: {  	v19 =	vshrl.u32 v19, $0x3  }
0x29c: {  	v19 =	vshll.u32 v19, v1  }
0x29d: {  	v19 =	vbroadcast v19, $0x0  }
0x29e: {  	[tilespmem:v18+s20+$0x0] =	vst.idx.msk $0xffff, v17  }
0x29f: {  	v18 =	vadd.s32 v7, v19;
	v17 =	vld [tilespmem:s0+$0xFFFFFE70];
	_ =	sdelay $0x4  }
0x2a0: {  	[tilespmem:v18+s20+$0x0] =	vst.idx.msk $0xffff, v17  }
0x2a1: {  	s7 =	sadd.s32 $0xFFFFFFF5, s12;
	v18 =	vadd.s32 v8, v19;
	v17 =	vld [tilespmem:s0+$0xFFFFFE80]  }
0x2a2: {  	v19 =	vmov s7  }
0x2a3: {  	v19 =	vshrl.u32 v19, $0x3  }
0x2a4: {  	v19 =	vshll.u32 v19, v1  }
0x2a5: {  	v19 =	vbroadcast v19, $0x0  }
0x2a6: {  	[tilespmem:v18+s20+$0x0] =	vst.idx.msk $0xffff, v17  }
0x2a7: {  	v18 =	vadd.s32 v9, v19;
	v17 =	vld [tilespmem:s0+$0xFFFFFE90];
	_ =	sdelay $0x4  }
0x2a8: {  	[tilespmem:v18+s20+$0x0] =	vst.idx.msk $0xffff, v17  }
0x2a9: {  	s7 =	sadd.s32 $0xFFFFFFF6, s12;
	v18 =	vadd.s32 v10, v19;
	v17 =	vld [tilespmem:s0+$0xFFFFFEA0]  }
0x2aa: {  	v19 =	vmov s7  }
0x2ab: {  	v19 =	vshrl.u32 v19, $0x3  }
0x2ac: {  	v19 =	vshll.u32 v19, v1  }
0x2ad: {  	v19 =	vbroadcast v19, $0x0  }
0x2ae: {  	[tilespmem:v18+s20+$0x0] =	vst.idx.msk $0xffff, v17  }
0x2af: {  	v18 =	vadd.s32 v11, v19;
	v17 =	vld [tilespmem:s0+$0xFFFFFEB0];
	_ =	sdelay $0x4  }
0x2b0: {  	[tilespmem:v18+s20+$0x0] =	vst.idx.msk $0xffff, v17  }
0x2b1: {  	s7 =	sadd.s32 $0xFFFFFFF7, s12;
	v18 =	vadd.s32 v12, v19;
	v17 =	vld [tilespmem:s0+$0xFFFFFEC0]  }
0x2b2: {  	v19 =	vmov s7  }
0x2b3: {  	v19 =	vshrl.u32 v19, $0x3  }
0x2b4: {  	v19 =	vshll.u32 v19, v1  }
0x2b5: {  	v19 =	vbroadcast v19, $0x0  }
0x2b6: {  	[tilespmem:v18+s20+$0x0] =	vst.idx.msk $0xffff, v17  }
0x2b7: {  	v18 =	vadd.s32 v13, v19;
	v17 =	vld [tilespmem:s0+$0xFFFFFED0];
	_ =	sdelay $0x4  }
0x2b8: {  	[tilespmem:v18+s20+$0x0] =	vst.idx.msk $0xffff, v17  }
0x2b9: {  	s7 =	sadd.s32 $0xFFFFFFF8, s12;
	v18 =	vadd.s32 v14, v19;
	v17 =	vld [tilespmem:s0+$0xFFFFFEE0]  }
0x2ba: {  	v19 =	vmov s7  }
0x2bb: {  	v19 =	vshrl.u32 v19, $0x3  }
0x2bc: {  	v19 =	vshll.u32 v19, v1  }
0x2bd: {  	v19 =	vbroadcast v19, $0x0  }
0x2be: {  	[tilespmem:v18+s20+$0x0] =	vst.idx.msk $0xffff, v17  }
0x2bf: {  	v18 =	vadd.s32 v15, v19;
	v17 =	vld [tilespmem:s0+$0xFFFFFEF0];
	_ =	sdelay $0x4  }
0x2c0: {  	[tilespmem:v18+s20+$0x0] =	vst.idx.msk $0xffff, v17  }
0x2c1: {  	s7 =	sadd.s32 $0xFFFFFFF9, s12;
	v18 =	vadd.s32 v16, v19;
	v17 =	vld [tilespmem:s0+$0xFFFFFF00]  }
0x2c2: {  	v19 =	vmov s7  }
0x2c3: {  	v19 =	vshrl.u32 v19, $0x3  }
0x2c4: {  	v19 =	vshll.u32 v19, v1  }
0x2c5: {  	v19 =	vbroadcast v19, $0x0  }
0x2c6: {  	[tilespmem:v18+s20+$0x0] =	vst.idx.msk $0xffff, v17  }
0x2c7: {  	v18 =	vadd.s32 v0, v19;
	v17 =	vld [tilespmem:s0+$0xFFFFFF10];
	_ =	sdelay $0x4  }
0x2c8: {  	[tilespmem:v18+s20+$0x0] =	vst.idx.msk $0xffff, v17  }
0x2c9: {  	s7 =	sadd.s32 $0xFFFFFFFA, s12;
	v18 =	vadd.s32 v2, v19;
	v17 =	vld [tilespmem:s0+$0xFFFFFF20]  }
0x2ca: {  	v19 =	vmov s7  }
0x2cb: {  	v19 =	vshrl.u32 v19, $0x3  }
0x2cc: {  	v19 =	vshll.u32 v19, v1  }
0x2cd: {  	v19 =	vbroadcast v19, $0x0  }
0x2ce: {  	[tilespmem:v18+s20+$0x0] =	vst.idx.msk $0xffff, v17  }
0x2cf: {  	v18 =	vadd.s32 v3, v19;
	v17 =	vld [tilespmem:s0+$0xFFFFFF30];
	_ =	sdelay $0x4  }
0x2d0: {  	[tilespmem:v18+s20+$0x0] =	vst.idx.msk $0xffff, v17  }
0x2d1: {  	s7 =	sadd.s32 $0xFFFFFFFB, s12;
	v18 =	vadd.s32 v4, v19;
	v17 =	vld [tilespmem:s0+$0xFFFFFF40]  }
0x2d2: {  	v19 =	vmov s7  }
0x2d3: {  	v19 =	vshrl.u32 v19, $0x3  }
0x2d4: {  	v19 =	vshll.u32 v19, v1  }
0x2d5: {  	v19 =	vbroadcast v19, $0x0  }
0x2d6: {  	[tilespmem:v18+s20+$0x0] =	vst.idx.msk $0xffff, v17  }
0x2d7: {  	v18 =	vadd.s32 v5, v19;
	v17 =	vld [tilespmem:s0+$0xFFFFFF50];
	_ =	sdelay $0x4  }
0x2d8: {  	[tilespmem:v18+s20+$0x0] =	vst.idx.msk $0xffff, v17  }
0x2d9: {  	s7 =	sadd.s32 $0xFFFFFFFC, s12;
	v18 =	vadd.s32 v6, v19;
	v17 =	vld [tilespmem:s0+$0xFFFFFF60]  }
0x2da: {  	v19 =	vmov s7  }
0x2db: {  	v19 =	vshrl.u32 v19, $0x3  }
0x2dc: {  	v19 =	vshll.u32 v19, v1  }
0x2dd: {  	v19 =	vbroadcast v19, $0x0  }
0x2de: {  	[tilespmem:v18+s20+$0x0] =	vst.idx.msk $0xffff, v17  }
0x2df: {  	v18 =	vadd.s32 v7, v19;
	v17 =	vld [tilespmem:s0+$0xFFFFFF70];
	_ =	sdelay $0x4  }
0x2e0: {  	[tilespmem:v18+s20+$0x0] =	vst.idx.msk $0xffff, v17  }
0x2e1: {  	s7 =	sadd.s32 $0xFFFFFFFD, s12;
	v18 =	vadd.s32 v8, v19;
	v17 =	vld [tilespmem:s0+$0xFFFFFF80]  }
0x2e2: {  	v19 =	vmov s7  }
0x2e3: {  	v19 =	vshrl.u32 v19, $0x3  }
0x2e4: {  	v19 =	vshll.u32 v19, v1  }
0x2e5: {  	v19 =	vbroadcast v19, $0x0  }
0x2e6: {  	[tilespmem:v18+s20+$0x0] =	vst.idx.msk $0xffff, v17  }
0x2e7: {  	v18 =	vadd.s32 v9, v19;
	v17 =	vld [tilespmem:s0+$0xFFFFFF90];
	_ =	sdelay $0x4  }
0x2e8: {  	[tilespmem:v18+s20+$0x0] =	vst.idx.msk $0xffff, v17  }
0x2e9: {  	s7 =	sadd.s32 $0xFFFFFFFE, s12;
	v18 =	vadd.s32 v10, v19;
	v17 =	vld [tilespmem:s0+$0xFFFFFFA0]  }
0x2ea: {  	v19 =	vmov s7  }
0x2eb: {  	v19 =	vshrl.u32 v19, $0x3  }
0x2ec: {  	v19 =	vshll.u32 v19, v1  }
0x2ed: {  	v19 =	vbroadcast v19, $0x0  }
0x2ee: {  	[tilespmem:v18+s20+$0x0] =	vst.idx.msk $0xffff, v17  }
0x2ef: {  	v18 =	vadd.s32 v11, v19;
	v17 =	vld [tilespmem:s0+$0xFFFFFFB0];
	_ =	sdelay $0x4  }
0x2f0: {  	[tilespmem:v18+s20+$0x0] =	vst.idx.msk $0xffff, v17  }
0x2f1: {  	s7 =	sadd.s32 $0xFFFFFFFF, s12;
	v18 =	vadd.s32 v12, v19;
	v17 =	vld [tilespmem:s0+$0xFFFFFFC0]  }
0x2f2: {  	v19 =	vmov s7  }
0x2f3: {  	v19 =	vshrl.u32 v19, $0x3  }
0x2f4: {  	v19 =	vshll.u32 v19, v1  }
0x2f5: {  	v19 =	vbroadcast v19, $0x0  }
0x2f6: {  	[tilespmem:v18+s20+$0x0] =	vst.idx.msk $0xffff, v17  }
0x2f7: {  	v18 =	vadd.s32 v13, v19;
	v17 =	vld [tilespmem:s0+$0xFFFFFFD0];
	_ =	sdelay $0x4  }
0x2f8: {  	[tilespmem:v18+s20+$0x0] =	vst.idx.msk $0xffff, v17  }
0x2f9: {  	v18 =	vadd.s32 v14, v19;
	v17 =	vld [tilespmem:s0+$0xFFFFFFE0]  }
0x2fa: {  	v19 =	vmov s12;
	s12 =	smov.u32 s6  }
0x2fb: {  	v19 =	vshrl.u32 v19, $0x3  }
0x2fc: {  	v19 =	vshll.u32 v19, v1  }
0x2fd: {  	v19 =	vbroadcast v19, $0x0  }
0x2fe: {  	[tilespmem:v18+s20+$0x0] =	vst.idx.msk $0xffff, v17  }
0x2ff: {  	v18 =	vadd.s32 v15, v19;
	v17 =	vld [tilespmem:s0+$0xFFFFFFF0];
	_ =	sdelay $0x1  }
.Ltmp1:
0x300: {  	(pc) =	sbr.rel @p2 .LBB2_6-.Ltmp1, $3  }
0x301: {  	_ =	sdelay $0x1  }
0x302: {  	[tilespmem:v18+s20+$0x0] =	vst.idx.msk $0xffff, v17  }
0x303: {  	s6 =	sadd.s32 $0x10, s6;
	s7 =	sadd.s32 $0xFFFFFFF1, s12;
	v18 =	vadd.s32 v16, v19;
	v17 =	vld [tilespmem:s0+$0x0]  }
0x304: {  	v19 =	vmov s7  }
0x305: {  	v19 =	vshrl.u32 v19, $0x3  }
0x306: {  	v19 =	vshll.u32 v19, v1  }
0x307: {  	v19 =	vbroadcast v19, $0x0  }
0x308: {  	s0 =	sadd.s32 $0x200, s0;
	[tilespmem:v18+s20+$0x0] =	vst.idx.msk $0xffff, v17  }
0x309: {  	v17 =	vld [tilespmem:s0+$0xFFFFFE10];
	v18 =	vadd.s32 v0, v19;
	_ =	sdelay $0x4  }
0x30a: {  	[tilespmem:v18+s20+$0x0] =	vst.idx.msk $0xffff, v17  }
0x30b: {  	s6 =	sadd.s32 $0xFFFFFFF2, s12;
	v18 =	vadd.s32 v2, v19;
	v17 =	vld [tilespmem:s0+$0xFFFFFE20]  }
0x30c: {  	v19 =	vmov s6  }
0x30d: {  	v19 =	vshrl.u32 v19, $0x3  }
0x30e: {  	v19 =	vshll.u32 v19, v1  }
0x30f: {  	v19 =	vbroadcast v19, $0x0  }
0x310: {  	[tilespmem:v18+s20+$0x0] =	vst.idx.msk $0xffff, v17  }
0x311: {  	v18 =	vadd.s32 v3, v19;
	v17 =	vld [tilespmem:s0+$0xFFFFFE30];
	_ =	sdelay $0x4  }
0x312: {  	[tilespmem:v18+s20+$0x0] =	vst.idx.msk $0xffff, v17  }
0x313: {  	s7 =	sadd.s32 $0xFFFFFFF3, s12;
	v18 =	vadd.s32 v4, v19;
	v17 =	vld [tilespmem:s0+$0xFFFFFE40]  }
0x314: {  	v19 =	vmov s7  }
0x315: {  	v19 =	vshrl.u32 v19, $0x3  }
0x316: {  	v19 =	vshll.u32 v19, v1  }
0x317: {  	v19 =	vbroadcast v19, $0x0  }
0x318: {  	[tilespmem:v18+s20+$0x0] =	vst.idx.msk $0xffff, v17  }
0x319: {  	v18 =	vadd.s32 v5, v19;
	v17 =	vld [tilespmem:s0+$0xFFFFFE50];
	_ =	sdelay $0x4  }
0x31a: {  	[tilespmem:v18+s20+$0x0] =	vst.idx.msk $0xffff, v17  }
0x31b: {  	s31 =	sadd.s32 $0xFFFFFFF4, s12;
	v18 =	vadd.s32 v6, v19;
	v17 =	vld [tilespmem:s0+$0xFFFFFE60]  }
0x31c: {  	v19 =	vmov s31  }
0x31d: {  	v19 =	vshrl.u32 v19, $0x3  }
0x31e: {  	v19 =	vshll.u32 v19, v1  }
0x31f: {  	v19 =	vbroadcast v19, $0x0  }
0x320: {  	[tilespmem:v18+s20+$0x0] =	vst.idx.msk $0xffff, v17  }
0x321: {  	v18 =	vadd.s32 v7, v19;
	v17 =	vld [tilespmem:s0+$0xFFFFFE70];
	_ =	sdelay $0x4  }
0x322: {  	[tilespmem:v18+s20+$0x0] =	vst.idx.msk $0xffff, v17  }
0x323: {  	s7 =	sadd.s32 $0xFFFFFFF5, s12;
	v18 =	vadd.s32 v8, v19;
	v17 =	vld [tilespmem:s0+$0xFFFFFE80]  }
0x324: {  	v19 =	vmov s7  }
0x325: {  	v19 =	vshrl.u32 v19, $0x3  }
0x326: {  	v19 =	vshll.u32 v19, v1  }
0x327: {  	v19 =	vbroadcast v19, $0x0  }
0x328: {  	[tilespmem:v18+s20+$0x0] =	vst.idx.msk $0xffff, v17  }
0x329: {  	v18 =	vadd.s32 v9, v19;
	v17 =	vld [tilespmem:s0+$0xFFFFFE90];
	_ =	sdelay $0x4  }
0x32a: {  	[tilespmem:v18+s20+$0x0] =	vst.idx.msk $0xffff, v17  }
0x32b: {  	s31 =	sadd.s32 $0xFFFFFFF6, s12;
	v18 =	vadd.s32 v10, v19;
	v17 =	vld [tilespmem:s0+$0xFFFFFEA0]  }
0x32c: {  	v19 =	vmov s31  }
0x32d: {  	v19 =	vshrl.u32 v19, $0x3  }
0x32e: {  	v19 =	vshll.u32 v19, v1  }
0x32f: {  	v19 =	vbroadcast v19, $0x0  }
0x330: {  	[tilespmem:v18+s20+$0x0] =	vst.idx.msk $0xffff, v17  }
0x331: {  	v18 =	vadd.s32 v11, v19;
	v17 =	vld [tilespmem:s0+$0xFFFFFEB0];
	_ =	sdelay $0x4  }
0x332: {  	[tilespmem:v18+s20+$0x0] =	vst.idx.msk $0xffff, v17  }
0x333: {  	s7 =	sadd.s32 $0xFFFFFFF7, s12;
	v18 =	vadd.s32 v12, v19;
	v17 =	vld [tilespmem:s0+$0xFFFFFEC0]  }
0x334: {  	v19 =	vmov s7  }
0x335: {  	v19 =	vshrl.u32 v19, $0x3  }
0x336: {  	v19 =	vshll.u32 v19, v1  }
0x337: {  	v19 =	vbroadcast v19, $0x0  }
0x338: {  	[tilespmem:v18+s20+$0x0] =	vst.idx.msk $0xffff, v17  }
0x339: {  	v18 =	vadd.s32 v13, v19;
	v17 =	vld [tilespmem:s0+$0xFFFFFED0];
	_ =	sdelay $0x4  }
0x33a: {  	[tilespmem:v18+s20+$0x0] =	vst.idx.msk $0xffff, v17  }
0x33b: {  	s31 =	sadd.s32 $0xFFFFFFF8, s12;
	v18 =	vadd.s32 v14, v19;
	v17 =	vld [tilespmem:s0+$0xFFFFFEE0]  }
0x33c: {  	v19 =	vmov s31  }
0x33d: {  	v19 =	vshrl.u32 v19, $0x3  }
0x33e: {  	v19 =	vshll.u32 v19, v1  }
0x33f: {  	v19 =	vbroadcast v19, $0x0  }
0x340: {  	[tilespmem:v18+s20+$0x0] =	vst.idx.msk $0xffff, v17  }
0x341: {  	v18 =	vadd.s32 v15, v19;
	v17 =	vld [tilespmem:s0+$0xFFFFFEF0];
	_ =	sdelay $0x4  }
0x342: {  	[tilespmem:v18+s20+$0x0] =	vst.idx.msk $0xffff, v17  }
0x343: {  	s7 =	sadd.s32 $0xFFFFFFF9, s12;
	v18 =	vadd.s32 v16, v19;
	v17 =	vld [tilespmem:s0+$0xFFFFFF00]  }
0x344: {  	v19 =	vmov s7  }
0x345: {  	v19 =	vshrl.u32 v19, $0x3  }
0x346: {  	v19 =	vshll.u32 v19, v1  }
0x347: {  	v19 =	vbroadcast v19, $0x0  }
0x348: {  	[tilespmem:v18+s20+$0x0] =	vst.idx.msk $0xffff, v17  }
0x349: {  	v18 =	vadd.s32 v0, v19;
	v17 =	vld [tilespmem:s0+$0xFFFFFF10];
	_ =	sdelay $0x4  }
0x34a: {  	[tilespmem:v18+s20+$0x0] =	vst.idx.msk $0xffff, v17  }
0x34b: {  	s31 =	sadd.s32 $0xFFFFFFFA, s12;
	v18 =	vadd.s32 v2, v19;
	v17 =	vld [tilespmem:s0+$0xFFFFFF20]  }
0x34c: {  	v19 =	vmov s31  }
0x34d: {  	v19 =	vshrl.u32 v19, $0x3  }
0x34e: {  	v19 =	vshll.u32 v19, v1  }
0x34f: {  	v19 =	vbroadcast v19, $0x0  }
0x350: {  	[tilespmem:v18+s20+$0x0] =	vst.idx.msk $0xffff, v17  }
0x351: {  	v18 =	vadd.s32 v3, v19;
	v17 =	vld [tilespmem:s0+$0xFFFFFF30];
	_ =	sdelay $0x4  }
0x352: {  	[tilespmem:v18+s20+$0x0] =	vst.idx.msk $0xffff, v17  }
0x353: {  	s7 =	sadd.s32 $0xFFFFFFFB, s12;
	v18 =	vadd.s32 v4, v19;
	v17 =	vld [tilespmem:s0+$0xFFFFFF40]  }
0x354: {  	v19 =	vmov s7  }
0x355: {  	v19 =	vshrl.u32 v19, $0x3  }
0x356: {  	v19 =	vshll.u32 v19, v1  }
0x357: {  	v19 =	vbroadcast v19, $0x0  }
0x358: {  	[tilespmem:v18+s20+$0x0] =	vst.idx.msk $0xffff, v17  }
0x359: {  	v18 =	vadd.s32 v5, v19;
	v17 =	vld [tilespmem:s0+$0xFFFFFF50];
	_ =	sdelay $0x4  }
0x35a: {  	[tilespmem:v18+s20+$0x0] =	vst.idx.msk $0xffff, v17  }
0x35b: {  	s31 =	sadd.s32 $0xFFFFFFFC, s12;
	v18 =	vadd.s32 v6, v19;
	v17 =	vld [tilespmem:s0+$0xFFFFFF60]  }
0x35c: {  	v19 =	vmov s31  }
0x35d: {  	v19 =	vshrl.u32 v19, $0x3  }
0x35e: {  	v19 =	vshll.u32 v19, v1  }
0x35f: {  	v19 =	vbroadcast v19, $0x0  }
0x360: {  	[tilespmem:v18+s20+$0x0] =	vst.idx.msk $0xffff, v17  }
0x361: {  	v18 =	vadd.s32 v7, v19;
	v17 =	vld [tilespmem:s0+$0xFFFFFF70];
	_ =	sdelay $0x4  }
0x362: {  	[tilespmem:v18+s20+$0x0] =	vst.idx.msk $0xffff, v17  }
0x363: {  	s7 =	sadd.s32 $0xFFFFFFFD, s12;
	v18 =	vadd.s32 v8, v19;
	v17 =	vld [tilespmem:s0+$0xFFFFFF80]  }
0x364: {  	v19 =	vmov s7  }
0x365: {  	v19 =	vshrl.u32 v19, $0x3  }
0x366: {  	v19 =	vshll.u32 v19, v1  }
0x367: {  	v19 =	vbroadcast v19, $0x0  }
0x368: {  	[tilespmem:v18+s20+$0x0] =	vst.idx.msk $0xffff, v17  }
0x369: {  	v18 =	vadd.s32 v9, v19;
	v17 =	vld [tilespmem:s0+$0xFFFFFF90];
	_ =	sdelay $0x4  }
0x36a: {  	[tilespmem:v18+s20+$0x0] =	vst.idx.msk $0xffff, v17  }
0x36b: {  	s31 =	sadd.s32 $0xFFFFFFFE, s12;
	v18 =	vadd.s32 v10, v19;
	v17 =	vld [tilespmem:s0+$0xFFFFFFA0]  }
0x36c: {  	v19 =	vmov s31  }
0x36d: {  	v19 =	vshrl.u32 v19, $0x3  }
0x36e: {  	v19 =	vshll.u32 v19, v1  }
0x36f: {  	v19 =	vbroadcast v19, $0x0  }
0x370: {  	[tilespmem:v18+s20+$0x0] =	vst.idx.msk $0xffff, v17  }
0x371: {  	v18 =	vadd.s32 v11, v19;
	v17 =	vld [tilespmem:s0+$0xFFFFFFB0];
	_ =	sdelay $0x4  }
0x372: {  	[tilespmem:v18+s20+$0x0] =	vst.idx.msk $0xffff, v17  }
0x373: {  	s7 =	sadd.s32 $0xFFFFFFFF, s12;
	v18 =	vadd.s32 v12, v19;
	v17 =	vld [tilespmem:s0+$0xFFFFFFC0]  }
0x374: {  	v19 =	vmov s7  }
0x375: {  	v19 =	vshrl.u32 v19, $0x3  }
0x376: {  	v19 =	vshll.u32 v19, v1  }
0x377: {  	v19 =	vbroadcast v19, $0x0  }
0x378: {  	[tilespmem:v18+s20+$0x0] =	vst.idx.msk $0xffff, v17  }
0x379: {  	v18 =	vadd.s32 v13, v19;
	v17 =	vld [tilespmem:s0+$0xFFFFFFD0];
	_ =	sdelay $0x4  }
0x37a: {  	[tilespmem:v18+s20+$0x0] =	vst.idx.msk $0xffff, v17  }
0x37b: {  	v18 =	vadd.s32 v14, v19;
	v17 =	vld [tilespmem:s0+$0xFFFFFFE0]  }
0x37c: {  	v19 =	vmov s12  }
0x37d: {  	v19 =	vshrl.u32 v19, $0x3  }
0x37e: {  	v19 =	vshll.u32 v19, v1  }
0x37f: {  	v19 =	vbroadcast v19, $0x0  }
0x380: {  	[tilespmem:v18+s20+$0x0] =	vst.idx.msk $0xffff, v17  }
0x381: {  	v18 =	vadd.s32 v15, v19;
	v17 =	vld [tilespmem:s0+$0xFFFFFFF0];
	_ =	sdelay $0x4  }
0x382: {  	[tilespmem:v18+s20+$0x0] =	vst.idx.msk $0xffff, v17  }
0x383: {  	v18 =	vadd.s32 v16, v19;
	v17 =	vld [tilespmem:s0+$0x0];
	_ =	sdelay $0x1  }
0x384: {  	s0 =	sshll.u32 s1, $0xA  }
0x385: {  	s1 =	sor.u32 s26, s0  }
0x386: {  	s1 =	sshrl.u32 s1, $0x3  }
0x387: {  	s1 =	sadd.s32 s2, s1;
	[tilespmem:v18+s20+$0x0] =	vst.idx.msk $0xffff, v17  }
0x388: {  	[hbm4b:s1+s3] =	stream.linear.scatter [tilespmem:s20], [sflag:$0x5], $0x80, $0x38;
	[tilespmem:$0xA600] =	vst v63  }
0x389: {  	s31 =	simm.s32 $0x9588;
	s12 =	sadd.s32 $0x10, s1  }
0x38a: {  	[hbm4b:s12+s3] =	stream.linear.scatter [tilespmem:s31], [sflag:$0x5], $0x80, $0x38;
	[tilespmem:$0xA600] =	vst v63  }
0x38b: {  	s12 =	sadd.s32 $0x20, s1;
	s31 =	simm.s32 $0x9610  }
0x38c: {  	[hbm4b:s12+s3] =	stream.linear.scatter [tilespmem:s31], [sflag:$0x5], $0x80, $0x38;
	[tilespmem:$0xA600] =	vst v63  }
0x38d: {  	s12 =	sadd.s32 $0x30, s1;
	s31 =	simm.s32 $0x9698  }
0x38e: {  	[hbm4b:s12+s3] =	stream.linear.scatter [tilespmem:s31], [sflag:$0x5], $0x80, $0x38;
	[tilespmem:$0xA600] =	vst v63  }
0x38f: {  	s12 =	sadd.s32 $0x40, s1;
	s31 =	simm.s32 $0x9720  }
0x390: {  	[hbm4b:s12+s3] =	stream.linear.scatter [tilespmem:s31], [sflag:$0x5], $0x80, $0x38;
	[tilespmem:$0xA600] =	vst v63  }
0x391: {  	s12 =	sadd.s32 $0x50, s1;
	s31 =	simm.s32 $0x97A8  }
0x392: {  	[hbm4b:s12+s3] =	stream.linear.scatter [tilespmem:s31], [sflag:$0x5], $0x80, $0x38;
	[tilespmem:$0xA600] =	vst v63  }
0x393: {  	s7 =	sadd.s32 $0x60, s1;
	s12 =	simm.s32 $0x9830  }
0x394: {  	[hbm4b:s7+s3] =	stream.linear.scatter [tilespmem:s12], [sflag:$0x5], $0x80, $0x38;
	[tilespmem:$0xA600] =	vst v63  }
0x395: {  	s6 =	sor.u32 s28, s0;
	s1 =	sadd.s32 $0x70, s1;
	s31 =	simm.s32 $0x98B8  }
0x396: {  	[hbm4b:s1+s3] =	stream.linear.scatter [tilespmem:s31], [sflag:$0x5], $0x80, $0x38;
	[tilespmem:$0xA600] =	vst v63  }
0x397: {  	s1 =	sshrl.u32 s6, $0x3  }
0x398: {  	s7 =	simm.s32 $0x9940;
	s1 =	sadd.s32 s2, s1  }
0x399: {  	[hbm4b:s1+s3] =	stream.linear.scatter [tilespmem:s7], [sflag:$0x5], $0x80, $0x38;
	[tilespmem:$0xA600] =	vst v63  }
0x39a: {  	s31 =	simm.s32 $0x99C8;
	s12 =	sadd.s32 $0x10, s1  }
0x39b: {  	[hbm4b:s12+s3] =	stream.linear.scatter [tilespmem:s31], [sflag:$0x5], $0x80, $0x38;
	[tilespmem:$0xA600] =	vst v63  }
0x39c: {  	s12 =	sadd.s32 $0x20, s1;
	s31 =	simm.s32 $0x9A50  }
0x39d: {  	[hbm4b:s12+s3] =	stream.linear.scatter [tilespmem:s31], [sflag:$0x5], $0x80, $0x38;
	[tilespmem:$0xA600] =	vst v63  }
0x39e: {  	s12 =	sadd.s32 $0x30, s1;
	s31 =	simm.s32 $0x9AD8  }
0x39f: {  	[hbm4b:s12+s3] =	stream.linear.scatter [tilespmem:s31], [sflag:$0x5], $0x80, $0x38;
	[tilespmem:$0xA600] =	vst v63  }
0x3a0: {  	s12 =	sadd.s32 $0x40, s1;
	s31 =	simm.s32 $0x9B60  }
0x3a1: {  	[hbm4b:s12+s3] =	stream.linear.scatter [tilespmem:s31], [sflag:$0x5], $0x80, $0x38;
	[tilespmem:$0xA600] =	vst v63  }
0x3a2: {  	s12 =	sadd.s32 $0x50, s1;
	s31 =	simm.s32 $0x9BE8  }
0x3a3: {  	[hbm4b:s12+s3] =	stream.linear.scatter [tilespmem:s31], [sflag:$0x5], $0x80, $0x38;
	[tilespmem:$0xA600] =	vst v63  }
0x3a4: {  	s7 =	sadd.s32 $0x60, s1;
	s12 =	simm.s32 $0x9C70  }
0x3a5: {  	[hbm4b:s7+s3] =	stream.linear.scatter [tilespmem:s12], [sflag:$0x5], $0x80, $0x38;
	[tilespmem:$0xA600] =	vst v63  }
0x3a6: {  	s1 =	sadd.s32 $0x70, s1;
	s31 =	simm.s32 $0x9CF8;
	s7 =	sor.u32 s29, s0  }
0x3a7: {  	[hbm4b:s1+s3] =	stream.linear.scatter [tilespmem:s31], [sflag:$0x5], $0x80, $0x38;
	[tilespmem:$0xA600] =	vst v63  }
0x3a8: {  	s1 =	sshrl.u32 s7, $0x3  }
0x3a9: {  	s1 =	sadd.s32 s2, s1  }
0x3aa: {  	[hbm4b:s1+s3] =	stream.linear.scatter [tilespmem:s8], [sflag:$0x5], $0x80, $0x38;
	[tilespmem:$0xA600] =	vst v63  }
0x3ab: {  	s12 =	sadd.s32 $0x10, s1  }
0x3ac: {  	[hbm4b:s12+s3] =	stream.linear.scatter [tilespmem:s10], [sflag:$0x5], $0x80, $0x38;
	[tilespmem:$0xA600] =	vst v63  }
0x3ad: {  	s31 =	sadd.s32 $0x20, s1  }
0x3ae: {  	[hbm4b:s31+s3] =	stream.linear.scatter [tilespmem:s15], [sflag:$0x5], $0x80, $0x38;
	[tilespmem:$0xA600] =	vst v63  }
0x3af: {  	s7 =	sadd.s32 $0x30, s1  }
0x3b0: {  	[hbm4b:s7+s3] =	stream.linear.scatter [tilespmem:s11], [sflag:$0x5], $0x80, $0x38;
	[tilespmem:$0xA600] =	vst v63  }
0x3b1: {  	s12 =	sadd.s32 $0x40, s1  }
0x3b2: {  	[hbm4b:s12+s3] =	stream.linear.scatter [tilespmem:s13], [sflag:$0x5], $0x80, $0x38;
	[tilespmem:$0xA600] =	vst v63  }
0x3b3: {  	s31 =	sadd.s32 $0x50, s1  }
0x3b4: {  	[hbm4b:s31+s3] =	stream.linear.scatter [tilespmem:s14], [sflag:$0x5], $0x80, $0x38;
	[tilespmem:$0xA600] =	vst v63  }
0x3b5: {  	s0 =	sor.u32 s30, s0;
	s7 =	sadd.s32 $0x60, s1  }
0x3b6: {  	[hbm4b:s7+s3] =	stream.linear.scatter [tilespmem:s5], [sflag:$0x5], $0x80, $0x38;
	[tilespmem:$0xA600] =	vst v63  }
0x3b7: {  	s0 =	sshrl.u32 s0, $0x3;
	s1 =	sadd.s32 $0x70, s1  }
0x3b8: {  	[hbm4b:s1+s3] =	stream.linear.scatter [tilespmem:s9], [sflag:$0x5], $0x80, $0x38;
	[tilespmem:$0xA600] =	vst v63  }
0x3b9: {  	s0 =	sadd.s32 s2, s0  }
0x3ba: {  	[hbm4b:s0+s3] =	stream.linear.scatter [tilespmem:s4], [sflag:$0x5], $0x80, $0x38;
	[tilespmem:$0xA600] =	vst v63  }
0x3bb: {  	s12 =	sadd.s32 $0x10, s0  }
0x3bc: {  	[hbm4b:s12+s3] =	stream.linear.scatter [tilespmem:s17], [sflag:$0x5], $0x80, $0x38;
	[tilespmem:$0xA600] =	vst v63  }
0x3bd: {  	s31 =	sadd.s32 $0x20, s0  }
0x3be: {  	[hbm4b:s31+s3] =	stream.linear.scatter [tilespmem:s18], [sflag:$0x5], $0x80, $0x38;
	[tilespmem:$0xA600] =	vst v63  }
0x3bf: {  	s6 =	sadd.s32 $0x30, s0  }
0x3c0: {  	[hbm4b:s6+s3] =	stream.linear.scatter [tilespmem:s19], [sflag:$0x5], $0x80, $0x38;
	[tilespmem:$0xA600] =	vst v63  }
0x3c1: {  	s7 =	sadd.s32 $0x40, s0  }
0x3c2: {  	[hbm4b:s7+s3] =	stream.linear.scatter [tilespmem:s21], [sflag:$0x5], $0x80, $0x38;
	[tilespmem:$0xA600] =	vst v63  }
0x3c3: {  	s12 =	sadd.s32 $0x50, s0  }
0x3c4: {  	[hbm4b:s12+s3] =	stream.linear.scatter [tilespmem:s22], [sflag:$0x5], $0x80, $0x38;
	[tilespmem:$0xA600] =	vst v63  }
.Ltmp2:
0x3c5: {  	_ = 	snop;
	(pc) =	sbr.rel @p1 .LBB2_3-.Ltmp2, $4  }
0x3c6: {  	p3 =	por $0x0, $0x0;
	s31 =	sadd.s32 $0x60, s0  }
0x3c7: {  	[hbm4b:s31+s3] =	stream.linear.scatter [tilespmem:s23], [sflag:$0x5], $0x80, $0x38;
	[tilespmem:$0xA600] =	vst v63  }
0x3c8: {  	p2 =	por $0x1, $0x1;
	s1 =	simm.s32 $0x1;
	s0 =	sadd.s32 $0x70, s0  }
0x3c9: {  	[hbm4b:s0+s3] =	stream.linear.scatter [tilespmem:s24], [sflag:$0x5], $0x80, $0x38;
	[tilespmem:$0xA600] =	vst v63  }
0x3ca: {  	s0 =	simm.s32 $0x5  }
0x3cb: {  	_ =	swait.ge [sflag:s0], $0x400  }
0x3cc: {  	[sflag:s0] =	ssyncset.done $0x0  }
0x3cd: {  	[sflag:s0] =	ssyncadd.s32 $0xFFFFFC00  }
0x3ce: {  	_ =	swait.ge [sflag:s0], $0x400  }
0x3cf: {  	[sflag:s0] =	ssyncset.done $0x0  }
0x3d0: {  	[sflag:s0] =	ssyncadd.s32 $0xFFFFFC00  }
0x3d1: {  	_ =	swait.ge [sflag:s0], $0x400  }
0x3d2: {  	[sflag:s0] =	ssyncset.done $0x0  }
0x3d3: {  	[sflag:s0] =	ssyncadd.s32 $0xFFFFFC00  }
0x3d4: {  	_ =	swait.ge [sflag:s0], $0x400  }
0x3d5: {  	[sflag:s0] =	ssyncset.done $0x0  }
0x3d6: {  	[sflag:s0] =	ssyncadd.s32 $0xFFFFFC00  }
0x3d7: {  	_ =	swait.ge [sflag:s0], $0x400  }
0x3d8: {  	[sflag:s0] =	ssyncset.done $0x0  }
0x3d9: {  	[sflag:s0] =	ssyncadd.s32 $0xFFFFFC00  }
0x3da: {  	_ =	swait.ge [sflag:s0], $0x400  }
0x3db: {  	[sflag:s0] =	ssyncset.done $0x0  }
0x3dc: {  	[sflag:s0] =	ssyncadd.s32 $0xFFFFFC00  }
0x3dd: {  	_ =	swait.ge [sflag:s0], $0x400  }
0x3de: {  	[sflag:s0] =	ssyncset.done $0x0  }
0x3df: {  	[sflag:s0] =	ssyncadd.s32 $0xFFFFFC00  }
0x3e0: {  	_ =	swait.ge [sflag:s0], $0x400  }
0x3e1: {  	[sflag:s0] =	ssyncset.done $0x0  }
0x3e2: {  	s26 =	simm.s32 $0x4;
	[sflag:s0] =	ssyncadd.s32 $0xFFFFFC00  }
0x3e3: {  	_ =	swait.ge [sflag:s26], $0x4000  }
0x3e4: {  	[sflag:s26] =	ssyncset.done $0x0  }
0x3e5: {  	s0 =	simm.s32 @!p0 $0x1;
	[sflag:s26] =	ssyncadd.s32 $0xFFFFC000  }
0x3e6: {  	_ =	swait.ge @!p0 [sflag:s0], $0x200  }
0x3e7: {  	s7 =	simm.s32 @!p0 $0x400;
	s1 =	rddreg [dreg:$0x4]  }
0x3e8: {  	p2 =	por $0x1, $0x1;
	s6 =	rddreg [dreg:$0xb];
	[sflag:s0] =	ssyncset.done @!p0 $0x0  }
0x3e9: {  	s12 =	rddreg [dreg:$0x3];
	s1 =	sadd.s32 s6, s1;
	[sflag:s0] =	ssyncadd.s32 @!p0 $0xFFFFFE00  }
0x3ea: {  	s0 =	simm.s32 @!p0 $0x200;
	s6 =	simm.s32 @!p0 $0x0;
	s1 =	sadd.s32 $0x1, s1  }
0x3eb: {  	[tilespmem:s7], [sflag:$0x3] =	stream.indirect.gather @!p0 [hbm4b:s12+s0], $0x20, s6, s0, $0xb8;
	[tilespmem:$0xA600] =	vst v63  }
0x3ec: {  	p1 =	por $0x0, $0x0;
	s12 =	rddreg [dreg:$0x8];
	s7 =	sshll.u32 @!p0 s1, $0x6  }
0x3ed: {  	s31 =	sshll.u32 s1, $0x2;
	s1 =	sshll.u32 s1, $0xE;
	s7 =	sadd.s32 @!p0 s12, s7  }
0x3ee: {  	s25 =	sand.u32 $0x1C, s31;
	s26 =	sand.u32 $0x7FFE0000, s1;
	s1 =	simm.s32 $0x0  }
0x3ef: {  	[tilespmem:s0], [sflag:$0x2] =	stream.linear.gather @!p0 [hbm4b:s7+s6], $0x200, $0x38;
	[tilespmem:$0xA600] =	vst v63  }
0x3f0: {  	s28 =	sor.u32 $0x8000, s26;
	s29 =	sor.u32 $0x10000, s26;
	s30 =	sor.u32 $0x18000, s26  }
.LBB2_9:
0x3f1: {  	s0 =	simm.s32 @p1 $0x5  }
0x3f2: {  	_ =	swait.ge @p1 [sflag:s0], $0x400  }
0x3f3: {  	[sflag:s0] =	ssyncset.done @p1 $0x0  }
0x3f4: {  	[sflag:s0] =	ssyncadd.s32 @p1 $0xFFFFFC00  }
0x3f5: {  	_ =	swait.ge @p1 [sflag:s0], $0x400  }
0x3f6: {  	[sflag:s0] =	ssyncset.done @p1 $0x0  }
0x3f7: {  	[sflag:s0] =	ssyncadd.s32 @p1 $0xFFFFFC00  }
0x3f8: {  	s6 =	simm.s32 $0x0;
	_ =	swait.ge @p1 [sflag:s0], $0x400  }
0x3f9: {  	v17 =	vmov s6;
	[sflag:s0] =	ssyncset.done @p1 $0x0  }
0x3fa: {  	v17 =	vshrl.u32 v17, $0x3;
	[sflag:s0] =	ssyncadd.s32 @p1 $0xFFFFFC00  }
0x3fb: {  	s12 =	sshll.u32 s1, $0xF;
	v17 =	vshll.u32 v17, v1;
	_ =	swait.ge @p1 [sflag:s0], $0x400  }
0x3fc: {  	s31 =	sshra.s32 s12, $0x2;
	v17 =	vbroadcast v17, $0x0;
	[sflag:s0] =	ssyncset.done @p1 $0x0  }
0x3fd: {  	[sflag:s0] =	ssyncadd.s32 @p1 $0xFFFFFC00;
	s0 =	sadd.s32 $0x4500, s31  }
0x3fe: {  	v19 =	vadd.s32 v0, v17;
	v18 =	vld [tilespmem:s0+$0xFFFFFF00];
	_ =	sdelay $0x4  }
0x3ff: {  	[tilespmem:v19+s16+$0x0] =	vst.idx.msk $0xffff, v18  }
0x400: {  	s7 =	simm.s32 $0x1;
	v17 =	vadd.s32 v2, v17;
	v18 =	vld [tilespmem:s0+$0xFFFFFF10]  }
0x401: {  	v19 =	vmov s7  }
0x402: {  	v19 =	vshrl.u32 v19, $0x3  }
0x403: {  	v19 =	vshll.u32 v19, v1  }
0x404: {  	v19 =	vbroadcast v19, $0x0  }
0x405: {  	[tilespmem:v17+s16+$0x0] =	vst.idx.msk $0xffff, v18  }
0x406: {  	v18 =	vadd.s32 v3, v19;
	v17 =	vld [tilespmem:s0+$0xFFFFFF20];
	_ =	sdelay $0x4  }
0x407: {  	[tilespmem:v18+s16+$0x0] =	vst.idx.msk $0xffff, v17  }
0x408: {  	s12 =	simm.s32 $0x2;
	v18 =	vadd.s32 v4, v19;
	v17 =	vld [tilespmem:s0+$0xFFFFFF30]  }
0x409: {  	v19 =	vmov s12  }
0x40a: {  	v19 =	vshrl.u32 v19, $0x3  }
0x40b: {  	v19 =	vshll.u32 v19, v1  }
0x40c: {  	v19 =	vbroadcast v19, $0x0  }
0x40d: {  	[tilespmem:v18+s16+$0x0] =	vst.idx.msk $0xffff, v17  }
0x40e: {  	v18 =	vadd.s32 v5, v19;
	v17 =	vld [tilespmem:s0+$0xFFFFFF40];
	_ =	sdelay $0x4  }
0x40f: {  	[tilespmem:v18+s16+$0x0] =	vst.idx.msk $0xffff, v17  }
0x410: {  	s7 =	simm.s32 $0x3;
	v18 =	vadd.s32 v6, v19;
	v17 =	vld [tilespmem:s0+$0xFFFFFF50]  }
0x411: {  	v19 =	vmov s7  }
0x412: {  	v19 =	vshrl.u32 v19, $0x3  }
0x413: {  	v19 =	vshll.u32 v19, v1  }
0x414: {  	v19 =	vbroadcast v19, $0x0  }
0x415: {  	[tilespmem:v18+s16+$0x0] =	vst.idx.msk $0xffff, v17  }
0x416: {  	v18 =	vadd.s32 v7, v19;
	v17 =	vld [tilespmem:s0+$0xFFFFFF60];
	_ =	sdelay $0x4  }
0x417: {  	[tilespmem:v18+s16+$0x0] =	vst.idx.msk $0xffff, v17  }
0x418: {  	s12 =	simm.s32 $0x4;
	v18 =	vadd.s32 v8, v19;
	v17 =	vld [tilespmem:s0+$0xFFFFFF70]  }
0x419: {  	v19 =	vmov s12  }
0x41a: {  	v19 =	vshrl.u32 v19, $0x3  }
0x41b: {  	v19 =	vshll.u32 v19, v1  }
0x41c: {  	v19 =	vbroadcast v19, $0x0  }
0x41d: {  	[tilespmem:v18+s16+$0x0] =	vst.idx.msk $0xffff, v17  }
0x41e: {  	v18 =	vadd.s32 v9, v19;
	v17 =	vld [tilespmem:s0+$0xFFFFFF80];
	_ =	sdelay $0x4  }
0x41f: {  	[tilespmem:v18+s16+$0x0] =	vst.idx.msk $0xffff, v17  }
0x420: {  	s7 =	simm.s32 $0x5;
	v18 =	vadd.s32 v10, v19;
	v17 =	vld [tilespmem:s0+$0xFFFFFF90]  }
0x421: {  	v19 =	vmov s7  }
0x422: {  	v19 =	vshrl.u32 v19, $0x3  }
0x423: {  	v19 =	vshll.u32 v19, v1  }
0x424: {  	v19 =	vbroadcast v19, $0x0  }
0x425: {  	[tilespmem:v18+s16+$0x0] =	vst.idx.msk $0xffff, v17  }
0x426: {  	v18 =	vadd.s32 v11, v19;
	v17 =	vld [tilespmem:s0+$0xFFFFFFA0];
	_ =	sdelay $0x4  }
0x427: {  	[tilespmem:v18+s16+$0x0] =	vst.idx.msk $0xffff, v17  }
0x428: {  	s12 =	simm.s32 $0x6;
	v18 =	vadd.s32 v12, v19;
	v17 =	vld [tilespmem:s0+$0xFFFFFFB0]  }
0x429: {  	v19 =	vmov s12  }
0x42a: {  	v19 =	vshrl.u32 v19, $0x3  }
0x42b: {  	v19 =	vshll.u32 v19, v1  }
0x42c: {  	v19 =	vbroadcast v19, $0x0  }
0x42d: {  	[tilespmem:v18+s16+$0x0] =	vst.idx.msk $0xffff, v17  }
0x42e: {  	v18 =	vadd.s32 v13, v19;
	v17 =	vld [tilespmem:s0+$0xFFFFFFC0];
	_ =	sdelay $0x4  }
0x42f: {  	[tilespmem:v18+s16+$0x0] =	vst.idx.msk $0xffff, v17  }
0x430: {  	s7 =	simm.s32 $0x7;
	v18 =	vadd.s32 v14, v19;
	v17 =	vld [tilespmem:s0+$0xFFFFFFD0]  }
0x431: {  	v19 =	vmov s7  }
0x432: {  	v19 =	vshrl.u32 v19, $0x3  }
0x433: {  	v19 =	vshll.u32 v19, v1  }
0x434: {  	v19 =	vbroadcast v19, $0x0  }
0x435: {  	[tilespmem:v18+s16+$0x0] =	vst.idx.msk $0xffff, v17  }
0x436: {  	v18 =	vadd.s32 v15, v19;
	v17 =	vld [tilespmem:s0+$0xFFFFFFE0];
	_ =	sdelay $0x4  }
0x437: {  	[tilespmem:v18+s16+$0x0] =	vst.idx.msk $0xffff, v17  }
0x438: {  	s12 =	simm.s32 $0x8;
	v18 =	vadd.s32 v16, v19;
	v17 =	vld [tilespmem:s0+$0xFFFFFFF0]  }
0x439: {  	v19 =	vmov s12  }
0x43a: {  	v19 =	vshrl.u32 v19, $0x3  }
0x43b: {  	v19 =	vshll.u32 v19, v1  }
0x43c: {  	v19 =	vbroadcast v19, $0x0  }
0x43d: {  	[tilespmem:v18+s16+$0x0] =	vst.idx.msk $0xffff, v17  }
0x43e: {  	v18 =	vadd.s32 v0, v19;
	v17 =	vld [tilespmem:s0+$0x0];
	_ =	sdelay $0x4  }
0x43f: {  	[tilespmem:v18+s16+$0x0] =	vst.idx.msk $0xffff, v17  }
0x440: {  	s7 =	simm.s32 $0x9;
	v18 =	vadd.s32 v2, v19;
	v17 =	vld [tilespmem:s0+$0x10]  }
0x441: {  	v19 =	vmov s7  }
0x442: {  	v19 =	vshrl.u32 v19, $0x3  }
0x443: {  	v19 =	vshll.u32 v19, v1  }
0x444: {  	v19 =	vbroadcast v19, $0x0  }
0x445: {  	[tilespmem:v18+s16+$0x0] =	vst.idx.msk $0xffff, v17  }
0x446: {  	v18 =	vadd.s32 v3, v19;
	v17 =	vld [tilespmem:s0+$0x20];
	_ =	sdelay $0x4  }
0x447: {  	[tilespmem:v18+s16+$0x0] =	vst.idx.msk $0xffff, v17  }
0x448: {  	s12 =	simm.s32 $0xA;
	v18 =	vadd.s32 v4, v19;
	v17 =	vld [tilespmem:s0+$0x30]  }
0x449: {  	v19 =	vmov s12  }
0x44a: {  	v19 =	vshrl.u32 v19, $0x3  }
0x44b: {  	v19 =	vshll.u32 v19, v1  }
0x44c: {  	v19 =	vbroadcast v19, $0x0  }
0x44d: {  	[tilespmem:v18+s16+$0x0] =	vst.idx.msk $0xffff, v17  }
0x44e: {  	v18 =	vadd.s32 v5, v19;
	v17 =	vld [tilespmem:s0+$0x40];
	_ =	sdelay $0x4  }
0x44f: {  	[tilespmem:v18+s16+$0x0] =	vst.idx.msk $0xffff, v17  }
0x450: {  	s7 =	simm.s32 $0xB;
	v18 =	vadd.s32 v6, v19;
	v17 =	vld [tilespmem:s0+$0x50]  }
0x451: {  	v19 =	vmov s7  }
0x452: {  	v19 =	vshrl.u32 v19, $0x3  }
0x453: {  	v19 =	vshll.u32 v19, v1  }
0x454: {  	v19 =	vbroadcast v19, $0x0  }
0x455: {  	[tilespmem:v18+s16+$0x0] =	vst.idx.msk $0xffff, v17  }
0x456: {  	v18 =	vadd.s32 v7, v19;
	v17 =	vld [tilespmem:s0+$0x60];
	_ =	sdelay $0x4  }
0x457: {  	[tilespmem:v18+s16+$0x0] =	vst.idx.msk $0xffff, v17  }
0x458: {  	s12 =	simm.s32 $0xC;
	v18 =	vadd.s32 v8, v19;
	v17 =	vld [tilespmem:s0+$0x70]  }
0x459: {  	v19 =	vmov s12  }
0x45a: {  	v19 =	vshrl.u32 v19, $0x3  }
0x45b: {  	v19 =	vshll.u32 v19, v1  }
0x45c: {  	v19 =	vbroadcast v19, $0x0  }
0x45d: {  	[tilespmem:v18+s16+$0x0] =	vst.idx.msk $0xffff, v17  }
0x45e: {  	v18 =	vadd.s32 v9, v19;
	v17 =	vld [tilespmem:s0+$0x80];
	_ =	sdelay $0x4  }
0x45f: {  	[tilespmem:v18+s16+$0x0] =	vst.idx.msk $0xffff, v17  }
0x460: {  	s7 =	simm.s32 $0xD;
	v18 =	vadd.s32 v10, v19;
	v17 =	vld [tilespmem:s0+$0x90]  }
0x461: {  	v19 =	vmov s7  }
0x462: {  	v19 =	vshrl.u32 v19, $0x3  }
0x463: {  	v19 =	vshll.u32 v19, v1  }
0x464: {  	v19 =	vbroadcast v19, $0x0  }
0x465: {  	[tilespmem:v18+s16+$0x0] =	vst.idx.msk $0xffff, v17  }
0x466: {  	v18 =	vadd.s32 v11, v19;
	v17 =	vld [tilespmem:s0+$0xA0];
	_ =	sdelay $0x4  }
0x467: {  	[tilespmem:v18+s16+$0x0] =	vst.idx.msk $0xffff, v17  }
0x468: {  	s12 =	simm.s32 $0xE;
	v18 =	vadd.s32 v12, v19;
	v17 =	vld [tilespmem:s0+$0xB0]  }
0x469: {  	v19 =	vmov s12  }
0x46a: {  	v19 =	vshrl.u32 v19, $0x3  }
0x46b: {  	v19 =	vshll.u32 v19, v1  }
0x46c: {  	v19 =	vbroadcast v19, $0x0  }
0x46d: {  	[tilespmem:v18+s16+$0x0] =	vst.idx.msk $0xffff, v17  }
0x46e: {  	v18 =	vadd.s32 v13, v19;
	v17 =	vld [tilespmem:s0+$0xC0];
	_ =	sdelay $0x4  }
0x46f: {  	[tilespmem:v18+s16+$0x0] =	vst.idx.msk $0xffff, v17  }
0x470: {  	s7 =	simm.s32 $0xF;
	v18 =	vadd.s32 v14, v19;
	v17 =	vld [tilespmem:s0+$0xD0]  }
0x471: {  	v19 =	vmov s7  }
0x472: {  	v19 =	vshrl.u32 v19, $0x3  }
0x473: {  	v19 =	vshll.u32 v19, v1  }
0x474: {  	v19 =	vbroadcast v19, $0x0  }
0x475: {  	[tilespmem:v18+s16+$0x0] =	vst.idx.msk $0xffff, v17  }
0x476: {  	v18 =	vadd.s32 v15, v19;
	v17 =	vld [tilespmem:s0+$0xE0];
	_ =	sdelay $0x4  }
0x477: {  	p0 =	por p2, p2;
	s6 =	simm.s32 $0x2F;
	s12 =	sshll.u32 s1, $0x1;
	[tilespmem:v18+s16+$0x0] =	vst.idx.msk $0xffff, v17  }
0x478: {  	s1 =	sor.u32 s25, s12;
	s12 =	simm.s32 $0x1F;
	s7 =	simm.s32 $0x10;
	v18 =	vadd.s32 v16, v19;
	v17 =	vld [tilespmem:s0+$0xF0]  }
.LBB2_10:
0x479: {  	p2 =	sne.s32 s6, $0x7F;
	v19 =	vmov s7  }
0x47a: {  	v19 =	vshrl.u32 v19, $0x3  }
0x47b: {  	v19 =	vshll.u32 v19, v1  }
0x47c: {  	v19 =	vbroadcast v19, $0x0  }
0x47d: {  	s0 =	sadd.s32 $0x200, s0;
	[tilespmem:v18+s16+$0x0] =	vst.idx.msk $0xffff, v17  }
0x47e: {  	v17 =	vld [tilespmem:s0+$0xFFFFFF00];
	v18 =	vadd.s32 v0, v19;
	_ =	sdelay $0x4  }
0x47f: {  	[tilespmem:v18+s16+$0x0] =	vst.idx.msk $0xffff, v17  }
0x480: {  	s7 =	sadd.s32 $0xFFFFFFF2, s12;
	v18 =	vadd.s32 v2, v19;
	v17 =	vld [tilespmem:s0+$0xFFFFFF10]  }
0x481: {  	v19 =	vmov s7  }
0x482: {  	v19 =	vshrl.u32 v19, $0x3  }
0x483: {  	v19 =	vshll.u32 v19, v1  }
0x484: {  	v19 =	vbroadcast v19, $0x0  }
0x485: {  	[tilespmem:v18+s16+$0x0] =	vst.idx.msk $0xffff, v17  }
0x486: {  	v18 =	vadd.s32 v3, v19;
	v17 =	vld [tilespmem:s0+$0xFFFFFF20];
	_ =	sdelay $0x4  }
0x487: {  	[tilespmem:v18+s16+$0x0] =	vst.idx.msk $0xffff, v17  }
0x488: {  	s7 =	sadd.s32 $0xFFFFFFF3, s12;
	v18 =	vadd.s32 v4, v19;
	v17 =	vld [tilespmem:s0+$0xFFFFFF30]  }
0x489: {  	v19 =	vmov s7  }
0x48a: {  	v19 =	vshrl.u32 v19, $0x3  }
0x48b: {  	v19 =	vshll.u32 v19, v1  }
0x48c: {  	v19 =	vbroadcast v19, $0x0  }
0x48d: {  	[tilespmem:v18+s16+$0x0] =	vst.idx.msk $0xffff, v17  }
0x48e: {  	v18 =	vadd.s32 v5, v19;
	v17 =	vld [tilespmem:s0+$0xFFFFFF40];
	_ =	sdelay $0x4  }
0x48f: {  	[tilespmem:v18+s16+$0x0] =	vst.idx.msk $0xffff, v17  }
0x490: {  	s7 =	sadd.s32 $0xFFFFFFF4, s12;
	v18 =	vadd.s32 v6, v19;
	v17 =	vld [tilespmem:s0+$0xFFFFFF50]  }
0x491: {  	v19 =	vmov s7  }
0x492: {  	v19 =	vshrl.u32 v19, $0x3  }
0x493: {  	v19 =	vshll.u32 v19, v1  }
0x494: {  	v19 =	vbroadcast v19, $0x0  }
0x495: {  	[tilespmem:v18+s16+$0x0] =	vst.idx.msk $0xffff, v17  }
0x496: {  	v18 =	vadd.s32 v7, v19;
	v17 =	vld [tilespmem:s0+$0xFFFFFF60];
	_ =	sdelay $0x4  }
0x497: {  	[tilespmem:v18+s16+$0x0] =	vst.idx.msk $0xffff, v17  }
0x498: {  	s7 =	sadd.s32 $0xFFFFFFF5, s12;
	v18 =	vadd.s32 v8, v19;
	v17 =	vld [tilespmem:s0+$0xFFFFFF70]  }
0x499: {  	v19 =	vmov s7  }
0x49a: {  	v19 =	vshrl.u32 v19, $0x3  }
0x49b: {  	v19 =	vshll.u32 v19, v1  }
0x49c: {  	v19 =	vbroadcast v19, $0x0  }
0x49d: {  	[tilespmem:v18+s16+$0x0] =	vst.idx.msk $0xffff, v17  }
0x49e: {  	v18 =	vadd.s32 v9, v19;
	v17 =	vld [tilespmem:s0+$0xFFFFFF80];
	_ =	sdelay $0x4  }
0x49f: {  	[tilespmem:v18+s16+$0x0] =	vst.idx.msk $0xffff, v17  }
0x4a0: {  	s7 =	sadd.s32 $0xFFFFFFF6, s12;
	v18 =	vadd.s32 v10, v19;
	v17 =	vld [tilespmem:s0+$0xFFFFFF90]  }
0x4a1: {  	v19 =	vmov s7  }
0x4a2: {  	v19 =	vshrl.u32 v19, $0x3  }
0x4a3: {  	v19 =	vshll.u32 v19, v1  }
0x4a4: {  	v19 =	vbroadcast v19, $0x0  }
0x4a5: {  	[tilespmem:v18+s16+$0x0] =	vst.idx.msk $0xffff, v17  }
0x4a6: {  	v18 =	vadd.s32 v11, v19;
	v17 =	vld [tilespmem:s0+$0xFFFFFFA0];
	_ =	sdelay $0x4  }
0x4a7: {  	[tilespmem:v18+s16+$0x0] =	vst.idx.msk $0xffff, v17  }
0x4a8: {  	s7 =	sadd.s32 $0xFFFFFFF7, s12;
	v18 =	vadd.s32 v12, v19;
	v17 =	vld [tilespmem:s0+$0xFFFFFFB0]  }
0x4a9: {  	v19 =	vmov s7  }
0x4aa: {  	v19 =	vshrl.u32 v19, $0x3  }
0x4ab: {  	v19 =	vshll.u32 v19, v1  }
0x4ac: {  	v19 =	vbroadcast v19, $0x0  }
0x4ad: {  	[tilespmem:v18+s16+$0x0] =	vst.idx.msk $0xffff, v17  }
0x4ae: {  	v18 =	vadd.s32 v13, v19;
	v17 =	vld [tilespmem:s0+$0xFFFFFFC0];
	_ =	sdelay $0x4  }
0x4af: {  	[tilespmem:v18+s16+$0x0] =	vst.idx.msk $0xffff, v17  }
0x4b0: {  	s7 =	sadd.s32 $0xFFFFFFF8, s12;
	v18 =	vadd.s32 v14, v19;
	v17 =	vld [tilespmem:s0+$0xFFFFFFD0]  }
0x4b1: {  	v19 =	vmov s7  }
0x4b2: {  	v19 =	vshrl.u32 v19, $0x3  }
0x4b3: {  	v19 =	vshll.u32 v19, v1  }
0x4b4: {  	v19 =	vbroadcast v19, $0x0  }
0x4b5: {  	[tilespmem:v18+s16+$0x0] =	vst.idx.msk $0xffff, v17  }
0x4b6: {  	v18 =	vadd.s32 v15, v19;
	v17 =	vld [tilespmem:s0+$0xFFFFFFE0];
	_ =	sdelay $0x4  }
0x4b7: {  	[tilespmem:v18+s16+$0x0] =	vst.idx.msk $0xffff, v17  }
0x4b8: {  	s7 =	sadd.s32 $0xFFFFFFF9, s12;
	v18 =	vadd.s32 v16, v19;
	v17 =	vld [tilespmem:s0+$0xFFFFFFF0]  }
0x4b9: {  	v19 =	vmov s7  }
0x4ba: {  	v19 =	vshrl.u32 v19, $0x3  }
0x4bb: {  	v19 =	vshll.u32 v19, v1  }
0x4bc: {  	v19 =	vbroadcast v19, $0x0  }
0x4bd: {  	[tilespmem:v18+s16+$0x0] =	vst.idx.msk $0xffff, v17  }
0x4be: {  	v18 =	vadd.s32 v0, v19;
	v17 =	vld [tilespmem:s0+$0x0];
	_ =	sdelay $0x4  }
0x4bf: {  	[tilespmem:v18+s16+$0x0] =	vst.idx.msk $0xffff, v17  }
0x4c0: {  	s7 =	sadd.s32 $0xFFFFFFFA, s12;
	v18 =	vadd.s32 v2, v19;
	v17 =	vld [tilespmem:s0+$0x10]  }
0x4c1: {  	v19 =	vmov s7  }
0x4c2: {  	v19 =	vshrl.u32 v19, $0x3  }
0x4c3: {  	v19 =	vshll.u32 v19, v1  }
0x4c4: {  	v19 =	vbroadcast v19, $0x0  }
0x4c5: {  	[tilespmem:v18+s16+$0x0] =	vst.idx.msk $0xffff, v17  }
0x4c6: {  	v18 =	vadd.s32 v3, v19;
	v17 =	vld [tilespmem:s0+$0x20];
	_ =	sdelay $0x4  }
0x4c7: {  	[tilespmem:v18+s16+$0x0] =	vst.idx.msk $0xffff, v17  }
0x4c8: {  	s7 =	sadd.s32 $0xFFFFFFFB, s12;
	v18 =	vadd.s32 v4, v19;
	v17 =	vld [tilespmem:s0+$0x30]  }
0x4c9: {  	v19 =	vmov s7  }
0x4ca: {  	v19 =	vshrl.u32 v19, $0x3  }
0x4cb: {  	v19 =	vshll.u32 v19, v1  }
0x4cc: {  	v19 =	vbroadcast v19, $0x0  }
0x4cd: {  	[tilespmem:v18+s16+$0x0] =	vst.idx.msk $0xffff, v17  }
0x4ce: {  	v18 =	vadd.s32 v5, v19;
	v17 =	vld [tilespmem:s0+$0x40];
	_ =	sdelay $0x4  }
0x4cf: {  	[tilespmem:v18+s16+$0x0] =	vst.idx.msk $0xffff, v17  }
0x4d0: {  	s7 =	sadd.s32 $0xFFFFFFFC, s12;
	v18 =	vadd.s32 v6, v19;
	v17 =	vld [tilespmem:s0+$0x50]  }
0x4d1: {  	v19 =	vmov s7  }
0x4d2: {  	v19 =	vshrl.u32 v19, $0x3  }
0x4d3: {  	v19 =	vshll.u32 v19, v1  }
0x4d4: {  	v19 =	vbroadcast v19, $0x0  }
0x4d5: {  	[tilespmem:v18+s16+$0x0] =	vst.idx.msk $0xffff, v17  }
0x4d6: {  	v18 =	vadd.s32 v7, v19;
	v17 =	vld [tilespmem:s0+$0x60];
	_ =	sdelay $0x4  }
0x4d7: {  	[tilespmem:v18+s16+$0x0] =	vst.idx.msk $0xffff, v17  }
0x4d8: {  	s7 =	sadd.s32 $0xFFFFFFFD, s12;
	v18 =	vadd.s32 v8, v19;
	v17 =	vld [tilespmem:s0+$0x70]  }
0x4d9: {  	v19 =	vmov s7  }
0x4da: {  	v19 =	vshrl.u32 v19, $0x3  }
0x4db: {  	v19 =	vshll.u32 v19, v1  }
0x4dc: {  	v19 =	vbroadcast v19, $0x0  }
0x4dd: {  	[tilespmem:v18+s16+$0x0] =	vst.idx.msk $0xffff, v17  }
0x4de: {  	v18 =	vadd.s32 v9, v19;
	v17 =	vld [tilespmem:s0+$0x80];
	_ =	sdelay $0x4  }
0x4df: {  	[tilespmem:v18+s16+$0x0] =	vst.idx.msk $0xffff, v17  }
0x4e0: {  	s7 =	sadd.s32 $0xFFFFFFFE, s12;
	v18 =	vadd.s32 v10, v19;
	v17 =	vld [tilespmem:s0+$0x90]  }
0x4e1: {  	v19 =	vmov s7  }
0x4e2: {  	v19 =	vshrl.u32 v19, $0x3  }
0x4e3: {  	v19 =	vshll.u32 v19, v1  }
0x4e4: {  	v19 =	vbroadcast v19, $0x0  }
0x4e5: {  	[tilespmem:v18+s16+$0x0] =	vst.idx.msk $0xffff, v17  }
0x4e6: {  	v18 =	vadd.s32 v11, v19;
	v17 =	vld [tilespmem:s0+$0xA0];
	_ =	sdelay $0x4  }
0x4e7: {  	[tilespmem:v18+s16+$0x0] =	vst.idx.msk $0xffff, v17  }
0x4e8: {  	s7 =	sadd.s32 $0xFFFFFFFF, s12;
	v18 =	vadd.s32 v12, v19;
	v17 =	vld [tilespmem:s0+$0xB0]  }
0x4e9: {  	v19 =	vmov s7  }
0x4ea: {  	v19 =	vshrl.u32 v19, $0x3  }
0x4eb: {  	v19 =	vshll.u32 v19, v1  }
0x4ec: {  	v19 =	vbroadcast v19, $0x0  }
0x4ed: {  	[tilespmem:v18+s16+$0x0] =	vst.idx.msk $0xffff, v17  }
0x4ee: {  	v18 =	vadd.s32 v13, v19;
	v17 =	vld [tilespmem:s0+$0xC0];
	_ =	sdelay $0x4  }
0x4ef: {  	[tilespmem:v18+s16+$0x0] =	vst.idx.msk $0xffff, v17  }
0x4f0: {  	v18 =	vadd.s32 v14, v19;
	v17 =	vld [tilespmem:s0+$0xD0]  }
0x4f1: {  	v19 =	vmov s12;
	s12 =	smov.u32 s6  }
0x4f2: {  	v19 =	vshrl.u32 v19, $0x3  }
0x4f3: {  	v19 =	vshll.u32 v19, v1  }
0x4f4: {  	v19 =	vbroadcast v19, $0x0  }
0x4f5: {  	[tilespmem:v18+s16+$0x0] =	vst.idx.msk $0xffff, v17  }
0x4f6: {  	v18 =	vadd.s32 v15, v19;
	v17 =	vld [tilespmem:s0+$0xE0];
	_ =	sdelay $0x1  }
.Ltmp3:
0x4f7: {  	(pc) =	sbr.rel @p2 .LBB2_10-.Ltmp3, $3  }
0x4f8: {  	_ =	sdelay $0x1  }
0x4f9: {  	[tilespmem:v18+s16+$0x0] =	vst.idx.msk $0xffff, v17  }
0x4fa: {  	s6 =	sadd.s32 $0x10, s6;
	s7 =	sadd.s32 $0xFFFFFFF1, s12;
	v18 =	vadd.s32 v16, v19;
	v17 =	vld [tilespmem:s0+$0xF0]  }
0x4fb: {  	v19 =	vmov s7  }
0x4fc: {  	v19 =	vshrl.u32 v19, $0x3  }
0x4fd: {  	v19 =	vshll.u32 v19, v1  }
0x4fe: {  	v19 =	vbroadcast v19, $0x0  }
0x4ff: {  	s0 =	sadd.s32 $0x200, s0;
	[tilespmem:v18+s16+$0x0] =	vst.idx.msk $0xffff, v17  }
0x500: {  	v17 =	vld [tilespmem:s0+$0xFFFFFF00];
	v18 =	vadd.s32 v0, v19;
	_ =	sdelay $0x4  }
0x501: {  	[tilespmem:v18+s16+$0x0] =	vst.idx.msk $0xffff, v17  }
0x502: {  	s6 =	sadd.s32 $0xFFFFFFF2, s12;
	v18 =	vadd.s32 v2, v19;
	v17 =	vld [tilespmem:s0+$0xFFFFFF10]  }
0x503: {  	v19 =	vmov s6  }
0x504: {  	v19 =	vshrl.u32 v19, $0x3  }
0x505: {  	v19 =	vshll.u32 v19, v1  }
0x506: {  	v19 =	vbroadcast v19, $0x0  }
0x507: {  	[tilespmem:v18+s16+$0x0] =	vst.idx.msk $0xffff, v17  }
0x508: {  	v18 =	vadd.s32 v3, v19;
	v17 =	vld [tilespmem:s0+$0xFFFFFF20];
	_ =	sdelay $0x4  }
0x509: {  	[tilespmem:v18+s16+$0x0] =	vst.idx.msk $0xffff, v17  }
0x50a: {  	s7 =	sadd.s32 $0xFFFFFFF3, s12;
	v18 =	vadd.s32 v4, v19;
	v17 =	vld [tilespmem:s0+$0xFFFFFF30]  }
0x50b: {  	v19 =	vmov s7  }
0x50c: {  	v19 =	vshrl.u32 v19, $0x3  }
0x50d: {  	v19 =	vshll.u32 v19, v1  }
0x50e: {  	v19 =	vbroadcast v19, $0x0  }
0x50f: {  	[tilespmem:v18+s16+$0x0] =	vst.idx.msk $0xffff, v17  }
0x510: {  	v18 =	vadd.s32 v5, v19;
	v17 =	vld [tilespmem:s0+$0xFFFFFF40];
	_ =	sdelay $0x4  }
0x511: {  	[tilespmem:v18+s16+$0x0] =	vst.idx.msk $0xffff, v17  }
0x512: {  	s7 =	sadd.s32 $0xFFFFFFF4, s12;
	v18 =	vadd.s32 v6, v19;
	v17 =	vld [tilespmem:s0+$0xFFFFFF50]  }
0x513: {  	v19 =	vmov s7  }
0x514: {  	v19 =	vshrl.u32 v19, $0x3  }
0x515: {  	v19 =	vshll.u32 v19, v1  }
0x516: {  	v19 =	vbroadcast v19, $0x0  }
0x517: {  	[tilespmem:v18+s16+$0x0] =	vst.idx.msk $0xffff, v17  }
0x518: {  	v18 =	vadd.s32 v7, v19;
	v17 =	vld [tilespmem:s0+$0xFFFFFF60];
	_ =	sdelay $0x4  }
0x519: {  	[tilespmem:v18+s16+$0x0] =	vst.idx.msk $0xffff, v17  }
0x51a: {  	s7 =	sadd.s32 $0xFFFFFFF5, s12;
	v18 =	vadd.s32 v8, v19;
	v17 =	vld [tilespmem:s0+$0xFFFFFF70]  }
0x51b: {  	v19 =	vmov s7  }
0x51c: {  	v19 =	vshrl.u32 v19, $0x3  }
0x51d: {  	v19 =	vshll.u32 v19, v1  }
0x51e: {  	v19 =	vbroadcast v19, $0x0  }
0x51f: {  	[tilespmem:v18+s16+$0x0] =	vst.idx.msk $0xffff, v17  }
0x520: {  	v18 =	vadd.s32 v9, v19;
	v17 =	vld [tilespmem:s0+$0xFFFFFF80];
	_ =	sdelay $0x4  }
0x521: {  	[tilespmem:v18+s16+$0x0] =	vst.idx.msk $0xffff, v17  }
0x522: {  	s7 =	sadd.s32 $0xFFFFFFF6, s12;
	v18 =	vadd.s32 v10, v19;
	v17 =	vld [tilespmem:s0+$0xFFFFFF90]  }
0x523: {  	v19 =	vmov s7  }
0x524: {  	v19 =	vshrl.u32 v19, $0x3  }
0x525: {  	v19 =	vshll.u32 v19, v1  }
0x526: {  	v19 =	vbroadcast v19, $0x0  }
0x527: {  	[tilespmem:v18+s16+$0x0] =	vst.idx.msk $0xffff, v17  }
0x528: {  	v18 =	vadd.s32 v11, v19;
	v17 =	vld [tilespmem:s0+$0xFFFFFFA0];
	_ =	sdelay $0x4  }
0x529: {  	[tilespmem:v18+s16+$0x0] =	vst.idx.msk $0xffff, v17  }
0x52a: {  	s7 =	sadd.s32 $0xFFFFFFF7, s12;
	v18 =	vadd.s32 v12, v19;
	v17 =	vld [tilespmem:s0+$0xFFFFFFB0]  }
0x52b: {  	v19 =	vmov s7  }
0x52c: {  	v19 =	vshrl.u32 v19, $0x3  }
0x52d: {  	v19 =	vshll.u32 v19, v1  }
0x52e: {  	v19 =	vbroadcast v19, $0x0  }
0x52f: {  	[tilespmem:v18+s16+$0x0] =	vst.idx.msk $0xffff, v17  }
0x530: {  	v18 =	vadd.s32 v13, v19;
	v17 =	vld [tilespmem:s0+$0xFFFFFFC0];
	_ =	sdelay $0x4  }
0x531: {  	[tilespmem:v18+s16+$0x0] =	vst.idx.msk $0xffff, v17  }
0x532: {  	s7 =	sadd.s32 $0xFFFFFFF8, s12;
	v18 =	vadd.s32 v14, v19;
	v17 =	vld [tilespmem:s0+$0xFFFFFFD0]  }
0x533: {  	v19 =	vmov s7  }
0x534: {  	v19 =	vshrl.u32 v19, $0x3  }
0x535: {  	v19 =	vshll.u32 v19, v1  }
0x536: {  	v19 =	vbroadcast v19, $0x0  }
0x537: {  	[tilespmem:v18+s16+$0x0] =	vst.idx.msk $0xffff, v17  }
0x538: {  	v18 =	vadd.s32 v15, v19;
	v17 =	vld [tilespmem:s0+$0xFFFFFFE0];
	_ =	sdelay $0x4  }
0x539: {  	[tilespmem:v18+s16+$0x0] =	vst.idx.msk $0xffff, v17  }
0x53a: {  	s7 =	sadd.s32 $0xFFFFFFF9, s12;
	v18 =	vadd.s32 v16, v19;
	v17 =	vld [tilespmem:s0+$0xFFFFFFF0]  }
0x53b: {  	v19 =	vmov s7  }
0x53c: {  	v19 =	vshrl.u32 v19, $0x3  }
0x53d: {  	v19 =	vshll.u32 v19, v1  }
0x53e: {  	v19 =	vbroadcast v19, $0x0  }
0x53f: {  	[tilespmem:v18+s16+$0x0] =	vst.idx.msk $0xffff, v17  }
0x540: {  	v18 =	vadd.s32 v0, v19;
	v17 =	vld [tilespmem:s0+$0x0];
	_ =	sdelay $0x4  }
0x541: {  	[tilespmem:v18+s16+$0x0] =	vst.idx.msk $0xffff, v17  }
0x542: {  	s7 =	sadd.s32 $0xFFFFFFFA, s12;
	v18 =	vadd.s32 v2, v19;
	v17 =	vld [tilespmem:s0+$0x10]  }
0x543: {  	v19 =	vmov s7  }
0x544: {  	v19 =	vshrl.u32 v19, $0x3  }
0x545: {  	v19 =	vshll.u32 v19, v1  }
0x546: {  	v19 =	vbroadcast v19, $0x0  }
0x547: {  	[tilespmem:v18+s16+$0x0] =	vst.idx.msk $0xffff, v17  }
0x548: {  	v18 =	vadd.s32 v3, v19;
	v17 =	vld [tilespmem:s0+$0x20];
	_ =	sdelay $0x4  }
0x549: {  	[tilespmem:v18+s16+$0x0] =	vst.idx.msk $0xffff, v17  }
0x54a: {  	s7 =	sadd.s32 $0xFFFFFFFB, s12;
	v18 =	vadd.s32 v4, v19;
	v17 =	vld [tilespmem:s0+$0x30]  }
0x54b: {  	v19 =	vmov s7  }
0x54c: {  	v19 =	vshrl.u32 v19, $0x3  }
0x54d: {  	v19 =	vshll.u32 v19, v1  }
0x54e: {  	v19 =	vbroadcast v19, $0x0  }
0x54f: {  	[tilespmem:v18+s16+$0x0] =	vst.idx.msk $0xffff, v17  }
0x550: {  	v18 =	vadd.s32 v5, v19;
	v17 =	vld [tilespmem:s0+$0x40];
	_ =	sdelay $0x4  }
0x551: {  	[tilespmem:v18+s16+$0x0] =	vst.idx.msk $0xffff, v17  }
0x552: {  	s7 =	sadd.s32 $0xFFFFFFFC, s12;
	v18 =	vadd.s32 v6, v19;
	v17 =	vld [tilespmem:s0+$0x50]  }
0x553: {  	v19 =	vmov s7  }
0x554: {  	v19 =	vshrl.u32 v19, $0x3  }
0x555: {  	v19 =	vshll.u32 v19, v1  }
0x556: {  	v19 =	vbroadcast v19, $0x0  }
0x557: {  	[tilespmem:v18+s16+$0x0] =	vst.idx.msk $0xffff, v17  }
0x558: {  	v18 =	vadd.s32 v7, v19;
	v17 =	vld [tilespmem:s0+$0x60];
	_ =	sdelay $0x4  }
0x559: {  	[tilespmem:v18+s16+$0x0] =	vst.idx.msk $0xffff, v17  }
0x55a: {  	s7 =	sadd.s32 $0xFFFFFFFD, s12;
	v18 =	vadd.s32 v8, v19;
	v17 =	vld [tilespmem:s0+$0x70]  }
0x55b: {  	v19 =	vmov s7  }
0x55c: {  	v19 =	vshrl.u32 v19, $0x3  }
0x55d: {  	v19 =	vshll.u32 v19, v1  }
0x55e: {  	v19 =	vbroadcast v19, $0x0  }
0x55f: {  	[tilespmem:v18+s16+$0x0] =	vst.idx.msk $0xffff, v17  }
0x560: {  	v18 =	vadd.s32 v9, v19;
	v17 =	vld [tilespmem:s0+$0x80];
	_ =	sdelay $0x4  }
0x561: {  	[tilespmem:v18+s16+$0x0] =	vst.idx.msk $0xffff, v17  }
0x562: {  	s7 =	sadd.s32 $0xFFFFFFFE, s12;
	v18 =	vadd.s32 v10, v19;
	v17 =	vld [tilespmem:s0+$0x90]  }
0x563: {  	v19 =	vmov s7  }
0x564: {  	v19 =	vshrl.u32 v19, $0x3  }
0x565: {  	v19 =	vshll.u32 v19, v1  }
0x566: {  	v19 =	vbroadcast v19, $0x0  }
0x567: {  	[tilespmem:v18+s16+$0x0] =	vst.idx.msk $0xffff, v17  }
0x568: {  	v18 =	vadd.s32 v11, v19;
	v17 =	vld [tilespmem:s0+$0xA0];
	_ =	sdelay $0x4  }
0x569: {  	[tilespmem:v18+s16+$0x0] =	vst.idx.msk $0xffff, v17  }
0x56a: {  	s7 =	sadd.s32 $0xFFFFFFFF, s12;
	v18 =	vadd.s32 v12, v19;
	v17 =	vld [tilespmem:s0+$0xB0]  }
0x56b: {  	v19 =	vmov s7  }
0x56c: {  	v19 =	vshrl.u32 v19, $0x3  }
0x56d: {  	v19 =	vshll.u32 v19, v1  }
0x56e: {  	v19 =	vbroadcast v19, $0x0  }
0x56f: {  	[tilespmem:v18+s16+$0x0] =	vst.idx.msk $0xffff, v17  }
0x570: {  	v18 =	vadd.s32 v13, v19;
	v17 =	vld [tilespmem:s0+$0xC0];
	_ =	sdelay $0x4  }
0x571: {  	[tilespmem:v18+s16+$0x0] =	vst.idx.msk $0xffff, v17  }
0x572: {  	v18 =	vadd.s32 v14, v19;
	v17 =	vld [tilespmem:s0+$0xD0]  }
0x573: {  	v19 =	vmov s12  }
0x574: {  	v19 =	vshrl.u32 v19, $0x3  }
0x575: {  	v19 =	vshll.u32 v19, v1  }
0x576: {  	v19 =	vbroadcast v19, $0x0  }
0x577: {  	[tilespmem:v18+s16+$0x0] =	vst.idx.msk $0xffff, v17  }
0x578: {  	v18 =	vadd.s32 v15, v19;
	v17 =	vld [tilespmem:s0+$0xE0];
	_ =	sdelay $0x4  }
0x579: {  	[tilespmem:v18+s16+$0x0] =	vst.idx.msk $0xffff, v17  }
0x57a: {  	v18 =	vadd.s32 v16, v19;
	v17 =	vld [tilespmem:s0+$0xF0];
	_ =	sdelay $0x1  }
0x57b: {  	s0 =	sshll.u32 s1, $0xA  }
0x57c: {  	s7 =	sor.u32 s26, s0  }
0x57d: {  	s6 =	sshrl.u32 s7, $0x3  }
0x57e: {  	s6 =	sadd.s32 s2, s6;
	[tilespmem:v18+s16+$0x0] =	vst.idx.msk $0xffff, v17  }
0x57f: {  	[hbm4b:s6+s3] =	stream.linear.scatter [tilespmem:s16], [sflag:$0x5], $0x80, $0x38;
	[tilespmem:$0xA600] =	vst v63  }
0x580: {  	s12 =	simm.s32 $0x8488;
	s7 =	sadd.s32 $0x10, s6  }
0x581: {  	[hbm4b:s7+s3] =	stream.linear.scatter [tilespmem:s12], [sflag:$0x5], $0x80, $0x38;
	[tilespmem:$0xA600] =	vst v63  }
0x582: {  	s7 =	sadd.s32 $0x20, s6;
	s12 =	simm.s32 $0x8510  }
0x583: {  	[hbm4b:s7+s3] =	stream.linear.scatter [tilespmem:s12], [sflag:$0x5], $0x80, $0x38;
	[tilespmem:$0xA600] =	vst v63  }
0x584: {  	s7 =	sadd.s32 $0x30, s6;
	s12 =	simm.s32 $0x8598  }
0x585: {  	[hbm4b:s7+s3] =	stream.linear.scatter [tilespmem:s12], [sflag:$0x5], $0x80, $0x38;
	[tilespmem:$0xA600] =	vst v63  }
0x586: {  	s7 =	sadd.s32 $0x40, s6;
	s12 =	simm.s32 $0x8620  }
0x587: {  	[hbm4b:s7+s3] =	stream.linear.scatter [tilespmem:s12], [sflag:$0x5], $0x80, $0x38;
	[tilespmem:$0xA600] =	vst v63  }
0x588: {  	s7 =	sadd.s32 $0x50, s6;
	s12 =	simm.s32 $0x86A8  }
0x589: {  	[hbm4b:s7+s3] =	stream.linear.scatter [tilespmem:s12], [sflag:$0x5], $0x80, $0x38;
	[tilespmem:$0xA600] =	vst v63  }
0x58a: {  	s7 =	sadd.s32 $0x60, s6;
	s12 =	simm.s32 $0x8730  }
0x58b: {  	[hbm4b:s7+s3] =	stream.linear.scatter [tilespmem:s12], [sflag:$0x5], $0x80, $0x38;
	[tilespmem:$0xA600] =	vst v63  }
0x58c: {  	s6 =	sadd.s32 $0x70, s6;
	s12 =	simm.s32 $0x87B8;
	s7 =	sor.u32 s28, s0  }
0x58d: {  	[hbm4b:s6+s3] =	stream.linear.scatter [tilespmem:s12], [sflag:$0x5], $0x80, $0x38;
	[tilespmem:$0xA600] =	vst v63  }
0x58e: {  	s6 =	sshrl.u32 s7, $0x3  }
0x58f: {  	s12 =	simm.s32 $0x8840;
	s6 =	sadd.s32 s2, s6  }
0x590: {  	[hbm4b:s6+s3] =	stream.linear.scatter [tilespmem:s12], [sflag:$0x5], $0x80, $0x38;
	[tilespmem:$0xA600] =	vst v63  }
0x591: {  	s7 =	sadd.s32 $0x10, s6;
	s12 =	simm.s32 $0x88C8  }
0x592: {  	[hbm4b:s7+s3] =	stream.linear.scatter [tilespmem:s12], [sflag:$0x5], $0x80, $0x38;
	[tilespmem:$0xA600] =	vst v63  }
0x593: {  	s7 =	sadd.s32 $0x20, s6;
	s12 =	simm.s32 $0x8950  }
0x594: {  	[hbm4b:s7+s3] =	stream.linear.scatter [tilespmem:s12], [sflag:$0x5], $0x80, $0x38;
	[tilespmem:$0xA600] =	vst v63  }
0x595: {  	s7 =	sadd.s32 $0x30, s6;
	s12 =	simm.s32 $0x89D8  }
0x596: {  	[hbm4b:s7+s3] =	stream.linear.scatter [tilespmem:s12], [sflag:$0x5], $0x80, $0x38;
	[tilespmem:$0xA600] =	vst v63  }
0x597: {  	s7 =	sadd.s32 $0x40, s6;
	s12 =	simm.s32 $0x8A60  }
0x598: {  	[hbm4b:s7+s3] =	stream.linear.scatter [tilespmem:s12], [sflag:$0x5], $0x80, $0x38;
	[tilespmem:$0xA600] =	vst v63  }
0x599: {  	s7 =	sadd.s32 $0x50, s6;
	s12 =	simm.s32 $0x8AE8  }
0x59a: {  	[hbm4b:s7+s3] =	stream.linear.scatter [tilespmem:s12], [sflag:$0x5], $0x80, $0x38;
	[tilespmem:$0xA600] =	vst v63  }
0x59b: {  	s7 =	sadd.s32 $0x60, s6;
	s12 =	simm.s32 $0x8B70  }
0x59c: {  	[hbm4b:s7+s3] =	stream.linear.scatter [tilespmem:s12], [sflag:$0x5], $0x80, $0x38;
	[tilespmem:$0xA600] =	vst v63  }
0x59d: {  	s6 =	sadd.s32 $0x70, s6;
	s12 =	simm.s32 $0x8BF8;
	s7 =	sor.u32 s29, s0  }
0x59e: {  	[hbm4b:s6+s3] =	stream.linear.scatter [tilespmem:s12], [sflag:$0x5], $0x80, $0x38;
	[tilespmem:$0xA600] =	vst v63  }
0x59f: {  	s6 =	sshrl.u32 s7, $0x3  }
0x5a0: {  	s12 =	simm.s32 $0x8C80;
	s6 =	sadd.s32 s2, s6  }
0x5a1: {  	[hbm4b:s6+s3] =	stream.linear.scatter [tilespmem:s12], [sflag:$0x5], $0x80, $0x38;
	[tilespmem:$0xA600] =	vst v63  }
0x5a2: {  	s7 =	sadd.s32 $0x10, s6;
	s12 =	simm.s32 $0x8D08  }
0x5a3: {  	[hbm4b:s7+s3] =	stream.linear.scatter [tilespmem:s12], [sflag:$0x5], $0x80, $0x38;
	[tilespmem:$0xA600] =	vst v63  }
0x5a4: {  	s7 =	sadd.s32 $0x20, s6;
	s12 =	simm.s32 $0x8D90  }
0x5a5: {  	[hbm4b:s7+s3] =	stream.linear.scatter [tilespmem:s12], [sflag:$0x5], $0x80, $0x38;
	[tilespmem:$0xA600] =	vst v63  }
0x5a6: {  	s7 =	sadd.s32 $0x30, s6;
	s12 =	simm.s32 $0x8E18  }
0x5a7: {  	[hbm4b:s7+s3] =	stream.linear.scatter [tilespmem:s12], [sflag:$0x5], $0x80, $0x38;
	[tilespmem:$0xA600] =	vst v63  }
0x5a8: {  	s7 =	sadd.s32 $0x40, s6;
	s12 =	simm.s32 $0x8EA0  }
0x5a9: {  	[hbm4b:s7+s3] =	stream.linear.scatter [tilespmem:s12], [sflag:$0x5], $0x80, $0x38;
	[tilespmem:$0xA600] =	vst v63  }
0x5aa: {  	s7 =	sadd.s32 $0x50, s6;
	s12 =	simm.s32 $0x8F28  }
0x5ab: {  	[hbm4b:s7+s3] =	stream.linear.scatter [tilespmem:s12], [sflag:$0x5], $0x80, $0x38;
	[tilespmem:$0xA600] =	vst v63  }
0x5ac: {  	s0 =	sor.u32 s30, s0;
	s7 =	sadd.s32 $0x60, s6;
	s12 =	simm.s32 $0x8FB0  }
0x5ad: {  	[hbm4b:s7+s3] =	stream.linear.scatter [tilespmem:s12], [sflag:$0x5], $0x80, $0x38;
	[tilespmem:$0xA600] =	vst v63  }
0x5ae: {  	s0 =	sshrl.u32 s0, $0x3;
	s6 =	sadd.s32 $0x70, s6;
	s12 =	simm.s32 $0x9038  }
0x5af: {  	[hbm4b:s6+s3] =	stream.linear.scatter [tilespmem:s12], [sflag:$0x5], $0x80, $0x38;
	[tilespmem:$0xA600] =	vst v63  }
0x5b0: {  	s0 =	sadd.s32 s2, s0;
	s12 =	simm.s32 $0x90C0  }
0x5b1: {  	[hbm4b:s0+s3] =	stream.linear.scatter [tilespmem:s12], [sflag:$0x5], $0x80, $0x38;
	[tilespmem:$0xA600] =	vst v63  }
0x5b2: {  	s7 =	sadd.s32 $0x10, s0;
	s12 =	simm.s32 $0x9148  }
0x5b3: {  	[hbm4b:s7+s3] =	stream.linear.scatter [tilespmem:s12], [sflag:$0x5], $0x80, $0x38;
	[tilespmem:$0xA600] =	vst v63  }
0x5b4: {  	s7 =	sadd.s32 $0x20, s0;
	s12 =	simm.s32 $0x91D0  }
0x5b5: {  	[hbm4b:s7+s3] =	stream.linear.scatter [tilespmem:s12], [sflag:$0x5], $0x80, $0x38;
	[tilespmem:$0xA600] =	vst v63  }
0x5b6: {  	s7 =	sadd.s32 $0x30, s0;
	s12 =	simm.s32 $0x9258  }
0x5b7: {  	[hbm4b:s7+s3] =	stream.linear.scatter [tilespmem:s12], [sflag:$0x5], $0x80, $0x38;
	[tilespmem:$0xA600] =	vst v63  }
0x5b8: {  	s7 =	sadd.s32 $0x40, s0;
	s12 =	simm.s32 $0x92E0  }
0x5b9: {  	[hbm4b:s7+s3] =	stream.linear.scatter [tilespmem:s12], [sflag:$0x5], $0x80, $0x38;
	[tilespmem:$0xA600] =	vst v63  }
0x5ba: {  	s7 =	sadd.s32 $0x50, s0;
	s12 =	simm.s32 $0x9368  }
0x5bb: {  	[hbm4b:s7+s3] =	stream.linear.scatter [tilespmem:s12], [sflag:$0x5], $0x80, $0x38;
	[tilespmem:$0xA600] =	vst v63  }
0x5bc: {  	s7 =	sadd.s32 $0x60, s0;
	s12 =	simm.s32 $0x93F0  }
0x5bd: {  	[hbm4b:s7+s3] =	stream.linear.scatter [tilespmem:s12], [sflag:$0x5], $0x80, $0x38;
	[tilespmem:$0xA600] =	vst v63  }
0x5be: {  	s0 =	sadd.s32 $0x70, s0;
	s7 =	simm.s32 $0x9478  }
0x5bf: {  	[hbm4b:s0+s3] =	stream.linear.scatter [tilespmem:s7], [sflag:$0x5], $0x80, $0x38;
	[tilespmem:$0xA600] =	vst v63  }
0x5c0: {  	s0 =	simm.s32 @p1 $0x5  }
0x5c1: {  	_ =	swait.ge @p1 [sflag:s0], $0x400  }
0x5c2: {  	[sflag:s0] =	ssyncset.done @p1 $0x0  }
0x5c3: {  	[sflag:s0] =	ssyncadd.s32 @p1 $0xFFFFFC00  }
0x5c4: {  	_ =	swait.ge @p1 [sflag:s0], $0x400  }
0x5c5: {  	[sflag:s0] =	ssyncset.done @p1 $0x0  }
0x5c6: {  	[sflag:s0] =	ssyncadd.s32 @p1 $0xFFFFFC00  }
0x5c7: {  	s12 =	simm.s32 $0x0;
	_ =	swait.ge @p1 [sflag:s0], $0x400  }
0x5c8: {  	v17 =	vmov s12;
	[sflag:s0] =	ssyncset.done @p1 $0x0  }
0x5c9: {  	v17 =	vshrl.u32 v17, $0x3;
	[sflag:s0] =	ssyncadd.s32 @p1 $0xFFFFFC00  }
0x5ca: {  	v17 =	vshll.u32 v17, v1;
	_ =	swait.ge @p1 [sflag:s0], $0x400  }
0x5cb: {  	v17 =	vbroadcast v17, $0x0;
	[sflag:s0] =	ssyncset.done @p1 $0x0  }
0x5cc: {  	[sflag:s0] =	ssyncadd.s32 @p1 $0xFFFFFC00;
	s0 =	sadd.s32 $0x55F0, s31  }
0x5cd: {  	v19 =	vadd.s32 v0, v17;
	v18 =	vld [tilespmem:s0+$0xFFFFFE10];
	_ =	sdelay $0x4  }
0x5ce: {  	[tilespmem:v19+s20+$0x0] =	vst.idx.msk $0xffff, v18  }
0x5cf: {  	s7 =	simm.s32 $0x1;
	v17 =	vadd.s32 v2, v17;
	v18 =	vld [tilespmem:s0+$0xFFFFFE20]  }
0x5d0: {  	v19 =	vmov s7  }
0x5d1: {  	v19 =	vshrl.u32 v19, $0x3  }
0x5d2: {  	v19 =	vshll.u32 v19, v1  }
0x5d3: {  	v19 =	vbroadcast v19, $0x0  }
0x5d4: {  	[tilespmem:v17+s20+$0x0] =	vst.idx.msk $0xffff, v18  }
0x5d5: {  	v18 =	vadd.s32 v3, v19;
	v17 =	vld [tilespmem:s0+$0xFFFFFE30];
	_ =	sdelay $0x4  }
0x5d6: {  	[tilespmem:v18+s20+$0x0] =	vst.idx.msk $0xffff, v17  }
0x5d7: {  	s12 =	simm.s32 $0x2;
	v18 =	vadd.s32 v4, v19;
	v17 =	vld [tilespmem:s0+$0xFFFFFE40]  }
0x5d8: {  	v19 =	vmov s12  }
0x5d9: {  	v19 =	vshrl.u32 v19, $0x3  }
0x5da: {  	v19 =	vshll.u32 v19, v1  }
0x5db: {  	v19 =	vbroadcast v19, $0x0  }
0x5dc: {  	[tilespmem:v18+s20+$0x0] =	vst.idx.msk $0xffff, v17  }
0x5dd: {  	v18 =	vadd.s32 v5, v19;
	v17 =	vld [tilespmem:s0+$0xFFFFFE50];
	_ =	sdelay $0x4  }
0x5de: {  	[tilespmem:v18+s20+$0x0] =	vst.idx.msk $0xffff, v17  }
0x5df: {  	s31 =	simm.s32 $0x3;
	v18 =	vadd.s32 v6, v19;
	v17 =	vld [tilespmem:s0+$0xFFFFFE60]  }
0x5e0: {  	v19 =	vmov s31  }
0x5e1: {  	v19 =	vshrl.u32 v19, $0x3  }
0x5e2: {  	v19 =	vshll.u32 v19, v1  }
0x5e3: {  	v19 =	vbroadcast v19, $0x0  }
0x5e4: {  	[tilespmem:v18+s20+$0x0] =	vst.idx.msk $0xffff, v17  }
0x5e5: {  	v18 =	vadd.s32 v7, v19;
	v17 =	vld [tilespmem:s0+$0xFFFFFE70];
	_ =	sdelay $0x4  }
0x5e6: {  	[tilespmem:v18+s20+$0x0] =	vst.idx.msk $0xffff, v17  }
0x5e7: {  	s7 =	simm.s32 $0x4;
	v18 =	vadd.s32 v8, v19;
	v17 =	vld [tilespmem:s0+$0xFFFFFE80]  }
0x5e8: {  	v19 =	vmov s7  }
0x5e9: {  	v19 =	vshrl.u32 v19, $0x3  }
0x5ea: {  	v19 =	vshll.u32 v19, v1  }
0x5eb: {  	v19 =	vbroadcast v19, $0x0  }
0x5ec: {  	[tilespmem:v18+s20+$0x0] =	vst.idx.msk $0xffff, v17  }
0x5ed: {  	v18 =	vadd.s32 v9, v19;
	v17 =	vld [tilespmem:s0+$0xFFFFFE90];
	_ =	sdelay $0x4  }
0x5ee: {  	[tilespmem:v18+s20+$0x0] =	vst.idx.msk $0xffff, v17  }
0x5ef: {  	s12 =	simm.s32 $0x5;
	v18 =	vadd.s32 v10, v19;
	v17 =	vld [tilespmem:s0+$0xFFFFFEA0]  }
0x5f0: {  	v19 =	vmov s12  }
0x5f1: {  	v19 =	vshrl.u32 v19, $0x3  }
0x5f2: {  	v19 =	vshll.u32 v19, v1  }
0x5f3: {  	v19 =	vbroadcast v19, $0x0  }
0x5f4: {  	[tilespmem:v18+s20+$0x0] =	vst.idx.msk $0xffff, v17  }
0x5f5: {  	v18 =	vadd.s32 v11, v19;
	v17 =	vld [tilespmem:s0+$0xFFFFFEB0];
	_ =	sdelay $0x4  }
0x5f6: {  	[tilespmem:v18+s20+$0x0] =	vst.idx.msk $0xffff, v17  }
0x5f7: {  	s31 =	simm.s32 $0x6;
	v18 =	vadd.s32 v12, v19;
	v17 =	vld [tilespmem:s0+$0xFFFFFEC0]  }
0x5f8: {  	v19 =	vmov s31  }
0x5f9: {  	v19 =	vshrl.u32 v19, $0x3  }
0x5fa: {  	v19 =	vshll.u32 v19, v1  }
0x5fb: {  	v19 =	vbroadcast v19, $0x0  }
0x5fc: {  	[tilespmem:v18+s20+$0x0] =	vst.idx.msk $0xffff, v17  }
0x5fd: {  	v18 =	vadd.s32 v13, v19;
	v17 =	vld [tilespmem:s0+$0xFFFFFED0];
	_ =	sdelay $0x4  }
0x5fe: {  	[tilespmem:v18+s20+$0x0] =	vst.idx.msk $0xffff, v17  }
0x5ff: {  	s7 =	simm.s32 $0x7;
	v18 =	vadd.s32 v14, v19;
	v17 =	vld [tilespmem:s0+$0xFFFFFEE0]  }
0x600: {  	v19 =	vmov s7  }
0x601: {  	v19 =	vshrl.u32 v19, $0x3  }
0x602: {  	v19 =	vshll.u32 v19, v1  }
0x603: {  	v19 =	vbroadcast v19, $0x0  }
0x604: {  	[tilespmem:v18+s20+$0x0] =	vst.idx.msk $0xffff, v17  }
0x605: {  	v18 =	vadd.s32 v15, v19;
	v17 =	vld [tilespmem:s0+$0xFFFFFEF0];
	_ =	sdelay $0x4  }
0x606: {  	[tilespmem:v18+s20+$0x0] =	vst.idx.msk $0xffff, v17  }
0x607: {  	s12 =	simm.s32 $0x8;
	v18 =	vadd.s32 v16, v19;
	v17 =	vld [tilespmem:s0+$0xFFFFFF00]  }
0x608: {  	v19 =	vmov s12  }
0x609: {  	v19 =	vshrl.u32 v19, $0x3  }
0x60a: {  	v19 =	vshll.u32 v19, v1  }
0x60b: {  	v19 =	vbroadcast v19, $0x0  }
0x60c: {  	[tilespmem:v18+s20+$0x0] =	vst.idx.msk $0xffff, v17  }
0x60d: {  	v18 =	vadd.s32 v0, v19;
	v17 =	vld [tilespmem:s0+$0xFFFFFF10];
	_ =	sdelay $0x4  }
0x60e: {  	[tilespmem:v18+s20+$0x0] =	vst.idx.msk $0xffff, v17  }
0x60f: {  	s31 =	simm.s32 $0x9;
	v18 =	vadd.s32 v2, v19;
	v17 =	vld [tilespmem:s0+$0xFFFFFF20]  }
0x610: {  	v19 =	vmov s31  }
0x611: {  	v19 =	vshrl.u32 v19, $0x3  }
0x612: {  	v19 =	vshll.u32 v19, v1  }
0x613: {  	v19 =	vbroadcast v19, $0x0  }
0x614: {  	[tilespmem:v18+s20+$0x0] =	vst.idx.msk $0xffff, v17  }
0x615: {  	v18 =	vadd.s32 v3, v19;
	v17 =	vld [tilespmem:s0+$0xFFFFFF30];
	_ =	sdelay $0x4  }
0x616: {  	[tilespmem:v18+s20+$0x0] =	vst.idx.msk $0xffff, v17  }
0x617: {  	s7 =	simm.s32 $0xA;
	v18 =	vadd.s32 v4, v19;
	v17 =	vld [tilespmem:s0+$0xFFFFFF40]  }
0x618: {  	v19 =	vmov s7  }
0x619: {  	v19 =	vshrl.u32 v19, $0x3  }
0x61a: {  	v19 =	vshll.u32 v19, v1  }
0x61b: {  	v19 =	vbroadcast v19, $0x0  }
0x61c: {  	[tilespmem:v18+s20+$0x0] =	vst.idx.msk $0xffff, v17  }
0x61d: {  	v18 =	vadd.s32 v5, v19;
	v17 =	vld [tilespmem:s0+$0xFFFFFF50];
	_ =	sdelay $0x4  }
0x61e: {  	[tilespmem:v18+s20+$0x0] =	vst.idx.msk $0xffff, v17  }
0x61f: {  	s12 =	simm.s32 $0xB;
	v18 =	vadd.s32 v6, v19;
	v17 =	vld [tilespmem:s0+$0xFFFFFF60]  }
0x620: {  	v19 =	vmov s12  }
0x621: {  	v19 =	vshrl.u32 v19, $0x3  }
0x622: {  	v19 =	vshll.u32 v19, v1  }
0x623: {  	v19 =	vbroadcast v19, $0x0  }
0x624: {  	[tilespmem:v18+s20+$0x0] =	vst.idx.msk $0xffff, v17  }
0x625: {  	v18 =	vadd.s32 v7, v19;
	v17 =	vld [tilespmem:s0+$0xFFFFFF70];
	_ =	sdelay $0x4  }
0x626: {  	[tilespmem:v18+s20+$0x0] =	vst.idx.msk $0xffff, v17  }
0x627: {  	s31 =	simm.s32 $0xC;
	v18 =	vadd.s32 v8, v19;
	v17 =	vld [tilespmem:s0+$0xFFFFFF80]  }
0x628: {  	v19 =	vmov s31  }
0x629: {  	v19 =	vshrl.u32 v19, $0x3  }
0x62a: {  	v19 =	vshll.u32 v19, v1  }
0x62b: {  	v19 =	vbroadcast v19, $0x0  }
0x62c: {  	[tilespmem:v18+s20+$0x0] =	vst.idx.msk $0xffff, v17  }
0x62d: {  	v18 =	vadd.s32 v9, v19;
	v17 =	vld [tilespmem:s0+$0xFFFFFF90];
	_ =	sdelay $0x4  }
0x62e: {  	[tilespmem:v18+s20+$0x0] =	vst.idx.msk $0xffff, v17  }
0x62f: {  	s7 =	simm.s32 $0xD;
	v18 =	vadd.s32 v10, v19;
	v17 =	vld [tilespmem:s0+$0xFFFFFFA0]  }
0x630: {  	v19 =	vmov s7  }
0x631: {  	v19 =	vshrl.u32 v19, $0x3  }
0x632: {  	v19 =	vshll.u32 v19, v1  }
0x633: {  	v19 =	vbroadcast v19, $0x0  }
0x634: {  	[tilespmem:v18+s20+$0x0] =	vst.idx.msk $0xffff, v17  }
0x635: {  	v18 =	vadd.s32 v11, v19;
	v17 =	vld [tilespmem:s0+$0xFFFFFFB0];
	_ =	sdelay $0x4  }
0x636: {  	[tilespmem:v18+s20+$0x0] =	vst.idx.msk $0xffff, v17  }
0x637: {  	s12 =	simm.s32 $0xE;
	v18 =	vadd.s32 v12, v19;
	v17 =	vld [tilespmem:s0+$0xFFFFFFC0]  }
0x638: {  	v19 =	vmov s12  }
0x639: {  	v19 =	vshrl.u32 v19, $0x3  }
0x63a: {  	v19 =	vshll.u32 v19, v1  }
0x63b: {  	v19 =	vbroadcast v19, $0x0  }
0x63c: {  	[tilespmem:v18+s20+$0x0] =	vst.idx.msk $0xffff, v17  }
0x63d: {  	v18 =	vadd.s32 v13, v19;
	v17 =	vld [tilespmem:s0+$0xFFFFFFD0];
	_ =	sdelay $0x4  }
0x63e: {  	[tilespmem:v18+s20+$0x0] =	vst.idx.msk $0xffff, v17  }
0x63f: {  	s31 =	simm.s32 $0xF;
	v18 =	vadd.s32 v14, v19;
	v17 =	vld [tilespmem:s0+$0xFFFFFFE0]  }
0x640: {  	v19 =	vmov s31  }
0x641: {  	v19 =	vshrl.u32 v19, $0x3  }
0x642: {  	v19 =	vshll.u32 v19, v1  }
0x643: {  	v19 =	vbroadcast v19, $0x0  }
0x644: {  	[tilespmem:v18+s20+$0x0] =	vst.idx.msk $0xffff, v17  }
0x645: {  	v18 =	vadd.s32 v15, v19;
	v17 =	vld [tilespmem:s0+$0xFFFFFFF0];
	_ =	sdelay $0x4  }
0x646: {  	s1 =	sor.u32 $0x1, s1;
	[tilespmem:v18+s20+$0x0] =	vst.idx.msk $0xffff, v17  }
0x647: {  	s6 =	simm.s32 $0x2F;
	s7 =	simm.s32 $0x10;
	s12 =	simm.s32 $0x1F;
	v18 =	vadd.s32 v16, v19;
	v17 =	vld [tilespmem:s0+$0x0]  }
.LBB2_12:
0x648: {  	p1 =	sne.s32 s6, $0x7F;
	v19 =	vmov s7  }
0x649: {  	v19 =	vshrl.u32 v19, $0x3  }
0x64a: {  	v19 =	vshll.u32 v19, v1  }
0x64b: {  	v19 =	vbroadcast v19, $0x0  }
0x64c: {  	s0 =	sadd.s32 $0x200, s0;
	[tilespmem:v18+s20+$0x0] =	vst.idx.msk $0xffff, v17  }
0x64d: {  	v17 =	vld [tilespmem:s0+$0xFFFFFE10];
	v18 =	vadd.s32 v0, v19;
	_ =	sdelay $0x4  }
0x64e: {  	[tilespmem:v18+s20+$0x0] =	vst.idx.msk $0xffff, v17  }
0x64f: {  	s7 =	sadd.s32 $0xFFFFFFF2, s12;
	v18 =	vadd.s32 v2, v19;
	v17 =	vld [tilespmem:s0+$0xFFFFFE20]  }
0x650: {  	v19 =	vmov s7  }
0x651: {  	v19 =	vshrl.u32 v19, $0x3  }
0x652: {  	v19 =	vshll.u32 v19, v1  }
0x653: {  	v19 =	vbroadcast v19, $0x0  }
0x654: {  	[tilespmem:v18+s20+$0x0] =	vst.idx.msk $0xffff, v17  }
0x655: {  	v18 =	vadd.s32 v3, v19;
	v17 =	vld [tilespmem:s0+$0xFFFFFE30];
	_ =	sdelay $0x4  }
0x656: {  	[tilespmem:v18+s20+$0x0] =	vst.idx.msk $0xffff, v17  }
0x657: {  	s7 =	sadd.s32 $0xFFFFFFF3, s12;
	v18 =	vadd.s32 v4, v19;
	v17 =	vld [tilespmem:s0+$0xFFFFFE40]  }
0x658: {  	v19 =	vmov s7  }
0x659: {  	v19 =	vshrl.u32 v19, $0x3  }
0x65a: {  	v19 =	vshll.u32 v19, v1  }
0x65b: {  	v19 =	vbroadcast v19, $0x0  }
0x65c: {  	[tilespmem:v18+s20+$0x0] =	vst.idx.msk $0xffff, v17  }
0x65d: {  	v18 =	vadd.s32 v5, v19;
	v17 =	vld [tilespmem:s0+$0xFFFFFE50];
	_ =	sdelay $0x4  }
0x65e: {  	[tilespmem:v18+s20+$0x0] =	vst.idx.msk $0xffff, v17  }
0x65f: {  	s7 =	sadd.s32 $0xFFFFFFF4, s12;
	v18 =	vadd.s32 v6, v19;
	v17 =	vld [tilespmem:s0+$0xFFFFFE60]  }
0x660: {  	v19 =	vmov s7  }
0x661: {  	v19 =	vshrl.u32 v19, $0x3  }
0x662: {  	v19 =	vshll.u32 v19, v1  }
0x663: {  	v19 =	vbroadcast v19, $0x0  }
0x664: {  	[tilespmem:v18+s20+$0x0] =	vst.idx.msk $0xffff, v17  }
0x665: {  	v18 =	vadd.s32 v7, v19;
	v17 =	vld [tilespmem:s0+$0xFFFFFE70];
	_ =	sdelay $0x4  }
0x666: {  	[tilespmem:v18+s20+$0x0] =	vst.idx.msk $0xffff, v17  }
0x667: {  	s7 =	sadd.s32 $0xFFFFFFF5, s12;
	v18 =	vadd.s32 v8, v19;
	v17 =	vld [tilespmem:s0+$0xFFFFFE80]  }
0x668: {  	v19 =	vmov s7  }
0x669: {  	v19 =	vshrl.u32 v19, $0x3  }
0x66a: {  	v19 =	vshll.u32 v19, v1  }
0x66b: {  	v19 =	vbroadcast v19, $0x0  }
0x66c: {  	[tilespmem:v18+s20+$0x0] =	vst.idx.msk $0xffff, v17  }
0x66d: {  	v18 =	vadd.s32 v9, v19;
	v17 =	vld [tilespmem:s0+$0xFFFFFE90];
	_ =	sdelay $0x4  }
0x66e: {  	[tilespmem:v18+s20+$0x0] =	vst.idx.msk $0xffff, v17  }
0x66f: {  	s7 =	sadd.s32 $0xFFFFFFF6, s12;
	v18 =	vadd.s32 v10, v19;
	v17 =	vld [tilespmem:s0+$0xFFFFFEA0]  }
0x670: {  	v19 =	vmov s7  }
0x671: {  	v19 =	vshrl.u32 v19, $0x3  }
0x672: {  	v19 =	vshll.u32 v19, v1  }
0x673: {  	v19 =	vbroadcast v19, $0x0  }
0x674: {  	[tilespmem:v18+s20+$0x0] =	vst.idx.msk $0xffff, v17  }
0x675: {  	v18 =	vadd.s32 v11, v19;
	v17 =	vld [tilespmem:s0+$0xFFFFFEB0];
	_ =	sdelay $0x4  }
0x676: {  	[tilespmem:v18+s20+$0x0] =	vst.idx.msk $0xffff, v17  }
0x677: {  	s7 =	sadd.s32 $0xFFFFFFF7, s12;
	v18 =	vadd.s32 v12, v19;
	v17 =	vld [tilespmem:s0+$0xFFFFFEC0]  }
0x678: {  	v19 =	vmov s7  }
0x679: {  	v19 =	vshrl.u32 v19, $0x3  }
0x67a: {  	v19 =	vshll.u32 v19, v1  }
0x67b: {  	v19 =	vbroadcast v19, $0x0  }
0x67c: {  	[tilespmem:v18+s20+$0x0] =	vst.idx.msk $0xffff, v17  }
0x67d: {  	v18 =	vadd.s32 v13, v19;
	v17 =	vld [tilespmem:s0+$0xFFFFFED0];
	_ =	sdelay $0x4  }
0x67e: {  	[tilespmem:v18+s20+$0x0] =	vst.idx.msk $0xffff, v17  }
0x67f: {  	s7 =	sadd.s32 $0xFFFFFFF8, s12;
	v18 =	vadd.s32 v14, v19;
	v17 =	vld [tilespmem:s0+$0xFFFFFEE0]  }
0x680: {  	v19 =	vmov s7  }
0x681: {  	v19 =	vshrl.u32 v19, $0x3  }
0x682: {  	v19 =	vshll.u32 v19, v1  }
0x683: {  	v19 =	vbroadcast v19, $0x0  }
0x684: {  	[tilespmem:v18+s20+$0x0] =	vst.idx.msk $0xffff, v17  }
0x685: {  	v18 =	vadd.s32 v15, v19;
	v17 =	vld [tilespmem:s0+$0xFFFFFEF0];
	_ =	sdelay $0x4  }
0x686: {  	[tilespmem:v18+s20+$0x0] =	vst.idx.msk $0xffff, v17  }
0x687: {  	s7 =	sadd.s32 $0xFFFFFFF9, s12;
	v18 =	vadd.s32 v16, v19;
	v17 =	vld [tilespmem:s0+$0xFFFFFF00]  }
0x688: {  	v19 =	vmov s7  }
0x689: {  	v19 =	vshrl.u32 v19, $0x3  }
0x68a: {  	v19 =	vshll.u32 v19, v1  }
0x68b: {  	v19 =	vbroadcast v19, $0x0  }
0x68c: {  	[tilespmem:v18+s20+$0x0] =	vst.idx.msk $0xffff, v17  }
0x68d: {  	v18 =	vadd.s32 v0, v19;
	v17 =	vld [tilespmem:s0+$0xFFFFFF10];
	_ =	sdelay $0x4  }
0x68e: {  	[tilespmem:v18+s20+$0x0] =	vst.idx.msk $0xffff, v17  }
0x68f: {  	s7 =	sadd.s32 $0xFFFFFFFA, s12;
	v18 =	vadd.s32 v2, v19;
	v17 =	vld [tilespmem:s0+$0xFFFFFF20]  }
0x690: {  	v19 =	vmov s7  }
0x691: {  	v19 =	vshrl.u32 v19, $0x3  }
0x692: {  	v19 =	vshll.u32 v19, v1  }
0x693: {  	v19 =	vbroadcast v19, $0x0  }
0x694: {  	[tilespmem:v18+s20+$0x0] =	vst.idx.msk $0xffff, v17  }
0x695: {  	v18 =	vadd.s32 v3, v19;
	v17 =	vld [tilespmem:s0+$0xFFFFFF30];
	_ =	sdelay $0x4  }
0x696: {  	[tilespmem:v18+s20+$0x0] =	vst.idx.msk $0xffff, v17  }
0x697: {  	s7 =	sadd.s32 $0xFFFFFFFB, s12;
	v18 =	vadd.s32 v4, v19;
	v17 =	vld [tilespmem:s0+$0xFFFFFF40]  }
0x698: {  	v19 =	vmov s7  }
0x699: {  	v19 =	vshrl.u32 v19, $0x3  }
0x69a: {  	v19 =	vshll.u32 v19, v1  }
0x69b: {  	v19 =	vbroadcast v19, $0x0  }
0x69c: {  	[tilespmem:v18+s20+$0x0] =	vst.idx.msk $0xffff, v17  }
0x69d: {  	v18 =	vadd.s32 v5, v19;
	v17 =	vld [tilespmem:s0+$0xFFFFFF50];
	_ =	sdelay $0x4  }
0x69e: {  	[tilespmem:v18+s20+$0x0] =	vst.idx.msk $0xffff, v17  }
0x69f: {  	s7 =	sadd.s32 $0xFFFFFFFC, s12;
	v18 =	vadd.s32 v6, v19;
	v17 =	vld [tilespmem:s0+$0xFFFFFF60]  }
0x6a0: {  	v19 =	vmov s7  }
0x6a1: {  	v19 =	vshrl.u32 v19, $0x3  }
0x6a2: {  	v19 =	vshll.u32 v19, v1  }
0x6a3: {  	v19 =	vbroadcast v19, $0x0  }
0x6a4: {  	[tilespmem:v18+s20+$0x0] =	vst.idx.msk $0xffff, v17  }
0x6a5: {  	v18 =	vadd.s32 v7, v19;
	v17 =	vld [tilespmem:s0+$0xFFFFFF70];
	_ =	sdelay $0x4  }
0x6a6: {  	[tilespmem:v18+s20+$0x0] =	vst.idx.msk $0xffff, v17  }
0x6a7: {  	s7 =	sadd.s32 $0xFFFFFFFD, s12;
	v18 =	vadd.s32 v8, v19;
	v17 =	vld [tilespmem:s0+$0xFFFFFF80]  }
0x6a8: {  	v19 =	vmov s7  }
0x6a9: {  	v19 =	vshrl.u32 v19, $0x3  }
0x6aa: {  	v19 =	vshll.u32 v19, v1  }
0x6ab: {  	v19 =	vbroadcast v19, $0x0  }
0x6ac: {  	[tilespmem:v18+s20+$0x0] =	vst.idx.msk $0xffff, v17  }
0x6ad: {  	v18 =	vadd.s32 v9, v19;
	v17 =	vld [tilespmem:s0+$0xFFFFFF90];
	_ =	sdelay $0x4  }
0x6ae: {  	[tilespmem:v18+s20+$0x0] =	vst.idx.msk $0xffff, v17  }
0x6af: {  	s7 =	sadd.s32 $0xFFFFFFFE, s12;
	v18 =	vadd.s32 v10, v19;
	v17 =	vld [tilespmem:s0+$0xFFFFFFA0]  }
0x6b0: {  	v19 =	vmov s7  }
0x6b1: {  	v19 =	vshrl.u32 v19, $0x3  }
0x6b2: {  	v19 =	vshll.u32 v19, v1  }
0x6b3: {  	v19 =	vbroadcast v19, $0x0  }
0x6b4: {  	[tilespmem:v18+s20+$0x0] =	vst.idx.msk $0xffff, v17  }
0x6b5: {  	v18 =	vadd.s32 v11, v19;
	v17 =	vld [tilespmem:s0+$0xFFFFFFB0];
	_ =	sdelay $0x4  }
0x6b6: {  	[tilespmem:v18+s20+$0x0] =	vst.idx.msk $0xffff, v17  }
0x6b7: {  	s7 =	sadd.s32 $0xFFFFFFFF, s12;
	v18 =	vadd.s32 v12, v19;
	v17 =	vld [tilespmem:s0+$0xFFFFFFC0]  }
0x6b8: {  	v19 =	vmov s7  }
0x6b9: {  	v19 =	vshrl.u32 v19, $0x3  }
0x6ba: {  	v19 =	vshll.u32 v19, v1  }
0x6bb: {  	v19 =	vbroadcast v19, $0x0  }
0x6bc: {  	[tilespmem:v18+s20+$0x0] =	vst.idx.msk $0xffff, v17  }
0x6bd: {  	v18 =	vadd.s32 v13, v19;
	v17 =	vld [tilespmem:s0+$0xFFFFFFD0];
	_ =	sdelay $0x4  }
0x6be: {  	[tilespmem:v18+s20+$0x0] =	vst.idx.msk $0xffff, v17  }
0x6bf: {  	v18 =	vadd.s32 v14, v19;
	v17 =	vld [tilespmem:s0+$0xFFFFFFE0]  }
0x6c0: {  	v19 =	vmov s12;
	s12 =	smov.u32 s6  }
0x6c1: {  	v19 =	vshrl.u32 v19, $0x3  }
0x6c2: {  	v19 =	vshll.u32 v19, v1  }
0x6c3: {  	v19 =	vbroadcast v19, $0x0  }
0x6c4: {  	[tilespmem:v18+s20+$0x0] =	vst.idx.msk $0xffff, v17  }
0x6c5: {  	v18 =	vadd.s32 v15, v19;
	v17 =	vld [tilespmem:s0+$0xFFFFFFF0];
	_ =	sdelay $0x1  }
.Ltmp4:
0x6c6: {  	(pc) =	sbr.rel @p1 .LBB2_12-.Ltmp4, $3  }
0x6c7: {  	_ =	sdelay $0x1  }
0x6c8: {  	[tilespmem:v18+s20+$0x0] =	vst.idx.msk $0xffff, v17  }
0x6c9: {  	s6 =	sadd.s32 $0x10, s6;
	s7 =	sadd.s32 $0xFFFFFFF1, s12;
	v18 =	vadd.s32 v16, v19;
	v17 =	vld [tilespmem:s0+$0x0]  }
0x6ca: {  	v19 =	vmov s7  }
0x6cb: {  	v19 =	vshrl.u32 v19, $0x3  }
0x6cc: {  	v19 =	vshll.u32 v19, v1  }
0x6cd: {  	v19 =	vbroadcast v19, $0x0  }
0x6ce: {  	s0 =	sadd.s32 $0x200, s0;
	[tilespmem:v18+s20+$0x0] =	vst.idx.msk $0xffff, v17  }
0x6cf: {  	v17 =	vld [tilespmem:s0+$0xFFFFFE10];
	v18 =	vadd.s32 v0, v19;
	_ =	sdelay $0x4  }
0x6d0: {  	[tilespmem:v18+s20+$0x0] =	vst.idx.msk $0xffff, v17  }
0x6d1: {  	s6 =	sadd.s32 $0xFFFFFFF2, s12;
	v18 =	vadd.s32 v2, v19;
	v17 =	vld [tilespmem:s0+$0xFFFFFE20]  }
0x6d2: {  	v19 =	vmov s6  }
0x6d3: {  	v19 =	vshrl.u32 v19, $0x3  }
0x6d4: {  	v19 =	vshll.u32 v19, v1  }
0x6d5: {  	v19 =	vbroadcast v19, $0x0  }
0x6d6: {  	[tilespmem:v18+s20+$0x0] =	vst.idx.msk $0xffff, v17  }
0x6d7: {  	v18 =	vadd.s32 v3, v19;
	v17 =	vld [tilespmem:s0+$0xFFFFFE30];
	_ =	sdelay $0x4  }
0x6d8: {  	[tilespmem:v18+s20+$0x0] =	vst.idx.msk $0xffff, v17  }
0x6d9: {  	s7 =	sadd.s32 $0xFFFFFFF3, s12;
	v18 =	vadd.s32 v4, v19;
	v17 =	vld [tilespmem:s0+$0xFFFFFE40]  }
0x6da: {  	v19 =	vmov s7  }
0x6db: {  	v19 =	vshrl.u32 v19, $0x3  }
0x6dc: {  	v19 =	vshll.u32 v19, v1  }
0x6dd: {  	v19 =	vbroadcast v19, $0x0  }
0x6de: {  	[tilespmem:v18+s20+$0x0] =	vst.idx.msk $0xffff, v17  }
0x6df: {  	v18 =	vadd.s32 v5, v19;
	v17 =	vld [tilespmem:s0+$0xFFFFFE50];
	_ =	sdelay $0x4  }
0x6e0: {  	[tilespmem:v18+s20+$0x0] =	vst.idx.msk $0xffff, v17  }
0x6e1: {  	s31 =	sadd.s32 $0xFFFFFFF4, s12;
	v18 =	vadd.s32 v6, v19;
	v17 =	vld [tilespmem:s0+$0xFFFFFE60]  }
0x6e2: {  	v19 =	vmov s31  }
0x6e3: {  	v19 =	vshrl.u32 v19, $0x3  }
0x6e4: {  	v19 =	vshll.u32 v19, v1  }
0x6e5: {  	v19 =	vbroadcast v19, $0x0  }
0x6e6: {  	[tilespmem:v18+s20+$0x0] =	vst.idx.msk $0xffff, v17  }
0x6e7: {  	v18 =	vadd.s32 v7, v19;
	v17 =	vld [tilespmem:s0+$0xFFFFFE70];
	_ =	sdelay $0x4  }
0x6e8: {  	[tilespmem:v18+s20+$0x0] =	vst.idx.msk $0xffff, v17  }
0x6e9: {  	s7 =	sadd.s32 $0xFFFFFFF5, s12;
	v18 =	vadd.s32 v8, v19;
	v17 =	vld [tilespmem:s0+$0xFFFFFE80]  }
0x6ea: {  	v19 =	vmov s7  }
0x6eb: {  	v19 =	vshrl.u32 v19, $0x3  }
0x6ec: {  	v19 =	vshll.u32 v19, v1  }
0x6ed: {  	v19 =	vbroadcast v19, $0x0  }
0x6ee: {  	[tilespmem:v18+s20+$0x0] =	vst.idx.msk $0xffff, v17  }
0x6ef: {  	v18 =	vadd.s32 v9, v19;
	v17 =	vld [tilespmem:s0+$0xFFFFFE90];
	_ =	sdelay $0x4  }
0x6f0: {  	[tilespmem:v18+s20+$0x0] =	vst.idx.msk $0xffff, v17  }
0x6f1: {  	s31 =	sadd.s32 $0xFFFFFFF6, s12;
	v18 =	vadd.s32 v10, v19;
	v17 =	vld [tilespmem:s0+$0xFFFFFEA0]  }
0x6f2: {  	v19 =	vmov s31  }
0x6f3: {  	v19 =	vshrl.u32 v19, $0x3  }
0x6f4: {  	v19 =	vshll.u32 v19, v1  }
0x6f5: {  	v19 =	vbroadcast v19, $0x0  }
0x6f6: {  	[tilespmem:v18+s20+$0x0] =	vst.idx.msk $0xffff, v17  }
0x6f7: {  	v18 =	vadd.s32 v11, v19;
	v17 =	vld [tilespmem:s0+$0xFFFFFEB0];
	_ =	sdelay $0x4  }
0x6f8: {  	[tilespmem:v18+s20+$0x0] =	vst.idx.msk $0xffff, v17  }
0x6f9: {  	s7 =	sadd.s32 $0xFFFFFFF7, s12;
	v18 =	vadd.s32 v12, v19;
	v17 =	vld [tilespmem:s0+$0xFFFFFEC0]  }
0x6fa: {  	v19 =	vmov s7  }
0x6fb: {  	v19 =	vshrl.u32 v19, $0x3  }
0x6fc: {  	v19 =	vshll.u32 v19, v1  }
0x6fd: {  	v19 =	vbroadcast v19, $0x0  }
0x6fe: {  	[tilespmem:v18+s20+$0x0] =	vst.idx.msk $0xffff, v17  }
0x6ff: {  	v18 =	vadd.s32 v13, v19;
	v17 =	vld [tilespmem:s0+$0xFFFFFED0];
	_ =	sdelay $0x4  }
0x700: {  	[tilespmem:v18+s20+$0x0] =	vst.idx.msk $0xffff, v17  }
0x701: {  	s31 =	sadd.s32 $0xFFFFFFF8, s12;
	v18 =	vadd.s32 v14, v19;
	v17 =	vld [tilespmem:s0+$0xFFFFFEE0]  }
0x702: {  	v19 =	vmov s31  }
0x703: {  	v19 =	vshrl.u32 v19, $0x3  }
0x704: {  	v19 =	vshll.u32 v19, v1  }
0x705: {  	v19 =	vbroadcast v19, $0x0  }
0x706: {  	[tilespmem:v18+s20+$0x0] =	vst.idx.msk $0xffff, v17  }
0x707: {  	v18 =	vadd.s32 v15, v19;
	v17 =	vld [tilespmem:s0+$0xFFFFFEF0];
	_ =	sdelay $0x4  }
0x708: {  	[tilespmem:v18+s20+$0x0] =	vst.idx.msk $0xffff, v17  }
0x709: {  	s7 =	sadd.s32 $0xFFFFFFF9, s12;
	v18 =	vadd.s32 v16, v19;
	v17 =	vld [tilespmem:s0+$0xFFFFFF00]  }
0x70a: {  	v19 =	vmov s7  }
0x70b: {  	v19 =	vshrl.u32 v19, $0x3  }
0x70c: {  	v19 =	vshll.u32 v19, v1  }
0x70d: {  	v19 =	vbroadcast v19, $0x0  }
0x70e: {  	[tilespmem:v18+s20+$0x0] =	vst.idx.msk $0xffff, v17  }
0x70f: {  	v18 =	vadd.s32 v0, v19;
	v17 =	vld [tilespmem:s0+$0xFFFFFF10];
	_ =	sdelay $0x4  }
0x710: {  	[tilespmem:v18+s20+$0x0] =	vst.idx.msk $0xffff, v17  }
0x711: {  	s31 =	sadd.s32 $0xFFFFFFFA, s12;
	v18 =	vadd.s32 v2, v19;
	v17 =	vld [tilespmem:s0+$0xFFFFFF20]  }
0x712: {  	v19 =	vmov s31  }
0x713: {  	v19 =	vshrl.u32 v19, $0x3  }
0x714: {  	v19 =	vshll.u32 v19, v1  }
0x715: {  	v19 =	vbroadcast v19, $0x0  }
0x716: {  	[tilespmem:v18+s20+$0x0] =	vst.idx.msk $0xffff, v17  }
0x717: {  	v18 =	vadd.s32 v3, v19;
	v17 =	vld [tilespmem:s0+$0xFFFFFF30];
	_ =	sdelay $0x4  }
0x718: {  	[tilespmem:v18+s20+$0x0] =	vst.idx.msk $0xffff, v17  }
0x719: {  	s7 =	sadd.s32 $0xFFFFFFFB, s12;
	v18 =	vadd.s32 v4, v19;
	v17 =	vld [tilespmem:s0+$0xFFFFFF40]  }
0x71a: {  	v19 =	vmov s7  }
0x71b: {  	v19 =	vshrl.u32 v19, $0x3  }
0x71c: {  	v19 =	vshll.u32 v19, v1  }
0x71d: {  	v19 =	vbroadcast v19, $0x0  }
0x71e: {  	[tilespmem:v18+s20+$0x0] =	vst.idx.msk $0xffff, v17  }
0x71f: {  	v18 =	vadd.s32 v5, v19;
	v17 =	vld [tilespmem:s0+$0xFFFFFF50];
	_ =	sdelay $0x4  }
0x720: {  	[tilespmem:v18+s20+$0x0] =	vst.idx.msk $0xffff, v17  }
0x721: {  	s31 =	sadd.s32 $0xFFFFFFFC, s12;
	v18 =	vadd.s32 v6, v19;
	v17 =	vld [tilespmem:s0+$0xFFFFFF60]  }
0x722: {  	v19 =	vmov s31  }
0x723: {  	v19 =	vshrl.u32 v19, $0x3  }
0x724: {  	v19 =	vshll.u32 v19, v1  }
0x725: {  	v19 =	vbroadcast v19, $0x0  }
0x726: {  	[tilespmem:v18+s20+$0x0] =	vst.idx.msk $0xffff, v17  }
0x727: {  	v18 =	vadd.s32 v7, v19;
	v17 =	vld [tilespmem:s0+$0xFFFFFF70];
	_ =	sdelay $0x4  }
0x728: {  	[tilespmem:v18+s20+$0x0] =	vst.idx.msk $0xffff, v17  }
0x729: {  	s7 =	sadd.s32 $0xFFFFFFFD, s12;
	v18 =	vadd.s32 v8, v19;
	v17 =	vld [tilespmem:s0+$0xFFFFFF80]  }
0x72a: {  	v19 =	vmov s7  }
0x72b: {  	v19 =	vshrl.u32 v19, $0x3  }
0x72c: {  	v19 =	vshll.u32 v19, v1  }
0x72d: {  	v19 =	vbroadcast v19, $0x0  }
0x72e: {  	[tilespmem:v18+s20+$0x0] =	vst.idx.msk $0xffff, v17  }
0x72f: {  	v18 =	vadd.s32 v9, v19;
	v17 =	vld [tilespmem:s0+$0xFFFFFF90];
	_ =	sdelay $0x4  }
0x730: {  	[tilespmem:v18+s20+$0x0] =	vst.idx.msk $0xffff, v17  }
0x731: {  	s31 =	sadd.s32 $0xFFFFFFFE, s12;
	v18 =	vadd.s32 v10, v19;
	v17 =	vld [tilespmem:s0+$0xFFFFFFA0]  }
0x732: {  	v19 =	vmov s31  }
0x733: {  	v19 =	vshrl.u32 v19, $0x3  }
0x734: {  	v19 =	vshll.u32 v19, v1  }
0x735: {  	v19 =	vbroadcast v19, $0x0  }
0x736: {  	[tilespmem:v18+s20+$0x0] =	vst.idx.msk $0xffff, v17  }
0x737: {  	v18 =	vadd.s32 v11, v19;
	v17 =	vld [tilespmem:s0+$0xFFFFFFB0];
	_ =	sdelay $0x4  }
0x738: {  	[tilespmem:v18+s20+$0x0] =	vst.idx.msk $0xffff, v17  }
0x739: {  	s7 =	sadd.s32 $0xFFFFFFFF, s12;
	v18 =	vadd.s32 v12, v19;
	v17 =	vld [tilespmem:s0+$0xFFFFFFC0]  }
0x73a: {  	v19 =	vmov s7  }
0x73b: {  	v19 =	vshrl.u32 v19, $0x3  }
0x73c: {  	v19 =	vshll.u32 v19, v1  }
0x73d: {  	v19 =	vbroadcast v19, $0x0  }
0x73e: {  	[tilespmem:v18+s20+$0x0] =	vst.idx.msk $0xffff, v17  }
0x73f: {  	v18 =	vadd.s32 v13, v19;
	v17 =	vld [tilespmem:s0+$0xFFFFFFD0];
	_ =	sdelay $0x4  }
0x740: {  	[tilespmem:v18+s20+$0x0] =	vst.idx.msk $0xffff, v17  }
0x741: {  	v18 =	vadd.s32 v14, v19;
	v17 =	vld [tilespmem:s0+$0xFFFFFFE0]  }
0x742: {  	v19 =	vmov s12  }
0x743: {  	v19 =	vshrl.u32 v19, $0x3  }
0x744: {  	v19 =	vshll.u32 v19, v1  }
0x745: {  	v19 =	vbroadcast v19, $0x0  }
0x746: {  	[tilespmem:v18+s20+$0x0] =	vst.idx.msk $0xffff, v17  }
0x747: {  	v18 =	vadd.s32 v15, v19;
	v17 =	vld [tilespmem:s0+$0xFFFFFFF0];
	_ =	sdelay $0x4  }
0x748: {  	[tilespmem:v18+s20+$0x0] =	vst.idx.msk $0xffff, v17  }
0x749: {  	v18 =	vadd.s32 v16, v19;
	v17 =	vld [tilespmem:s0+$0x0];
	_ =	sdelay $0x1  }
0x74a: {  	s0 =	sshll.u32 s1, $0xA  }
0x74b: {  	s1 =	sor.u32 s26, s0  }
0x74c: {  	s1 =	sshrl.u32 s1, $0x3  }
0x74d: {  	s1 =	sadd.s32 s2, s1;
	[tilespmem:v18+s20+$0x0] =	vst.idx.msk $0xffff, v17  }
0x74e: {  	[hbm4b:s1+s3] =	stream.linear.scatter [tilespmem:s20], [sflag:$0x5], $0x80, $0x38;
	[tilespmem:$0xA600] =	vst v63  }
0x74f: {  	s31 =	simm.s32 $0x9588;
	s12 =	sadd.s32 $0x10, s1  }
0x750: {  	[hbm4b:s12+s3] =	stream.linear.scatter [tilespmem:s31], [sflag:$0x5], $0x80, $0x38;
	[tilespmem:$0xA600] =	vst v63  }
0x751: {  	s12 =	sadd.s32 $0x20, s1;
	s31 =	simm.s32 $0x9610  }
0x752: {  	[hbm4b:s12+s3] =	stream.linear.scatter [tilespmem:s31], [sflag:$0x5], $0x80, $0x38;
	[tilespmem:$0xA600] =	vst v63  }
0x753: {  	s12 =	sadd.s32 $0x30, s1;
	s31 =	simm.s32 $0x9698  }
0x754: {  	[hbm4b:s12+s3] =	stream.linear.scatter [tilespmem:s31], [sflag:$0x5], $0x80, $0x38;
	[tilespmem:$0xA600] =	vst v63  }
0x755: {  	s12 =	sadd.s32 $0x40, s1;
	s31 =	simm.s32 $0x9720  }
0x756: {  	[hbm4b:s12+s3] =	stream.linear.scatter [tilespmem:s31], [sflag:$0x5], $0x80, $0x38;
	[tilespmem:$0xA600] =	vst v63  }
0x757: {  	s12 =	sadd.s32 $0x50, s1;
	s31 =	simm.s32 $0x97A8  }
0x758: {  	[hbm4b:s12+s3] =	stream.linear.scatter [tilespmem:s31], [sflag:$0x5], $0x80, $0x38;
	[tilespmem:$0xA600] =	vst v63  }
0x759: {  	s7 =	sadd.s32 $0x60, s1;
	s12 =	simm.s32 $0x9830  }
0x75a: {  	[hbm4b:s7+s3] =	stream.linear.scatter [tilespmem:s12], [sflag:$0x5], $0x80, $0x38;
	[tilespmem:$0xA600] =	vst v63  }
0x75b: {  	s6 =	sor.u32 s28, s0;
	s1 =	sadd.s32 $0x70, s1;
	s31 =	simm.s32 $0x98B8  }
0x75c: {  	[hbm4b:s1+s3] =	stream.linear.scatter [tilespmem:s31], [sflag:$0x5], $0x80, $0x38;
	[tilespmem:$0xA600] =	vst v63  }
0x75d: {  	s1 =	sshrl.u32 s6, $0x3  }
0x75e: {  	s7 =	simm.s32 $0x9940;
	s1 =	sadd.s32 s2, s1  }
0x75f: {  	[hbm4b:s1+s3] =	stream.linear.scatter [tilespmem:s7], [sflag:$0x5], $0x80, $0x38;
	[tilespmem:$0xA600] =	vst v63  }
0x760: {  	s31 =	simm.s32 $0x99C8;
	s12 =	sadd.s32 $0x10, s1  }
0x761: {  	[hbm4b:s12+s3] =	stream.linear.scatter [tilespmem:s31], [sflag:$0x5], $0x80, $0x38;
	[tilespmem:$0xA600] =	vst v63  }
0x762: {  	s12 =	sadd.s32 $0x20, s1;
	s31 =	simm.s32 $0x9A50  }
0x763: {  	[hbm4b:s12+s3] =	stream.linear.scatter [tilespmem:s31], [sflag:$0x5], $0x80, $0x38;
	[tilespmem:$0xA600] =	vst v63  }
0x764: {  	s12 =	sadd.s32 $0x30, s1;
	s31 =	simm.s32 $0x9AD8  }
0x765: {  	[hbm4b:s12+s3] =	stream.linear.scatter [tilespmem:s31], [sflag:$0x5], $0x80, $0x38;
	[tilespmem:$0xA600] =	vst v63  }
0x766: {  	s12 =	sadd.s32 $0x40, s1;
	s31 =	simm.s32 $0x9B60  }
0x767: {  	[hbm4b:s12+s3] =	stream.linear.scatter [tilespmem:s31], [sflag:$0x5], $0x80, $0x38;
	[tilespmem:$0xA600] =	vst v63  }
0x768: {  	s12 =	sadd.s32 $0x50, s1;
	s31 =	simm.s32 $0x9BE8  }
0x769: {  	[hbm4b:s12+s3] =	stream.linear.scatter [tilespmem:s31], [sflag:$0x5], $0x80, $0x38;
	[tilespmem:$0xA600] =	vst v63  }
0x76a: {  	s7 =	sadd.s32 $0x60, s1;
	s12 =	simm.s32 $0x9C70  }
0x76b: {  	[hbm4b:s7+s3] =	stream.linear.scatter [tilespmem:s12], [sflag:$0x5], $0x80, $0x38;
	[tilespmem:$0xA600] =	vst v63  }
0x76c: {  	s1 =	sadd.s32 $0x70, s1;
	s31 =	simm.s32 $0x9CF8;
	s7 =	sor.u32 s29, s0  }
0x76d: {  	[hbm4b:s1+s3] =	stream.linear.scatter [tilespmem:s31], [sflag:$0x5], $0x80, $0x38;
	[tilespmem:$0xA600] =	vst v63  }
0x76e: {  	s1 =	sshrl.u32 s7, $0x3  }
0x76f: {  	s1 =	sadd.s32 s2, s1  }
0x770: {  	[hbm4b:s1+s3] =	stream.linear.scatter [tilespmem:s8], [sflag:$0x5], $0x80, $0x38;
	[tilespmem:$0xA600] =	vst v63  }
0x771: {  	s12 =	sadd.s32 $0x10, s1  }
0x772: {  	[hbm4b:s12+s3] =	stream.linear.scatter [tilespmem:s10], [sflag:$0x5], $0x80, $0x38;
	[tilespmem:$0xA600] =	vst v63  }
0x773: {  	s31 =	sadd.s32 $0x20, s1  }
0x774: {  	[hbm4b:s31+s3] =	stream.linear.scatter [tilespmem:s15], [sflag:$0x5], $0x80, $0x38;
	[tilespmem:$0xA600] =	vst v63  }
0x775: {  	s7 =	sadd.s32 $0x30, s1  }
0x776: {  	[hbm4b:s7+s3] =	stream.linear.scatter [tilespmem:s11], [sflag:$0x5], $0x80, $0x38;
	[tilespmem:$0xA600] =	vst v63  }
0x777: {  	s12 =	sadd.s32 $0x40, s1  }
0x778: {  	[hbm4b:s12+s3] =	stream.linear.scatter [tilespmem:s13], [sflag:$0x5], $0x80, $0x38;
	[tilespmem:$0xA600] =	vst v63  }
0x779: {  	s31 =	sadd.s32 $0x50, s1  }
0x77a: {  	[hbm4b:s31+s3] =	stream.linear.scatter [tilespmem:s14], [sflag:$0x5], $0x80, $0x38;
	[tilespmem:$0xA600] =	vst v63  }
0x77b: {  	s0 =	sor.u32 s30, s0;
	s7 =	sadd.s32 $0x60, s1  }
0x77c: {  	[hbm4b:s7+s3] =	stream.linear.scatter [tilespmem:s5], [sflag:$0x5], $0x80, $0x38;
	[tilespmem:$0xA600] =	vst v63  }
0x77d: {  	s0 =	sshrl.u32 s0, $0x3;
	s1 =	sadd.s32 $0x70, s1  }
0x77e: {  	[hbm4b:s1+s3] =	stream.linear.scatter [tilespmem:s9], [sflag:$0x5], $0x80, $0x38;
	[tilespmem:$0xA600] =	vst v63  }
0x77f: {  	s0 =	sadd.s32 s2, s0  }
0x780: {  	[hbm4b:s0+s3] =	stream.linear.scatter [tilespmem:s4], [sflag:$0x5], $0x80, $0x38;
	[tilespmem:$0xA600] =	vst v63  }
0x781: {  	s12 =	sadd.s32 $0x10, s0  }
0x782: {  	[hbm4b:s12+s3] =	stream.linear.scatter [tilespmem:s17], [sflag:$0x5], $0x80, $0x38;
	[tilespmem:$0xA600] =	vst v63  }
0x783: {  	s31 =	sadd.s32 $0x20, s0  }
0x784: {  	[hbm4b:s31+s3] =	stream.linear.scatter [tilespmem:s18], [sflag:$0x5], $0x80, $0x38;
	[tilespmem:$0xA600] =	vst v63  }
0x785: {  	s6 =	sadd.s32 $0x30, s0  }
0x786: {  	[hbm4b:s6+s3] =	stream.linear.scatter [tilespmem:s19], [sflag:$0x5], $0x80, $0x38;
	[tilespmem:$0xA600] =	vst v63  }
0x787: {  	s7 =	sadd.s32 $0x40, s0  }
0x788: {  	[hbm4b:s7+s3] =	stream.linear.scatter [tilespmem:s21], [sflag:$0x5], $0x80, $0x38;
	[tilespmem:$0xA600] =	vst v63  }
0x789: {  	s12 =	sadd.s32 $0x50, s0  }
0x78a: {  	[hbm4b:s12+s3] =	stream.linear.scatter [tilespmem:s22], [sflag:$0x5], $0x80, $0x38;
	[tilespmem:$0xA600] =	vst v63  }
.Ltmp5:
0x78b: {  	_ = 	snop;
	(pc) =	sbr.rel @p0 .LBB2_9-.Ltmp5, $4  }
0x78c: {  	p2 =	por $0x0, $0x0;
	s31 =	sadd.s32 $0x60, s0  }
0x78d: {  	[hbm4b:s31+s3] =	stream.linear.scatter [tilespmem:s23], [sflag:$0x5], $0x80, $0x38;
	[tilespmem:$0xA600] =	vst v63  }
0x78e: {  	p1 =	por $0x1, $0x1;
	s1 =	simm.s32 $0x1;
	s0 =	sadd.s32 $0x70, s0  }
0x78f: {  	[hbm4b:s0+s3] =	stream.linear.scatter [tilespmem:s24], [sflag:$0x5], $0x80, $0x38;
	[tilespmem:$0xA600] =	vst v63  }
0x790: {  	s0 =	simm.s32 $0x5  }
0x791: {  	_ =	swait.ge [sflag:s0], $0x400  }
0x792: {  	[sflag:s0] =	ssyncset.done $0x0  }
0x793: {  	[sflag:s0] =	ssyncadd.s32 $0xFFFFFC00  }
0x794: {  	_ =	swait.ge [sflag:s0], $0x400  }
0x795: {  	[sflag:s0] =	ssyncset.done $0x0  }
0x796: {  	[sflag:s0] =	ssyncadd.s32 $0xFFFFFC00  }
0x797: {  	_ =	swait.ge [sflag:s0], $0x400  }
0x798: {  	[sflag:s0] =	ssyncset.done $0x0  }
0x799: {  	[sflag:s0] =	ssyncadd.s32 $0xFFFFFC00  }
0x79a: {  	_ =	swait.ge [sflag:s0], $0x400  }
0x79b: {  	[sflag:s0] =	ssyncset.done $0x0  }
0x79c: {  	[sflag:s0] =	ssyncadd.s32 $0xFFFFFC00  }
0x79d: {  	_ =	swait.ge [sflag:s0], $0x400  }
0x79e: {  	[sflag:s0] =	ssyncset.done $0x0  }
0x79f: {  	[sflag:s0] =	ssyncadd.s32 $0xFFFFFC00  }
0x7a0: {  	_ =	swait.ge [sflag:s0], $0x400  }
0x7a1: {  	[sflag:s0] =	ssyncset.done $0x0  }
0x7a2: {  	[sflag:s0] =	ssyncadd.s32 $0xFFFFFC00  }
0x7a3: {  	_ =	swait.ge [sflag:s0], $0x400  }
0x7a4: {  	[sflag:s0] =	ssyncset.done $0x0  }
0x7a5: {  	[sflag:s0] =	ssyncadd.s32 $0xFFFFFC00  }
0x7a6: {  	_ =	swait.ge [sflag:s0], $0x400  }
0x7a7: {  	s7 =	rddreg [dreg:$0xa]  }
0x7a8: {  	s7 =	sadd.s32 $0x1, s7  }
0x7a9: {  	p0 =	sne.s32 s7, $0x19  }
.Ltmp6:
0x7aa: {  	_ = 	snop;
	(pc) =	sbr.rel @p0 .LBB2_2-.Ltmp6, $3  }
0x7ab: {  	_ =	sdelay $0x1  }
0x7ac: {  	[sflag:s0] =	ssyncset.done $0x0  }
0x7ad: {  	[sflag:s0] =	ssyncadd.s32 $0xFFFFFC00  }
0x7ae: {  	s1 =	rddreg [dreg:$0x9]  }
0x7af: {  	s0 =	rddreg [dreg:$0x7];
	s1 =	sadd.s32 $0x1, s1  }
0x7b0: {  	p0 =	sne.s32 s1, s0  }
.Ltmp7:
0x7b1: {  	_ = 	snop;
	(pc) =	sbr.rel @p0 .LBB2_1-.Ltmp7, $1  }
0x7b2: {  	_ =	sdelay $0x3  }
0x7b3: {  	_ =	sfence.sel $0x180000  }
0x7b4: {  	[bflag:$0x0] =	sbarrier.arrive $0xFFFF  }
0x7b5: {  	_ =	strace $0x90000047  }
0x7b6: {  	s0 =	stileid.u32;
	[bflag:$0x2] =	sbarrier.arrive $0xFFFF  }
0x7b7: {  	p0 =	sne.s32 s0, $0x0;
	s0 =	rddreg [dreg:$0x2]  }
0x7b8: {  	s0 =	sadd.s32 @!p0 $0x100000, s0  }
0x7b9: {  	[sflag:s0] =	ssyncadd.tile.s32 @!p0 $0x1;
	_ =	shalt  }
.Lfunc_end2:
_tile_overlayer_lowered:
.L_overlay_start_2:
0x7ba: {  	(tag) =	ssettag $0x2  }
0x7bb: {  	s0 =	rddreg [dreg:$0x0];
	s2 =	stileid.u32  }
0x7bc: {  	s1 =	rddreg [dreg:$0x1];
	p0 =	sne.s32 s2, $0x0  }
0x7bd: {  	s3 =	rddreg [dreg:$0x2];
	[bflag:$0x3] =	sbarrier.arrive $0xFFFF;
	s2 =	simm.s32 @!p0 $0x1C06  }
0x7be: {  	[timem:s3], [sflag:s2] =	dma.local @!p0 [hbm:s0], s1  }
0x7bf: {  	s0 =	simm.s32 @!p0 $0x6  }
0x7c0: {  	_ =	swait.ge @!p0 [sflag:s0], s1  }
0x7c1: {  	s1 =	ssub.s32 @!p0 $0x0, s1;
	[sflag:s0] =	ssyncset.done @!p0 $0x0  }
0x7c2: {  	[sflag:s0] =	ssyncadd.s32 @!p0 s1  }
0x7c3: {  	[bflag:$0x3] =	sbarrier.arrive $0xFFFF  }
0x7c4: {  	_ =	shalt  }

</sc_bundles>
